<compile_context>
chip_gen: v7x
topology: tpu7x:2x2x1
jax: 0.10.2.dev20260603
libtpu: 0.0.44.dev20260713+nightly
codegen_flags: <defaults>
</compile_context>

<pallas_src>
import functools

import jax
import jax.numpy as jnp
from jax import lax
from jax.experimental import pallas as pl
from jax.experimental.pallas import tpu as pltpu
from jax.experimental.pallas import tpu_sc as plsc

N_VOCAB = 1000000
N_EMBED = 64
N_TOKEN = 50
BATCH = 4096

ROWS = BATCH * N_TOKEN
NC, NS = 2, 16
NW = NC * NS
BPW = BATCH // NW
LANES = 16

_GB = 16384
_GBLOG = 14
_HB = _GB // 2
_HBLOG = 13


def _sc_body(tok_hbm, tab_hbm, inter_hbm, par_hbm,
             idx_v, pidx_v, par_v, buf_v, gsem0, gsem1, ssem0, ssem1, psem):
    wid = lax.axis_index("s") * NC + lax.axis_index("c")
    b0 = wid * BPW

    pltpu.sync_copy(tok_hbm.at[:, pl.ds(b0, BPW)], idx_v)

    def prep_row(t, carry):
        for j in range(BPW // LANES):
            sl = pl.ds(j * LANES, LANES)
            v = idx_v[t, sl]
            pidx_v[t, sl] = lax.bitwise_or(
                lax.shift_left(lax.shift_right_logical(v, _GBLOG), _HBLOG),
                lax.bitwise_and(v, _HB - 1))
            p = lax.bitwise_and(lax.shift_right_logical(v, _HBLOG), 1)
            for r in range(8):
                par_v[t, r, sl] = p
        return carry

    lax.fori_loop(0, N_TOKEN, prep_row, 0)
    par_handle = pltpu.async_copy(
        par_v, par_hbm.at[:, :, pl.ds(b0, BPW)], psem)

    gsems = (gsem0, gsem1)
    ssems = (ssem0, ssem1)
    gather_handles = [None, None]
    store_handles = [None, None]

    def start_gather(t, b):
        if store_handles[b] is not None:
            store_handles[b].wait()
            store_handles[b] = None
        gather_handles[b] = pltpu.async_copy(
            tab_hbm.at[pidx_v.at[t]], buf_v.at[b], gsems[b])

    start_gather(0, 0)
    for t in range(N_TOKEN):
        b = t % 2
        if t + 1 < N_TOKEN:
            start_gather(t + 1, 1 - b)
        gather_handles[b].wait()
        store_handles[b] = pltpu.async_copy(
            buf_v.at[b],
            inter_hbm.at[pl.ds(t * BATCH + b0, BPW)],
            ssems[b])
    for b in range(2):
        if store_handles[b] is not None:
            store_handles[b].wait()
    par_handle.wait()


_NPAIR_BLOCKS = (N_VOCAB + _GB - 1) // _GB
_NPAIR = _NPAIR_BLOCKS * (_GB // 2)


def _pack_body(tp_ref, o_ref):
    x = tp_ref[...]
    y = jnp.transpose(x)
    o_ref[...] = jnp.concatenate([y[: _GB // 2], y[_GB // 2:]], axis=1)


def _pack_table(table_t):
    return pl.pallas_call(
        _pack_body,
        grid=(_NPAIR_BLOCKS,),
        in_specs=[pl.BlockSpec((N_EMBED, _GB), lambda j: (0, j))],
        out_specs=pl.BlockSpec((_GB // 2, 128), lambda j: (j, 0)),
        out_shape=jax.ShapeDtypeStruct((_NPAIR, 128), jnp.float32),
    )(table_t)


@jax.jit
def _run(tokens_t, table_t, pos_x):
    table_pairs = _pack_table(table_t)
    sc_gather = functools.partial(
        pl.kernel,
        mesh=plsc.VectorSubcoreMesh(core_axis_name="c", subcore_axis_name="s"),
        compiler_params=pltpu.CompilerParams(use_tc_tiling_on_sc=True),
        out_type=(
            jax.ShapeDtypeStruct((ROWS, 128), jnp.float32),
            jax.ShapeDtypeStruct((N_TOKEN, 8, BATCH), jnp.int32),
        ),
        scratch_types=[
            pltpu.VMEM((N_TOKEN, BPW), jnp.int32),
            pltpu.VMEM((N_TOKEN, BPW), jnp.int32),
            pltpu.VMEM((N_TOKEN, 8, BPW), jnp.int32),
            pltpu.VMEM((2, BPW, 128), jnp.float32),
            pltpu.SemaphoreType.DMA,
            pltpu.SemaphoreType.DMA,
            pltpu.SemaphoreType.DMA,
            pltpu.SemaphoreType.DMA,
            pltpu.SemaphoreType.DMA,
        ],
    )
    inter, par8 = sc_gather(_sc_body)(tokens_t, table_pairs)

    bb = BATCH

    def _tc_body(x_ref, par_ref, pos_ref, eye_ref, o_ref):
        xt = lax.dot_general(eye_ref[...], x_ref[...],
                             (((1,), (1,)), ((), ())),
                             preferred_element_type=jnp.float32)
        lo = xt[:N_EMBED, :]
        hi = xt[N_EMBED:, :]
        par = par_ref[0, 0:1, :]
        sel = jnp.where(par == 1, hi, lo)
        posv = pos_ref[0][:, 0:1]
        o_ref[0] = sel + posv

    eye = jnp.eye(128, dtype=jnp.float32)
    out_t = pl.pallas_call(
        _tc_body,
        grid=(N_TOKEN,),
        in_specs=[
            pl.BlockSpec((bb, 128), lambda t: (t, 0)),
            pl.BlockSpec((1, 8, bb), lambda t: (t, 0, 0)),
            pl.BlockSpec((1, N_EMBED, 128), lambda t: (t, 0, 0)),
            pl.BlockSpec((128, 128), lambda t: (0, 0)),
        ],
        out_specs=pl.BlockSpec((1, N_EMBED, bb), lambda t: (t, 0, 0)),
        out_shape=jax.ShapeDtypeStruct((N_TOKEN, N_EMBED, BATCH), jnp.float32),
    )(inter, par8, pos_x, eye)
    return out_t


def kernel(tokens, token_embedding, position_embedding):
    tokens_t = jnp.asarray(tokens, jnp.int32).T
    table_t = token_embedding.T
    pos_x = jnp.broadcast_to(
        position_embedding[:, :, None], (N_TOKEN, N_EMBED, 128))
    out_t = _run(tokens_t, table_t, pos_x)
    return jnp.transpose(out_t, (2, 0, 1))

# --- scband reference (transcript-rebuilt; emitter-appended) ---
"""Pipeline reference for scband-clipembedding-3788161155431 (READ-ONLY COPY).

The authoritative reference and input builder live on the scoring server;
editing this copy changes nothing except your own understanding.
"""

import jax, jax.numpy as jnp
import numpy as np

N_VOCAB = 1000000
N_EMBED = 64
N_TOKEN = 50
BATCH = 4096

def setup_inputs(seed: int = 0) -> dict:
    key = jax.random.key(seed)
    k_tok, k_tab, k_pos = jax.random.split(key, 3)
    tokens = jax.random.randint(k_tok, (BATCH, N_TOKEN), 0, N_VOCAB, dtype=jnp.int64 if jax.config.jax_enable_x64 else jnp.int32)
    token_embedding = jax.random.normal(k_tab, (N_VOCAB, N_EMBED), dtype=jnp.float32) * 0.02
    position_embedding = jax.random.normal(k_pos, (N_TOKEN, N_EMBED), dtype=jnp.float32) * 0.02
    return {"tokens": tokens, "token_embedding": token_embedding, "position_embedding": position_embedding}

def reference(tokens, token_embedding, position_embedding):
    # x = token_embedding(tokens) + position_embedding
    x = jnp.take(token_embedding, tokens, axis=0)  # [B, n_token, n_embed]
    x = x + position_embedding  # broadcast over batch
    return x

if __name__ == "__main__":
    import jax
    _d = setup_inputs()
    print(jax.jit(kernel)(*tuple(_d.values())))

</pallas_src>

<mosaic_0001>
#map = affine_map<(d0, d1) -> (0, 0)>
#map1 = affine_map<(d0, d1) -> (0, 0, 0)>
module attributes {stable_mosaic.version = 14 : i64} {
  func.func @_sc_body(%arg0: i32, %arg1: i32, %arg2: memref<50x4096xi32, #tpu.memory_space<hbm>>, %arg3: memref<507904x128xf32, #tpu.memory_space<hbm>>, %arg4: memref<204800x128xf32, #tpu.memory_space<hbm>>, %arg5: memref<50x8x4096xi32, #tpu.memory_space<hbm>>, %arg6: memref<50x128xi32, #tpu.memory_space<vmem>>, %arg7: memref<50x128xi32, #tpu.memory_space<vmem>>, %arg8: memref<50x8x128xi32, #tpu.memory_space<vmem>>, %arg9: memref<2x128x128xf32, #tpu.memory_space<vmem>>, %arg10: memref<!tpu.dma_semaphore, #tpu.memory_space<semaphore_mem>>, %arg11: memref<!tpu.dma_semaphore, #tpu.memory_space<semaphore_mem>>, %arg12: memref<!tpu.dma_semaphore, #tpu.memory_space<semaphore_mem>>, %arg13: memref<!tpu.dma_semaphore, #tpu.memory_space<semaphore_mem>>, %arg14: memref<!tpu.dma_semaphore, #tpu.memory_space<semaphore_mem>>) attributes {dimension_semantics = [#tpu.dimension_semantics<core_parallel>, #tpu.dimension_semantics<subcore_parallel>], iteration_bounds = array<i64: 2, 16>, scalar_prefetch = 0 : i64, scratch_operands = 9 : i64, tpu.core_type = #tpu.core_type<sc_vector_subcore>, window_params = [{transform_indices = #map}, {transform_indices = #map}, {transform_indices = #map}, {transform_indices = #map1}]} {
    %mul3A = arith.constant 2 : i32
    %mul3A_0 = arith.muli %arg1, %mul3A : i32
    %add3A = arith.addi %mul3A_0, %arg0 : i32
    %mul3A_1 = arith.constant 128 : i32
    %mul3A_2 = arith.muli %add3A, %mul3A_1 : i32
    "tpu.region"() ({
      %run_scoped3A = tpu.sem_alloc : memref<!tpu.dma_semaphore, #tpu.memory_space<semaphore_mem>>
      %dma_start3A_2618 = arith.constant 0 : i32
      %dma_start3A_2619 = tpu.memref_slice %arg2[%dma_start3A_2618, %mul3A_2] : memref<50x4096xi32, #tpu.memory_space<hbm>> -> memref<50x128xi32, #tpu.memory_space<hbm>>
      %dma_start3A_2620 = arith.constant 0 : i32
      %dma_start3A_2621 = tpu.memref_slice %arg2[%dma_start3A_2620, %mul3A_2] : memref<50x4096xi32, #tpu.memory_space<hbm>> -> memref<50x128xi32, #tpu.memory_space<hbm>>
      tpu.enqueue_dma source(%dma_start3A_2621 : memref<50x128xi32, #tpu.memory_space<hbm>>) target(%arg6 : memref<50x128xi32, #tpu.memory_space<vmem>>) target_semaphore(%run_scoped3A : memref<!tpu.dma_semaphore, #tpu.memory_space<semaphore_mem>>)
      %dma_wait3A_2622 = arith.constant 0 : i32
      %dma_wait3A_2623 = tpu.memref_slice %arg2[%dma_wait3A_2622, %mul3A_2] : memref<50x4096xi32, #tpu.memory_space<hbm>> -> memref<50x128xi32, #tpu.memory_space<hbm>>
      %dma_wait3A_2624 = arith.constant 0 : i32
      %dma_wait3A_2625 = tpu.memref_slice %arg2[%dma_wait3A_2624, %mul3A_2] : memref<50x4096xi32, #tpu.memory_space<hbm>> -> memref<50x128xi32, #tpu.memory_space<hbm>>
      tpu.wait_dma2 semaphore(%run_scoped3A : memref<!tpu.dma_semaphore, #tpu.memory_space<semaphore_mem>>) src(%dma_wait3A_2625 : memref<50x128xi32, #tpu.memory_space<hbm>>) dst(%arg6 : memref<50x128xi32, #tpu.memory_space<vmem>>)
      tpu.yield
    }) : () -> ()
    %scan3A = arith.constant 0 : i32
    %scan3A_3 = arith.constant 0 : i32
    %scan3A_4 = arith.constant 50 : i32
    %scan3A_5 = arith.addi %scan3A_3, %scan3A_4 : i32
    %scan3A_6 = arith.constant 1 : i32
    scf.for %scan3A_2618 = %scan3A_3 to %scan3A_5 step %scan3A_6  : i32 {
      %get3A = arith.index_cast %scan3A_2618 : i32 to index
      %get3A_2619 = arith.constant 0 : index
      %get3A_2620 = tpu.vector_load %arg6[%get3A, %get3A_2619] {strides = array<i32>} : memref<50x128xi32, #tpu.memory_space<vmem>>, vector<1x16xi32>,
      %get3A_2621 = vector.shape_cast %get3A_2620 : vector<1x16xi32> to vector<16xi32>
      %shift_right_logical3A = arith.constant 14 : i32
      %shift_right_logical3A_2622 = vector.broadcast %shift_right_logical3A : i32 to vector<16xi32>
      %shift_right_logical3A_2623 = arith.shrui %get3A_2621, %shift_right_logical3A_2622 : vector<16xi32>
      %shift_left3A = arith.constant 13 : i32
      %shift_left3A_2624 = vector.broadcast %shift_left3A : i32 to vector<16xi32>
      %shift_left3A_2625 = arith.shli %shift_right_logical3A_2623, %shift_left3A_2624 : vector<16xi32>
      %and3A = arith.constant 8191 : i32
      %and3A_2626 = vector.broadcast %and3A : i32 to vector<16xi32>
      %and3A_2627 = arith.andi %get3A_2621, %and3A_2626 : vector<16xi32>
      %or3A = arith.ori %shift_left3A_2625, %and3A_2627 : vector<16xi32>
      %swap3A = arith.index_cast %scan3A_2618 : i32 to index
      %swap3A_2628 = arith.constant 0 : index
      %swap3A_2629 = tpu.vector_load %arg7[%swap3A, %swap3A_2628] {strides = array<i32>} : memref<50x128xi32, #tpu.memory_space<vmem>>, vector<1x16xi32>,
      %swap3A_2630 = vector.shape_cast %swap3A_2629 : vector<1x16xi32> to vector<16xi32>
      %swap3A_2631 = vector.shape_cast %or3A : vector<16xi32> to vector<1x16xi32>
      tpu.vector_store %arg7[%swap3A, %swap3A_2628], %swap3A_2631 {strides = array<i32>} : memref<50x128xi32, #tpu.memory_space<vmem>>, vector<1x16xi32>,
      %shift_right_logical3A_2632 = arith.constant 13 : i32
      %shift_right_logical3A_2633 = vector.broadcast %shift_right_logical3A_2632 : i32 to vector<16xi32>
      %shift_right_logical3A_2634 = arith.shrui %get3A_2621, %shift_right_logical3A_2633 : vector<16xi32>
      %and3A_2635 = arith.constant 1 : i32
      %and3A_2636 = vector.broadcast %and3A_2635 : i32 to vector<16xi32>
      %and3A_2637 = arith.andi %shift_right_logical3A_2634, %and3A_2636 : vector<16xi32>
      %swap3A_2638 = arith.constant 0 : i32
      %swap3A_2639 = arith.index_cast %scan3A_2618 : i32 to index
      %swap3A_2640 = arith.index_cast %swap3A_2638 : i32 to index
      %swap3A_2641 = arith.constant 0 : index
      %swap3A_2642 = tpu.vector_load %arg8[%swap3A_2639, %swap3A_2640, %swap3A_2641] {strides = array<i32>} : memref<50x8x128xi32, #tpu.memory_space<vmem>>, vector<1x1x16xi32>,
      %swap3A_2643 = vector.shape_cast %swap3A_2642 : vector<1x1x16xi32> to vector<16xi32>
      %swap3A_2644 = vector.shape_cast %and3A_2637 : vector<16xi32> to vector<1x1x16xi32>
      tpu.vector_store %arg8[%swap3A_2639, %swap3A_2640, %swap3A_2641], %swap3A_2644 {strides = array<i32>} : memref<50x8x128xi32, #tpu.memory_space<vmem>>, vector<1x1x16xi32>,
      %swap3A_2645 = arith.constant 1 : i32
      %swap3A_2646 = arith.index_cast %scan3A_2618 : i32 to index
      %swap3A_2647 = arith.index_cast %swap3A_2645 : i32 to index
      %swap3A_2648 = arith.constant 0 : index
      %swap3A_2649 = tpu.vector_load %arg8[%swap3A_2646, %swap3A_2647, %swap3A_2648] {strides = array<i32>} : memref<50x8x128xi32, #tpu.memory_space<vmem>>, vector<1x1x16xi32>,
      %swap3A_2650 = vector.shape_cast %swap3A_2649 : vector<1x1x16xi32> to vector<16xi32>
      %swap3A_2651 = vector.shape_cast %and3A_2637 : vector<16xi32> to vector<1x1x16xi32>
      tpu.vector_store %arg8[%swap3A_2646, %swap3A_2647, %swap3A_2648], %swap3A_2651 {strides = array<i32>} : memref<50x8x128xi32, #tpu.memory_space<vmem>>, vector<1x1x16xi32>,
      %swap3A_2652 = arith.constant 2 : i32
      %swap3A_2653 = arith.index_cast %scan3A_2618 : i32 to index
      %swap3A_2654 = arith.index_cast %swap3A_2652 : i32 to index
      %swap3A_2655 = arith.constant 0 : index
      %swap3A_2656 = tpu.vector_load %arg8[%swap3A_2653, %swap3A_2654, %swap3A_2655] {strides = array<i32>} : memref<50x8x128xi32, #tpu.memory_space<vmem>>, vector<1x1x16xi32>,
      %swap3A_2657 = vector.shape_cast %swap3A_2656 : vector<1x1x16xi32> to vector<16xi32>
      %swap3A_2658 = vector.shape_cast %and3A_2637 : vector<16xi32> to vector<1x1x16xi32>
      tpu.vector_store %arg8[%swap3A_2653, %swap3A_2654, %swap3A_2655], %swap3A_2658 {strides = array<i32>} : memref<50x8x128xi32, #tpu.memory_space<vmem>>, vector<1x1x16xi32>,
      %swap3A_2659 = arith.constant 3 : i32
      %swap3A_2660 = arith.index_cast %scan3A_2618 : i32 to index
      %swap3A_2661 = arith.index_cast %swap3A_2659 : i32 to index
      %swap3A_2662 = arith.constant 0 : index
      %swap3A_2663 = tpu.vector_load %arg8[%swap3A_2660, %swap3A_2661, %swap3A_2662] {strides = array<i32>} : memref<50x8x128xi32, #tpu.memory_space<vmem>>, vector<1x1x16xi32>,
      %swap3A_2664 = vector.shape_cast %swap3A_2663 : vector<1x1x16xi32> to vector<16xi32>
      %swap3A_2665 = vector.shape_cast %and3A_2637 : vector<16xi32> to vector<1x1x16xi32>
      tpu.vector_store %arg8[%swap3A_2660, %swap3A_2661, %swap3A_2662], %swap3A_2665 {strides = array<i32>} : memref<50x8x128xi32, #tpu.memory_space<vmem>>, vector<1x1x16xi32>,
      %swap3A_2666 = arith.constant 4 : i32
      %swap3A_2667 = arith.index_cast %scan3A_2618 : i32 to index
      %swap3A_2668 = arith.index_cast %swap3A_2666 : i32 to index
      %swap3A_2669 = arith.constant 0 : index
      %swap3A_2670 = tpu.vector_load %arg8[%swap3A_2667, %swap3A_2668, %swap3A_2669] {strides = array<i32>} : memref<50x8x128xi32, #tpu.memory_space<vmem>>, vector<1x1x16xi32>,
      %swap3A_2671 = vector.shape_cast %swap3A_2670 : vector<1x1x16xi32> to vector<16xi32>
      %swap3A_2672 = vector.shape_cast %and3A_2637 : vector<16xi32> to vector<1x1x16xi32>
      tpu.vector_store %arg8[%swap3A_2667, %swap3A_2668, %swap3A_2669], %swap3A_2672 {strides = array<i32>} : memref<50x8x128xi32, #tpu.memory_space<vmem>>, vector<1x1x16xi32>,
      %swap3A_2673 = arith.constant 5 : i32
      %swap3A_2674 = arith.index_cast %scan3A_2618 : i32 to index
      %swap3A_2675 = arith.index_cast %swap3A_2673 : i32 to index
      %swap3A_2676 = arith.constant 0 : index
      %swap3A_2677 = tpu.vector_load %arg8[%swap3A_2674, %swap3A_2675, %swap3A_2676] {strides = array<i32>} : memref<50x8x128xi32, #tpu.memory_space<vmem>>, vector<1x1x16xi32>,
      %swap3A_2678 = vector.shape_cast %swap3A_2677 : vector<1x1x16xi32> to vector<16xi32>
      %swap3A_2679 = vector.shape_cast %and3A_2637 : vector<16xi32> to vector<1x1x16xi32>
      tpu.vector_store %arg8[%swap3A_2674, %swap3A_2675, %swap3A_2676], %swap3A_2679 {strides = array<i32>} : memref<50x8x128xi32, #tpu.memory_space<vmem>>, vector<1x1x16xi32>,
      %swap3A_2680 = arith.constant 6 : i32
      %swap3A_2681 = arith.index_cast %scan3A_2618 : i32 to index
      %swap3A_2682 = arith.index_cast %swap3A_2680 : i32 to index
      %swap3A_2683 = arith.constant 0 : index
      %swap3A_2684 = tpu.vector_load %arg8[%swap3A_2681, %swap3A_2682, %swap3A_2683] {strides = array<i32>} : memref<50x8x128xi32, #tpu.memory_space<vmem>>, vector<1x1x16xi32>,
      %swap3A_2685 = vector.shape_cast %swap3A_2684 : vector<1x1x16xi32> to vector<16xi32>
      %swap3A_2686 = vector.shape_cast %and3A_2637 : vector<16xi32> to vector<1x1x16xi32>
      tpu.vector_store %arg8[%swap3A_2681, %swap3A_2682, %swap3A_2683], %swap3A_2686 {strides = array<i32>} : memref<50x8x128xi32, #tpu.memory_space<vmem>>, vector<1x1x16xi32>,
      %swap3A_2687 = arith.constant 7 : i32
      %swap3A_2688 = arith.index_cast %scan3A_2618 : i32 to index
      %swap3A_2689 = arith.index_cast %swap3A_2687 : i32 to index
      %swap3A_2690 = arith.constant 0 : index
      %swap3A_2691 = tpu.vector_load %arg8[%swap3A_2688, %swap3A_2689, %swap3A_2690] {strides = array<i32>} : memref<50x8x128xi32, #tpu.memory_space<vmem>>, vector<1x1x16xi32>,
      %swap3A_2692 = vector.shape_cast %swap3A_2691 : vector<1x1x16xi32> to vector<16xi32>
      %swap3A_2693 = vector.shape_cast %and3A_2637 : vector<16xi32> to vector<1x1x16xi32>
      tpu.vector_store %arg8[%swap3A_2688, %swap3A_2689, %swap3A_2690], %swap3A_2693 {strides = array<i32>} : memref<50x8x128xi32, #tpu.memory_space<vmem>>, vector<1x1x16xi32>,
      %get3A_2694 = arith.index_cast %scan3A_2618 : i32 to index
      %get3A_2695 = arith.constant 16 : index
      %get3A_2696 = tpu.vector_load %arg6[%get3A_2694, %get3A_2695] {strides = array<i32>} : memref<50x128xi32, #tpu.memory_space<vmem>>, vector<1x16xi32>,
      %get3A_2697 = vector.shape_cast %get3A_2696 : vector<1x16xi32> to vector<16xi32>
      %shift_right_logical3A_2698 = arith.constant 14 : i32
      %shift_right_logical3A_2699 = vector.broadcast %shift_right_logical3A_2698 : i32 to vector<16xi32>
      %shift_right_logical3A_2700 = arith.shrui %get3A_2697, %shift_right_logical3A_2699 : vector<16xi32>
      %shift_left3A_2701 = arith.constant 13 : i32
      %shift_left3A_2702 = vector.broadcast %shift_left3A_2701 : i32 to vector<16xi32>
      %shift_left3A_2703 = arith.shli %shift_right_logical3A_2700, %shift_left3A_2702 : vector<16xi32>
      %and3A_2704 = arith.constant 8191 : i32
      %and3A_2705 = vector.broadcast %and3A_2704 : i32 to vector<16xi32>
      %and3A_2706 = arith.andi %get3A_2697, %and3A_2705 : vector<16xi32>
      %or3A_2707 = arith.ori %shift_left3A_2703, %and3A_2706 : vector<16xi32>
      %swap3A_2708 = arith.index_cast %scan3A_2618 : i32 to index
      %swap3A_2709 = arith.constant 16 : index
      %swap3A_2710 = tpu.vector_load %arg7[%swap3A_2708, %swap3A_2709] {strides = array<i32>} : memref<50x128xi32, #tpu.memory_space<vmem>>, vector<1x16xi32>,
      %swap3A_2711 = vector.shape_cast %swap3A_2710 : vector<1x16xi32> to vector<16xi32>
      %swap3A_2712 = vector.shape_cast %or3A_2707 : vector<16xi32> to vector<1x16xi32>
      tpu.vector_store %arg7[%swap3A_2708, %swap3A_2709], %swap3A_2712 {strides = array<i32>} : memref<50x128xi32, #tpu.memory_space<vmem>>, vector<1x16xi32>,
      %shift_right_logical3A_2713 = arith.constant 13 : i32
      %shift_right_logical3A_2714 = vector.broadcast %shift_right_logical3A_2713 : i32 to vector<16xi32>
      %shift_right_logical3A_2715 = arith.shrui %get3A_2697, %shift_right_logical3A_2714 : vector<16xi32>
      %and3A_2716 = arith.constant 1 : i32
      %and3A_2717 = vector.broadcast %and3A_2716 : i32 to vector<16xi32>
      %and3A_2718 = arith.andi %shift_right_logical3A_2715, %and3A_2717 : vector<16xi32>
      %swap3A_2719 = arith.constant 0 : i32
      %swap3A_2720 = arith.index_cast %scan3A_2618 : i32 to index
      %swap3A_2721 = arith.index_cast %swap3A_2719 : i32 to index
      %swap3A_2722 = arith.constant 16 : index
      %swap3A_2723 = tpu.vector_load %arg8[%swap3A_2720, %swap3A_2721, %swap3A_2722] {strides = array<i32>} : memref<50x8x128xi32, #tpu.memory_space<vmem>>, vector<1x1x16xi32>,
      %swap3A_2724 = vector.shape_cast %swap3A_2723 : vector<1x1x16xi32> to vector<16xi32>
      %swap3A_2725 = vector.shape_cast %and3A_2718 : vector<16xi32> to vector<1x1x16xi32>
      tpu.vector_store %arg8[%swap3A_2720, %swap3A_2721, %swap3A_2722], %swap3A_2725 {strides = array<i32>} : memref<50x8x128xi32, #tpu.memory_space<vmem>>, vector<1x1x16xi32>,
      %swap3A_2726 = arith.constant 1 : i32
      %swap3A_2727 = arith.index_cast %scan3A_2618 : i32 to index
      %swap3A_2728 = arith.index_cast %swap3A_2726 : i32 to index
      %swap3A_2729 = arith.constant 16 : index
      %swap3A_2730 = tpu.vector_load %arg8[%swap3A_2727, %swap3A_2728, %swap3A_2729] {strides = array<i32>} : memref<50x8x128xi32, #tpu.memory_space<vmem>>, vector<1x1x16xi32>,
      %swap3A_2731 = vector.shape_cast %swap3A_2730 : vector<1x1x16xi32> to vector<16xi32>
      %swap3A_2732 = vector.shape_cast %and3A_2718 : vector<16xi32> to vector<1x1x16xi32>
      tpu.vector_store %arg8[%swap3A_2727, %swap3A_2728, %swap3A_2729], %swap3A_2732 {strides = array<i32>} : memref<50x8x128xi32, #tpu.memory_space<vmem>>, vector<1x1x16xi32>,
      %swap3A_2733 = arith.constant 2 : i32
      %swap3A_2734 = arith.index_cast %scan3A_2618 : i32 to index
      %swap3A_2735 = arith.index_cast %swap3A_2733 : i32 to index
      %swap3A_2736 = arith.constant 16 : index
      %swap3A_2737 = tpu.vector_load %arg8[%swap3A_2734, %swap3A_2735, %swap3A_2736] {strides = array<i32>} : memref<50x8x128xi32, #tpu.memory_space<vmem>>, vector<1x1x16xi32>,
      %swap3A_2738 = vector.shape_cast %swap3A_2737 : vector<1x1x16xi32> to vector<16xi32>
      %swap3A_2739 = vector.shape_cast %and3A_2718 : vector<16xi32> to vector<1x1x16xi32>
      tpu.vector_store %arg8[%swap3A_2734, %swap3A_2735, %swap3A_2736], %swap3A_2739 {strides = array<i32>} : memref<50x8x128xi32, #tpu.memory_space<vmem>>, vector<1x1x16xi32>,
      %swap3A_2740 = arith.constant 3 : i32
      %swap3A_2741 = arith.index_cast %scan3A_2618 : i32 to index
      %swap3A_2742 = arith.index_cast %swap3A_2740 : i32 to index
      %swap3A_2743 = arith.constant 16 : index
      %swap3A_2744 = tpu.vector_load %arg8[%swap3A_2741, %swap3A_2742, %swap3A_2743] {strides = array<i32>} : memref<50x8x128xi32, #tpu.memory_space<vmem>>, vector<1x1x16xi32>,
      %swap3A_2745 = vector.shape_cast %swap3A_2744 : vector<1x1x16xi32> to vector<16xi32>
      %swap3A_2746 = vector.shape_cast %and3A_2718 : vector<16xi32> to vector<1x1x16xi32>
      tpu.vector_store %arg8[%swap3A_2741, %swap3A_2742, %swap3A_2743], %swap3A_2746 {strides = array<i32>} : memref<50x8x128xi32, #tpu.memory_space<vmem>>, vector<1x1x16xi32>,
      %swap3A_2747 = arith.constant 4 : i32
      %swap3A_2748 = arith.index_cast %scan3A_2618 : i32 to index
      %swap3A_2749 = arith.index_cast %swap3A_2747 : i32 to index
      %swap3A_2750 = arith.constant 16 : index
      %swap3A_2751 = tpu.vector_load %arg8[%swap3A_2748, %swap3A_2749, %swap3A_2750] {strides = array<i32>} : memref<50x8x128xi32, #tpu.memory_space<vmem>>, vector<1x1x16xi32>,
      %swap3A_2752 = vector.shape_cast %swap3A_2751 : vector<1x1x16xi32> to vector<16xi32>
      %swap3A_2753 = vector.shape_cast %and3A_2718 : vector<16xi32> to vector<1x1x16xi32>
      tpu.vector_store %arg8[%swap3A_2748, %swap3A_2749, %swap3A_2750], %swap3A_2753 {strides = array<i32>} : memref<50x8x128xi32, #tpu.memory_space<vmem>>, vector<1x1x16xi32>,
      %swap3A_2754 = arith.constant 5 : i32
      %swap3A_2755 = arith.index_cast %scan3A_2618 : i32 to index
      %swap3A_2756 = arith.index_cast %swap3A_2754 : i32 to index
      %swap3A_2757 = arith.constant 16 : index
      %swap3A_2758 = tpu.vector_load %arg8[%swap3A_2755, %swap3A_2756, %swap3A_2757] {strides = array<i32>} : memref<50x8x128xi32, #tpu.memory_space<vmem>>, vector<1x1x16xi32>,
      %swap3A_2759 = vector.shape_cast %swap3A_2758 : vector<1x1x16xi32> to vector<16xi32>
      %swap3A_2760 = vector.shape_cast %and3A_2718 : vector<16xi32> to vector<1x1x16xi32>
      tpu.vector_store %arg8[%swap3A_2755, %swap3A_2756, %swap3A_2757], %swap3A_2760 {strides = array<i32>} : memref<50x8x128xi32, #tpu.memory_space<vmem>>, vector<1x1x16xi32>,
      %swap3A_2761 = arith.constant 6 : i32
      %swap3A_2762 = arith.index_cast %scan3A_2618 : i32 to index
      %swap3A_2763 = arith.index_cast %swap3A_2761 : i32 to index
      %swap3A_2764 = arith.constant 16 : index
      %swap3A_2765 = tpu.vector_load %arg8[%swap3A_2762, %swap3A_2763, %swap3A_2764] {strides = array<i32>} : memref<50x8x128xi32, #tpu.memory_space<vmem>>, vector<1x1x16xi32>,
      %swap3A_2766 = vector.shape_cast %swap3A_2765 : vector<1x1x16xi32> to vector<16xi32>
      %swap3A_2767 = vector.shape_cast %and3A_2718 : vector<16xi32> to vector<1x1x16xi32>
      tpu.vector_store %arg8[%swap3A_2762, %swap3A_2763, %swap3A_2764], %swap3A_2767 {strides = array<i32>} : memref<50x8x128xi32, #tpu.memory_space<vmem>>, vector<1x1x16xi32>,
      %swap3A_2768 = arith.constant 7 : i32
      %swap3A_2769 = arith.index_cast %scan3A_2618 : i32 to index
      %swap3A_2770 = arith.index_cast %swap3A_2768 : i32 to index
      %swap3A_2771 = arith.constant 16 : index
      %swap3A_2772 = tpu.vector_load %arg8[%swap3A_2769, %swap3A_2770, %swap3A_2771] {strides = array<i32>} : memref<50x8x128xi32, #tpu.memory_space<vmem>>, vector<1x1x16xi32>,
      %swap3A_2773 = vector.shape_cast %swap3A_2772 : vector<1x1x16xi32> to vector<16xi32>
      %swap3A_2774 = vector.shape_cast %and3A_2718 : vector<16xi32> to vector<1x1x16xi32>
      tpu.vector_store %arg8[%swap3A_2769, %swap3A_2770, %swap3A_2771], %swap3A_2774 {strides = array<i32>} : memref<50x8x128xi32, #tpu.memory_space<vmem>>, vector<1x1x16xi32>,
      %get3A_2775 = arith.index_cast %scan3A_2618 : i32 to index
      %get3A_2776 = arith.constant 32 : index
      %get3A_2777 = tpu.vector_load %arg6[%get3A_2775, %get3A_2776] {strides = array<i32>} : memref<50x128xi32, #tpu.memory_space<vmem>>, vector<1x16xi32>,
      %get3A_2778 = vector.shape_cast %get3A_2777 : vector<1x16xi32> to vector<16xi32>
      %shift_right_logical3A_2779 = arith.constant 14 : i32
      %shift_right_logical3A_2780 = vector.broadcast %shift_right_logical3A_2779 : i32 to vector<16xi32>
      %shift_right_logical3A_2781 = arith.shrui %get3A_2778, %shift_right_logical3A_2780 : vector<16xi32>
      %shift_left3A_2782 = arith.constant 13 : i32
      %shift_left3A_2783 = vector.broadcast %shift_left3A_2782 : i32 to vector<16xi32>
      %shift_left3A_2784 = arith.shli %shift_right_logical3A_2781, %shift_left3A_2783 : vector<16xi32>
      %and3A_2785 = arith.constant 8191 : i32
      %and3A_2786 = vector.broadcast %and3A_2785 : i32 to vector<16xi32>
      %and3A_2787 = arith.andi %get3A_2778, %and3A_2786 : vector<16xi32>
      %or3A_2788 = arith.ori %shift_left3A_2784, %and3A_2787 : vector<16xi32>
      %swap3A_2789 = arith.index_cast %scan3A_2618 : i32 to index
      %swap3A_2790 = arith.constant 32 : index
      %swap3A_2791 = tpu.vector_load %arg7[%swap3A_2789, %swap3A_2790] {strides = array<i32>} : memref<50x128xi32, #tpu.memory_space<vmem>>, vector<1x16xi32>,
      %swap3A_2792 = vector.shape_cast %swap3A_2791 : vector<1x16xi32> to vector<16xi32>
      %swap3A_2793 = vector.shape_cast %or3A_2788 : vector<16xi32> to vector<1x16xi32>
      tpu.vector_store %arg7[%swap3A_2789, %swap3A_2790], %swap3A_2793 {strides = array<i32>} : memref<50x128xi32, #tpu.memory_space<vmem>>, vector<1x16xi32>,
      %shift_right_logical3A_2794 = arith.constant 13 : i32
      %shift_right_logical3A_2795 = vector.broadcast %shift_right_logical3A_2794 : i32 to vector<16xi32>
      %shift_right_logical3A_2796 = arith.shrui %get3A_2778, %shift_right_logical3A_2795 : vector<16xi32>
      %and3A_2797 = arith.constant 1 : i32
      %and3A_2798 = vector.broadcast %and3A_2797 : i32 to vector<16xi32>
      %and3A_2799 = arith.andi %shift_right_logical3A_2796, %and3A_2798 : vector<16xi32>
      %swap3A_2800 = arith.constant 0 : i32
      %swap3A_2801 = arith.index_cast %scan3A_2618 : i32 to index
      %swap3A_2802 = arith.index_cast %swap3A_2800 : i32 to index
      %swap3A_2803 = arith.constant 32 : index
      %swap3A_2804 = tpu.vector_load %arg8[%swap3A_2801, %swap3A_2802, %swap3A_2803] {strides = array<i32>} : memref<50x8x128xi32, #tpu.memory_space<vmem>>, vector<1x1x16xi32>,
      %swap3A_2805 = vector.shape_cast %swap3A_2804 : vector<1x1x16xi32> to vector<16xi32>
      %swap3A_2806 = vector.shape_cast %and3A_2799 : vector<16xi32> to vector<1x1x16xi32>
      tpu.vector_store %arg8[%swap3A_2801, %swap3A_2802, %swap3A_2803], %swap3A_2806 {strides = array<i32>} : memref<50x8x128xi32, #tpu.memory_space<vmem>>, vector<1x1x16xi32>,
      %swap3A_2807 = arith.constant 1 : i32
      %swap3A_2808 = arith.index_cast %scan3A_2618 : i32 to index
      %swap3A_2809 = arith.index_cast %swap3A_2807 : i32 to index
      %swap3A_2810 = arith.constant 32 : index
      %swap3A_2811 = tpu.vector_load %arg8[%swap3A_2808, %swap3A_2809, %swap3A_2810] {strides = array<i32>} : memref<50x8x128xi32, #tpu.memory_space<vmem>>, vector<1x1x16xi32>,
      %swap3A_2812 = vector.shape_cast %swap3A_2811 : vector<1x1x16xi32> to vector<16xi32>
      %swap3A_2813 = vector.shape_cast %and3A_2799 : vector<16xi32> to vector<1x1x16xi32>
      tpu.vector_store %arg8[%swap3A_2808, %swap3A_2809, %swap3A_2810], %swap3A_2813 {strides = array<i32>} : memref<50x8x128xi32, #tpu.memory_space<vmem>>, vector<1x1x16xi32>,
      %swap3A_2814 = arith.constant 2 : i32
      %swap3A_2815 = arith.index_cast %scan3A_2618 : i32 to index
      %swap3A_2816 = arith.index_cast %swap3A_2814 : i32 to index
      %swap3A_2817 = arith.constant 32 : index
      %swap3A_2818 = tpu.vector_load %arg8[%swap3A_2815, %swap3A_2816, %swap3A_2817] {strides = array<i32>} : memref<50x8x128xi32, #tpu.memory_space<vmem>>, vector<1x1x16xi32>,
      %swap3A_2819 = vector.shape_cast %swap3A_2818 : vector<1x1x16xi32> to vector<16xi32>
      %swap3A_2820 = vector.shape_cast %and3A_2799 : vector<16xi32> to vector<1x1x16xi32>
      tpu.vector_store %arg8[%swap3A_2815, %swap3A_2816, %swap3A_2817], %swap3A_2820 {strides = array<i32>} : memref<50x8x128xi32, #tpu.memory_space<vmem>>, vector<1x1x16xi32>,
      %swap3A_2821 = arith.constant 3 : i32
      %swap3A_2822 = arith.index_cast %scan3A_2618 : i32 to index
      %swap3A_2823 = arith.index_cast %swap3A_2821 : i32 to index
      %swap3A_2824 = arith.constant 32 : index
      %swap3A_2825 = tpu.vector_load %arg8[%swap3A_2822, %swap3A_2823, %swap3A_2824] {strides = array<i32>} : memref<50x8x128xi32, #tpu.memory_space<vmem>>, vector<1x1x16xi32>,
      %swap3A_2826 = vector.shape_cast %swap3A_2825 : vector<1x1x16xi32> to vector<16xi32>
      %swap3A_2827 = vector.shape_cast %and3A_2799 : vector<16xi32> to vector<1x1x16xi32>
      tpu.vector_store %arg8[%swap3A_2822, %swap3A_2823, %swap3A_2824], %swap3A_2827 {strides = array<i32>} : memref<50x8x128xi32, #tpu.memory_space<vmem>>, vector<1x1x16xi32>,
      %swap3A_2828 = arith.constant 4 : i32
      %swap3A_2829 = arith.index_cast %scan3A_2618 : i32 to index
      %swap3A_2830 = arith.index_cast %swap3A_2828 : i32 to index
      %swap3A_2831 = arith.constant 32 : index
      %swap3A_2832 = tpu.vector_load %arg8[%swap3A_2829, %swap3A_2830, %swap3A_2831] {strides = array<i32>} : memref<50x8x128xi32, #tpu.memory_space<vmem>>, vector<1x1x16xi32>,
      %swap3A_2833 = vector.shape_cast %swap3A_2832 : vector<1x1x16xi32> to vector<16xi32>
      %swap3A_2834 = vector.shape_cast %and3A_2799 : vector<16xi32> to vector<1x1x16xi32>
      tpu.vector_store %arg8[%swap3A_2829, %swap3A_2830, %swap3A_2831], %swap3A_2834 {strides = array<i32>} : memref<50x8x128xi32, #tpu.memory_space<vmem>>, vector<1x1x16xi32>,
      %swap3A_2835 = arith.constant 5 : i32
      %swap3A_2836 = arith.index_cast %scan3A_2618 : i32 to index
      %swap3A_2837 = arith.index_cast %swap3A_2835 : i32 to index
      %swap3A_2838 = arith.constant 32 : index
      %swap3A_2839 = tpu.vector_load %arg8[%swap3A_2836, %swap3A_2837, %swap3A_2838] {strides = array<i32>} : memref<50x8x128xi32, #tpu.memory_space<vmem>>, vector<1x1x16xi32>,
      %swap3A_2840 = vector.shape_cast %swap3A_2839 : vector<1x1x16xi32> to vector<16xi32>
      %swap3A_2841 = vector.shape_cast %and3A_2799 : vector<16xi32> to vector<1x1x16xi32>
      tpu.vector_store %arg8[%swap3A_2836, %swap3A_2837, %swap3A_2838], %swap3A_2841 {strides = array<i32>} : memref<50x8x128xi32, #tpu.memory_space<vmem>>, vector<1x1x16xi32>,
      %swap3A_2842 = arith.constant 6 : i32
      %swap3A_2843 = arith.index_cast %scan3A_2618 : i32 to index
      %swap3A_2844 = arith.index_cast %swap3A_2842 : i32 to index
      %swap3A_2845 = arith.constant 32 : index
      %swap3A_2846 = tpu.vector_load %arg8[%swap3A_2843, %swap3A_2844, %swap3A_2845] {strides = array<i32>} : memref<50x8x128xi32, #tpu.memory_space<vmem>>, vector<1x1x16xi32>,
      %swap3A_2847 = vector.shape_cast %swap3A_2846 : vector<1x1x16xi32> to vector<16xi32>
      %swap3A_2848 = vector.shape_cast %and3A_2799 : vector<16xi32> to vector<1x1x16xi32>
      tpu.vector_store %arg8[%swap3A_2843, %swap3A_2844, %swap3A_2845], %swap3A_2848 {strides = array<i32>} : memref<50x8x128xi32, #tpu.memory_space<vmem>>, vector<1x1x16xi32>,
      %swap3A_2849 = arith.constant 7 : i32
      %swap3A_2850 = arith.index_cast %scan3A_2618 : i32 to index
      %swap3A_2851 = arith.index_cast %swap3A_2849 : i32 to index
      %swap3A_2852 = arith.constant 32 : index
      %swap3A_2853 = tpu.vector_load %arg8[%swap3A_2850, %swap3A_2851, %swap3A_2852] {strides = array<i32>} : memref<50x8x128xi32, #tpu.memory_space<vmem>>, vector<1x1x16xi32>,
      %swap3A_2854 = vector.shape_cast %swap3A_2853 : vector<1x1x16xi32> to vector<16xi32>
      %swap3A_2855 = vector.shape_cast %and3A_2799 : vector<16xi32> to vector<1x1x16xi32>
      tpu.vector_store %arg8[%swap3A_2850, %swap3A_2851, %swap3A_2852], %swap3A_2855 {strides = array<i32>} : memref<50x8x128xi32, #tpu.memory_space<vmem>>, vector<1x1x16xi32>,
      %get3A_2856 = arith.index_cast %scan3A_2618 : i32 to index
      %get3A_2857 = arith.constant 48 : index
      %get3A_2858 = tpu.vector_load %arg6[%get3A_2856, %get3A_2857] {strides = array<i32>} : memref<50x128xi32, #tpu.memory_space<vmem>>, vector<1x16xi32>,
      %get3A_2859 = vector.shape_cast %get3A_2858 : vector<1x16xi32> to vector<16xi32>
      %shift_right_logical3A_2860 = arith.constant 14 : i32
      %shift_right_logical3A_2861 = vector.broadcast %shift_right_logical3A_2860 : i32 to vector<16xi32>
      %shift_right_logical3A_2862 = arith.shrui %get3A_2859, %shift_right_logical3A_2861 : vector<16xi32>
      %shift_left3A_2863 = arith.constant 13 : i32
      %shift_left3A_2864 = vector.broadcast %shift_left3A_2863 : i32 to vector<16xi32>
      %shift_left3A_2865 = arith.shli %shift_right_logical3A_2862, %shift_left3A_2864 : vector<16xi32>
      %and3A_2866 = arith.constant 8191 : i32
      %and3A_2867 = vector.broadcast %and3A_2866 : i32 to vector<16xi32>
      %and3A_2868 = arith.andi %get3A_2859, %and3A_2867 : vector<16xi32>
      %or3A_2869 = arith.ori %shift_left3A_2865, %and3A_2868 : vector<16xi32>
      %swap3A_2870 = arith.index_cast %scan3A_2618 : i32 to index
      %swap3A_2871 = arith.constant 48 : index
      %swap3A_2872 = tpu.vector_load %arg7[%swap3A_2870, %swap3A_2871] {strides = array<i32>} : memref<50x128xi32, #tpu.memory_space<vmem>>, vector<1x16xi32>,
      %swap3A_2873 = vector.shape_cast %swap3A_2872 : vector<1x16xi32> to vector<16xi32>
      %swap3A_2874 = vector.shape_cast %or3A_2869 : vector<16xi32> to vector<1x16xi32>
      tpu.vector_store %arg7[%swap3A_2870, %swap3A_2871], %swap3A_2874 {strides = array<i32>} : memref<50x128xi32, #tpu.memory_space<vmem>>, vector<1x16xi32>,
      %shift_right_logical3A_2875 = arith.constant 13 : i32
      %shift_right_logical3A_2876 = vector.broadcast %shift_right_logical3A_2875 : i32 to vector<16xi32>
      %shift_right_logical3A_2877 = arith.shrui %get3A_2859, %shift_right_logical3A_2876 : vector<16xi32>
      %and3A_2878 = arith.constant 1 : i32
      %and3A_2879 = vector.broadcast %and3A_2878 : i32 to vector<16xi32>
      %and3A_2880 = arith.andi %shift_right_logical3A_2877, %and3A_2879 : vector<16xi32>
      %swap3A_2881 = arith.constant 0 : i32
      %swap3A_2882 = arith.index_cast %scan3A_2618 : i32 to index
      %swap3A_2883 = arith.index_cast %swap3A_2881 : i32 to index
      %swap3A_2884 = arith.constant 48 : index
      %swap3A_2885 = tpu.vector_load %arg8[%swap3A_2882, %swap3A_2883, %swap3A_2884] {strides = array<i32>} : memref<50x8x128xi32, #tpu.memory_space<vmem>>, vector<1x1x16xi32>,
      %swap3A_2886 = vector.shape_cast %swap3A_2885 : vector<1x1x16xi32> to vector<16xi32>
      %swap3A_2887 = vector.shape_cast %and3A_2880 : vector<16xi32> to vector<1x1x16xi32>
      tpu.vector_store %arg8[%swap3A_2882, %swap3A_2883, %swap3A_2884], %swap3A_2887 {strides = array<i32>} : memref<50x8x128xi32, #tpu.memory_space<vmem>>, vector<1x1x16xi32>,
      %swap3A_2888 = arith.constant 1 : i32
      %swap3A_2889 = arith.index_cast %scan3A_2618 : i32 to index
      %swap3A_2890 = arith.index_cast %swap3A_2888 : i32 to index
      %swap3A_2891 = arith.constant 48 : index
      %swap3A_2892 = tpu.vector_load %arg8[%swap3A_2889, %swap3A_2890, %swap3A_2891] {strides = array<i32>} : memref<50x8x128xi32, #tpu.memory_space<vmem>>, vector<1x1x16xi32>,
      %swap3A_2893 = vector.shape_cast %swap3A_2892 : vector<1x1x16xi32> to vector<16xi32>
      %swap3A_2894 = vector.shape_cast %and3A_2880 : vector<16xi32> to vector<1x1x16xi32>
      tpu.vector_store %arg8[%swap3A_2889, %swap3A_2890, %swap3A_2891], %swap3A_2894 {strides = array<i32>} : memref<50x8x128xi32, #tpu.memory_space<vmem>>, vector<1x1x16xi32>,
      %swap3A_2895 = arith.constant 2 : i32
      %swap3A_2896 = arith.index_cast %scan3A_2618 : i32 to index
      %swap3A_2897 = arith.index_cast %swap3A_2895 : i32 to index
      %swap3A_2898 = arith.constant 48 : index
      %swap3A_2899 = tpu.vector_load %arg8[%swap3A_2896, %swap3A_2897, %swap3A_2898] {strides = array<i32>} : memref<50x8x128xi32, #tpu.memory_space<vmem>>, vector<1x1x16xi32>,
      %swap3A_2900 = vector.shape_cast %swap3A_2899 : vector<1x1x16xi32> to vector<16xi32>
      %swap3A_2901 = vector.shape_cast %and3A_2880 : vector<16xi32> to vector<1x1x16xi32>
      tpu.vector_store %arg8[%swap3A_2896, %swap3A_2897, %swap3A_2898], %swap3A_2901 {strides = array<i32>} : memref<50x8x128xi32, #tpu.memory_space<vmem>>, vector<1x1x16xi32>,
      %swap3A_2902 = arith.constant 3 : i32
      %swap3A_2903 = arith.index_cast %scan3A_2618 : i32 to index
      %swap3A_2904 = arith.index_cast %swap3A_2902 : i32 to index
      %swap3A_2905 = arith.constant 48 : index
      %swap3A_2906 = tpu.vector_load %arg8[%swap3A_2903, %swap3A_2904, %swap3A_2905] {strides = array<i32>} : memref<50x8x128xi32, #tpu.memory_space<vmem>>, vector<1x1x16xi32>,
      %swap3A_2907 = vector.shape_cast %swap3A_2906 : vector<1x1x16xi32> to vector<16xi32>
      %swap3A_2908 = vector.shape_cast %and3A_2880 : vector<16xi32> to vector<1x1x16xi32>
      tpu.vector_store %arg8[%swap3A_2903, %swap3A_2904, %swap3A_2905], %swap3A_2908 {strides = array<i32>} : memref<50x8x128xi32, #tpu.memory_space<vmem>>, vector<1x1x16xi32>,
      %swap3A_2909 = arith.constant 4 : i32
      %swap3A_2910 = arith.index_cast %scan3A_2618 : i32 to index
      %swap3A_2911 = arith.index_cast %swap3A_2909 : i32 to index
      %swap3A_2912 = arith.constant 48 : index
      %swap3A_2913 = tpu.vector_load %arg8[%swap3A_2910, %swap3A_2911, %swap3A_2912] {strides = array<i32>} : memref<50x8x128xi32, #tpu.memory_space<vmem>>, vector<1x1x16xi32>,
      %swap3A_2914 = vector.shape_cast %swap3A_2913 : vector<1x1x16xi32> to vector<16xi32>
      %swap3A_2915 = vector.shape_cast %and3A_2880 : vector<16xi32> to vector<1x1x16xi32>
      tpu.vector_store %arg8[%swap3A_2910, %swap3A_2911, %swap3A_2912], %swap3A_2915 {strides = array<i32>} : memref<50x8x128xi32, #tpu.memory_space<vmem>>, vector<1x1x16xi32>,
      %swap3A_2916 = arith.constant 5 : i32
      %swap3A_2917 = arith.index_cast %scan3A_2618 : i32 to index
      %swap3A_2918 = arith.index_cast %swap3A_2916 : i32 to index
      %swap3A_2919 = arith.constant 48 : index
      %swap3A_2920 = tpu.vector_load %arg8[%swap3A_2917, %swap3A_2918, %swap3A_2919] {strides = array<i32>} : memref<50x8x128xi32, #tpu.memory_space<vmem>>, vector<1x1x16xi32>,
      %swap3A_2921 = vector.shape_cast %swap3A_2920 : vector<1x1x16xi32> to vector<16xi32>
      %swap3A_2922 = vector.shape_cast %and3A_2880 : vector<16xi32> to vector<1x1x16xi32>
      tpu.vector_store %arg8[%swap3A_2917, %swap3A_2918, %swap3A_2919], %swap3A_2922 {strides = array<i32>} : memref<50x8x128xi32, #tpu.memory_space<vmem>>, vector<1x1x16xi32>,
      %swap3A_2923 = arith.constant 6 : i32
      %swap3A_2924 = arith.index_cast %scan3A_2618 : i32 to index
      %swap3A_2925 = arith.index_cast %swap3A_2923 : i32 to index
      %swap3A_2926 = arith.constant 48 : index
      %swap3A_2927 = tpu.vector_load %arg8[%swap3A_2924, %swap3A_2925, %swap3A_2926] {strides = array<i32>} : memref<50x8x128xi32, #tpu.memory_space<vmem>>, vector<1x1x16xi32>,
      %swap3A_2928 = vector.shape_cast %swap3A_2927 : vector<1x1x16xi32> to vector<16xi32>
      %swap3A_2929 = vector.shape_cast %and3A_2880 : vector<16xi32> to vector<1x1x16xi32>
      tpu.vector_store %arg8[%swap3A_2924, %swap3A_2925, %swap3A_2926], %swap3A_2929 {strides = array<i32>} : memref<50x8x128xi32, #tpu.memory_space<vmem>>, vector<1x1x16xi32>,
      %swap3A_2930 = arith.constant 7 : i32
      %swap3A_2931 = arith.index_cast %scan3A_2618 : i32 to index
      %swap3A_2932 = arith.index_cast %swap3A_2930 : i32 to index
      %swap3A_2933 = arith.constant 48 : index
      %swap3A_2934 = tpu.vector_load %arg8[%swap3A_2931, %swap3A_2932, %swap3A_2933] {strides = array<i32>} : memref<50x8x128xi32, #tpu.memory_space<vmem>>, vector<1x1x16xi32>,
      %swap3A_2935 = vector.shape_cast %swap3A_2934 : vector<1x1x16xi32> to vector<16xi32>
      %swap3A_2936 = vector.shape_cast %and3A_2880 : vector<16xi32> to vector<1x1x16xi32>
      tpu.vector_store %arg8[%swap3A_2931, %swap3A_2932, %swap3A_2933], %swap3A_2936 {strides = array<i32>} : memref<50x8x128xi32, #tpu.memory_space<vmem>>, vector<1x1x16xi32>,
      %get3A_2937 = arith.index_cast %scan3A_2618 : i32 to index
      %get3A_2938 = arith.constant 64 : index
      %get3A_2939 = tpu.vector_load %arg6[%get3A_2937, %get3A_2938] {strides = array<i32>} : memref<50x128xi32, #tpu.memory_space<vmem>>, vector<1x16xi32>,
      %get3A_2940 = vector.shape_cast %get3A_2939 : vector<1x16xi32> to vector<16xi32>
      %shift_right_logical3A_2941 = arith.constant 14 : i32
      %shift_right_logical3A_2942 = vector.broadcast %shift_right_logical3A_2941 : i32 to vector<16xi32>
      %shift_right_logical3A_2943 = arith.shrui %get3A_2940, %shift_right_logical3A_2942 : vector<16xi32>
      %shift_left3A_2944 = arith.constant 13 : i32
      %shift_left3A_2945 = vector.broadcast %shift_left3A_2944 : i32 to vector<16xi32>
      %shift_left3A_2946 = arith.shli %shift_right_logical3A_2943, %shift_left3A_2945 : vector<16xi32>
      %and3A_2947 = arith.constant 8191 : i32
      %and3A_2948 = vector.broadcast %and3A_2947 : i32 to vector<16xi32>
      %and3A_2949 = arith.andi %get3A_2940, %and3A_2948 : vector<16xi32>
      %or3A_2950 = arith.ori %shift_left3A_2946, %and3A_2949 : vector<16xi32>
      %swap3A_2951 = arith.index_cast %scan3A_2618 : i32 to index
      %swap3A_2952 = arith.constant 64 : index
      %swap3A_2953 = tpu.vector_load %arg7[%swap3A_2951, %swap3A_2952] {strides = array<i32>} : memref<50x128xi32, #tpu.memory_space<vmem>>, vector<1x16xi32>,
      %swap3A_2954 = vector.shape_cast %swap3A_2953 : vector<1x16xi32> to vector<16xi32>
      %swap3A_2955 = vector.shape_cast %or3A_2950 : vector<16xi32> to vector<1x16xi32>
      tpu.vector_store %arg7[%swap3A_2951, %swap3A_2952], %swap3A_2955 {strides = array<i32>} : memref<50x128xi32, #tpu.memory_space<vmem>>, vector<1x16xi32>,
      %shift_right_logical3A_2956 = arith.constant 13 : i32
      %shift_right_logical3A_2957 = vector.broadcast %shift_right_logical3A_2956 : i32 to vector<16xi32>
      %shift_right_logical3A_2958 = arith.shrui %get3A_2940, %shift_right_logical3A_2957 : vector<16xi32>
      %and3A_2959 = arith.constant 1 : i32
      %and3A_2960 = vector.broadcast %and3A_2959 : i32 to vector<16xi32>
      %and3A_2961 = arith.andi %shift_right_logical3A_2958, %and3A_2960 : vector<16xi32>
      %swap3A_2962 = arith.constant 0 : i32
      %swap3A_2963 = arith.index_cast %scan3A_2618 : i32 to index
      %swap3A_2964 = arith.index_cast %swap3A_2962 : i32 to index
      %swap3A_2965 = arith.constant 64 : index
      %swap3A_2966 = tpu.vector_load %arg8[%swap3A_2963, %swap3A_2964, %swap3A_2965] {strides = array<i32>} : memref<50x8x128xi32, #tpu.memory_space<vmem>>, vector<1x1x16xi32>,
      %swap3A_2967 = vector.shape_cast %swap3A_2966 : vector<1x1x16xi32> to vector<16xi32>
      %swap3A_2968 = vector.shape_cast %and3A_2961 : vector<16xi32> to vector<1x1x16xi32>
      tpu.vector_store %arg8[%swap3A_2963, %swap3A_2964, %swap3A_2965], %swap3A_2968 {strides = array<i32>} : memref<50x8x128xi32, #tpu.memory_space<vmem>>, vector<1x1x16xi32>,
      %swap3A_2969 = arith.constant 1 : i32
      %swap3A_2970 = arith.index_cast %scan3A_2618 : i32 to index
      %swap3A_2971 = arith.index_cast %swap3A_2969 : i32 to index
      %swap3A_2972 = arith.constant 64 : index
      %swap3A_2973 = tpu.vector_load %arg8[%swap3A_2970, %swap3A_2971, %swap3A_2972] {strides = array<i32>} : memref<50x8x128xi32, #tpu.memory_space<vmem>>, vector<1x1x16xi32>,
      %swap3A_2974 = vector.shape_cast %swap3A_2973 : vector<1x1x16xi32> to vector<16xi32>
      %swap3A_2975 = vector.shape_cast %and3A_2961 : vector<16xi32> to vector<1x1x16xi32>
      tpu.vector_store %arg8[%swap3A_2970, %swap3A_2971, %swap3A_2972], %swap3A_2975 {strides = array<i32>} : memref<50x8x128xi32, #tpu.memory_space<vmem>>, vector<1x1x16xi32>,
      %swap3A_2976 = arith.constant 2 : i32
      %swap3A_2977 = arith.index_cast %scan3A_2618 : i32 to index
      %swap3A_2978 = arith.index_cast %swap3A_2976 : i32 to index
      %swap3A_2979 = arith.constant 64 : index
      %swap3A_2980 = tpu.vector_load %arg8[%swap3A_2977, %swap3A_2978, %swap3A_2979] {strides = array<i32>} : memref<50x8x128xi32, #tpu.memory_space<vmem>>, vector<1x1x16xi32>,
      %swap3A_2981 = vector.shape_cast %swap3A_2980 : vector<1x1x16xi32> to vector<16xi32>
      %swap3A_2982 = vector.shape_cast %and3A_2961 : vector<16xi32> to vector<1x1x16xi32>
      tpu.vector_store %arg8[%swap3A_2977, %swap3A_2978, %swap3A_2979], %swap3A_2982 {strides = array<i32>} : memref<50x8x128xi32, #tpu.memory_space<vmem>>, vector<1x1x16xi32>,
      %swap3A_2983 = arith.constant 3 : i32
      %swap3A_2984 = arith.index_cast %scan3A_2618 : i32 to index
      %swap3A_2985 = arith.index_cast %swap3A_2983 : i32 to index
      %swap3A_2986 = arith.constant 64 : index
      %swap3A_2987 = tpu.vector_load %arg8[%swap3A_2984, %swap3A_2985, %swap3A_2986] {strides = array<i32>} : memref<50x8x128xi32, #tpu.memory_space<vmem>>, vector<1x1x16xi32>,
      %swap3A_2988 = vector.shape_cast %swap3A_2987 : vector<1x1x16xi32> to vector<16xi32>
      %swap3A_2989 = vector.shape_cast %and3A_2961 : vector<16xi32> to vector<1x1x16xi32>
      tpu.vector_store %arg8[%swap3A_2984, %swap3A_2985, %swap3A_2986], %swap3A_2989 {strides = array<i32>} : memref<50x8x128xi32, #tpu.memory_space<vmem>>, vector<1x1x16xi32>,
      %swap3A_2990 = arith.constant 4 : i32
      %swap3A_2991 = arith.index_cast %scan3A_2618 : i32 to index
      %swap3A_2992 = arith.index_cast %swap3A_2990 : i32 to index
      %swap3A_2993 = arith.constant 64 : index
      %swap3A_2994 = tpu.vector_load %arg8[%swap3A_2991, %swap3A_2992, %swap3A_2993] {strides = array<i32>} : memref<50x8x128xi32, #tpu.memory_space<vmem>>, vector<1x1x16xi32>,
      %swap3A_2995 = vector.shape_cast %swap3A_2994 : vector<1x1x16xi32> to vector<16xi32>
      %swap3A_2996 = vector.shape_cast %and3A_2961 : vector<16xi32> to vector<1x1x16xi32>
      tpu.vector_store %arg8[%swap3A_2991, %swap3A_2992, %swap3A_2993], %swap3A_2996 {strides = array<i32>} : memref<50x8x128xi32, #tpu.memory_space<vmem>>, vector<1x1x16xi32>,
      %swap3A_2997 = arith.constant 5 : i32
      %swap3A_2998 = arith.index_cast %scan3A_2618 : i32 to index
      %swap3A_2999 = arith.index_cast %swap3A_2997 : i32 to index
      %swap3A_3000 = arith.constant 64 : index
      %swap3A_3001 = tpu.vector_load %arg8[%swap3A_2998, %swap3A_2999, %swap3A_3000] {strides = array<i32>} : memref<50x8x128xi32, #tpu.memory_space<vmem>>, vector<1x1x16xi32>,
      %swap3A_3002 = vector.shape_cast %swap3A_3001 : vector<1x1x16xi32> to vector<16xi32>
      %swap3A_3003 = vector.shape_cast %and3A_2961 : vector<16xi32> to vector<1x1x16xi32>
      tpu.vector_store %arg8[%swap3A_2998, %swap3A_2999, %swap3A_3000], %swap3A_3003 {strides = array<i32>} : memref<50x8x128xi32, #tpu.memory_space<vmem>>, vector<1x1x16xi32>,
      %swap3A_3004 = arith.constant 6 : i32
      %swap3A_3005 = arith.index_cast %scan3A_2618 : i32 to index
      %swap3A_3006 = arith.index_cast %swap3A_3004 : i32 to index
      %swap3A_3007 = arith.constant 64 : index
      %swap3A_3008 = tpu.vector_load %arg8[%swap3A_3005, %swap3A_3006, %swap3A_3007] {strides = array<i32>} : memref<50x8x128xi32, #tpu.memory_space<vmem>>, vector<1x1x16xi32>,
      %swap3A_3009 = vector.shape_cast %swap3A_3008 : vector<1x1x16xi32> to vector<16xi32>
      %swap3A_3010 = vector.shape_cast %and3A_2961 : vector<16xi32> to vector<1x1x16xi32>
      tpu.vector_store %arg8[%swap3A_3005, %swap3A_3006, %swap3A_3007], %swap3A_3010 {strides = array<i32>} : memref<50x8x128xi32, #tpu.memory_space<vmem>>, vector<1x1x16xi32>,
      %swap3A_3011 = arith.constant 7 : i32
      %swap3A_3012 = arith.index_cast %scan3A_2618 : i32 to index
      %swap3A_3013 = arith.index_cast %swap3A_3011 : i32 to index
      %swap3A_3014 = arith.constant 64 : index
      %swap3A_3015 = tpu.vector_load %arg8[%swap3A_3012, %swap3A_3013, %swap3A_3014] {strides = array<i32>} : memref<50x8x128xi32, #tpu.memory_space<vmem>>, vector<1x1x16xi32>,
      %swap3A_3016 = vector.shape_cast %swap3A_3015 : vector<1x1x16xi32> to vector<16xi32>
      %swap3A_3017 = vector.shape_cast %and3A_2961 : vector<16xi32> to vector<1x1x16xi32>
      tpu.vector_store %arg8[%swap3A_3012, %swap3A_3013, %swap3A_3014], %swap3A_3017 {strides = array<i32>} : memref<50x8x128xi32, #tpu.memory_space<vmem>>, vector<1x1x16xi32>,
      %get3A_3018 = arith.index_cast %scan3A_2618 : i32 to index
      %get3A_3019 = arith.constant 80 : index
      %get3A_3020 = tpu.vector_load %arg6[%get3A_3018, %get3A_3019] {strides = array<i32>} : memref<50x128xi32, #tpu.memory_space<vmem>>, vector<1x16xi32>,
      %get3A_3021 = vector.shape_cast %get3A_3020 : vector<1x16xi32> to vector<16xi32>
      %shift_right_logical3A_3022 = arith.constant 14 : i32
      %shift_right_logical3A_3023 = vector.broadcast %shift_right_logical3A_3022 : i32 to vector<16xi32>
      %shift_right_logical3A_3024 = arith.shrui %get3A_3021, %shift_right_logical3A_3023 : vector<16xi32>
      %shift_left3A_3025 = arith.constant 13 : i32
      %shift_left3A_3026 = vector.broadcast %shift_left3A_3025 : i32 to vector<16xi32>
      %shift_left3A_3027 = arith.shli %shift_right_logical3A_3024, %shift_left3A_3026 : vector<16xi32>
      %and3A_3028 = arith.constant 8191 : i32
      %and3A_3029 = vector.broadcast %and3A_3028 : i32 to vector<16xi32>
      %and3A_3030 = arith.andi %get3A_3021, %and3A_3029 : vector<16xi32>
      %or3A_3031 = arith.ori %shift_left3A_3027, %and3A_3030 : vector<16xi32>
      %swap3A_3032 = arith.index_cast %scan3A_2618 : i32 to index
      %swap3A_3033 = arith.constant 80 : index
      %swap3A_3034 = tpu.vector_load %arg7[%swap3A_3032, %swap3A_3033] {strides = array<i32>} : memref<50x128xi32, #tpu.memory_space<vmem>>, vector<1x16xi32>,
      %swap3A_3035 = vector.shape_cast %swap3A_3034 : vector<1x16xi32> to vector<16xi32>
      %swap3A_3036 = vector.shape_cast %or3A_3031 : vector<16xi32> to vector<1x16xi32>
      tpu.vector_store %arg7[%swap3A_3032, %swap3A_3033], %swap3A_3036 {strides = array<i32>} : memref<50x128xi32, #tpu.memory_space<vmem>>, vector<1x16xi32>,
      %shift_right_logical3A_3037 = arith.constant 13 : i32
      %shift_right_logical3A_3038 = vector.broadcast %shift_right_logical3A_3037 : i32 to vector<16xi32>
      %shift_right_logical3A_3039 = arith.shrui %get3A_3021, %shift_right_logical3A_3038 : vector<16xi32>
      %and3A_3040 = arith.constant 1 : i32
      %and3A_3041 = vector.broadcast %and3A_3040 : i32 to vector<16xi32>
      %and3A_3042 = arith.andi %shift_right_logical3A_3039, %and3A_3041 : vector<16xi32>
      %swap3A_3043 = arith.constant 0 : i32
      %swap3A_3044 = arith.index_cast %scan3A_2618 : i32 to index
      %swap3A_3045 = arith.index_cast %swap3A_3043 : i32 to index
      %swap3A_3046 = arith.constant 80 : index
      %swap3A_3047 = tpu.vector_load %arg8[%swap3A_3044, %swap3A_3045, %swap3A_3046] {strides = array<i32>} : memref<50x8x128xi32, #tpu.memory_space<vmem>>, vector<1x1x16xi32>,
      %swap3A_3048 = vector.shape_cast %swap3A_3047 : vector<1x1x16xi32> to vector<16xi32>
      %swap3A_3049 = vector.shape_cast %and3A_3042 : vector<16xi32> to vector<1x1x16xi32>
      tpu.vector_store %arg8[%swap3A_3044, %swap3A_3045, %swap3A_3046], %swap3A_3049 {strides = array<i32>} : memref<50x8x128xi32, #tpu.memory_space<vmem>>, vector<1x1x16xi32>,
      %swap3A_3050 = arith.constant 1 : i32
      %swap3A_3051 = arith.index_cast %scan3A_2618 : i32 to index
      %swap3A_3052 = arith.index_cast %swap3A_3050 : i32 to index
      %swap3A_3053 = arith.constant 80 : index
      %swap3A_3054 = tpu.vector_load %arg8[%swap3A_3051, %swap3A_3052, %swap3A_3053] {strides = array<i32>} : memref<50x8x128xi32, #tpu.memory_space<vmem>>, vector<1x1x16xi32>,
      %swap3A_3055 = vector.shape_cast %swap3A_3054 : vector<1x1x16xi32> to vector<16xi32>
      %swap3A_3056 = vector.shape_cast %and3A_3042 : vector<16xi32> to vector<1x1x16xi32>
      tpu.vector_store %arg8[%swap3A_3051, %swap3A_3052, %swap3A_3053], %swap3A_3056 {strides = array<i32>} : memref<50x8x128xi32, #tpu.memory_space<vmem>>, vector<1x1x16xi32>,
      %swap3A_3057 = arith.constant 2 : i32
      %swap3A_3058 = arith.index_cast %scan3A_2618 : i32 to index
      %swap3A_3059 = arith.index_cast %swap3A_3057 : i32 to index
      %swap3A_3060 = arith.constant 80 : index
      %swap3A_3061 = tpu.vector_load %arg8[%swap3A_3058, %swap3A_3059, %swap3A_3060] {strides = array<i32>} : memref<50x8x128xi32, #tpu.memory_space<vmem>>, vector<1x1x16xi32>,
      %swap3A_3062 = vector.shape_cast %swap3A_3061 : vector<1x1x16xi32> to vector<16xi32>
      %swap3A_3063 = vector.shape_cast %and3A_3042 : vector<16xi32> to vector<1x1x16xi32>
      tpu.vector_store %arg8[%swap3A_3058, %swap3A_3059, %swap3A_3060], %swap3A_3063 {strides = array<i32>} : memref<50x8x128xi32, #tpu.memory_space<vmem>>, vector<1x1x16xi32>,
      %swap3A_3064 = arith.constant 3 : i32
      %swap3A_3065 = arith.index_cast %scan3A_2618 : i32 to index
      %swap3A_3066 = arith.index_cast %swap3A_3064 : i32 to index
      %swap3A_3067 = arith.constant 80 : index
      %swap3A_3068 = tpu.vector_load %arg8[%swap3A_3065, %swap3A_3066, %swap3A_3067] {strides = array<i32>} : memref<50x8x128xi32, #tpu.memory_space<vmem>>, vector<1x1x16xi32>,
      %swap3A_3069 = vector.shape_cast %swap3A_3068 : vector<1x1x16xi32> to vector<16xi32>
      %swap3A_3070 = vector.shape_cast %and3A_3042 : vector<16xi32> to vector<1x1x16xi32>
      tpu.vector_store %arg8[%swap3A_3065, %swap3A_3066, %swap3A_3067], %swap3A_3070 {strides = array<i32>} : memref<50x8x128xi32, #tpu.memory_space<vmem>>, vector<1x1x16xi32>,
      %swap3A_3071 = arith.constant 4 : i32
      %swap3A_3072 = arith.index_cast %scan3A_2618 : i32 to index
      %swap3A_3073 = arith.index_cast %swap3A_3071 : i32 to index
      %swap3A_3074 = arith.constant 80 : index
      %swap3A_3075 = tpu.vector_load %arg8[%swap3A_3072, %swap3A_3073, %swap3A_3074] {strides = array<i32>} : memref<50x8x128xi32, #tpu.memory_space<vmem>>, vector<1x1x16xi32>,
      %swap3A_3076 = vector.shape_cast %swap3A_3075 : vector<1x1x16xi32> to vector<16xi32>
      %swap3A_3077 = vector.shape_cast %and3A_3042 : vector<16xi32> to vector<1x1x16xi32>
      tpu.vector_store %arg8[%swap3A_3072, %swap3A_3073, %swap3A_3074], %swap3A_3077 {strides = array<i32>} : memref<50x8x128xi32, #tpu.memory_space<vmem>>, vector<1x1x16xi32>,
      %swap3A_3078 = arith.constant 5 : i32
      %swap3A_3079 = arith.index_cast %scan3A_2618 : i32 to index
      %swap3A_3080 = arith.index_cast %swap3A_3078 : i32 to index
      %swap3A_3081 = arith.constant 80 : index
      %swap3A_3082 = tpu.vector_load %arg8[%swap3A_3079, %swap3A_3080, %swap3A_3081] {strides = array<i32>} : memref<50x8x128xi32, #tpu.memory_space<vmem>>, vector<1x1x16xi32>,
      %swap3A_3083 = vector.shape_cast %swap3A_3082 : vector<1x1x16xi32> to vector<16xi32>
      %swap3A_3084 = vector.shape_cast %and3A_3042 : vector<16xi32> to vector<1x1x16xi32>
      tpu.vector_store %arg8[%swap3A_3079, %swap3A_3080, %swap3A_3081], %swap3A_3084 {strides = array<i32>} : memref<50x8x128xi32, #tpu.memory_space<vmem>>, vector<1x1x16xi32>,
      %swap3A_3085 = arith.constant 6 : i32
      %swap3A_3086 = arith.index_cast %scan3A_2618 : i32 to index
      %swap3A_3087 = arith.index_cast %swap3A_3085 : i32 to index
      %swap3A_3088 = arith.constant 80 : index
      %swap3A_3089 = tpu.vector_load %arg8[%swap3A_3086, %swap3A_3087, %swap3A_3088] {strides = array<i32>} : memref<50x8x128xi32, #tpu.memory_space<vmem>>, vector<1x1x16xi32>,
      %swap3A_3090 = vector.shape_cast %swap3A_3089 : vector<1x1x16xi32> to vector<16xi32>
      %swap3A_3091 = vector.shape_cast %and3A_3042 : vector<16xi32> to vector<1x1x16xi32>
      tpu.vector_store %arg8[%swap3A_3086, %swap3A_3087, %swap3A_3088], %swap3A_3091 {strides = array<i32>} : memref<50x8x128xi32, #tpu.memory_space<vmem>>, vector<1x1x16xi32>,
      %swap3A_3092 = arith.constant 7 : i32
      %swap3A_3093 = arith.index_cast %scan3A_2618 : i32 to index
      %swap3A_3094 = arith.index_cast %swap3A_3092 : i32 to index
      %swap3A_3095 = arith.constant 80 : index
      %swap3A_3096 = tpu.vector_load %arg8[%swap3A_3093, %swap3A_3094, %swap3A_3095] {strides = array<i32>} : memref<50x8x128xi32, #tpu.memory_space<vmem>>, vector<1x1x16xi32>,
      %swap3A_3097 = vector.shape_cast %swap3A_3096 : vector<1x1x16xi32> to vector<16xi32>
      %swap3A_3098 = vector.shape_cast %and3A_3042 : vector<16xi32> to vector<1x1x16xi32>
      tpu.vector_store %arg8[%swap3A_3093, %swap3A_3094, %swap3A_3095], %swap3A_3098 {strides = array<i32>} : memref<50x8x128xi32, #tpu.memory_space<vmem>>, vector<1x1x16xi32>,
      %get3A_3099 = arith.index_cast %scan3A_2618 : i32 to index
      %get3A_3100 = arith.constant 96 : index
      %get3A_3101 = tpu.vector_load %arg6[%get3A_3099, %get3A_3100] {strides = array<i32>} : memref<50x128xi32, #tpu.memory_space<vmem>>, vector<1x16xi32>,
      %get3A_3102 = vector.shape_cast %get3A_3101 : vector<1x16xi32> to vector<16xi32>
      %shift_right_logical3A_3103 = arith.constant 14 : i32
      %shift_right_logical3A_3104 = vector.broadcast %shift_right_logical3A_3103 : i32 to vector<16xi32>
      %shift_right_logical3A_3105 = arith.shrui %get3A_3102, %shift_right_logical3A_3104 : vector<16xi32>
      %shift_left3A_3106 = arith.constant 13 : i32
      %shift_left3A_3107 = vector.broadcast %shift_left3A_3106 : i32 to vector<16xi32>
      %shift_left3A_3108 = arith.shli %shift_right_logical3A_3105, %shift_left3A_3107 : vector<16xi32>
      %and3A_3109 = arith.constant 8191 : i32
      %and3A_3110 = vector.broadcast %and3A_3109 : i32 to vector<16xi32>
      %and3A_3111 = arith.andi %get3A_3102, %and3A_3110 : vector<16xi32>
      %or3A_3112 = arith.ori %shift_left3A_3108, %and3A_3111 : vector<16xi32>
      %swap3A_3113 = arith.index_cast %scan3A_2618 : i32 to index
      %swap3A_3114 = arith.constant 96 : index
      %swap3A_3115 = tpu.vector_load %arg7[%swap3A_3113, %swap3A_3114] {strides = array<i32>} : memref<50x128xi32, #tpu.memory_space<vmem>>, vector<1x16xi32>,
      %swap3A_3116 = vector.shape_cast %swap3A_3115 : vector<1x16xi32> to vector<16xi32>
      %swap3A_3117 = vector.shape_cast %or3A_3112 : vector<16xi32> to vector<1x16xi32>
      tpu.vector_store %arg7[%swap3A_3113, %swap3A_3114], %swap3A_3117 {strides = array<i32>} : memref<50x128xi32, #tpu.memory_space<vmem>>, vector<1x16xi32>,
      %shift_right_logical3A_3118 = arith.constant 13 : i32
      %shift_right_logical3A_3119 = vector.broadcast %shift_right_logical3A_3118 : i32 to vector<16xi32>
      %shift_right_logical3A_3120 = arith.shrui %get3A_3102, %shift_right_logical3A_3119 : vector<16xi32>
      %and3A_3121 = arith.constant 1 : i32
      %and3A_3122 = vector.broadcast %and3A_3121 : i32 to vector<16xi32>
      %and3A_3123 = arith.andi %shift_right_logical3A_3120, %and3A_3122 : vector<16xi32>
      %swap3A_3124 = arith.constant 0 : i32
      %swap3A_3125 = arith.index_cast %scan3A_2618 : i32 to index
      %swap3A_3126 = arith.index_cast %swap3A_3124 : i32 to index
      %swap3A_3127 = arith.constant 96 : index
      %swap3A_3128 = tpu.vector_load %arg8[%swap3A_3125, %swap3A_3126, %swap3A_3127] {strides = array<i32>} : memref<50x8x128xi32, #tpu.memory_space<vmem>>, vector<1x1x16xi32>,
      %swap3A_3129 = vector.shape_cast %swap3A_3128 : vector<1x1x16xi32> to vector<16xi32>
      %swap3A_3130 = vector.shape_cast %and3A_3123 : vector<16xi32> to vector<1x1x16xi32>
      tpu.vector_store %arg8[%swap3A_3125, %swap3A_3126, %swap3A_3127], %swap3A_3130 {strides = array<i32>} : memref<50x8x128xi32, #tpu.memory_space<vmem>>, vector<1x1x16xi32>,
      %swap3A_3131 = arith.constant 1 : i32
      %swap3A_3132 = arith.index_cast %scan3A_2618 : i32 to index
      %swap3A_3133 = arith.index_cast %swap3A_3131 : i32 to index
      %swap3A_3134 = arith.constant 96 : index
      %swap3A_3135 = tpu.vector_load %arg8[%swap3A_3132, %swap3A_3133, %swap3A_3134] {strides = array<i32>} : memref<50x8x128xi32, #tpu.memory_space<vmem>>, vector<1x1x16xi32>,
      %swap3A_3136 = vector.shape_cast %swap3A_3135 : vector<1x1x16xi32> to vector<16xi32>
      %swap3A_3137 = vector.shape_cast %and3A_3123 : vector<16xi32> to vector<1x1x16xi32>
      tpu.vector_store %arg8[%swap3A_3132, %swap3A_3133, %swap3A_3134], %swap3A_3137 {strides = array<i32>} : memref<50x8x128xi32, #tpu.memory_space<vmem>>, vector<1x1x16xi32>,
      %swap3A_3138 = arith.constant 2 : i32
      %swap3A_3139 = arith.index_cast %scan3A_2618 : i32 to index
      %swap3A_3140 = arith.index_cast %swap3A_3138 : i32 to index
      %swap3A_3141 = arith.constant 96 : index
      %swap3A_3142 = tpu.vector_load %arg8[%swap3A_3139, %swap3A_3140, %swap3A_3141] {strides = array<i32>} : memref<50x8x128xi32, #tpu.memory_space<vmem>>, vector<1x1x16xi32>,
      %swap3A_3143 = vector.shape_cast %swap3A_3142 : vector<1x1x16xi32> to vector<16xi32>
      %swap3A_3144 = vector.shape_cast %and3A_3123 : vector<16xi32> to vector<1x1x16xi32>
      tpu.vector_store %arg8[%swap3A_3139, %swap3A_3140, %swap3A_3141], %swap3A_3144 {strides = array<i32>} : memref<50x8x128xi32, #tpu.memory_space<vmem>>, vector<1x1x16xi32>,
      %swap3A_3145 = arith.constant 3 : i32
      %swap3A_3146 = arith.index_cast %scan3A_2618 : i32 to index
      %swap3A_3147 = arith.index_cast %swap3A_3145 : i32 to index
      %swap3A_3148 = arith.constant 96 : index
      %swap3A_3149 = tpu.vector_load %arg8[%swap3A_3146, %swap3A_3147, %swap3A_3148] {strides = array<i32>} : memref<50x8x128xi32, #tpu.memory_space<vmem>>, vector<1x1x16xi32>,
      %swap3A_3150 = vector.shape_cast %swap3A_3149 : vector<1x1x16xi32> to vector<16xi32>
      %swap3A_3151 = vector.shape_cast %and3A_3123 : vector<16xi32> to vector<1x1x16xi32>
      tpu.vector_store %arg8[%swap3A_3146, %swap3A_3147, %swap3A_3148], %swap3A_3151 {strides = array<i32>} : memref<50x8x128xi32, #tpu.memory_space<vmem>>, vector<1x1x16xi32>,
      %swap3A_3152 = arith.constant 4 : i32
      %swap3A_3153 = arith.index_cast %scan3A_2618 : i32 to index
      %swap3A_3154 = arith.index_cast %swap3A_3152 : i32 to index
      %swap3A_3155 = arith.constant 96 : index
      %swap3A_3156 = tpu.vector_load %arg8[%swap3A_3153, %swap3A_3154, %swap3A_3155] {strides = array<i32>} : memref<50x8x128xi32, #tpu.memory_space<vmem>>, vector<1x1x16xi32>,
      %swap3A_3157 = vector.shape_cast %swap3A_3156 : vector<1x1x16xi32> to vector<16xi32>
      %swap3A_3158 = vector.shape_cast %and3A_3123 : vector<16xi32> to vector<1x1x16xi32>
      tpu.vector_store %arg8[%swap3A_3153, %swap3A_3154, %swap3A_3155], %swap3A_3158 {strides = array<i32>} : memref<50x8x128xi32, #tpu.memory_space<vmem>>, vector<1x1x16xi32>,
      %swap3A_3159 = arith.constant 5 : i32
      %swap3A_3160 = arith.index_cast %scan3A_2618 : i32 to index
      %swap3A_3161 = arith.index_cast %swap3A_3159 : i32 to index
      %swap3A_3162 = arith.constant 96 : index
      %swap3A_3163 = tpu.vector_load %arg8[%swap3A_3160, %swap3A_3161, %swap3A_3162] {strides = array<i32>} : memref<50x8x128xi32, #tpu.memory_space<vmem>>, vector<1x1x16xi32>,
      %swap3A_3164 = vector.shape_cast %swap3A_3163 : vector<1x1x16xi32> to vector<16xi32>
      %swap3A_3165 = vector.shape_cast %and3A_3123 : vector<16xi32> to vector<1x1x16xi32>
      tpu.vector_store %arg8[%swap3A_3160, %swap3A_3161, %swap3A_3162], %swap3A_3165 {strides = array<i32>} : memref<50x8x128xi32, #tpu.memory_space<vmem>>, vector<1x1x16xi32>,
      %swap3A_3166 = arith.constant 6 : i32
      %swap3A_3167 = arith.index_cast %scan3A_2618 : i32 to index
      %swap3A_3168 = arith.index_cast %swap3A_3166 : i32 to index
      %swap3A_3169 = arith.constant 96 : index
      %swap3A_3170 = tpu.vector_load %arg8[%swap3A_3167, %swap3A_3168, %swap3A_3169] {strides = array<i32>} : memref<50x8x128xi32, #tpu.memory_space<vmem>>, vector<1x1x16xi32>,
      %swap3A_3171 = vector.shape_cast %swap3A_3170 : vector<1x1x16xi32> to vector<16xi32>
      %swap3A_3172 = vector.shape_cast %and3A_3123 : vector<16xi32> to vector<1x1x16xi32>
      tpu.vector_store %arg8[%swap3A_3167, %swap3A_3168, %swap3A_3169], %swap3A_3172 {strides = array<i32>} : memref<50x8x128xi32, #tpu.memory_space<vmem>>, vector<1x1x16xi32>,
      %swap3A_3173 = arith.constant 7 : i32
      %swap3A_3174 = arith.index_cast %scan3A_2618 : i32 to index
      %swap3A_3175 = arith.index_cast %swap3A_3173 : i32 to index
      %swap3A_3176 = arith.constant 96 : index
      %swap3A_3177 = tpu.vector_load %arg8[%swap3A_3174, %swap3A_3175, %swap3A_3176] {strides = array<i32>} : memref<50x8x128xi32, #tpu.memory_space<vmem>>, vector<1x1x16xi32>,
      %swap3A_3178 = vector.shape_cast %swap3A_3177 : vector<1x1x16xi32> to vector<16xi32>
      %swap3A_3179 = vector.shape_cast %and3A_3123 : vector<16xi32> to vector<1x1x16xi32>
      tpu.vector_store %arg8[%swap3A_3174, %swap3A_3175, %swap3A_3176], %swap3A_3179 {strides = array<i32>} : memref<50x8x128xi32, #tpu.memory_space<vmem>>, vector<1x1x16xi32>,
      %get3A_3180 = arith.index_cast %scan3A_2618 : i32 to index
      %get3A_3181 = arith.constant 112 : index
      %get3A_3182 = tpu.vector_load %arg6[%get3A_3180, %get3A_3181] {strides = array<i32>} : memref<50x128xi32, #tpu.memory_space<vmem>>, vector<1x16xi32>,
      %get3A_3183 = vector.shape_cast %get3A_3182 : vector<1x16xi32> to vector<16xi32>
      %shift_right_logical3A_3184 = arith.constant 14 : i32
      %shift_right_logical3A_3185 = vector.broadcast %shift_right_logical3A_3184 : i32 to vector<16xi32>
      %shift_right_logical3A_3186 = arith.shrui %get3A_3183, %shift_right_logical3A_3185 : vector<16xi32>
      %shift_left3A_3187 = arith.constant 13 : i32
      %shift_left3A_3188 = vector.broadcast %shift_left3A_3187 : i32 to vector<16xi32>
      %shift_left3A_3189 = arith.shli %shift_right_logical3A_3186, %shift_left3A_3188 : vector<16xi32>
      %and3A_3190 = arith.constant 8191 : i32
      %and3A_3191 = vector.broadcast %and3A_3190 : i32 to vector<16xi32>
      %and3A_3192 = arith.andi %get3A_3183, %and3A_3191 : vector<16xi32>
      %or3A_3193 = arith.ori %shift_left3A_3189, %and3A_3192 : vector<16xi32>
      %swap3A_3194 = arith.index_cast %scan3A_2618 : i32 to index
      %swap3A_3195 = arith.constant 112 : index
      %swap3A_3196 = tpu.vector_load %arg7[%swap3A_3194, %swap3A_3195] {strides = array<i32>} : memref<50x128xi32, #tpu.memory_space<vmem>>, vector<1x16xi32>,
      %swap3A_3197 = vector.shape_cast %swap3A_3196 : vector<1x16xi32> to vector<16xi32>
      %swap3A_3198 = vector.shape_cast %or3A_3193 : vector<16xi32> to vector<1x16xi32>
      tpu.vector_store %arg7[%swap3A_3194, %swap3A_3195], %swap3A_3198 {strides = array<i32>} : memref<50x128xi32, #tpu.memory_space<vmem>>, vector<1x16xi32>,
      %shift_right_logical3A_3199 = arith.constant 13 : i32
      %shift_right_logical3A_3200 = vector.broadcast %shift_right_logical3A_3199 : i32 to vector<16xi32>
      %shift_right_logical3A_3201 = arith.shrui %get3A_3183, %shift_right_logical3A_3200 : vector<16xi32>
      %and3A_3202 = arith.constant 1 : i32
      %and3A_3203 = vector.broadcast %and3A_3202 : i32 to vector<16xi32>
      %and3A_3204 = arith.andi %shift_right_logical3A_3201, %and3A_3203 : vector<16xi32>
      %swap3A_3205 = arith.constant 0 : i32
      %swap3A_3206 = arith.index_cast %scan3A_2618 : i32 to index
      %swap3A_3207 = arith.index_cast %swap3A_3205 : i32 to index
      %swap3A_3208 = arith.constant 112 : index
      %swap3A_3209 = tpu.vector_load %arg8[%swap3A_3206, %swap3A_3207, %swap3A_3208] {strides = array<i32>} : memref<50x8x128xi32, #tpu.memory_space<vmem>>, vector<1x1x16xi32>,
      %swap3A_3210 = vector.shape_cast %swap3A_3209 : vector<1x1x16xi32> to vector<16xi32>
      %swap3A_3211 = vector.shape_cast %and3A_3204 : vector<16xi32> to vector<1x1x16xi32>
      tpu.vector_store %arg8[%swap3A_3206, %swap3A_3207, %swap3A_3208], %swap3A_3211 {strides = array<i32>} : memref<50x8x128xi32, #tpu.memory_space<vmem>>, vector<1x1x16xi32>,
      %swap3A_3212 = arith.constant 1 : i32
      %swap3A_3213 = arith.index_cast %scan3A_2618 : i32 to index
      %swap3A_3214 = arith.index_cast %swap3A_3212 : i32 to index
      %swap3A_3215 = arith.constant 112 : index
      %swap3A_3216 = tpu.vector_load %arg8[%swap3A_3213, %swap3A_3214, %swap3A_3215] {strides = array<i32>} : memref<50x8x128xi32, #tpu.memory_space<vmem>>, vector<1x1x16xi32>,
      %swap3A_3217 = vector.shape_cast %swap3A_3216 : vector<1x1x16xi32> to vector<16xi32>
      %swap3A_3218 = vector.shape_cast %and3A_3204 : vector<16xi32> to vector<1x1x16xi32>
      tpu.vector_store %arg8[%swap3A_3213, %swap3A_3214, %swap3A_3215], %swap3A_3218 {strides = array<i32>} : memref<50x8x128xi32, #tpu.memory_space<vmem>>, vector<1x1x16xi32>,
      %swap3A_3219 = arith.constant 2 : i32
      %swap3A_3220 = arith.index_cast %scan3A_2618 : i32 to index
      %swap3A_3221 = arith.index_cast %swap3A_3219 : i32 to index
      %swap3A_3222 = arith.constant 112 : index
      %swap3A_3223 = tpu.vector_load %arg8[%swap3A_3220, %swap3A_3221, %swap3A_3222] {strides = array<i32>} : memref<50x8x128xi32, #tpu.memory_space<vmem>>, vector<1x1x16xi32>,
      %swap3A_3224 = vector.shape_cast %swap3A_3223 : vector<1x1x16xi32> to vector<16xi32>
      %swap3A_3225 = vector.shape_cast %and3A_3204 : vector<16xi32> to vector<1x1x16xi32>
      tpu.vector_store %arg8[%swap3A_3220, %swap3A_3221, %swap3A_3222], %swap3A_3225 {strides = array<i32>} : memref<50x8x128xi32, #tpu.memory_space<vmem>>, vector<1x1x16xi32>,
      %swap3A_3226 = arith.constant 3 : i32
      %swap3A_3227 = arith.index_cast %scan3A_2618 : i32 to index
      %swap3A_3228 = arith.index_cast %swap3A_3226 : i32 to index
      %swap3A_3229 = arith.constant 112 : index
      %swap3A_3230 = tpu.vector_load %arg8[%swap3A_3227, %swap3A_3228, %swap3A_3229] {strides = array<i32>} : memref<50x8x128xi32, #tpu.memory_space<vmem>>, vector<1x1x16xi32>,
      %swap3A_3231 = vector.shape_cast %swap3A_3230 : vector<1x1x16xi32> to vector<16xi32>
      %swap3A_3232 = vector.shape_cast %and3A_3204 : vector<16xi32> to vector<1x1x16xi32>
      tpu.vector_store %arg8[%swap3A_3227, %swap3A_3228, %swap3A_3229], %swap3A_3232 {strides = array<i32>} : memref<50x8x128xi32, #tpu.memory_space<vmem>>, vector<1x1x16xi32>,
      %swap3A_3233 = arith.constant 4 : i32
      %swap3A_3234 = arith.index_cast %scan3A_2618 : i32 to index
      %swap3A_3235 = arith.index_cast %swap3A_3233 : i32 to index
      %swap3A_3236 = arith.constant 112 : index
      %swap3A_3237 = tpu.vector_load %arg8[%swap3A_3234, %swap3A_3235, %swap3A_3236] {strides = array<i32>} : memref<50x8x128xi32, #tpu.memory_space<vmem>>, vector<1x1x16xi32>,
      %swap3A_3238 = vector.shape_cast %swap3A_3237 : vector<1x1x16xi32> to vector<16xi32>
      %swap3A_3239 = vector.shape_cast %and3A_3204 : vector<16xi32> to vector<1x1x16xi32>
      tpu.vector_store %arg8[%swap3A_3234, %swap3A_3235, %swap3A_3236], %swap3A_3239 {strides = array<i32>} : memref<50x8x128xi32, #tpu.memory_space<vmem>>, vector<1x1x16xi32>,
      %swap3A_3240 = arith.constant 5 : i32
      %swap3A_3241 = arith.index_cast %scan3A_2618 : i32 to index
      %swap3A_3242 = arith.index_cast %swap3A_3240 : i32 to index
      %swap3A_3243 = arith.constant 112 : index
      %swap3A_3244 = tpu.vector_load %arg8[%swap3A_3241, %swap3A_3242, %swap3A_3243] {strides = array<i32>} : memref<50x8x128xi32, #tpu.memory_space<vmem>>, vector<1x1x16xi32>,
      %swap3A_3245 = vector.shape_cast %swap3A_3244 : vector<1x1x16xi32> to vector<16xi32>
      %swap3A_3246 = vector.shape_cast %and3A_3204 : vector<16xi32> to vector<1x1x16xi32>
      tpu.vector_store %arg8[%swap3A_3241, %swap3A_3242, %swap3A_3243], %swap3A_3246 {strides = array<i32>} : memref<50x8x128xi32, #tpu.memory_space<vmem>>, vector<1x1x16xi32>,
      %swap3A_3247 = arith.constant 6 : i32
      %swap3A_3248 = arith.index_cast %scan3A_2618 : i32 to index
      %swap3A_3249 = arith.index_cast %swap3A_3247 : i32 to index
      %swap3A_3250 = arith.constant 112 : index
      %swap3A_3251 = tpu.vector_load %arg8[%swap3A_3248, %swap3A_3249, %swap3A_3250] {strides = array<i32>} : memref<50x8x128xi32, #tpu.memory_space<vmem>>, vector<1x1x16xi32>,
      %swap3A_3252 = vector.shape_cast %swap3A_3251 : vector<1x1x16xi32> to vector<16xi32>
      %swap3A_3253 = vector.shape_cast %and3A_3204 : vector<16xi32> to vector<1x1x16xi32>
      tpu.vector_store %arg8[%swap3A_3248, %swap3A_3249, %swap3A_3250], %swap3A_3253 {strides = array<i32>} : memref<50x8x128xi32, #tpu.memory_space<vmem>>, vector<1x1x16xi32>,
      %swap3A_3254 = arith.constant 7 : i32
      %swap3A_3255 = arith.index_cast %scan3A_2618 : i32 to index
      %swap3A_3256 = arith.index_cast %swap3A_3254 : i32 to index
      %swap3A_3257 = arith.constant 112 : index
      %swap3A_3258 = tpu.vector_load %arg8[%swap3A_3255, %swap3A_3256, %swap3A_3257] {strides = array<i32>} : memref<50x8x128xi32, #tpu.memory_space<vmem>>, vector<1x1x16xi32>,
      %swap3A_3259 = vector.shape_cast %swap3A_3258 : vector<1x1x16xi32> to vector<16xi32>
      %swap3A_3260 = vector.shape_cast %and3A_3204 : vector<16xi32> to vector<1x1x16xi32>
      tpu.vector_store %arg8[%swap3A_3255, %swap3A_3256, %swap3A_3257], %swap3A_3260 {strides = array<i32>} : memref<50x8x128xi32, #tpu.memory_space<vmem>>, vector<1x1x16xi32>,
    }
    %scan3A_7 = arith.constant 50 : i32
    %dma_start3A = arith.constant 0 : i32
    %dma_start3A_8 = arith.constant 0 : i32
    %dma_start3A_9 = tpu.memref_slice %arg5[%dma_start3A, %dma_start3A_8, %mul3A_2] : memref<50x8x4096xi32, #tpu.memory_space<hbm>> -> memref<50x8x128xi32, #tpu.memory_space<hbm>>
    %dma_start3A_10 = arith.constant 0 : i32
    %dma_start3A_11 = arith.constant 0 : i32
    %dma_start3A_12 = tpu.memref_slice %arg5[%dma_start3A_10, %dma_start3A_11, %mul3A_2] : memref<50x8x4096xi32, #tpu.memory_space<hbm>> -> memref<50x8x128xi32, #tpu.memory_space<hbm>>
    tpu.enqueue_dma source(%arg8 : memref<50x8x128xi32, #tpu.memory_space<vmem>>) target(%dma_start3A_12 : memref<50x8x128xi32, #tpu.memory_space<hbm>>) target_semaphore(%arg14 : memref<!tpu.dma_semaphore, #tpu.memory_space<semaphore_mem>>)
    %dma_start3A_13 = arith.constant 0 : i32
    %dma_start3A_14 = arith.constant 0 : i32
    %dma_start3A_15 = arith.constant 0 : i32
    %dma_start3A_16 = arith.constant 0 : i32
    %dma_start3A_17 = tpu.memref_slice %arg9[%dma_start3A_14, %dma_start3A_15, %dma_start3A_16] : memref<2x128x128xf32, #tpu.memory_space<vmem>> -> memref<1x128x128xf32, #tpu.memory_space<vmem>>
    %dma_start3A_18 = tpu.memref_squeeze %dma_start3A_17 : memref<1x128x128xf32, #tpu.memory_space<vmem>> -> memref<128x128xf32, #tpu.memory_space<vmem>>
    %dma_start3A_19 = arith.constant 0 : i32
    %dma_start3A_20 = tpu.memref_slice %arg7[%dma_start3A_13, %dma_start3A_19] : memref<50x128xi32, #tpu.memory_space<vmem>> -> memref<1x128xi32, #tpu.memory_space<vmem>>
    %dma_start3A_21 = tpu.memref_squeeze %dma_start3A_20 : memref<1x128xi32, #tpu.memory_space<vmem>> -> memref<128xi32, #tpu.memory_space<vmem>>
    %dma_start3A_22 = arith.constant 0 : i32
    %dma_start3A_23 = arith.constant 0 : i32
    %dma_start3A_24 = tpu.memref_slice %arg3[%dma_start3A_22, %dma_start3A_23] : memref<507904x128xf32, #tpu.memory_space<hbm>> -> memref<507904x128xf32, #tpu.memory_space<hbm>>
    tpu.enqueue_indirect_dma source(%dma_start3A_24 : memref<507904x128xf32, #tpu.memory_space<hbm>>) target(%dma_start3A_18 : memref<128x128xf32, #tpu.memory_space<vmem>>) offsets(%dma_start3A_21 : memref<128xi32, #tpu.memory_space<vmem>>) semaphore(%arg10 : memref<!tpu.dma_semaphore, #tpu.memory_space<semaphore_mem>>)
    %dma_start3A_25 = arith.constant 1 : i32
    %dma_start3A_26 = arith.constant 1 : i32
    %dma_start3A_27 = arith.constant 0 : i32
    %dma_start3A_28 = arith.constant 0 : i32
    %dma_start3A_29 = tpu.memref_slice %arg9[%dma_start3A_26, %dma_start3A_27, %dma_start3A_28] : memref<2x128x128xf32, #tpu.memory_space<vmem>> -> memref<1x128x128xf32, #tpu.memory_space<vmem>>
    %dma_start3A_30 = tpu.memref_squeeze %dma_start3A_29 : memref<1x128x128xf32, #tpu.memory_space<vmem>> -> memref<128x128xf32, #tpu.memory_space<vmem>>
    %dma_start3A_31 = arith.constant 0 : i32
    %dma_start3A_32 = tpu.memref_slice %arg7[%dma_start3A_25, %dma_start3A_31] : memref<50x128xi32, #tpu.memory_space<vmem>> -> memref<1x128xi32, #tpu.memory_space<vmem>>
    %dma_start3A_33 = tpu.memref_squeeze %dma_start3A_32 : memref<1x128xi32, #tpu.memory_space<vmem>> -> memref<128xi32, #tpu.memory_space<vmem>>
    %dma_start3A_34 = arith.constant 0 : i32
    %dma_start3A_35 = arith.constant 0 : i32
    %dma_start3A_36 = tpu.memref_slice %arg3[%dma_start3A_34, %dma_start3A_35] : memref<507904x128xf32, #tpu.memory_space<hbm>> -> memref<507904x128xf32, #tpu.memory_space<hbm>>
    tpu.enqueue_indirect_dma source(%dma_start3A_36 : memref<507904x128xf32, #tpu.memory_space<hbm>>) target(%dma_start3A_30 : memref<128x128xf32, #tpu.memory_space<vmem>>) offsets(%dma_start3A_33 : memref<128xi32, #tpu.memory_space<vmem>>) semaphore(%arg11 : memref<!tpu.dma_semaphore, #tpu.memory_space<semaphore_mem>>)
    %dma_wait3A = arith.constant 0 : i32
    %dma_wait3A_37 = arith.constant 0 : i32
    %dma_wait3A_38 = arith.constant 0 : i32
    %dma_wait3A_39 = arith.constant 0 : i32
    %dma_wait3A_40 = tpu.memref_slice %arg9[%dma_wait3A_37, %dma_wait3A_38, %dma_wait3A_39] : memref<2x128x128xf32, #tpu.memory_space<vmem>> -> memref<1x128x128xf32, #tpu.memory_space<vmem>>
    %dma_wait3A_41 = tpu.memref_squeeze %dma_wait3A_40 : memref<1x128x128xf32, #tpu.memory_space<vmem>> -> memref<128x128xf32, #tpu.memory_space<vmem>>
    %dma_wait3A_42 = arith.constant 0 : i32
    %dma_wait3A_43 = tpu.memref_slice %arg7[%dma_wait3A, %dma_wait3A_42] : memref<50x128xi32, #tpu.memory_space<vmem>> -> memref<1x128xi32, #tpu.memory_space<vmem>>
    %dma_wait3A_44 = tpu.memref_squeeze %dma_wait3A_43 : memref<1x128xi32, #tpu.memory_space<vmem>> -> memref<128xi32, #tpu.memory_space<vmem>>
    %dma_wait3A_45 = arith.constant 0 : i32
    %dma_wait3A_46 = arith.constant 0 : i32
    %dma_wait3A_47 = tpu.memref_slice %arg3[%dma_wait3A_45, %dma_wait3A_46] : memref<507904x128xf32, #tpu.memory_space<hbm>> -> memref<507904x128xf32, #tpu.memory_space<hbm>>
    tpu.wait_indirect_dma semaphore(%arg10 : memref<!tpu.dma_semaphore, #tpu.memory_space<semaphore_mem>>) src(%dma_wait3A_47 : memref<507904x128xf32, #tpu.memory_space<hbm>>) dst(%dma_wait3A_41 : memref<128x128xf32, #tpu.memory_space<vmem>>)
    %add3A_48 = arith.constant 0 : i32
    %add3A_49 = arith.addi %add3A_48, %mul3A_2 : i32
    %dma_start3A_50 = arith.constant 0 : i32
    %dma_start3A_51 = arith.constant 0 : i32
    %dma_start3A_52 = arith.constant 0 : i32
    %dma_start3A_53 = tpu.memref_slice %arg9[%dma_start3A_50, %dma_start3A_51, %dma_start3A_52] : memref<2x128x128xf32, #tpu.memory_space<vmem>> -> memref<1x128x128xf32, #tpu.memory_space<vmem>>
    %dma_start3A_54 = tpu.memref_squeeze %dma_start3A_53 : memref<1x128x128xf32, #tpu.memory_space<vmem>> -> memref<128x128xf32, #tpu.memory_space<vmem>>
    %dma_start3A_55 = arith.constant 0 : i32
    %dma_start3A_56 = tpu.memref_slice %arg4[%add3A_49, %dma_start3A_55] : memref<204800x128xf32, #tpu.memory_space<hbm>> -> memref<128x128xf32, #tpu.memory_space<hbm>>
    %dma_start3A_57 = arith.constant 0 : i32
    %dma_start3A_58 = tpu.memref_slice %arg4[%add3A_49, %dma_start3A_57] : memref<204800x128xf32, #tpu.memory_space<hbm>> -> memref<128x128xf32, #tpu.memory_space<hbm>>
    %dma_start3A_59 = arith.constant 0 : i32
    %dma_start3A_60 = arith.constant 0 : i32
    %dma_start3A_61 = tpu.memref_slice %arg9[%dma_start3A_50, %dma_start3A_59, %dma_start3A_60] : memref<2x128x128xf32, #tpu.memory_space<vmem>> -> memref<1x128x128xf32, #tpu.memory_space<vmem>>
    %dma_start3A_62 = tpu.memref_squeeze %dma_start3A_61 : memref<1x128x128xf32, #tpu.memory_space<vmem>> -> memref<128x128xf32, #tpu.memory_space<vmem>>
    tpu.enqueue_dma source(%dma_start3A_62 : memref<128x128xf32, #tpu.memory_space<vmem>>) target(%dma_start3A_58 : memref<128x128xf32, #tpu.memory_space<hbm>>) target_semaphore(%arg12 : memref<!tpu.dma_semaphore, #tpu.memory_space<semaphore_mem>>)
    %dma_wait3A_63 = arith.constant 0 : i32
    %dma_wait3A_64 = arith.constant 0 : i32
    %dma_wait3A_65 = arith.constant 0 : i32
    %dma_wait3A_66 = tpu.memref_slice %arg9[%dma_wait3A_63, %dma_wait3A_64, %dma_wait3A_65] : memref<2x128x128xf32, #tpu.memory_space<vmem>> -> memref<1x128x128xf32, #tpu.memory_space<vmem>>
    %dma_wait3A_67 = tpu.memref_squeeze %dma_wait3A_66 : memref<1x128x128xf32, #tpu.memory_space<vmem>> -> memref<128x128xf32, #tpu.memory_space<vmem>>
    %dma_wait3A_68 = arith.constant 0 : i32
    %dma_wait3A_69 = tpu.memref_slice %arg4[%add3A_49, %dma_wait3A_68] : memref<204800x128xf32, #tpu.memory_space<hbm>> -> memref<128x128xf32, #tpu.memory_space<hbm>>
    %dma_wait3A_70 = arith.constant 0 : i32
    %dma_wait3A_71 = tpu.memref_slice %arg4[%add3A_49, %dma_wait3A_70] : memref<204800x128xf32, #tpu.memory_space<hbm>> -> memref<128x128xf32, #tpu.memory_space<hbm>>
    %dma_wait3A_72 = arith.constant 0 : i32
    %dma_wait3A_73 = arith.constant 0 : i32
    %dma_wait3A_74 = tpu.memref_slice %arg9[%dma_wait3A_63, %dma_wait3A_72, %dma_wait3A_73] : memref<2x128x128xf32, #tpu.memory_space<vmem>> -> memref<1x128x128xf32, #tpu.memory_space<vmem>>
    %dma_wait3A_75 = tpu.memref_squeeze %dma_wait3A_74 : memref<1x128x128xf32, #tpu.memory_space<vmem>> -> memref<128x128xf32, #tpu.memory_space<vmem>>
    tpu.wait_dma2 semaphore(%arg12 : memref<!tpu.dma_semaphore, #tpu.memory_space<semaphore_mem>>) src(%dma_wait3A_75 : memref<128x128xf32, #tpu.memory_space<vmem>>) dst(%dma_wait3A_71 : memref<128x128xf32, #tpu.memory_space<hbm>>)
    %dma_start3A_76 = arith.constant 2 : i32
    %dma_start3A_77 = arith.constant 0 : i32
    %dma_start3A_78 = arith.constant 0 : i32
    %dma_start3A_79 = arith.constant 0 : i32
    %dma_start3A_80 = tpu.memref_slice %arg9[%dma_start3A_77, %dma_start3A_78, %dma_start3A_79] : memref<2x128x128xf32, #tpu.memory_space<vmem>> -> memref<1x128x128xf32, #tpu.memory_space<vmem>>
    %dma_start3A_81 = tpu.memref_squeeze %dma_start3A_80 : memref<1x128x128xf32, #tpu.memory_space<vmem>> -> memref<128x128xf32, #tpu.memory_space<vmem>>
    %dma_start3A_82 = arith.constant 0 : i32
    %dma_start3A_83 = tpu.memref_slice %arg7[%dma_start3A_76, %dma_start3A_82] : memref<50x128xi32, #tpu.memory_space<vmem>> -> memref<1x128xi32, #tpu.memory_space<vmem>>
    %dma_start3A_84 = tpu.memref_squeeze %dma_start3A_83 : memref<1x128xi32, #tpu.memory_space<vmem>> -> memref<128xi32, #tpu.memory_space<vmem>>
    %dma_start3A_85 = arith.constant 0 : i32
    %dma_start3A_86 = arith.constant 0 : i32
    %dma_start3A_87 = tpu.memref_slice %arg3[%dma_start3A_85, %dma_start3A_86] : memref<507904x128xf32, #tpu.memory_space<hbm>> -> memref<507904x128xf32, #tpu.memory_space<hbm>>
    tpu.enqueue_indirect_dma source(%dma_start3A_87 : memref<507904x128xf32, #tpu.memory_space<hbm>>) target(%dma_start3A_81 : memref<128x128xf32, #tpu.memory_space<vmem>>) offsets(%dma_start3A_84 : memref<128xi32, #tpu.memory_space<vmem>>) semaphore(%arg10 : memref<!tpu.dma_semaphore, #tpu.memory_space<semaphore_mem>>)
    %dma_wait3A_88 = arith.constant 1 : i32
    %dma_wait3A_89 = arith.constant 1 : i32
    %dma_wait3A_90 = arith.constant 0 : i32
    %dma_wait3A_91 = arith.constant 0 : i32
    %dma_wait3A_92 = tpu.memref_slice %arg9[%dma_wait3A_89, %dma_wait3A_90, %dma_wait3A_91] : memref<2x128x128xf32, #tpu.memory_space<vmem>> -> memref<1x128x128xf32, #tpu.memory_space<vmem>>
    %dma_wait3A_93 = tpu.memref_squeeze %dma_wait3A_92 : memref<1x128x128xf32, #tpu.memory_space<vmem>> -> memref<128x128xf32, #tpu.memory_space<vmem>>
    %dma_wait3A_94 = arith.constant 0 : i32
    %dma_wait3A_95 = tpu.memref_slice %arg7[%dma_wait3A_88, %dma_wait3A_94] : memref<50x128xi32, #tpu.memory_space<vmem>> -> memref<1x128xi32, #tpu.memory_space<vmem>>
    %dma_wait3A_96 = tpu.memref_squeeze %dma_wait3A_95 : memref<1x128xi32, #tpu.memory_space<vmem>> -> memref<128xi32, #tpu.memory_space<vmem>>
    %dma_wait3A_97 = arith.constant 0 : i32
    %dma_wait3A_98 = arith.constant 0 : i32
    %dma_wait3A_99 = tpu.memref_slice %arg3[%dma_wait3A_97, %dma_wait3A_98] : memref<507904x128xf32, #tpu.memory_space<hbm>> -> memref<507904x128xf32, #tpu.memory_space<hbm>>
    tpu.wait_indirect_dma semaphore(%arg11 : memref<!tpu.dma_semaphore, #tpu.memory_space<semaphore_mem>>) src(%dma_wait3A_99 : memref<507904x128xf32, #tpu.memory_space<hbm>>) dst(%dma_wait3A_93 : memref<128x128xf32, #tpu.memory_space<vmem>>)
    %add3A_100 = arith.constant 4096 : i32
    %add3A_101 = arith.addi %add3A_100, %mul3A_2 : i32
    %dma_start3A_102 = arith.constant 1 : i32
    %dma_start3A_103 = arith.constant 0 : i32
    %dma_start3A_104 = arith.constant 0 : i32
    %dma_start3A_105 = tpu.memref_slice %arg9[%dma_start3A_102, %dma_start3A_103, %dma_start3A_104] : memref<2x128x128xf32, #tpu.memory_space<vmem>> -> memref<1x128x128xf32, #tpu.memory_space<vmem>>
    %dma_start3A_106 = tpu.memref_squeeze %dma_start3A_105 : memref<1x128x128xf32, #tpu.memory_space<vmem>> -> memref<128x128xf32, #tpu.memory_space<vmem>>
    %dma_start3A_107 = arith.constant 0 : i32
    %dma_start3A_108 = tpu.memref_slice %arg4[%add3A_101, %dma_start3A_107] : memref<204800x128xf32, #tpu.memory_space<hbm>> -> memref<128x128xf32, #tpu.memory_space<hbm>>
    %dma_start3A_109 = arith.constant 0 : i32
    %dma_start3A_110 = tpu.memref_slice %arg4[%add3A_101, %dma_start3A_109] : memref<204800x128xf32, #tpu.memory_space<hbm>> -> memref<128x128xf32, #tpu.memory_space<hbm>>
    %dma_start3A_111 = arith.constant 0 : i32
    %dma_start3A_112 = arith.constant 0 : i32
    %dma_start3A_113 = tpu.memref_slice %arg9[%dma_start3A_102, %dma_start3A_111, %dma_start3A_112] : memref<2x128x128xf32, #tpu.memory_space<vmem>> -> memref<1x128x128xf32, #tpu.memory_space<vmem>>
    %dma_start3A_114 = tpu.memref_squeeze %dma_start3A_113 : memref<1x128x128xf32, #tpu.memory_space<vmem>> -> memref<128x128xf32, #tpu.memory_space<vmem>>
    tpu.enqueue_dma source(%dma_start3A_114 : memref<128x128xf32, #tpu.memory_space<vmem>>) target(%dma_start3A_110 : memref<128x128xf32, #tpu.memory_space<hbm>>) target_semaphore(%arg13 : memref<!tpu.dma_semaphore, #tpu.memory_space<semaphore_mem>>)
    %dma_wait3A_115 = arith.constant 1 : i32
    %dma_wait3A_116 = arith.constant 0 : i32
    %dma_wait3A_117 = arith.constant 0 : i32
    %dma_wait3A_118 = tpu.memref_slice %arg9[%dma_wait3A_115, %dma_wait3A_116, %dma_wait3A_117] : memref<2x128x128xf32, #tpu.memory_space<vmem>> -> memref<1x128x128xf32, #tpu.memory_space<vmem>>
    %dma_wait3A_119 = tpu.memref_squeeze %dma_wait3A_118 : memref<1x128x128xf32, #tpu.memory_space<vmem>> -> memref<128x128xf32, #tpu.memory_space<vmem>>
    %dma_wait3A_120 = arith.constant 0 : i32
    %dma_wait3A_121 = tpu.memref_slice %arg4[%add3A_101, %dma_wait3A_120] : memref<204800x128xf32, #tpu.memory_space<hbm>> -> memref<128x128xf32, #tpu.memory_space<hbm>>
    %dma_wait3A_122 = arith.constant 0 : i32
    %dma_wait3A_123 = tpu.memref_slice %arg4[%add3A_101, %dma_wait3A_122] : memref<204800x128xf32, #tpu.memory_space<hbm>> -> memref<128x128xf32, #tpu.memory_space<hbm>>
    %dma_wait3A_124 = arith.constant 0 : i32
    %dma_wait3A_125 = arith.constant 0 : i32
    %dma_wait3A_126 = tpu.memref_slice %arg9[%dma_wait3A_115, %dma_wait3A_124, %dma_wait3A_125] : memref<2x128x128xf32, #tpu.memory_space<vmem>> -> memref<1x128x128xf32, #tpu.memory_space<vmem>>
    %dma_wait3A_127 = tpu.memref_squeeze %dma_wait3A_126 : memref<1x128x128xf32, #tpu.memory_space<vmem>> -> memref<128x128xf32, #tpu.memory_space<vmem>>
    tpu.wait_dma2 semaphore(%arg13 : memref<!tpu.dma_semaphore, #tpu.memory_space<semaphore_mem>>) src(%dma_wait3A_127 : memref<128x128xf32, #tpu.memory_space<vmem>>) dst(%dma_wait3A_123 : memref<128x128xf32, #tpu.memory_space<hbm>>)
    %dma_start3A_128 = arith.constant 3 : i32
    %dma_start3A_129 = arith.constant 1 : i32
    %dma_start3A_130 = arith.constant 0 : i32
    %dma_start3A_131 = arith.constant 0 : i32
    %dma_start3A_132 = tpu.memref_slice %arg9[%dma_start3A_129, %dma_start3A_130, %dma_start3A_131] : memref<2x128x128xf32, #tpu.memory_space<vmem>> -> memref<1x128x128xf32, #tpu.memory_space<vmem>>
    %dma_start3A_133 = tpu.memref_squeeze %dma_start3A_132 : memref<1x128x128xf32, #tpu.memory_space<vmem>> -> memref<128x128xf32, #tpu.memory_space<vmem>>
    %dma_start3A_134 = arith.constant 0 : i32
    %dma_start3A_135 = tpu.memref_slice %arg7[%dma_start3A_128, %dma_start3A_134] : memref<50x128xi32, #tpu.memory_space<vmem>> -> memref<1x128xi32, #tpu.memory_space<vmem>>
    %dma_start3A_136 = tpu.memref_squeeze %dma_start3A_135 : memref<1x128xi32, #tpu.memory_space<vmem>> -> memref<128xi32, #tpu.memory_space<vmem>>
    %dma_start3A_137 = arith.constant 0 : i32
    %dma_start3A_138 = arith.constant 0 : i32
    %dma_start3A_139 = tpu.memref_slice %arg3[%dma_start3A_137, %dma_start3A_138] : memref<507904x128xf32, #tpu.memory_space<hbm>> -> memref<507904x128xf32, #tpu.memory_space<hbm>>
    tpu.enqueue_indirect_dma source(%dma_start3A_139 : memref<507904x128xf32, #tpu.memory_space<hbm>>) target(%dma_start3A_133 : memref<128x128xf32, #tpu.memory_space<vmem>>) offsets(%dma_start3A_136 : memref<128xi32, #tpu.memory_space<vmem>>) semaphore(%arg11 : memref<!tpu.dma_semaphore, #tpu.memory_space<semaphore_mem>>)
    %dma_wait3A_140 = arith.constant 2 : i32
    %dma_wait3A_141 = arith.constant 0 : i32
    %dma_wait3A_142 = arith.constant 0 : i32
    %dma_wait3A_143 = arith.constant 0 : i32
    %dma_wait3A_144 = tpu.memref_slice %arg9[%dma_wait3A_141, %dma_wait3A_142, %dma_wait3A_143] : memref<2x128x128xf32, #tpu.memory_space<vmem>> -> memref<1x128x128xf32, #tpu.memory_space<vmem>>
    %dma_wait3A_145 = tpu.memref_squeeze %dma_wait3A_144 : memref<1x128x128xf32, #tpu.memory_space<vmem>> -> memref<128x128xf32, #tpu.memory_space<vmem>>
    %dma_wait3A_146 = arith.constant 0 : i32
    %dma_wait3A_147 = tpu.memref_slice %arg7[%dma_wait3A_140, %dma_wait3A_146] : memref<50x128xi32, #tpu.memory_space<vmem>> -> memref<1x128xi32, #tpu.memory_space<vmem>>
    %dma_wait3A_148 = tpu.memref_squeeze %dma_wait3A_147 : memref<1x128xi32, #tpu.memory_space<vmem>> -> memref<128xi32, #tpu.memory_space<vmem>>
    %dma_wait3A_149 = arith.constant 0 : i32
    %dma_wait3A_150 = arith.constant 0 : i32
    %dma_wait3A_151 = tpu.memref_slice %arg3[%dma_wait3A_149, %dma_wait3A_150] : memref<507904x128xf32, #tpu.memory_space<hbm>> -> memref<507904x128xf32, #tpu.memory_space<hbm>>
    tpu.wait_indirect_dma semaphore(%arg10 : memref<!tpu.dma_semaphore, #tpu.memory_space<semaphore_mem>>) src(%dma_wait3A_151 : memref<507904x128xf32, #tpu.memory_space<hbm>>) dst(%dma_wait3A_145 : memref<128x128xf32, #tpu.memory_space<vmem>>)
    %add3A_152 = arith.constant 8192 : i32
    %add3A_153 = arith.addi %add3A_152, %mul3A_2 : i32
    %dma_start3A_154 = arith.constant 0 : i32
    %dma_start3A_155 = arith.constant 0 : i32
    %dma_start3A_156 = arith.constant 0 : i32
    %dma_start3A_157 = tpu.memref_slice %arg9[%dma_start3A_154, %dma_start3A_155, %dma_start3A_156] : memref<2x128x128xf32, #tpu.memory_space<vmem>> -> memref<1x128x128xf32, #tpu.memory_space<vmem>>
    %dma_start3A_158 = tpu.memref_squeeze %dma_start3A_157 : memref<1x128x128xf32, #tpu.memory_space<vmem>> -> memref<128x128xf32, #tpu.memory_space<vmem>>
    %dma_start3A_159 = arith.constant 0 : i32
    %dma_start3A_160 = tpu.memref_slice %arg4[%add3A_153, %dma_start3A_159] : memref<204800x128xf32, #tpu.memory_space<hbm>> -> memref<128x128xf32, #tpu.memory_space<hbm>>
    %dma_start3A_161 = arith.constant 0 : i32
    %dma_start3A_162 = tpu.memref_slice %arg4[%add3A_153, %dma_start3A_161] : memref<204800x128xf32, #tpu.memory_space<hbm>> -> memref<128x128xf32, #tpu.memory_space<hbm>>
    %dma_start3A_163 = arith.constant 0 : i32
    %dma_start3A_164 = arith.constant 0 : i32
    %dma_start3A_165 = tpu.memref_slice %arg9[%dma_start3A_154, %dma_start3A_163, %dma_start3A_164] : memref<2x128x128xf32, #tpu.memory_space<vmem>> -> memref<1x128x128xf32, #tpu.memory_space<vmem>>
    %dma_start3A_166 = tpu.memref_squeeze %dma_start3A_165 : memref<1x128x128xf32, #tpu.memory_space<vmem>> -> memref<128x128xf32, #tpu.memory_space<vmem>>
    tpu.enqueue_dma source(%dma_start3A_166 : memref<128x128xf32, #tpu.memory_space<vmem>>) target(%dma_start3A_162 : memref<128x128xf32, #tpu.memory_space<hbm>>) target_semaphore(%arg12 : memref<!tpu.dma_semaphore, #tpu.memory_space<semaphore_mem>>)
    %dma_wait3A_167 = arith.constant 0 : i32
    %dma_wait3A_168 = arith.constant 0 : i32
    %dma_wait3A_169 = arith.constant 0 : i32
    %dma_wait3A_170 = tpu.memref_slice %arg9[%dma_wait3A_167, %dma_wait3A_168, %dma_wait3A_169] : memref<2x128x128xf32, #tpu.memory_space<vmem>> -> memref<1x128x128xf32, #tpu.memory_space<vmem>>
    %dma_wait3A_171 = tpu.memref_squeeze %dma_wait3A_170 : memref<1x128x128xf32, #tpu.memory_space<vmem>> -> memref<128x128xf32, #tpu.memory_space<vmem>>
    %dma_wait3A_172 = arith.constant 0 : i32
    %dma_wait3A_173 = tpu.memref_slice %arg4[%add3A_153, %dma_wait3A_172] : memref<204800x128xf32, #tpu.memory_space<hbm>> -> memref<128x128xf32, #tpu.memory_space<hbm>>
    %dma_wait3A_174 = arith.constant 0 : i32
    %dma_wait3A_175 = tpu.memref_slice %arg4[%add3A_153, %dma_wait3A_174] : memref<204800x128xf32, #tpu.memory_space<hbm>> -> memref<128x128xf32, #tpu.memory_space<hbm>>
    %dma_wait3A_176 = arith.constant 0 : i32
    %dma_wait3A_177 = arith.constant 0 : i32
    %dma_wait3A_178 = tpu.memref_slice %arg9[%dma_wait3A_167, %dma_wait3A_176, %dma_wait3A_177] : memref<2x128x128xf32, #tpu.memory_space<vmem>> -> memref<1x128x128xf32, #tpu.memory_space<vmem>>
    %dma_wait3A_179 = tpu.memref_squeeze %dma_wait3A_178 : memref<1x128x128xf32, #tpu.memory_space<vmem>> -> memref<128x128xf32, #tpu.memory_space<vmem>>
    tpu.wait_dma2 semaphore(%arg12 : memref<!tpu.dma_semaphore, #tpu.memory_space<semaphore_mem>>) src(%dma_wait3A_179 : memref<128x128xf32, #tpu.memory_space<vmem>>) dst(%dma_wait3A_175 : memref<128x128xf32, #tpu.memory_space<hbm>>)
    %dma_start3A_180 = arith.constant 4 : i32
    %dma_start3A_181 = arith.constant 0 : i32
    %dma_start3A_182 = arith.constant 0 : i32
    %dma_start3A_183 = arith.constant 0 : i32
    %dma_start3A_184 = tpu.memref_slice %arg9[%dma_start3A_181, %dma_start3A_182, %dma_start3A_183] : memref<2x128x128xf32, #tpu.memory_space<vmem>> -> memref<1x128x128xf32, #tpu.memory_space<vmem>>
    %dma_start3A_185 = tpu.memref_squeeze %dma_start3A_184 : memref<1x128x128xf32, #tpu.memory_space<vmem>> -> memref<128x128xf32, #tpu.memory_space<vmem>>
    %dma_start3A_186 = arith.constant 0 : i32
    %dma_start3A_187 = tpu.memref_slice %arg7[%dma_start3A_180, %dma_start3A_186] : memref<50x128xi32, #tpu.memory_space<vmem>> -> memref<1x128xi32, #tpu.memory_space<vmem>>
    %dma_start3A_188 = tpu.memref_squeeze %dma_start3A_187 : memref<1x128xi32, #tpu.memory_space<vmem>> -> memref<128xi32, #tpu.memory_space<vmem>>
    %dma_start3A_189 = arith.constant 0 : i32
    %dma_start3A_190 = arith.constant 0 : i32
    %dma_start3A_191 = tpu.memref_slice %arg3[%dma_start3A_189, %dma_start3A_190] : memref<507904x128xf32, #tpu.memory_space<hbm>> -> memref<507904x128xf32, #tpu.memory_space<hbm>>
    tpu.enqueue_indirect_dma source(%dma_start3A_191 : memref<507904x128xf32, #tpu.memory_space<hbm>>) target(%dma_start3A_185 : memref<128x128xf32, #tpu.memory_space<vmem>>) offsets(%dma_start3A_188 : memref<128xi32, #tpu.memory_space<vmem>>) semaphore(%arg10 : memref<!tpu.dma_semaphore, #tpu.memory_space<semaphore_mem>>)
    %dma_wait3A_192 = arith.constant 3 : i32
    %dma_wait3A_193 = arith.constant 1 : i32
    %dma_wait3A_194 = arith.constant 0 : i32
    %dma_wait3A_195 = arith.constant 0 : i32
    %dma_wait3A_196 = tpu.memref_slice %arg9[%dma_wait3A_193, %dma_wait3A_194, %dma_wait3A_195] : memref<2x128x128xf32, #tpu.memory_space<vmem>> -> memref<1x128x128xf32, #tpu.memory_space<vmem>>
    %dma_wait3A_197 = tpu.memref_squeeze %dma_wait3A_196 : memref<1x128x128xf32, #tpu.memory_space<vmem>> -> memref<128x128xf32, #tpu.memory_space<vmem>>
    %dma_wait3A_198 = arith.constant 0 : i32
    %dma_wait3A_199 = tpu.memref_slice %arg7[%dma_wait3A_192, %dma_wait3A_198] : memref<50x128xi32, #tpu.memory_space<vmem>> -> memref<1x128xi32, #tpu.memory_space<vmem>>
    %dma_wait3A_200 = tpu.memref_squeeze %dma_wait3A_199 : memref<1x128xi32, #tpu.memory_space<vmem>> -> memref<128xi32, #tpu.memory_space<vmem>>
    %dma_wait3A_201 = arith.constant 0 : i32
    %dma_wait3A_202 = arith.constant 0 : i32
    %dma_wait3A_203 = tpu.memref_slice %arg3[%dma_wait3A_201, %dma_wait3A_202] : memref<507904x128xf32, #tpu.memory_space<hbm>> -> memref<507904x128xf32, #tpu.memory_space<hbm>>
    tpu.wait_indirect_dma semaphore(%arg11 : memref<!tpu.dma_semaphore, #tpu.memory_space<semaphore_mem>>) src(%dma_wait3A_203 : memref<507904x128xf32, #tpu.memory_space<hbm>>) dst(%dma_wait3A_197 : memref<128x128xf32, #tpu.memory_space<vmem>>)
    %add3A_204 = arith.constant 12288 : i32
    %add3A_205 = arith.addi %add3A_204, %mul3A_2 : i32
    %dma_start3A_206 = arith.constant 1 : i32
    %dma_start3A_207 = arith.constant 0 : i32
    %dma_start3A_208 = arith.constant 0 : i32
    %dma_start3A_209 = tpu.memref_slice %arg9[%dma_start3A_206, %dma_start3A_207, %dma_start3A_208] : memref<2x128x128xf32, #tpu.memory_space<vmem>> -> memref<1x128x128xf32, #tpu.memory_space<vmem>>
    %dma_start3A_210 = tpu.memref_squeeze %dma_start3A_209 : memref<1x128x128xf32, #tpu.memory_space<vmem>> -> memref<128x128xf32, #tpu.memory_space<vmem>>
    %dma_start3A_211 = arith.constant 0 : i32
    %dma_start3A_212 = tpu.memref_slice %arg4[%add3A_205, %dma_start3A_211] : memref<204800x128xf32, #tpu.memory_space<hbm>> -> memref<128x128xf32, #tpu.memory_space<hbm>>
    %dma_start3A_213 = arith.constant 0 : i32
    %dma_start3A_214 = tpu.memref_slice %arg4[%add3A_205, %dma_start3A_213] : memref<204800x128xf32, #tpu.memory_space<hbm>> -> memref<128x128xf32, #tpu.memory_space<hbm>>
    %dma_start3A_215 = arith.constant 0 : i32
    %dma_start3A_216 = arith.constant 0 : i32
    %dma_start3A_217 = tpu.memref_slice %arg9[%dma_start3A_206, %dma_start3A_215, %dma_start3A_216] : memref<2x128x128xf32, #tpu.memory_space<vmem>> -> memref<1x128x128xf32, #tpu.memory_space<vmem>>
    %dma_start3A_218 = tpu.memref_squeeze %dma_start3A_217 : memref<1x128x128xf32, #tpu.memory_space<vmem>> -> memref<128x128xf32, #tpu.memory_space<vmem>>
    tpu.enqueue_dma source(%dma_start3A_218 : memref<128x128xf32, #tpu.memory_space<vmem>>) target(%dma_start3A_214 : memref<128x128xf32, #tpu.memory_space<hbm>>) target_semaphore(%arg13 : memref<!tpu.dma_semaphore, #tpu.memory_space<semaphore_mem>>)
    %dma_wait3A_219 = arith.constant 1 : i32
    %dma_wait3A_220 = arith.constant 0 : i32
    %dma_wait3A_221 = arith.constant 0 : i32
    %dma_wait3A_222 = tpu.memref_slice %arg9[%dma_wait3A_219, %dma_wait3A_220, %dma_wait3A_221] : memref<2x128x128xf32, #tpu.memory_space<vmem>> -> memref<1x128x128xf32, #tpu.memory_space<vmem>>
    %dma_wait3A_223 = tpu.memref_squeeze %dma_wait3A_222 : memref<1x128x128xf32, #tpu.memory_space<vmem>> -> memref<128x128xf32, #tpu.memory_space<vmem>>
    %dma_wait3A_224 = arith.constant 0 : i32
    %dma_wait3A_225 = tpu.memref_slice %arg4[%add3A_205, %dma_wait3A_224] : memref<204800x128xf32, #tpu.memory_space<hbm>> -> memref<128x128xf32, #tpu.memory_space<hbm>>
    %dma_wait3A_226 = arith.constant 0 : i32
    %dma_wait3A_227 = tpu.memref_slice %arg4[%add3A_205, %dma_wait3A_226] : memref<204800x128xf32, #tpu.memory_space<hbm>> -> memref<128x128xf32, #tpu.memory_space<hbm>>
    %dma_wait3A_228 = arith.constant 0 : i32
    %dma_wait3A_229 = arith.constant 0 : i32
    %dma_wait3A_230 = tpu.memref_slice %arg9[%dma_wait3A_219, %dma_wait3A_228, %dma_wait3A_229] : memref<2x128x128xf32, #tpu.memory_space<vmem>> -> memref<1x128x128xf32, #tpu.memory_space<vmem>>
    %dma_wait3A_231 = tpu.memref_squeeze %dma_wait3A_230 : memref<1x128x128xf32, #tpu.memory_space<vmem>> -> memref<128x128xf32, #tpu.memory_space<vmem>>
    tpu.wait_dma2 semaphore(%arg13 : memref<!tpu.dma_semaphore, #tpu.memory_space<semaphore_mem>>) src(%dma_wait3A_231 : memref<128x128xf32, #tpu.memory_space<vmem>>) dst(%dma_wait3A_227 : memref<128x128xf32, #tpu.memory_space<hbm>>)
    %dma_start3A_232 = arith.constant 5 : i32
    %dma_start3A_233 = arith.constant 1 : i32
    %dma_start3A_234 = arith.constant 0 : i32
    %dma_start3A_235 = arith.constant 0 : i32
    %dma_start3A_236 = tpu.memref_slice %arg9[%dma_start3A_233, %dma_start3A_234, %dma_start3A_235] : memref<2x128x128xf32, #tpu.memory_space<vmem>> -> memref<1x128x128xf32, #tpu.memory_space<vmem>>
    %dma_start3A_237 = tpu.memref_squeeze %dma_start3A_236 : memref<1x128x128xf32, #tpu.memory_space<vmem>> -> memref<128x128xf32, #tpu.memory_space<vmem>>
    %dma_start3A_238 = arith.constant 0 : i32
    %dma_start3A_239 = tpu.memref_slice %arg7[%dma_start3A_232, %dma_start3A_238] : memref<50x128xi32, #tpu.memory_space<vmem>> -> memref<1x128xi32, #tpu.memory_space<vmem>>
    %dma_start3A_240 = tpu.memref_squeeze %dma_start3A_239 : memref<1x128xi32, #tpu.memory_space<vmem>> -> memref<128xi32, #tpu.memory_space<vmem>>
    %dma_start3A_241 = arith.constant 0 : i32
    %dma_start3A_242 = arith.constant 0 : i32
    %dma_start3A_243 = tpu.memref_slice %arg3[%dma_start3A_241, %dma_start3A_242] : memref<507904x128xf32, #tpu.memory_space<hbm>> -> memref<507904x128xf32, #tpu.memory_space<hbm>>
    tpu.enqueue_indirect_dma source(%dma_start3A_243 : memref<507904x128xf32, #tpu.memory_space<hbm>>) target(%dma_start3A_237 : memref<128x128xf32, #tpu.memory_space<vmem>>) offsets(%dma_start3A_240 : memref<128xi32, #tpu.memory_space<vmem>>) semaphore(%arg11 : memref<!tpu.dma_semaphore, #tpu.memory_space<semaphore_mem>>)
    %dma_wait3A_244 = arith.constant 4 : i32
    %dma_wait3A_245 = arith.constant 0 : i32
    %dma_wait3A_246 = arith.constant 0 : i32
    %dma_wait3A_247 = arith.constant 0 : i32
    %dma_wait3A_248 = tpu.memref_slice %arg9[%dma_wait3A_245, %dma_wait3A_246, %dma_wait3A_247] : memref<2x128x128xf32, #tpu.memory_space<vmem>> -> memref<1x128x128xf32, #tpu.memory_space<vmem>>
    %dma_wait3A_249 = tpu.memref_squeeze %dma_wait3A_248 : memref<1x128x128xf32, #tpu.memory_space<vmem>> -> memref<128x128xf32, #tpu.memory_space<vmem>>
    %dma_wait3A_250 = arith.constant 0 : i32
    %dma_wait3A_251 = tpu.memref_slice %arg7[%dma_wait3A_244, %dma_wait3A_250] : memref<50x128xi32, #tpu.memory_space<vmem>> -> memref<1x128xi32, #tpu.memory_space<vmem>>
    %dma_wait3A_252 = tpu.memref_squeeze %dma_wait3A_251 : memref<1x128xi32, #tpu.memory_space<vmem>> -> memref<128xi32, #tpu.memory_space<vmem>>
    %dma_wait3A_253 = arith.constant 0 : i32
    %dma_wait3A_254 = arith.constant 0 : i32
    %dma_wait3A_255 = tpu.memref_slice %arg3[%dma_wait3A_253, %dma_wait3A_254] : memref<507904x128xf32, #tpu.memory_space<hbm>> -> memref<507904x128xf32, #tpu.memory_space<hbm>>
    tpu.wait_indirect_dma semaphore(%arg10 : memref<!tpu.dma_semaphore, #tpu.memory_space<semaphore_mem>>) src(%dma_wait3A_255 : memref<507904x128xf32, #tpu.memory_space<hbm>>) dst(%dma_wait3A_249 : memref<128x128xf32, #tpu.memory_space<vmem>>)
    %add3A_256 = arith.constant 16384 : i32
    %add3A_257 = arith.addi %add3A_256, %mul3A_2 : i32
    %dma_start3A_258 = arith.constant 0 : i32
    %dma_start3A_259 = arith.constant 0 : i32
    %dma_start3A_260 = arith.constant 0 : i32
    %dma_start3A_261 = tpu.memref_slice %arg9[%dma_start3A_258, %dma_start3A_259, %dma_start3A_260] : memref<2x128x128xf32, #tpu.memory_space<vmem>> -> memref<1x128x128xf32, #tpu.memory_space<vmem>>
    %dma_start3A_262 = tpu.memref_squeeze %dma_start3A_261 : memref<1x128x128xf32, #tpu.memory_space<vmem>> -> memref<128x128xf32, #tpu.memory_space<vmem>>
    %dma_start3A_263 = arith.constant 0 : i32
    %dma_start3A_264 = tpu.memref_slice %arg4[%add3A_257, %dma_start3A_263] : memref<204800x128xf32, #tpu.memory_space<hbm>> -> memref<128x128xf32, #tpu.memory_space<hbm>>
    %dma_start3A_265 = arith.constant 0 : i32
    %dma_start3A_266 = tpu.memref_slice %arg4[%add3A_257, %dma_start3A_265] : memref<204800x128xf32, #tpu.memory_space<hbm>> -> memref<128x128xf32, #tpu.memory_space<hbm>>
    %dma_start3A_267 = arith.constant 0 : i32
    %dma_start3A_268 = arith.constant 0 : i32
    %dma_start3A_269 = tpu.memref_slice %arg9[%dma_start3A_258, %dma_start3A_267, %dma_start3A_268] : memref<2x128x128xf32, #tpu.memory_space<vmem>> -> memref<1x128x128xf32, #tpu.memory_space<vmem>>
    %dma_start3A_270 = tpu.memref_squeeze %dma_start3A_269 : memref<1x128x128xf32, #tpu.memory_space<vmem>> -> memref<128x128xf32, #tpu.memory_space<vmem>>
    tpu.enqueue_dma source(%dma_start3A_270 : memref<128x128xf32, #tpu.memory_space<vmem>>) target(%dma_start3A_266 : memref<128x128xf32, #tpu.memory_space<hbm>>) target_semaphore(%arg12 : memref<!tpu.dma_semaphore, #tpu.memory_space<semaphore_mem>>)
    %dma_wait3A_271 = arith.constant 0 : i32
    %dma_wait3A_272 = arith.constant 0 : i32
    %dma_wait3A_273 = arith.constant 0 : i32
    %dma_wait3A_274 = tpu.memref_slice %arg9[%dma_wait3A_271, %dma_wait3A_272, %dma_wait3A_273] : memref<2x128x128xf32, #tpu.memory_space<vmem>> -> memref<1x128x128xf32, #tpu.memory_space<vmem>>
    %dma_wait3A_275 = tpu.memref_squeeze %dma_wait3A_274 : memref<1x128x128xf32, #tpu.memory_space<vmem>> -> memref<128x128xf32, #tpu.memory_space<vmem>>
    %dma_wait3A_276 = arith.constant 0 : i32
    %dma_wait3A_277 = tpu.memref_slice %arg4[%add3A_257, %dma_wait3A_276] : memref<204800x128xf32, #tpu.memory_space<hbm>> -> memref<128x128xf32, #tpu.memory_space<hbm>>
    %dma_wait3A_278 = arith.constant 0 : i32
    %dma_wait3A_279 = tpu.memref_slice %arg4[%add3A_257, %dma_wait3A_278] : memref<204800x128xf32, #tpu.memory_space<hbm>> -> memref<128x128xf32, #tpu.memory_space<hbm>>
    %dma_wait3A_280 = arith.constant 0 : i32
    %dma_wait3A_281 = arith.constant 0 : i32
    %dma_wait3A_282 = tpu.memref_slice %arg9[%dma_wait3A_271, %dma_wait3A_280, %dma_wait3A_281] : memref<2x128x128xf32, #tpu.memory_space<vmem>> -> memref<1x128x128xf32, #tpu.memory_space<vmem>>
    %dma_wait3A_283 = tpu.memref_squeeze %dma_wait3A_282 : memref<1x128x128xf32, #tpu.memory_space<vmem>> -> memref<128x128xf32, #tpu.memory_space<vmem>>
    tpu.wait_dma2 semaphore(%arg12 : memref<!tpu.dma_semaphore, #tpu.memory_space<semaphore_mem>>) src(%dma_wait3A_283 : memref<128x128xf32, #tpu.memory_space<vmem>>) dst(%dma_wait3A_279 : memref<128x128xf32, #tpu.memory_space<hbm>>)
    %dma_start3A_284 = arith.constant 6 : i32
    %dma_start3A_285 = arith.constant 0 : i32
    %dma_start3A_286 = arith.constant 0 : i32
    %dma_start3A_287 = arith.constant 0 : i32
    %dma_start3A_288 = tpu.memref_slice %arg9[%dma_start3A_285, %dma_start3A_286, %dma_start3A_287] : memref<2x128x128xf32, #tpu.memory_space<vmem>> -> memref<1x128x128xf32, #tpu.memory_space<vmem>>
    %dma_start3A_289 = tpu.memref_squeeze %dma_start3A_288 : memref<1x128x128xf32, #tpu.memory_space<vmem>> -> memref<128x128xf32, #tpu.memory_space<vmem>>
    %dma_start3A_290 = arith.constant 0 : i32
    %dma_start3A_291 = tpu.memref_slice %arg7[%dma_start3A_284, %dma_start3A_290] : memref<50x128xi32, #tpu.memory_space<vmem>> -> memref<1x128xi32, #tpu.memory_space<vmem>>
    %dma_start3A_292 = tpu.memref_squeeze %dma_start3A_291 : memref<1x128xi32, #tpu.memory_space<vmem>> -> memref<128xi32, #tpu.memory_space<vmem>>
    %dma_start3A_293 = arith.constant 0 : i32
    %dma_start3A_294 = arith.constant 0 : i32
    %dma_start3A_295 = tpu.memref_slice %arg3[%dma_start3A_293, %dma_start3A_294] : memref<507904x128xf32, #tpu.memory_space<hbm>> -> memref<507904x128xf32, #tpu.memory_space<hbm>>
    tpu.enqueue_indirect_dma source(%dma_start3A_295 : memref<507904x128xf32, #tpu.memory_space<hbm>>) target(%dma_start3A_289 : memref<128x128xf32, #tpu.memory_space<vmem>>) offsets(%dma_start3A_292 : memref<128xi32, #tpu.memory_space<vmem>>) semaphore(%arg10 : memref<!tpu.dma_semaphore, #tpu.memory_space<semaphore_mem>>)
    %dma_wait3A_296 = arith.constant 5 : i32
    %dma_wait3A_297 = arith.constant 1 : i32
    %dma_wait3A_298 = arith.constant 0 : i32
    %dma_wait3A_299 = arith.constant 0 : i32
    %dma_wait3A_300 = tpu.memref_slice %arg9[%dma_wait3A_297, %dma_wait3A_298, %dma_wait3A_299] : memref<2x128x128xf32, #tpu.memory_space<vmem>> -> memref<1x128x128xf32, #tpu.memory_space<vmem>>
    %dma_wait3A_301 = tpu.memref_squeeze %dma_wait3A_300 : memref<1x128x128xf32, #tpu.memory_space<vmem>> -> memref<128x128xf32, #tpu.memory_space<vmem>>
    %dma_wait3A_302 = arith.constant 0 : i32
    %dma_wait3A_303 = tpu.memref_slice %arg7[%dma_wait3A_296, %dma_wait3A_302] : memref<50x128xi32, #tpu.memory_space<vmem>> -> memref<1x128xi32, #tpu.memory_space<vmem>>
    %dma_wait3A_304 = tpu.memref_squeeze %dma_wait3A_303 : memref<1x128xi32, #tpu.memory_space<vmem>> -> memref<128xi32, #tpu.memory_space<vmem>>
    %dma_wait3A_305 = arith.constant 0 : i32
    %dma_wait3A_306 = arith.constant 0 : i32
    %dma_wait3A_307 = tpu.memref_slice %arg3[%dma_wait3A_305, %dma_wait3A_306] : memref<507904x128xf32, #tpu.memory_space<hbm>> -> memref<507904x128xf32, #tpu.memory_space<hbm>>
    tpu.wait_indirect_dma semaphore(%arg11 : memref<!tpu.dma_semaphore, #tpu.memory_space<semaphore_mem>>) src(%dma_wait3A_307 : memref<507904x128xf32, #tpu.memory_space<hbm>>) dst(%dma_wait3A_301 : memref<128x128xf32, #tpu.memory_space<vmem>>)
    %add3A_308 = arith.constant 20480 : i32
    %add3A_309 = arith.addi %add3A_308, %mul3A_2 : i32
    %dma_start3A_310 = arith.constant 1 : i32
    %dma_start3A_311 = arith.constant 0 : i32
    %dma_start3A_312 = arith.constant 0 : i32
    %dma_start3A_313 = tpu.memref_slice %arg9[%dma_start3A_310, %dma_start3A_311, %dma_start3A_312] : memref<2x128x128xf32, #tpu.memory_space<vmem>> -> memref<1x128x128xf32, #tpu.memory_space<vmem>>
    %dma_start3A_314 = tpu.memref_squeeze %dma_start3A_313 : memref<1x128x128xf32, #tpu.memory_space<vmem>> -> memref<128x128xf32, #tpu.memory_space<vmem>>
    %dma_start3A_315 = arith.constant 0 : i32
    %dma_start3A_316 = tpu.memref_slice %arg4[%add3A_309, %dma_start3A_315] : memref<204800x128xf32, #tpu.memory_space<hbm>> -> memref<128x128xf32, #tpu.memory_space<hbm>>
    %dma_start3A_317 = arith.constant 0 : i32
    %dma_start3A_318 = tpu.memref_slice %arg4[%add3A_309, %dma_start3A_317] : memref<204800x128xf32, #tpu.memory_space<hbm>> -> memref<128x128xf32, #tpu.memory_space<hbm>>
    %dma_start3A_319 = arith.constant 0 : i32
    %dma_start3A_320 = arith.constant 0 : i32
    %dma_start3A_321 = tpu.memref_slice %arg9[%dma_start3A_310, %dma_start3A_319, %dma_start3A_320] : memref<2x128x128xf32, #tpu.memory_space<vmem>> -> memref<1x128x128xf32, #tpu.memory_space<vmem>>
    %dma_start3A_322 = tpu.memref_squeeze %dma_start3A_321 : memref<1x128x128xf32, #tpu.memory_space<vmem>> -> memref<128x128xf32, #tpu.memory_space<vmem>>
    tpu.enqueue_dma source(%dma_start3A_322 : memref<128x128xf32, #tpu.memory_space<vmem>>) target(%dma_start3A_318 : memref<128x128xf32, #tpu.memory_space<hbm>>) target_semaphore(%arg13 : memref<!tpu.dma_semaphore, #tpu.memory_space<semaphore_mem>>)
    %dma_wait3A_323 = arith.constant 1 : i32
    %dma_wait3A_324 = arith.constant 0 : i32
    %dma_wait3A_325 = arith.constant 0 : i32
    %dma_wait3A_326 = tpu.memref_slice %arg9[%dma_wait3A_323, %dma_wait3A_324, %dma_wait3A_325] : memref<2x128x128xf32, #tpu.memory_space<vmem>> -> memref<1x128x128xf32, #tpu.memory_space<vmem>>
    %dma_wait3A_327 = tpu.memref_squeeze %dma_wait3A_326 : memref<1x128x128xf32, #tpu.memory_space<vmem>> -> memref<128x128xf32, #tpu.memory_space<vmem>>
    %dma_wait3A_328 = arith.constant 0 : i32
    %dma_wait3A_329 = tpu.memref_slice %arg4[%add3A_309, %dma_wait3A_328] : memref<204800x128xf32, #tpu.memory_space<hbm>> -> memref<128x128xf32, #tpu.memory_space<hbm>>
    %dma_wait3A_330 = arith.constant 0 : i32
    %dma_wait3A_331 = tpu.memref_slice %arg4[%add3A_309, %dma_wait3A_330] : memref<204800x128xf32, #tpu.memory_space<hbm>> -> memref<128x128xf32, #tpu.memory_space<hbm>>
    %dma_wait3A_332 = arith.constant 0 : i32
    %dma_wait3A_333 = arith.constant 0 : i32
    %dma_wait3A_334 = tpu.memref_slice %arg9[%dma_wait3A_323, %dma_wait3A_332, %dma_wait3A_333] : memref<2x128x128xf32, #tpu.memory_space<vmem>> -> memref<1x128x128xf32, #tpu.memory_space<vmem>>
    %dma_wait3A_335 = tpu.memref_squeeze %dma_wait3A_334 : memref<1x128x128xf32, #tpu.memory_space<vmem>> -> memref<128x128xf32, #tpu.memory_space<vmem>>
    tpu.wait_dma2 semaphore(%arg13 : memref<!tpu.dma_semaphore, #tpu.memory_space<semaphore_mem>>) src(%dma_wait3A_335 : memref<128x128xf32, #tpu.memory_space<vmem>>) dst(%dma_wait3A_331 : memref<128x128xf32, #tpu.memory_space<hbm>>)
    %dma_start3A_336 = arith.constant 7 : i32
    %dma_start3A_337 = arith.constant 1 : i32
    %dma_start3A_338 = arith.constant 0 : i32
    %dma_start3A_339 = arith.constant 0 : i32
    %dma_start3A_340 = tpu.memref_slice %arg9[%dma_start3A_337, %dma_start3A_338, %dma_start3A_339] : memref<2x128x128xf32, #tpu.memory_space<vmem>> -> memref<1x128x128xf32, #tpu.memory_space<vmem>>
    %dma_start3A_341 = tpu.memref_squeeze %dma_start3A_340 : memref<1x128x128xf32, #tpu.memory_space<vmem>> -> memref<128x128xf32, #tpu.memory_space<vmem>>
    %dma_start3A_342 = arith.constant 0 : i32
    %dma_start3A_343 = tpu.memref_slice %arg7[%dma_start3A_336, %dma_start3A_342] : memref<50x128xi32, #tpu.memory_space<vmem>> -> memref<1x128xi32, #tpu.memory_space<vmem>>
    %dma_start3A_344 = tpu.memref_squeeze %dma_start3A_343 : memref<1x128xi32, #tpu.memory_space<vmem>> -> memref<128xi32, #tpu.memory_space<vmem>>
    %dma_start3A_345 = arith.constant 0 : i32
    %dma_start3A_346 = arith.constant 0 : i32
    %dma_start3A_347 = tpu.memref_slice %arg3[%dma_start3A_345, %dma_start3A_346] : memref<507904x128xf32, #tpu.memory_space<hbm>> -> memref<507904x128xf32, #tpu.memory_space<hbm>>
    tpu.enqueue_indirect_dma source(%dma_start3A_347 : memref<507904x128xf32, #tpu.memory_space<hbm>>) target(%dma_start3A_341 : memref<128x128xf32, #tpu.memory_space<vmem>>) offsets(%dma_start3A_344 : memref<128xi32, #tpu.memory_space<vmem>>) semaphore(%arg11 : memref<!tpu.dma_semaphore, #tpu.memory_space<semaphore_mem>>)
    %dma_wait3A_348 = arith.constant 6 : i32
    %dma_wait3A_349 = arith.constant 0 : i32
    %dma_wait3A_350 = arith.constant 0 : i32
    %dma_wait3A_351 = arith.constant 0 : i32
    %dma_wait3A_352 = tpu.memref_slice %arg9[%dma_wait3A_349, %dma_wait3A_350, %dma_wait3A_351] : memref<2x128x128xf32, #tpu.memory_space<vmem>> -> memref<1x128x128xf32, #tpu.memory_space<vmem>>
    %dma_wait3A_353 = tpu.memref_squeeze %dma_wait3A_352 : memref<1x128x128xf32, #tpu.memory_space<vmem>> -> memref<128x128xf32, #tpu.memory_space<vmem>>
    %dma_wait3A_354 = arith.constant 0 : i32
    %dma_wait3A_355 = tpu.memref_slice %arg7[%dma_wait3A_348, %dma_wait3A_354] : memref<50x128xi32, #tpu.memory_space<vmem>> -> memref<1x128xi32, #tpu.memory_space<vmem>>
    %dma_wait3A_356 = tpu.memref_squeeze %dma_wait3A_355 : memref<1x128xi32, #tpu.memory_space<vmem>> -> memref<128xi32, #tpu.memory_space<vmem>>
    %dma_wait3A_357 = arith.constant 0 : i32
    %dma_wait3A_358 = arith.constant 0 : i32
    %dma_wait3A_359 = tpu.memref_slice %arg3[%dma_wait3A_357, %dma_wait3A_358] : memref<507904x128xf32, #tpu.memory_space<hbm>> -> memref<507904x128xf32, #tpu.memory_space<hbm>>
    tpu.wait_indirect_dma semaphore(%arg10 : memref<!tpu.dma_semaphore, #tpu.memory_space<semaphore_mem>>) src(%dma_wait3A_359 : memref<507904x128xf32, #tpu.memory_space<hbm>>) dst(%dma_wait3A_353 : memref<128x128xf32, #tpu.memory_space<vmem>>)
    %add3A_360 = arith.constant 24576 : i32
    %add3A_361 = arith.addi %add3A_360, %mul3A_2 : i32
    %dma_start3A_362 = arith.constant 0 : i32
    %dma_start3A_363 = arith.constant 0 : i32
    %dma_start3A_364 = arith.constant 0 : i32
    %dma_start3A_365 = tpu.memref_slice %arg9[%dma_start3A_362, %dma_start3A_363, %dma_start3A_364] : memref<2x128x128xf32, #tpu.memory_space<vmem>> -> memref<1x128x128xf32, #tpu.memory_space<vmem>>
    %dma_start3A_366 = tpu.memref_squeeze %dma_start3A_365 : memref<1x128x128xf32, #tpu.memory_space<vmem>> -> memref<128x128xf32, #tpu.memory_space<vmem>>
    %dma_start3A_367 = arith.constant 0 : i32
    %dma_start3A_368 = tpu.memref_slice %arg4[%add3A_361, %dma_start3A_367] : memref<204800x128xf32, #tpu.memory_space<hbm>> -> memref<128x128xf32, #tpu.memory_space<hbm>>
    %dma_start3A_369 = arith.constant 0 : i32
    %dma_start3A_370 = tpu.memref_slice %arg4[%add3A_361, %dma_start3A_369] : memref<204800x128xf32, #tpu.memory_space<hbm>> -> memref<128x128xf32, #tpu.memory_space<hbm>>
    %dma_start3A_371 = arith.constant 0 : i32
    %dma_start3A_372 = arith.constant 0 : i32
    %dma_start3A_373 = tpu.memref_slice %arg9[%dma_start3A_362, %dma_start3A_371, %dma_start3A_372] : memref<2x128x128xf32, #tpu.memory_space<vmem>> -> memref<1x128x128xf32, #tpu.memory_space<vmem>>
    %dma_start3A_374 = tpu.memref_squeeze %dma_start3A_373 : memref<1x128x128xf32, #tpu.memory_space<vmem>> -> memref<128x128xf32, #tpu.memory_space<vmem>>
    tpu.enqueue_dma source(%dma_start3A_374 : memref<128x128xf32, #tpu.memory_space<vmem>>) target(%dma_start3A_370 : memref<128x128xf32, #tpu.memory_space<hbm>>) target_semaphore(%arg12 : memref<!tpu.dma_semaphore, #tpu.memory_space<semaphore_mem>>)
    %dma_wait3A_375 = arith.constant 0 : i32
    %dma_wait3A_376 = arith.constant 0 : i32
    %dma_wait3A_377 = arith.constant 0 : i32
    %dma_wait3A_378 = tpu.memref_slice %arg9[%dma_wait3A_375, %dma_wait3A_376, %dma_wait3A_377] : memref<2x128x128xf32, #tpu.memory_space<vmem>> -> memref<1x128x128xf32, #tpu.memory_space<vmem>>
    %dma_wait3A_379 = tpu.memref_squeeze %dma_wait3A_378 : memref<1x128x128xf32, #tpu.memory_space<vmem>> -> memref<128x128xf32, #tpu.memory_space<vmem>>
    %dma_wait3A_380 = arith.constant 0 : i32
    %dma_wait3A_381 = tpu.memref_slice %arg4[%add3A_361, %dma_wait3A_380] : memref<204800x128xf32, #tpu.memory_space<hbm>> -> memref<128x128xf32, #tpu.memory_space<hbm>>
    %dma_wait3A_382 = arith.constant 0 : i32
    %dma_wait3A_383 = tpu.memref_slice %arg4[%add3A_361, %dma_wait3A_382] : memref<204800x128xf32, #tpu.memory_space<hbm>> -> memref<128x128xf32, #tpu.memory_space<hbm>>
    %dma_wait3A_384 = arith.constant 0 : i32
    %dma_wait3A_385 = arith.constant 0 : i32
    %dma_wait3A_386 = tpu.memref_slice %arg9[%dma_wait3A_375, %dma_wait3A_384, %dma_wait3A_385] : memref<2x128x128xf32, #tpu.memory_space<vmem>> -> memref<1x128x128xf32, #tpu.memory_space<vmem>>
    %dma_wait3A_387 = tpu.memref_squeeze %dma_wait3A_386 : memref<1x128x128xf32, #tpu.memory_space<vmem>> -> memref<128x128xf32, #tpu.memory_space<vmem>>
    tpu.wait_dma2 semaphore(%arg12 : memref<!tpu.dma_semaphore, #tpu.memory_space<semaphore_mem>>) src(%dma_wait3A_387 : memref<128x128xf32, #tpu.memory_space<vmem>>) dst(%dma_wait3A_383 : memref<128x128xf32, #tpu.memory_space<hbm>>)
    %dma_start3A_388 = arith.constant 8 : i32
    %dma_start3A_389 = arith.constant 0 : i32
    %dma_start3A_390 = arith.constant 0 : i32
    %dma_start3A_391 = arith.constant 0 : i32
    %dma_start3A_392 = tpu.memref_slice %arg9[%dma_start3A_389, %dma_start3A_390, %dma_start3A_391] : memref<2x128x128xf32, #tpu.memory_space<vmem>> -> memref<1x128x128xf32, #tpu.memory_space<vmem>>
    %dma_start3A_393 = tpu.memref_squeeze %dma_start3A_392 : memref<1x128x128xf32, #tpu.memory_space<vmem>> -> memref<128x128xf32, #tpu.memory_space<vmem>>
    %dma_start3A_394 = arith.constant 0 : i32
    %dma_start3A_395 = tpu.memref_slice %arg7[%dma_start3A_388, %dma_start3A_394] : memref<50x128xi32, #tpu.memory_space<vmem>> -> memref<1x128xi32, #tpu.memory_space<vmem>>
    %dma_start3A_396 = tpu.memref_squeeze %dma_start3A_395 : memref<1x128xi32, #tpu.memory_space<vmem>> -> memref<128xi32, #tpu.memory_space<vmem>>
    %dma_start3A_397 = arith.constant 0 : i32
    %dma_start3A_398 = arith.constant 0 : i32
    %dma_start3A_399 = tpu.memref_slice %arg3[%dma_start3A_397, %dma_start3A_398] : memref<507904x128xf32, #tpu.memory_space<hbm>> -> memref<507904x128xf32, #tpu.memory_space<hbm>>
    tpu.enqueue_indirect_dma source(%dma_start3A_399 : memref<507904x128xf32, #tpu.memory_space<hbm>>) target(%dma_start3A_393 : memref<128x128xf32, #tpu.memory_space<vmem>>) offsets(%dma_start3A_396 : memref<128xi32, #tpu.memory_space<vmem>>) semaphore(%arg10 : memref<!tpu.dma_semaphore, #tpu.memory_space<semaphore_mem>>)
    %dma_wait3A_400 = arith.constant 7 : i32
    %dma_wait3A_401 = arith.constant 1 : i32
    %dma_wait3A_402 = arith.constant 0 : i32
    %dma_wait3A_403 = arith.constant 0 : i32
    %dma_wait3A_404 = tpu.memref_slice %arg9[%dma_wait3A_401, %dma_wait3A_402, %dma_wait3A_403] : memref<2x128x128xf32, #tpu.memory_space<vmem>> -> memref<1x128x128xf32, #tpu.memory_space<vmem>>
    %dma_wait3A_405 = tpu.memref_squeeze %dma_wait3A_404 : memref<1x128x128xf32, #tpu.memory_space<vmem>> -> memref<128x128xf32, #tpu.memory_space<vmem>>
    %dma_wait3A_406 = arith.constant 0 : i32
    %dma_wait3A_407 = tpu.memref_slice %arg7[%dma_wait3A_400, %dma_wait3A_406] : memref<50x128xi32, #tpu.memory_space<vmem>> -> memref<1x128xi32, #tpu.memory_space<vmem>>
    %dma_wait3A_408 = tpu.memref_squeeze %dma_wait3A_407 : memref<1x128xi32, #tpu.memory_space<vmem>> -> memref<128xi32, #tpu.memory_space<vmem>>
    %dma_wait3A_409 = arith.constant 0 : i32
    %dma_wait3A_410 = arith.constant 0 : i32
    %dma_wait3A_411 = tpu.memref_slice %arg3[%dma_wait3A_409, %dma_wait3A_410] : memref<507904x128xf32, #tpu.memory_space<hbm>> -> memref<507904x128xf32, #tpu.memory_space<hbm>>
    tpu.wait_indirect_dma semaphore(%arg11 : memref<!tpu.dma_semaphore, #tpu.memory_space<semaphore_mem>>) src(%dma_wait3A_411 : memref<507904x128xf32, #tpu.memory_space<hbm>>) dst(%dma_wait3A_405 : memref<128x128xf32, #tpu.memory_space<vmem>>)
    %add3A_412 = arith.constant 28672 : i32
    %add3A_413 = arith.addi %add3A_412, %mul3A_2 : i32
    %dma_start3A_414 = arith.constant 1 : i32
    %dma_start3A_415 = arith.constant 0 : i32
    %dma_start3A_416 = arith.constant 0 : i32
    %dma_start3A_417 = tpu.memref_slice %arg9[%dma_start3A_414, %dma_start3A_415, %dma_start3A_416] : memref<2x128x128xf32, #tpu.memory_space<vmem>> -> memref<1x128x128xf32, #tpu.memory_space<vmem>>
    %dma_start3A_418 = tpu.memref_squeeze %dma_start3A_417 : memref<1x128x128xf32, #tpu.memory_space<vmem>> -> memref<128x128xf32, #tpu.memory_space<vmem>>
    %dma_start3A_419 = arith.constant 0 : i32
    %dma_start3A_420 = tpu.memref_slice %arg4[%add3A_413, %dma_start3A_419] : memref<204800x128xf32, #tpu.memory_space<hbm>> -> memref<128x128xf32, #tpu.memory_space<hbm>>
    %dma_start3A_421 = arith.constant 0 : i32
    %dma_start3A_422 = tpu.memref_slice %arg4[%add3A_413, %dma_start3A_421] : memref<204800x128xf32, #tpu.memory_space<hbm>> -> memref<128x128xf32, #tpu.memory_space<hbm>>
    %dma_start3A_423 = arith.constant 0 : i32
    %dma_start3A_424 = arith.constant 0 : i32
    %dma_start3A_425 = tpu.memref_slice %arg9[%dma_start3A_414, %dma_start3A_423, %dma_start3A_424] : memref<2x128x128xf32, #tpu.memory_space<vmem>> -> memref<1x128x128xf32, #tpu.memory_space<vmem>>
    %dma_start3A_426 = tpu.memref_squeeze %dma_start3A_425 : memref<1x128x128xf32, #tpu.memory_space<vmem>> -> memref<128x128xf32, #tpu.memory_space<vmem>>
    tpu.enqueue_dma source(%dma_start3A_426 : memref<128x128xf32, #tpu.memory_space<vmem>>) target(%dma_start3A_422 : memref<128x128xf32, #tpu.memory_space<hbm>>) target_semaphore(%arg13 : memref<!tpu.dma_semaphore, #tpu.memory_space<semaphore_mem>>)
    %dma_wait3A_427 = arith.constant 1 : i32
    %dma_wait3A_428 = arith.constant 0 : i32
    %dma_wait3A_429 = arith.constant 0 : i32
    %dma_wait3A_430 = tpu.memref_slice %arg9[%dma_wait3A_427, %dma_wait3A_428, %dma_wait3A_429] : memref<2x128x128xf32, #tpu.memory_space<vmem>> -> memref<1x128x128xf32, #tpu.memory_space<vmem>>
    %dma_wait3A_431 = tpu.memref_squeeze %dma_wait3A_430 : memref<1x128x128xf32, #tpu.memory_space<vmem>> -> memref<128x128xf32, #tpu.memory_space<vmem>>
    %dma_wait3A_432 = arith.constant 0 : i32
    %dma_wait3A_433 = tpu.memref_slice %arg4[%add3A_413, %dma_wait3A_432] : memref<204800x128xf32, #tpu.memory_space<hbm>> -> memref<128x128xf32, #tpu.memory_space<hbm>>
    %dma_wait3A_434 = arith.constant 0 : i32
    %dma_wait3A_435 = tpu.memref_slice %arg4[%add3A_413, %dma_wait3A_434] : memref<204800x128xf32, #tpu.memory_space<hbm>> -> memref<128x128xf32, #tpu.memory_space<hbm>>
    %dma_wait3A_436 = arith.constant 0 : i32
    %dma_wait3A_437 = arith.constant 0 : i32
    %dma_wait3A_438 = tpu.memref_slice %arg9[%dma_wait3A_427, %dma_wait3A_436, %dma_wait3A_437] : memref<2x128x128xf32, #tpu.memory_space<vmem>> -> memref<1x128x128xf32, #tpu.memory_space<vmem>>
    %dma_wait3A_439 = tpu.memref_squeeze %dma_wait3A_438 : memref<1x128x128xf32, #tpu.memory_space<vmem>> -> memref<128x128xf32, #tpu.memory_space<vmem>>
    tpu.wait_dma2 semaphore(%arg13 : memref<!tpu.dma_semaphore, #tpu.memory_space<semaphore_mem>>) src(%dma_wait3A_439 : memref<128x128xf32, #tpu.memory_space<vmem>>) dst(%dma_wait3A_435 : memref<128x128xf32, #tpu.memory_space<hbm>>)
    %dma_start3A_440 = arith.constant 9 : i32
    %dma_start3A_441 = arith.constant 1 : i32
    %dma_start3A_442 = arith.constant 0 : i32
    %dma_start3A_443 = arith.constant 0 : i32
    %dma_start3A_444 = tpu.memref_slice %arg9[%dma_start3A_441, %dma_start3A_442, %dma_start3A_443] : memref<2x128x128xf32, #tpu.memory_space<vmem>> -> memref<1x128x128xf32, #tpu.memory_space<vmem>>
    %dma_start3A_445 = tpu.memref_squeeze %dma_start3A_444 : memref<1x128x128xf32, #tpu.memory_space<vmem>> -> memref<128x128xf32, #tpu.memory_space<vmem>>
    %dma_start3A_446 = arith.constant 0 : i32
    %dma_start3A_447 = tpu.memref_slice %arg7[%dma_start3A_440, %dma_start3A_446] : memref<50x128xi32, #tpu.memory_space<vmem>> -> memref<1x128xi32, #tpu.memory_space<vmem>>
    %dma_start3A_448 = tpu.memref_squeeze %dma_start3A_447 : memref<1x128xi32, #tpu.memory_space<vmem>> -> memref<128xi32, #tpu.memory_space<vmem>>
    %dma_start3A_449 = arith.constant 0 : i32
    %dma_start3A_450 = arith.constant 0 : i32
    %dma_start3A_451 = tpu.memref_slice %arg3[%dma_start3A_449, %dma_start3A_450] : memref<507904x128xf32, #tpu.memory_space<hbm>> -> memref<507904x128xf32, #tpu.memory_space<hbm>>
    tpu.enqueue_indirect_dma source(%dma_start3A_451 : memref<507904x128xf32, #tpu.memory_space<hbm>>) target(%dma_start3A_445 : memref<128x128xf32, #tpu.memory_space<vmem>>) offsets(%dma_start3A_448 : memref<128xi32, #tpu.memory_space<vmem>>) semaphore(%arg11 : memref<!tpu.dma_semaphore, #tpu.memory_space<semaphore_mem>>)
    %dma_wait3A_452 = arith.constant 8 : i32
    %dma_wait3A_453 = arith.constant 0 : i32
    %dma_wait3A_454 = arith.constant 0 : i32
    %dma_wait3A_455 = arith.constant 0 : i32
    %dma_wait3A_456 = tpu.memref_slice %arg9[%dma_wait3A_453, %dma_wait3A_454, %dma_wait3A_455] : memref<2x128x128xf32, #tpu.memory_space<vmem>> -> memref<1x128x128xf32, #tpu.memory_space<vmem>>
    %dma_wait3A_457 = tpu.memref_squeeze %dma_wait3A_456 : memref<1x128x128xf32, #tpu.memory_space<vmem>> -> memref<128x128xf32, #tpu.memory_space<vmem>>
    %dma_wait3A_458 = arith.constant 0 : i32
    %dma_wait3A_459 = tpu.memref_slice %arg7[%dma_wait3A_452, %dma_wait3A_458] : memref<50x128xi32, #tpu.memory_space<vmem>> -> memref<1x128xi32, #tpu.memory_space<vmem>>
    %dma_wait3A_460 = tpu.memref_squeeze %dma_wait3A_459 : memref<1x128xi32, #tpu.memory_space<vmem>> -> memref<128xi32, #tpu.memory_space<vmem>>
    %dma_wait3A_461 = arith.constant 0 : i32
    %dma_wait3A_462 = arith.constant 0 : i32
    %dma_wait3A_463 = tpu.memref_slice %arg3[%dma_wait3A_461, %dma_wait3A_462] : memref<507904x128xf32, #tpu.memory_space<hbm>> -> memref<507904x128xf32, #tpu.memory_space<hbm>>
    tpu.wait_indirect_dma semaphore(%arg10 : memref<!tpu.dma_semaphore, #tpu.memory_space<semaphore_mem>>) src(%dma_wait3A_463 : memref<507904x128xf32, #tpu.memory_space<hbm>>) dst(%dma_wait3A_457 : memref<128x128xf32, #tpu.memory_space<vmem>>)
    %add3A_464 = arith.constant 32768 : i32
    %add3A_465 = arith.addi %add3A_464, %mul3A_2 : i32
    %dma_start3A_466 = arith.constant 0 : i32
    %dma_start3A_467 = arith.constant 0 : i32
    %dma_start3A_468 = arith.constant 0 : i32
    %dma_start3A_469 = tpu.memref_slice %arg9[%dma_start3A_466, %dma_start3A_467, %dma_start3A_468] : memref<2x128x128xf32, #tpu.memory_space<vmem>> -> memref<1x128x128xf32, #tpu.memory_space<vmem>>
    %dma_start3A_470 = tpu.memref_squeeze %dma_start3A_469 : memref<1x128x128xf32, #tpu.memory_space<vmem>> -> memref<128x128xf32, #tpu.memory_space<vmem>>
    %dma_start3A_471 = arith.constant 0 : i32
    %dma_start3A_472 = tpu.memref_slice %arg4[%add3A_465, %dma_start3A_471] : memref<204800x128xf32, #tpu.memory_space<hbm>> -> memref<128x128xf32, #tpu.memory_space<hbm>>
    %dma_start3A_473 = arith.constant 0 : i32
    %dma_start3A_474 = tpu.memref_slice %arg4[%add3A_465, %dma_start3A_473] : memref<204800x128xf32, #tpu.memory_space<hbm>> -> memref<128x128xf32, #tpu.memory_space<hbm>>
    %dma_start3A_475 = arith.constant 0 : i32
    %dma_start3A_476 = arith.constant 0 : i32
    %dma_start3A_477 = tpu.memref_slice %arg9[%dma_start3A_466, %dma_start3A_475, %dma_start3A_476] : memref<2x128x128xf32, #tpu.memory_space<vmem>> -> memref<1x128x128xf32, #tpu.memory_space<vmem>>
    %dma_start3A_478 = tpu.memref_squeeze %dma_start3A_477 : memref<1x128x128xf32, #tpu.memory_space<vmem>> -> memref<128x128xf32, #tpu.memory_space<vmem>>
    tpu.enqueue_dma source(%dma_start3A_478 : memref<128x128xf32, #tpu.memory_space<vmem>>) target(%dma_start3A_474 : memref<128x128xf32, #tpu.memory_space<hbm>>) target_semaphore(%arg12 : memref<!tpu.dma_semaphore, #tpu.memory_space<semaphore_mem>>)
    %dma_wait3A_479 = arith.constant 0 : i32
    %dma_wait3A_480 = arith.constant 0 : i32
    %dma_wait3A_481 = arith.constant 0 : i32
    %dma_wait3A_482 = tpu.memref_slice %arg9[%dma_wait3A_479, %dma_wait3A_480, %dma_wait3A_481] : memref<2x128x128xf32, #tpu.memory_space<vmem>> -> memref<1x128x128xf32, #tpu.memory_space<vmem>>
    %dma_wait3A_483 = tpu.memref_squeeze %dma_wait3A_482 : memref<1x128x128xf32, #tpu.memory_space<vmem>> -> memref<128x128xf32, #tpu.memory_space<vmem>>
    %dma_wait3A_484 = arith.constant 0 : i32
    %dma_wait3A_485 = tpu.memref_slice %arg4[%add3A_465, %dma_wait3A_484] : memref<204800x128xf32, #tpu.memory_space<hbm>> -> memref<128x128xf32, #tpu.memory_space<hbm>>
    %dma_wait3A_486 = arith.constant 0 : i32
    %dma_wait3A_487 = tpu.memref_slice %arg4[%add3A_465, %dma_wait3A_486] : memref<204800x128xf32, #tpu.memory_space<hbm>> -> memref<128x128xf32, #tpu.memory_space<hbm>>
    %dma_wait3A_488 = arith.constant 0 : i32
    %dma_wait3A_489 = arith.constant 0 : i32
    %dma_wait3A_490 = tpu.memref_slice %arg9[%dma_wait3A_479, %dma_wait3A_488, %dma_wait3A_489] : memref<2x128x128xf32, #tpu.memory_space<vmem>> -> memref<1x128x128xf32, #tpu.memory_space<vmem>>
    %dma_wait3A_491 = tpu.memref_squeeze %dma_wait3A_490 : memref<1x128x128xf32, #tpu.memory_space<vmem>> -> memref<128x128xf32, #tpu.memory_space<vmem>>
    tpu.wait_dma2 semaphore(%arg12 : memref<!tpu.dma_semaphore, #tpu.memory_space<semaphore_mem>>) src(%dma_wait3A_491 : memref<128x128xf32, #tpu.memory_space<vmem>>) dst(%dma_wait3A_487 : memref<128x128xf32, #tpu.memory_space<hbm>>)
    %dma_start3A_492 = arith.constant 10 : i32
    %dma_start3A_493 = arith.constant 0 : i32
    %dma_start3A_494 = arith.constant 0 : i32
    %dma_start3A_495 = arith.constant 0 : i32
    %dma_start3A_496 = tpu.memref_slice %arg9[%dma_start3A_493, %dma_start3A_494, %dma_start3A_495] : memref<2x128x128xf32, #tpu.memory_space<vmem>> -> memref<1x128x128xf32, #tpu.memory_space<vmem>>
    %dma_start3A_497 = tpu.memref_squeeze %dma_start3A_496 : memref<1x128x128xf32, #tpu.memory_space<vmem>> -> memref<128x128xf32, #tpu.memory_space<vmem>>
    %dma_start3A_498 = arith.constant 0 : i32
    %dma_start3A_499 = tpu.memref_slice %arg7[%dma_start3A_492, %dma_start3A_498] : memref<50x128xi32, #tpu.memory_space<vmem>> -> memref<1x128xi32, #tpu.memory_space<vmem>>
    %dma_start3A_500 = tpu.memref_squeeze %dma_start3A_499 : memref<1x128xi32, #tpu.memory_space<vmem>> -> memref<128xi32, #tpu.memory_space<vmem>>
    %dma_start3A_501 = arith.constant 0 : i32
    %dma_start3A_502 = arith.constant 0 : i32
    %dma_start3A_503 = tpu.memref_slice %arg3[%dma_start3A_501, %dma_start3A_502] : memref<507904x128xf32, #tpu.memory_space<hbm>> -> memref<507904x128xf32, #tpu.memory_space<hbm>>
    tpu.enqueue_indirect_dma source(%dma_start3A_503 : memref<507904x128xf32, #tpu.memory_space<hbm>>) target(%dma_start3A_497 : memref<128x128xf32, #tpu.memory_space<vmem>>) offsets(%dma_start3A_500 : memref<128xi32, #tpu.memory_space<vmem>>) semaphore(%arg10 : memref<!tpu.dma_semaphore, #tpu.memory_space<semaphore_mem>>)
    %dma_wait3A_504 = arith.constant 9 : i32
    %dma_wait3A_505 = arith.constant 1 : i32
    %dma_wait3A_506 = arith.constant 0 : i32
    %dma_wait3A_507 = arith.constant 0 : i32
    %dma_wait3A_508 = tpu.memref_slice %arg9[%dma_wait3A_505, %dma_wait3A_506, %dma_wait3A_507] : memref<2x128x128xf32, #tpu.memory_space<vmem>> -> memref<1x128x128xf32, #tpu.memory_space<vmem>>
    %dma_wait3A_509 = tpu.memref_squeeze %dma_wait3A_508 : memref<1x128x128xf32, #tpu.memory_space<vmem>> -> memref<128x128xf32, #tpu.memory_space<vmem>>
    %dma_wait3A_510 = arith.constant 0 : i32
    %dma_wait3A_511 = tpu.memref_slice %arg7[%dma_wait3A_504, %dma_wait3A_510] : memref<50x128xi32, #tpu.memory_space<vmem>> -> memref<1x128xi32, #tpu.memory_space<vmem>>
    %dma_wait3A_512 = tpu.memref_squeeze %dma_wait3A_511 : memref<1x128xi32, #tpu.memory_space<vmem>> -> memref<128xi32, #tpu.memory_space<vmem>>
    %dma_wait3A_513 = arith.constant 0 : i32
    %dma_wait3A_514 = arith.constant 0 : i32
    %dma_wait3A_515 = tpu.memref_slice %arg3[%dma_wait3A_513, %dma_wait3A_514] : memref<507904x128xf32, #tpu.memory_space<hbm>> -> memref<507904x128xf32, #tpu.memory_space<hbm>>
    tpu.wait_indirect_dma semaphore(%arg11 : memref<!tpu.dma_semaphore, #tpu.memory_space<semaphore_mem>>) src(%dma_wait3A_515 : memref<507904x128xf32, #tpu.memory_space<hbm>>) dst(%dma_wait3A_509 : memref<128x128xf32, #tpu.memory_space<vmem>>)
    %add3A_516 = arith.constant 36864 : i32
    %add3A_517 = arith.addi %add3A_516, %mul3A_2 : i32
    %dma_start3A_518 = arith.constant 1 : i32
    %dma_start3A_519 = arith.constant 0 : i32
    %dma_start3A_520 = arith.constant 0 : i32
    %dma_start3A_521 = tpu.memref_slice %arg9[%dma_start3A_518, %dma_start3A_519, %dma_start3A_520] : memref<2x128x128xf32, #tpu.memory_space<vmem>> -> memref<1x128x128xf32, #tpu.memory_space<vmem>>
    %dma_start3A_522 = tpu.memref_squeeze %dma_start3A_521 : memref<1x128x128xf32, #tpu.memory_space<vmem>> -> memref<128x128xf32, #tpu.memory_space<vmem>>
    %dma_start3A_523 = arith.constant 0 : i32
    %dma_start3A_524 = tpu.memref_slice %arg4[%add3A_517, %dma_start3A_523] : memref<204800x128xf32, #tpu.memory_space<hbm>> -> memref<128x128xf32, #tpu.memory_space<hbm>>
    %dma_start3A_525 = arith.constant 0 : i32
    %dma_start3A_526 = tpu.memref_slice %arg4[%add3A_517, %dma_start3A_525] : memref<204800x128xf32, #tpu.memory_space<hbm>> -> memref<128x128xf32, #tpu.memory_space<hbm>>
    %dma_start3A_527 = arith.constant 0 : i32
    %dma_start3A_528 = arith.constant 0 : i32
    %dma_start3A_529 = tpu.memref_slice %arg9[%dma_start3A_518, %dma_start3A_527, %dma_start3A_528] : memref<2x128x128xf32, #tpu.memory_space<vmem>> -> memref<1x128x128xf32, #tpu.memory_space<vmem>>
    %dma_start3A_530 = tpu.memref_squeeze %dma_start3A_529 : memref<1x128x128xf32, #tpu.memory_space<vmem>> -> memref<128x128xf32, #tpu.memory_space<vmem>>
    tpu.enqueue_dma source(%dma_start3A_530 : memref<128x128xf32, #tpu.memory_space<vmem>>) target(%dma_start3A_526 : memref<128x128xf32, #tpu.memory_space<hbm>>) target_semaphore(%arg13 : memref<!tpu.dma_semaphore, #tpu.memory_space<semaphore_mem>>)
    %dma_wait3A_531 = arith.constant 1 : i32
    %dma_wait3A_532 = arith.constant 0 : i32
    %dma_wait3A_533 = arith.constant 0 : i32
    %dma_wait3A_534 = tpu.memref_slice %arg9[%dma_wait3A_531, %dma_wait3A_532, %dma_wait3A_533] : memref<2x128x128xf32, #tpu.memory_space<vmem>> -> memref<1x128x128xf32, #tpu.memory_space<vmem>>
    %dma_wait3A_535 = tpu.memref_squeeze %dma_wait3A_534 : memref<1x128x128xf32, #tpu.memory_space<vmem>> -> memref<128x128xf32, #tpu.memory_space<vmem>>
    %dma_wait3A_536 = arith.constant 0 : i32
    %dma_wait3A_537 = tpu.memref_slice %arg4[%add3A_517, %dma_wait3A_536] : memref<204800x128xf32, #tpu.memory_space<hbm>> -> memref<128x128xf32, #tpu.memory_space<hbm>>
    %dma_wait3A_538 = arith.constant 0 : i32
    %dma_wait3A_539 = tpu.memref_slice %arg4[%add3A_517, %dma_wait3A_538] : memref<204800x128xf32, #tpu.memory_space<hbm>> -> memref<128x128xf32, #tpu.memory_space<hbm>>
    %dma_wait3A_540 = arith.constant 0 : i32
    %dma_wait3A_541 = arith.constant 0 : i32
    %dma_wait3A_542 = tpu.memref_slice %arg9[%dma_wait3A_531, %dma_wait3A_540, %dma_wait3A_541] : memref<2x128x128xf32, #tpu.memory_space<vmem>> -> memref<1x128x128xf32, #tpu.memory_space<vmem>>
    %dma_wait3A_543 = tpu.memref_squeeze %dma_wait3A_542 : memref<1x128x128xf32, #tpu.memory_space<vmem>> -> memref<128x128xf32, #tpu.memory_space<vmem>>
    tpu.wait_dma2 semaphore(%arg13 : memref<!tpu.dma_semaphore, #tpu.memory_space<semaphore_mem>>) src(%dma_wait3A_543 : memref<128x128xf32, #tpu.memory_space<vmem>>) dst(%dma_wait3A_539 : memref<128x128xf32, #tpu.memory_space<hbm>>)
    %dma_start3A_544 = arith.constant 11 : i32
    %dma_start3A_545 = arith.constant 1 : i32
    %dma_start3A_546 = arith.constant 0 : i32
    %dma_start3A_547 = arith.constant 0 : i32
    %dma_start3A_548 = tpu.memref_slice %arg9[%dma_start3A_545, %dma_start3A_546, %dma_start3A_547] : memref<2x128x128xf32, #tpu.memory_space<vmem>> -> memref<1x128x128xf32, #tpu.memory_space<vmem>>
    %dma_start3A_549 = tpu.memref_squeeze %dma_start3A_548 : memref<1x128x128xf32, #tpu.memory_space<vmem>> -> memref<128x128xf32, #tpu.memory_space<vmem>>
    %dma_start3A_550 = arith.constant 0 : i32
    %dma_start3A_551 = tpu.memref_slice %arg7[%dma_start3A_544, %dma_start3A_550] : memref<50x128xi32, #tpu.memory_space<vmem>> -> memref<1x128xi32, #tpu.memory_space<vmem>>
    %dma_start3A_552 = tpu.memref_squeeze %dma_start3A_551 : memref<1x128xi32, #tpu.memory_space<vmem>> -> memref<128xi32, #tpu.memory_space<vmem>>
    %dma_start3A_553 = arith.constant 0 : i32
    %dma_start3A_554 = arith.constant 0 : i32
    %dma_start3A_555 = tpu.memref_slice %arg3[%dma_start3A_553, %dma_start3A_554] : memref<507904x128xf32, #tpu.memory_space<hbm>> -> memref<507904x128xf32, #tpu.memory_space<hbm>>
    tpu.enqueue_indirect_dma source(%dma_start3A_555 : memref<507904x128xf32, #tpu.memory_space<hbm>>) target(%dma_start3A_549 : memref<128x128xf32, #tpu.memory_space<vmem>>) offsets(%dma_start3A_552 : memref<128xi32, #tpu.memory_space<vmem>>) semaphore(%arg11 : memref<!tpu.dma_semaphore, #tpu.memory_space<semaphore_mem>>)
    %dma_wait3A_556 = arith.constant 10 : i32
    %dma_wait3A_557 = arith.constant 0 : i32
    %dma_wait3A_558 = arith.constant 0 : i32
    %dma_wait3A_559 = arith.constant 0 : i32
    %dma_wait3A_560 = tpu.memref_slice %arg9[%dma_wait3A_557, %dma_wait3A_558, %dma_wait3A_559] : memref<2x128x128xf32, #tpu.memory_space<vmem>> -> memref<1x128x128xf32, #tpu.memory_space<vmem>>
    %dma_wait3A_561 = tpu.memref_squeeze %dma_wait3A_560 : memref<1x128x128xf32, #tpu.memory_space<vmem>> -> memref<128x128xf32, #tpu.memory_space<vmem>>
    %dma_wait3A_562 = arith.constant 0 : i32
    %dma_wait3A_563 = tpu.memref_slice %arg7[%dma_wait3A_556, %dma_wait3A_562] : memref<50x128xi32, #tpu.memory_space<vmem>> -> memref<1x128xi32, #tpu.memory_space<vmem>>
    %dma_wait3A_564 = tpu.memref_squeeze %dma_wait3A_563 : memref<1x128xi32, #tpu.memory_space<vmem>> -> memref<128xi32, #tpu.memory_space<vmem>>
    %dma_wait3A_565 = arith.constant 0 : i32
    %dma_wait3A_566 = arith.constant 0 : i32
    %dma_wait3A_567 = tpu.memref_slice %arg3[%dma_wait3A_565, %dma_wait3A_566] : memref<507904x128xf32, #tpu.memory_space<hbm>> -> memref<507904x128xf32, #tpu.memory_space<hbm>>
    tpu.wait_indirect_dma semaphore(%arg10 : memref<!tpu.dma_semaphore, #tpu.memory_space<semaphore_mem>>) src(%dma_wait3A_567 : memref<507904x128xf32, #tpu.memory_space<hbm>>) dst(%dma_wait3A_561 : memref<128x128xf32, #tpu.memory_space<vmem>>)
    %add3A_568 = arith.constant 40960 : i32
    %add3A_569 = arith.addi %add3A_568, %mul3A_2 : i32
    %dma_start3A_570 = arith.constant 0 : i32
    %dma_start3A_571 = arith.constant 0 : i32
    %dma_start3A_572 = arith.constant 0 : i32
    %dma_start3A_573 = tpu.memref_slice %arg9[%dma_start3A_570, %dma_start3A_571, %dma_start3A_572] : memref<2x128x128xf32, #tpu.memory_space<vmem>> -> memref<1x128x128xf32, #tpu.memory_space<vmem>>
    %dma_start3A_574 = tpu.memref_squeeze %dma_start3A_573 : memref<1x128x128xf32, #tpu.memory_space<vmem>> -> memref<128x128xf32, #tpu.memory_space<vmem>>
    %dma_start3A_575 = arith.constant 0 : i32
    %dma_start3A_576 = tpu.memref_slice %arg4[%add3A_569, %dma_start3A_575] : memref<204800x128xf32, #tpu.memory_space<hbm>> -> memref<128x128xf32, #tpu.memory_space<hbm>>
    %dma_start3A_577 = arith.constant 0 : i32
    %dma_start3A_578 = tpu.memref_slice %arg4[%add3A_569, %dma_start3A_577] : memref<204800x128xf32, #tpu.memory_space<hbm>> -> memref<128x128xf32, #tpu.memory_space<hbm>>
    %dma_start3A_579 = arith.constant 0 : i32
    %dma_start3A_580 = arith.constant 0 : i32
    %dma_start3A_581 = tpu.memref_slice %arg9[%dma_start3A_570, %dma_start3A_579, %dma_start3A_580] : memref<2x128x128xf32, #tpu.memory_space<vmem>> -> memref<1x128x128xf32, #tpu.memory_space<vmem>>
    %dma_start3A_582 = tpu.memref_squeeze %dma_start3A_581 : memref<1x128x128xf32, #tpu.memory_space<vmem>> -> memref<128x128xf32, #tpu.memory_space<vmem>>
    tpu.enqueue_dma source(%dma_start3A_582 : memref<128x128xf32, #tpu.memory_space<vmem>>) target(%dma_start3A_578 : memref<128x128xf32, #tpu.memory_space<hbm>>) target_semaphore(%arg12 : memref<!tpu.dma_semaphore, #tpu.memory_space<semaphore_mem>>)
    %dma_wait3A_583 = arith.constant 0 : i32
    %dma_wait3A_584 = arith.constant 0 : i32
    %dma_wait3A_585 = arith.constant 0 : i32
    %dma_wait3A_586 = tpu.memref_slice %arg9[%dma_wait3A_583, %dma_wait3A_584, %dma_wait3A_585] : memref<2x128x128xf32, #tpu.memory_space<vmem>> -> memref<1x128x128xf32, #tpu.memory_space<vmem>>
    %dma_wait3A_587 = tpu.memref_squeeze %dma_wait3A_586 : memref<1x128x128xf32, #tpu.memory_space<vmem>> -> memref<128x128xf32, #tpu.memory_space<vmem>>
    %dma_wait3A_588 = arith.constant 0 : i32
    %dma_wait3A_589 = tpu.memref_slice %arg4[%add3A_569, %dma_wait3A_588] : memref<204800x128xf32, #tpu.memory_space<hbm>> -> memref<128x128xf32, #tpu.memory_space<hbm>>
    %dma_wait3A_590 = arith.constant 0 : i32
    %dma_wait3A_591 = tpu.memref_slice %arg4[%add3A_569, %dma_wait3A_590] : memref<204800x128xf32, #tpu.memory_space<hbm>> -> memref<128x128xf32, #tpu.memory_space<hbm>>
    %dma_wait3A_592 = arith.constant 0 : i32
    %dma_wait3A_593 = arith.constant 0 : i32
    %dma_wait3A_594 = tpu.memref_slice %arg9[%dma_wait3A_583, %dma_wait3A_592, %dma_wait3A_593] : memref<2x128x128xf32, #tpu.memory_space<vmem>> -> memref<1x128x128xf32, #tpu.memory_space<vmem>>
    %dma_wait3A_595 = tpu.memref_squeeze %dma_wait3A_594 : memref<1x128x128xf32, #tpu.memory_space<vmem>> -> memref<128x128xf32, #tpu.memory_space<vmem>>
    tpu.wait_dma2 semaphore(%arg12 : memref<!tpu.dma_semaphore, #tpu.memory_space<semaphore_mem>>) src(%dma_wait3A_595 : memref<128x128xf32, #tpu.memory_space<vmem>>) dst(%dma_wait3A_591 : memref<128x128xf32, #tpu.memory_space<hbm>>)
    %dma_start3A_596 = arith.constant 12 : i32
    %dma_start3A_597 = arith.constant 0 : i32
    %dma_start3A_598 = arith.constant 0 : i32
    %dma_start3A_599 = arith.constant 0 : i32
    %dma_start3A_600 = tpu.memref_slice %arg9[%dma_start3A_597, %dma_start3A_598, %dma_start3A_599] : memref<2x128x128xf32, #tpu.memory_space<vmem>> -> memref<1x128x128xf32, #tpu.memory_space<vmem>>
    %dma_start3A_601 = tpu.memref_squeeze %dma_start3A_600 : memref<1x128x128xf32, #tpu.memory_space<vmem>> -> memref<128x128xf32, #tpu.memory_space<vmem>>
    %dma_start3A_602 = arith.constant 0 : i32
    %dma_start3A_603 = tpu.memref_slice %arg7[%dma_start3A_596, %dma_start3A_602] : memref<50x128xi32, #tpu.memory_space<vmem>> -> memref<1x128xi32, #tpu.memory_space<vmem>>
    %dma_start3A_604 = tpu.memref_squeeze %dma_start3A_603 : memref<1x128xi32, #tpu.memory_space<vmem>> -> memref<128xi32, #tpu.memory_space<vmem>>
    %dma_start3A_605 = arith.constant 0 : i32
    %dma_start3A_606 = arith.constant 0 : i32
    %dma_start3A_607 = tpu.memref_slice %arg3[%dma_start3A_605, %dma_start3A_606] : memref<507904x128xf32, #tpu.memory_space<hbm>> -> memref<507904x128xf32, #tpu.memory_space<hbm>>
    tpu.enqueue_indirect_dma source(%dma_start3A_607 : memref<507904x128xf32, #tpu.memory_space<hbm>>) target(%dma_start3A_601 : memref<128x128xf32, #tpu.memory_space<vmem>>) offsets(%dma_start3A_604 : memref<128xi32, #tpu.memory_space<vmem>>) semaphore(%arg10 : memref<!tpu.dma_semaphore, #tpu.memory_space<semaphore_mem>>)
    %dma_wait3A_608 = arith.constant 11 : i32
    %dma_wait3A_609 = arith.constant 1 : i32
    %dma_wait3A_610 = arith.constant 0 : i32
    %dma_wait3A_611 = arith.constant 0 : i32
    %dma_wait3A_612 = tpu.memref_slice %arg9[%dma_wait3A_609, %dma_wait3A_610, %dma_wait3A_611] : memref<2x128x128xf32, #tpu.memory_space<vmem>> -> memref<1x128x128xf32, #tpu.memory_space<vmem>>
    %dma_wait3A_613 = tpu.memref_squeeze %dma_wait3A_612 : memref<1x128x128xf32, #tpu.memory_space<vmem>> -> memref<128x128xf32, #tpu.memory_space<vmem>>
    %dma_wait3A_614 = arith.constant 0 : i32
    %dma_wait3A_615 = tpu.memref_slice %arg7[%dma_wait3A_608, %dma_wait3A_614] : memref<50x128xi32, #tpu.memory_space<vmem>> -> memref<1x128xi32, #tpu.memory_space<vmem>>
    %dma_wait3A_616 = tpu.memref_squeeze %dma_wait3A_615 : memref<1x128xi32, #tpu.memory_space<vmem>> -> memref<128xi32, #tpu.memory_space<vmem>>
    %dma_wait3A_617 = arith.constant 0 : i32
    %dma_wait3A_618 = arith.constant 0 : i32
    %dma_wait3A_619 = tpu.memref_slice %arg3[%dma_wait3A_617, %dma_wait3A_618] : memref<507904x128xf32, #tpu.memory_space<hbm>> -> memref<507904x128xf32, #tpu.memory_space<hbm>>
    tpu.wait_indirect_dma semaphore(%arg11 : memref<!tpu.dma_semaphore, #tpu.memory_space<semaphore_mem>>) src(%dma_wait3A_619 : memref<507904x128xf32, #tpu.memory_space<hbm>>) dst(%dma_wait3A_613 : memref<128x128xf32, #tpu.memory_space<vmem>>)
    %add3A_620 = arith.constant 45056 : i32
    %add3A_621 = arith.addi %add3A_620, %mul3A_2 : i32
    %dma_start3A_622 = arith.constant 1 : i32
    %dma_start3A_623 = arith.constant 0 : i32
    %dma_start3A_624 = arith.constant 0 : i32
    %dma_start3A_625 = tpu.memref_slice %arg9[%dma_start3A_622, %dma_start3A_623, %dma_start3A_624] : memref<2x128x128xf32, #tpu.memory_space<vmem>> -> memref<1x128x128xf32, #tpu.memory_space<vmem>>
    %dma_start3A_626 = tpu.memref_squeeze %dma_start3A_625 : memref<1x128x128xf32, #tpu.memory_space<vmem>> -> memref<128x128xf32, #tpu.memory_space<vmem>>
    %dma_start3A_627 = arith.constant 0 : i32
    %dma_start3A_628 = tpu.memref_slice %arg4[%add3A_621, %dma_start3A_627] : memref<204800x128xf32, #tpu.memory_space<hbm>> -> memref<128x128xf32, #tpu.memory_space<hbm>>
    %dma_start3A_629 = arith.constant 0 : i32
    %dma_start3A_630 = tpu.memref_slice %arg4[%add3A_621, %dma_start3A_629] : memref<204800x128xf32, #tpu.memory_space<hbm>> -> memref<128x128xf32, #tpu.memory_space<hbm>>
    %dma_start3A_631 = arith.constant 0 : i32
    %dma_start3A_632 = arith.constant 0 : i32
    %dma_start3A_633 = tpu.memref_slice %arg9[%dma_start3A_622, %dma_start3A_631, %dma_start3A_632] : memref<2x128x128xf32, #tpu.memory_space<vmem>> -> memref<1x128x128xf32, #tpu.memory_space<vmem>>
    %dma_start3A_634 = tpu.memref_squeeze %dma_start3A_633 : memref<1x128x128xf32, #tpu.memory_space<vmem>> -> memref<128x128xf32, #tpu.memory_space<vmem>>
    tpu.enqueue_dma source(%dma_start3A_634 : memref<128x128xf32, #tpu.memory_space<vmem>>) target(%dma_start3A_630 : memref<128x128xf32, #tpu.memory_space<hbm>>) target_semaphore(%arg13 : memref<!tpu.dma_semaphore, #tpu.memory_space<semaphore_mem>>)
    %dma_wait3A_635 = arith.constant 1 : i32
    %dma_wait3A_636 = arith.constant 0 : i32
    %dma_wait3A_637 = arith.constant 0 : i32
    %dma_wait3A_638 = tpu.memref_slice %arg9[%dma_wait3A_635, %dma_wait3A_636, %dma_wait3A_637] : memref<2x128x128xf32, #tpu.memory_space<vmem>> -> memref<1x128x128xf32, #tpu.memory_space<vmem>>
    %dma_wait3A_639 = tpu.memref_squeeze %dma_wait3A_638 : memref<1x128x128xf32, #tpu.memory_space<vmem>> -> memref<128x128xf32, #tpu.memory_space<vmem>>
    %dma_wait3A_640 = arith.constant 0 : i32
    %dma_wait3A_641 = tpu.memref_slice %arg4[%add3A_621, %dma_wait3A_640] : memref<204800x128xf32, #tpu.memory_space<hbm>> -> memref<128x128xf32, #tpu.memory_space<hbm>>
    %dma_wait3A_642 = arith.constant 0 : i32
    %dma_wait3A_643 = tpu.memref_slice %arg4[%add3A_621, %dma_wait3A_642] : memref<204800x128xf32, #tpu.memory_space<hbm>> -> memref<128x128xf32, #tpu.memory_space<hbm>>
    %dma_wait3A_644 = arith.constant 0 : i32
    %dma_wait3A_645 = arith.constant 0 : i32
    %dma_wait3A_646 = tpu.memref_slice %arg9[%dma_wait3A_635, %dma_wait3A_644, %dma_wait3A_645] : memref<2x128x128xf32, #tpu.memory_space<vmem>> -> memref<1x128x128xf32, #tpu.memory_space<vmem>>
    %dma_wait3A_647 = tpu.memref_squeeze %dma_wait3A_646 : memref<1x128x128xf32, #tpu.memory_space<vmem>> -> memref<128x128xf32, #tpu.memory_space<vmem>>
    tpu.wait_dma2 semaphore(%arg13 : memref<!tpu.dma_semaphore, #tpu.memory_space<semaphore_mem>>) src(%dma_wait3A_647 : memref<128x128xf32, #tpu.memory_space<vmem>>) dst(%dma_wait3A_643 : memref<128x128xf32, #tpu.memory_space<hbm>>)
    %dma_start3A_648 = arith.constant 13 : i32
    %dma_start3A_649 = arith.constant 1 : i32
    %dma_start3A_650 = arith.constant 0 : i32
    %dma_start3A_651 = arith.constant 0 : i32
    %dma_start3A_652 = tpu.memref_slice %arg9[%dma_start3A_649, %dma_start3A_650, %dma_start3A_651] : memref<2x128x128xf32, #tpu.memory_space<vmem>> -> memref<1x128x128xf32, #tpu.memory_space<vmem>>
    %dma_start3A_653 = tpu.memref_squeeze %dma_start3A_652 : memref<1x128x128xf32, #tpu.memory_space<vmem>> -> memref<128x128xf32, #tpu.memory_space<vmem>>
    %dma_start3A_654 = arith.constant 0 : i32
    %dma_start3A_655 = tpu.memref_slice %arg7[%dma_start3A_648, %dma_start3A_654] : memref<50x128xi32, #tpu.memory_space<vmem>> -> memref<1x128xi32, #tpu.memory_space<vmem>>
    %dma_start3A_656 = tpu.memref_squeeze %dma_start3A_655 : memref<1x128xi32, #tpu.memory_space<vmem>> -> memref<128xi32, #tpu.memory_space<vmem>>
    %dma_start3A_657 = arith.constant 0 : i32
    %dma_start3A_658 = arith.constant 0 : i32
    %dma_start3A_659 = tpu.memref_slice %arg3[%dma_start3A_657, %dma_start3A_658] : memref<507904x128xf32, #tpu.memory_space<hbm>> -> memref<507904x128xf32, #tpu.memory_space<hbm>>
    tpu.enqueue_indirect_dma source(%dma_start3A_659 : memref<507904x128xf32, #tpu.memory_space<hbm>>) target(%dma_start3A_653 : memref<128x128xf32, #tpu.memory_space<vmem>>) offsets(%dma_start3A_656 : memref<128xi32, #tpu.memory_space<vmem>>) semaphore(%arg11 : memref<!tpu.dma_semaphore, #tpu.memory_space<semaphore_mem>>)
    %dma_wait3A_660 = arith.constant 12 : i32
    %dma_wait3A_661 = arith.constant 0 : i32
    %dma_wait3A_662 = arith.constant 0 : i32
    %dma_wait3A_663 = arith.constant 0 : i32
    %dma_wait3A_664 = tpu.memref_slice %arg9[%dma_wait3A_661, %dma_wait3A_662, %dma_wait3A_663] : memref<2x128x128xf32, #tpu.memory_space<vmem>> -> memref<1x128x128xf32, #tpu.memory_space<vmem>>
    %dma_wait3A_665 = tpu.memref_squeeze %dma_wait3A_664 : memref<1x128x128xf32, #tpu.memory_space<vmem>> -> memref<128x128xf32, #tpu.memory_space<vmem>>
    %dma_wait3A_666 = arith.constant 0 : i32
    %dma_wait3A_667 = tpu.memref_slice %arg7[%dma_wait3A_660, %dma_wait3A_666] : memref<50x128xi32, #tpu.memory_space<vmem>> -> memref<1x128xi32, #tpu.memory_space<vmem>>
    %dma_wait3A_668 = tpu.memref_squeeze %dma_wait3A_667 : memref<1x128xi32, #tpu.memory_space<vmem>> -> memref<128xi32, #tpu.memory_space<vmem>>
    %dma_wait3A_669 = arith.constant 0 : i32
    %dma_wait3A_670 = arith.constant 0 : i32
    %dma_wait3A_671 = tpu.memref_slice %arg3[%dma_wait3A_669, %dma_wait3A_670] : memref<507904x128xf32, #tpu.memory_space<hbm>> -> memref<507904x128xf32, #tpu.memory_space<hbm>>
    tpu.wait_indirect_dma semaphore(%arg10 : memref<!tpu.dma_semaphore, #tpu.memory_space<semaphore_mem>>) src(%dma_wait3A_671 : memref<507904x128xf32, #tpu.memory_space<hbm>>) dst(%dma_wait3A_665 : memref<128x128xf32, #tpu.memory_space<vmem>>)
    %add3A_672 = arith.constant 49152 : i32
    %add3A_673 = arith.addi %add3A_672, %mul3A_2 : i32
    %dma_start3A_674 = arith.constant 0 : i32
    %dma_start3A_675 = arith.constant 0 : i32
    %dma_start3A_676 = arith.constant 0 : i32
    %dma_start3A_677 = tpu.memref_slice %arg9[%dma_start3A_674, %dma_start3A_675, %dma_start3A_676] : memref<2x128x128xf32, #tpu.memory_space<vmem>> -> memref<1x128x128xf32, #tpu.memory_space<vmem>>
    %dma_start3A_678 = tpu.memref_squeeze %dma_start3A_677 : memref<1x128x128xf32, #tpu.memory_space<vmem>> -> memref<128x128xf32, #tpu.memory_space<vmem>>
    %dma_start3A_679 = arith.constant 0 : i32
    %dma_start3A_680 = tpu.memref_slice %arg4[%add3A_673, %dma_start3A_679] : memref<204800x128xf32, #tpu.memory_space<hbm>> -> memref<128x128xf32, #tpu.memory_space<hbm>>
    %dma_start3A_681 = arith.constant 0 : i32
    %dma_start3A_682 = tpu.memref_slice %arg4[%add3A_673, %dma_start3A_681] : memref<204800x128xf32, #tpu.memory_space<hbm>> -> memref<128x128xf32, #tpu.memory_space<hbm>>
    %dma_start3A_683 = arith.constant 0 : i32
    %dma_start3A_684 = arith.constant 0 : i32
    %dma_start3A_685 = tpu.memref_slice %arg9[%dma_start3A_674, %dma_start3A_683, %dma_start3A_684] : memref<2x128x128xf32, #tpu.memory_space<vmem>> -> memref<1x128x128xf32, #tpu.memory_space<vmem>>
    %dma_start3A_686 = tpu.memref_squeeze %dma_start3A_685 : memref<1x128x128xf32, #tpu.memory_space<vmem>> -> memref<128x128xf32, #tpu.memory_space<vmem>>
    tpu.enqueue_dma source(%dma_start3A_686 : memref<128x128xf32, #tpu.memory_space<vmem>>) target(%dma_start3A_682 : memref<128x128xf32, #tpu.memory_space<hbm>>) target_semaphore(%arg12 : memref<!tpu.dma_semaphore, #tpu.memory_space<semaphore_mem>>)
    %dma_wait3A_687 = arith.constant 0 : i32
    %dma_wait3A_688 = arith.constant 0 : i32
    %dma_wait3A_689 = arith.constant 0 : i32
    %dma_wait3A_690 = tpu.memref_slice %arg9[%dma_wait3A_687, %dma_wait3A_688, %dma_wait3A_689] : memref<2x128x128xf32, #tpu.memory_space<vmem>> -> memref<1x128x128xf32, #tpu.memory_space<vmem>>
    %dma_wait3A_691 = tpu.memref_squeeze %dma_wait3A_690 : memref<1x128x128xf32, #tpu.memory_space<vmem>> -> memref<128x128xf32, #tpu.memory_space<vmem>>
    %dma_wait3A_692 = arith.constant 0 : i32
    %dma_wait3A_693 = tpu.memref_slice %arg4[%add3A_673, %dma_wait3A_692] : memref<204800x128xf32, #tpu.memory_space<hbm>> -> memref<128x128xf32, #tpu.memory_space<hbm>>
    %dma_wait3A_694 = arith.constant 0 : i32
    %dma_wait3A_695 = tpu.memref_slice %arg4[%add3A_673, %dma_wait3A_694] : memref<204800x128xf32, #tpu.memory_space<hbm>> -> memref<128x128xf32, #tpu.memory_space<hbm>>
    %dma_wait3A_696 = arith.constant 0 : i32
    %dma_wait3A_697 = arith.constant 0 : i32
    %dma_wait3A_698 = tpu.memref_slice %arg9[%dma_wait3A_687, %dma_wait3A_696, %dma_wait3A_697] : memref<2x128x128xf32, #tpu.memory_space<vmem>> -> memref<1x128x128xf32, #tpu.memory_space<vmem>>
    %dma_wait3A_699 = tpu.memref_squeeze %dma_wait3A_698 : memref<1x128x128xf32, #tpu.memory_space<vmem>> -> memref<128x128xf32, #tpu.memory_space<vmem>>
    tpu.wait_dma2 semaphore(%arg12 : memref<!tpu.dma_semaphore, #tpu.memory_space<semaphore_mem>>) src(%dma_wait3A_699 : memref<128x128xf32, #tpu.memory_space<vmem>>) dst(%dma_wait3A_695 : memref<128x128xf32, #tpu.memory_space<hbm>>)
    %dma_start3A_700 = arith.constant 14 : i32
    %dma_start3A_701 = arith.constant 0 : i32
    %dma_start3A_702 = arith.constant 0 : i32
    %dma_start3A_703 = arith.constant 0 : i32
    %dma_start3A_704 = tpu.memref_slice %arg9[%dma_start3A_701, %dma_start3A_702, %dma_start3A_703] : memref<2x128x128xf32, #tpu.memory_space<vmem>> -> memref<1x128x128xf32, #tpu.memory_space<vmem>>
    %dma_start3A_705 = tpu.memref_squeeze %dma_start3A_704 : memref<1x128x128xf32, #tpu.memory_space<vmem>> -> memref<128x128xf32, #tpu.memory_space<vmem>>
    %dma_start3A_706 = arith.constant 0 : i32
    %dma_start3A_707 = tpu.memref_slice %arg7[%dma_start3A_700, %dma_start3A_706] : memref<50x128xi32, #tpu.memory_space<vmem>> -> memref<1x128xi32, #tpu.memory_space<vmem>>
    %dma_start3A_708 = tpu.memref_squeeze %dma_start3A_707 : memref<1x128xi32, #tpu.memory_space<vmem>> -> memref<128xi32, #tpu.memory_space<vmem>>
    %dma_start3A_709 = arith.constant 0 : i32
    %dma_start3A_710 = arith.constant 0 : i32
    %dma_start3A_711 = tpu.memref_slice %arg3[%dma_start3A_709, %dma_start3A_710] : memref<507904x128xf32, #tpu.memory_space<hbm>> -> memref<507904x128xf32, #tpu.memory_space<hbm>>
    tpu.enqueue_indirect_dma source(%dma_start3A_711 : memref<507904x128xf32, #tpu.memory_space<hbm>>) target(%dma_start3A_705 : memref<128x128xf32, #tpu.memory_space<vmem>>) offsets(%dma_start3A_708 : memref<128xi32, #tpu.memory_space<vmem>>) semaphore(%arg10 : memref<!tpu.dma_semaphore, #tpu.memory_space<semaphore_mem>>)
    %dma_wait3A_712 = arith.constant 13 : i32
    %dma_wait3A_713 = arith.constant 1 : i32
    %dma_wait3A_714 = arith.constant 0 : i32
    %dma_wait3A_715 = arith.constant 0 : i32
    %dma_wait3A_716 = tpu.memref_slice %arg9[%dma_wait3A_713, %dma_wait3A_714, %dma_wait3A_715] : memref<2x128x128xf32, #tpu.memory_space<vmem>> -> memref<1x128x128xf32, #tpu.memory_space<vmem>>
    %dma_wait3A_717 = tpu.memref_squeeze %dma_wait3A_716 : memref<1x128x128xf32, #tpu.memory_space<vmem>> -> memref<128x128xf32, #tpu.memory_space<vmem>>
    %dma_wait3A_718 = arith.constant 0 : i32
    %dma_wait3A_719 = tpu.memref_slice %arg7[%dma_wait3A_712, %dma_wait3A_718] : memref<50x128xi32, #tpu.memory_space<vmem>> -> memref<1x128xi32, #tpu.memory_space<vmem>>
    %dma_wait3A_720 = tpu.memref_squeeze %dma_wait3A_719 : memref<1x128xi32, #tpu.memory_space<vmem>> -> memref<128xi32, #tpu.memory_space<vmem>>
    %dma_wait3A_721 = arith.constant 0 : i32
    %dma_wait3A_722 = arith.constant 0 : i32
    %dma_wait3A_723 = tpu.memref_slice %arg3[%dma_wait3A_721, %dma_wait3A_722] : memref<507904x128xf32, #tpu.memory_space<hbm>> -> memref<507904x128xf32, #tpu.memory_space<hbm>>
    tpu.wait_indirect_dma semaphore(%arg11 : memref<!tpu.dma_semaphore, #tpu.memory_space<semaphore_mem>>) src(%dma_wait3A_723 : memref<507904x128xf32, #tpu.memory_space<hbm>>) dst(%dma_wait3A_717 : memref<128x128xf32, #tpu.memory_space<vmem>>)
    %add3A_724 = arith.constant 53248 : i32
    %add3A_725 = arith.addi %add3A_724, %mul3A_2 : i32
    %dma_start3A_726 = arith.constant 1 : i32
    %dma_start3A_727 = arith.constant 0 : i32
    %dma_start3A_728 = arith.constant 0 : i32
    %dma_start3A_729 = tpu.memref_slice %arg9[%dma_start3A_726, %dma_start3A_727, %dma_start3A_728] : memref<2x128x128xf32, #tpu.memory_space<vmem>> -> memref<1x128x128xf32, #tpu.memory_space<vmem>>
    %dma_start3A_730 = tpu.memref_squeeze %dma_start3A_729 : memref<1x128x128xf32, #tpu.memory_space<vmem>> -> memref<128x128xf32, #tpu.memory_space<vmem>>
    %dma_start3A_731 = arith.constant 0 : i32
    %dma_start3A_732 = tpu.memref_slice %arg4[%add3A_725, %dma_start3A_731] : memref<204800x128xf32, #tpu.memory_space<hbm>> -> memref<128x128xf32, #tpu.memory_space<hbm>>
    %dma_start3A_733 = arith.constant 0 : i32
    %dma_start3A_734 = tpu.memref_slice %arg4[%add3A_725, %dma_start3A_733] : memref<204800x128xf32, #tpu.memory_space<hbm>> -> memref<128x128xf32, #tpu.memory_space<hbm>>
    %dma_start3A_735 = arith.constant 0 : i32
    %dma_start3A_736 = arith.constant 0 : i32
    %dma_start3A_737 = tpu.memref_slice %arg9[%dma_start3A_726, %dma_start3A_735, %dma_start3A_736] : memref<2x128x128xf32, #tpu.memory_space<vmem>> -> memref<1x128x128xf32, #tpu.memory_space<vmem>>
    %dma_start3A_738 = tpu.memref_squeeze %dma_start3A_737 : memref<1x128x128xf32, #tpu.memory_space<vmem>> -> memref<128x128xf32, #tpu.memory_space<vmem>>
    tpu.enqueue_dma source(%dma_start3A_738 : memref<128x128xf32, #tpu.memory_space<vmem>>) target(%dma_start3A_734 : memref<128x128xf32, #tpu.memory_space<hbm>>) target_semaphore(%arg13 : memref<!tpu.dma_semaphore, #tpu.memory_space<semaphore_mem>>)
    %dma_wait3A_739 = arith.constant 1 : i32
    %dma_wait3A_740 = arith.constant 0 : i32
    %dma_wait3A_741 = arith.constant 0 : i32
    %dma_wait3A_742 = tpu.memref_slice %arg9[%dma_wait3A_739, %dma_wait3A_740, %dma_wait3A_741] : memref<2x128x128xf32, #tpu.memory_space<vmem>> -> memref<1x128x128xf32, #tpu.memory_space<vmem>>
    %dma_wait3A_743 = tpu.memref_squeeze %dma_wait3A_742 : memref<1x128x128xf32, #tpu.memory_space<vmem>> -> memref<128x128xf32, #tpu.memory_space<vmem>>
    %dma_wait3A_744 = arith.constant 0 : i32
    %dma_wait3A_745 = tpu.memref_slice %arg4[%add3A_725, %dma_wait3A_744] : memref<204800x128xf32, #tpu.memory_space<hbm>> -> memref<128x128xf32, #tpu.memory_space<hbm>>
    %dma_wait3A_746 = arith.constant 0 : i32
    %dma_wait3A_747 = tpu.memref_slice %arg4[%add3A_725, %dma_wait3A_746] : memref<204800x128xf32, #tpu.memory_space<hbm>> -> memref<128x128xf32, #tpu.memory_space<hbm>>
    %dma_wait3A_748 = arith.constant 0 : i32
    %dma_wait3A_749 = arith.constant 0 : i32
    %dma_wait3A_750 = tpu.memref_slice %arg9[%dma_wait3A_739, %dma_wait3A_748, %dma_wait3A_749] : memref<2x128x128xf32, #tpu.memory_space<vmem>> -> memref<1x128x128xf32, #tpu.memory_space<vmem>>
    %dma_wait3A_751 = tpu.memref_squeeze %dma_wait3A_750 : memref<1x128x128xf32, #tpu.memory_space<vmem>> -> memref<128x128xf32, #tpu.memory_space<vmem>>
    tpu.wait_dma2 semaphore(%arg13 : memref<!tpu.dma_semaphore, #tpu.memory_space<semaphore_mem>>) src(%dma_wait3A_751 : memref<128x128xf32, #tpu.memory_space<vmem>>) dst(%dma_wait3A_747 : memref<128x128xf32, #tpu.memory_space<hbm>>)
    %dma_start3A_752 = arith.constant 15 : i32
    %dma_start3A_753 = arith.constant 1 : i32
    %dma_start3A_754 = arith.constant 0 : i32
    %dma_start3A_755 = arith.constant 0 : i32
    %dma_start3A_756 = tpu.memref_slice %arg9[%dma_start3A_753, %dma_start3A_754, %dma_start3A_755] : memref<2x128x128xf32, #tpu.memory_space<vmem>> -> memref<1x128x128xf32, #tpu.memory_space<vmem>>
    %dma_start3A_757 = tpu.memref_squeeze %dma_start3A_756 : memref<1x128x128xf32, #tpu.memory_space<vmem>> -> memref<128x128xf32, #tpu.memory_space<vmem>>
    %dma_start3A_758 = arith.constant 0 : i32
    %dma_start3A_759 = tpu.memref_slice %arg7[%dma_start3A_752, %dma_start3A_758] : memref<50x128xi32, #tpu.memory_space<vmem>> -> memref<1x128xi32, #tpu.memory_space<vmem>>
    %dma_start3A_760 = tpu.memref_squeeze %dma_start3A_759 : memref<1x128xi32, #tpu.memory_space<vmem>> -> memref<128xi32, #tpu.memory_space<vmem>>
    %dma_start3A_761 = arith.constant 0 : i32
    %dma_start3A_762 = arith.constant 0 : i32
    %dma_start3A_763 = tpu.memref_slice %arg3[%dma_start3A_761, %dma_start3A_762] : memref<507904x128xf32, #tpu.memory_space<hbm>> -> memref<507904x128xf32, #tpu.memory_space<hbm>>
    tpu.enqueue_indirect_dma source(%dma_start3A_763 : memref<507904x128xf32, #tpu.memory_space<hbm>>) target(%dma_start3A_757 : memref<128x128xf32, #tpu.memory_space<vmem>>) offsets(%dma_start3A_760 : memref<128xi32, #tpu.memory_space<vmem>>) semaphore(%arg11 : memref<!tpu.dma_semaphore, #tpu.memory_space<semaphore_mem>>)
    %dma_wait3A_764 = arith.constant 14 : i32
    %dma_wait3A_765 = arith.constant 0 : i32
    %dma_wait3A_766 = arith.constant 0 : i32
    %dma_wait3A_767 = arith.constant 0 : i32
    %dma_wait3A_768 = tpu.memref_slice %arg9[%dma_wait3A_765, %dma_wait3A_766, %dma_wait3A_767] : memref<2x128x128xf32, #tpu.memory_space<vmem>> -> memref<1x128x128xf32, #tpu.memory_space<vmem>>
    %dma_wait3A_769 = tpu.memref_squeeze %dma_wait3A_768 : memref<1x128x128xf32, #tpu.memory_space<vmem>> -> memref<128x128xf32, #tpu.memory_space<vmem>>
    %dma_wait3A_770 = arith.constant 0 : i32
    %dma_wait3A_771 = tpu.memref_slice %arg7[%dma_wait3A_764, %dma_wait3A_770] : memref<50x128xi32, #tpu.memory_space<vmem>> -> memref<1x128xi32, #tpu.memory_space<vmem>>
    %dma_wait3A_772 = tpu.memref_squeeze %dma_wait3A_771 : memref<1x128xi32, #tpu.memory_space<vmem>> -> memref<128xi32, #tpu.memory_space<vmem>>
    %dma_wait3A_773 = arith.constant 0 : i32
    %dma_wait3A_774 = arith.constant 0 : i32
    %dma_wait3A_775 = tpu.memref_slice %arg3[%dma_wait3A_773, %dma_wait3A_774] : memref<507904x128xf32, #tpu.memory_space<hbm>> -> memref<507904x128xf32, #tpu.memory_space<hbm>>
    tpu.wait_indirect_dma semaphore(%arg10 : memref<!tpu.dma_semaphore, #tpu.memory_space<semaphore_mem>>) src(%dma_wait3A_775 : memref<507904x128xf32, #tpu.memory_space<hbm>>) dst(%dma_wait3A_769 : memref<128x128xf32, #tpu.memory_space<vmem>>)
    %add3A_776 = arith.constant 57344 : i32
    %add3A_777 = arith.addi %add3A_776, %mul3A_2 : i32
    %dma_start3A_778 = arith.constant 0 : i32
    %dma_start3A_779 = arith.constant 0 : i32
    %dma_start3A_780 = arith.constant 0 : i32
    %dma_start3A_781 = tpu.memref_slice %arg9[%dma_start3A_778, %dma_start3A_779, %dma_start3A_780] : memref<2x128x128xf32, #tpu.memory_space<vmem>> -> memref<1x128x128xf32, #tpu.memory_space<vmem>>
    %dma_start3A_782 = tpu.memref_squeeze %dma_start3A_781 : memref<1x128x128xf32, #tpu.memory_space<vmem>> -> memref<128x128xf32, #tpu.memory_space<vmem>>
    %dma_start3A_783 = arith.constant 0 : i32
    %dma_start3A_784 = tpu.memref_slice %arg4[%add3A_777, %dma_start3A_783] : memref<204800x128xf32, #tpu.memory_space<hbm>> -> memref<128x128xf32, #tpu.memory_space<hbm>>
    %dma_start3A_785 = arith.constant 0 : i32
    %dma_start3A_786 = tpu.memref_slice %arg4[%add3A_777, %dma_start3A_785] : memref<204800x128xf32, #tpu.memory_space<hbm>> -> memref<128x128xf32, #tpu.memory_space<hbm>>
    %dma_start3A_787 = arith.constant 0 : i32
    %dma_start3A_788 = arith.constant 0 : i32
    %dma_start3A_789 = tpu.memref_slice %arg9[%dma_start3A_778, %dma_start3A_787, %dma_start3A_788] : memref<2x128x128xf32, #tpu.memory_space<vmem>> -> memref<1x128x128xf32, #tpu.memory_space<vmem>>
    %dma_start3A_790 = tpu.memref_squeeze %dma_start3A_789 : memref<1x128x128xf32, #tpu.memory_space<vmem>> -> memref<128x128xf32, #tpu.memory_space<vmem>>
    tpu.enqueue_dma source(%dma_start3A_790 : memref<128x128xf32, #tpu.memory_space<vmem>>) target(%dma_start3A_786 : memref<128x128xf32, #tpu.memory_space<hbm>>) target_semaphore(%arg12 : memref<!tpu.dma_semaphore, #tpu.memory_space<semaphore_mem>>)
    %dma_wait3A_791 = arith.constant 0 : i32
    %dma_wait3A_792 = arith.constant 0 : i32
    %dma_wait3A_793 = arith.constant 0 : i32
    %dma_wait3A_794 = tpu.memref_slice %arg9[%dma_wait3A_791, %dma_wait3A_792, %dma_wait3A_793] : memref<2x128x128xf32, #tpu.memory_space<vmem>> -> memref<1x128x128xf32, #tpu.memory_space<vmem>>
    %dma_wait3A_795 = tpu.memref_squeeze %dma_wait3A_794 : memref<1x128x128xf32, #tpu.memory_space<vmem>> -> memref<128x128xf32, #tpu.memory_space<vmem>>
    %dma_wait3A_796 = arith.constant 0 : i32
    %dma_wait3A_797 = tpu.memref_slice %arg4[%add3A_777, %dma_wait3A_796] : memref<204800x128xf32, #tpu.memory_space<hbm>> -> memref<128x128xf32, #tpu.memory_space<hbm>>
    %dma_wait3A_798 = arith.constant 0 : i32
    %dma_wait3A_799 = tpu.memref_slice %arg4[%add3A_777, %dma_wait3A_798] : memref<204800x128xf32, #tpu.memory_space<hbm>> -> memref<128x128xf32, #tpu.memory_space<hbm>>
    %dma_wait3A_800 = arith.constant 0 : i32
    %dma_wait3A_801 = arith.constant 0 : i32
    %dma_wait3A_802 = tpu.memref_slice %arg9[%dma_wait3A_791, %dma_wait3A_800, %dma_wait3A_801] : memref<2x128x128xf32, #tpu.memory_space<vmem>> -> memref<1x128x128xf32, #tpu.memory_space<vmem>>
    %dma_wait3A_803 = tpu.memref_squeeze %dma_wait3A_802 : memref<1x128x128xf32, #tpu.memory_space<vmem>> -> memref<128x128xf32, #tpu.memory_space<vmem>>
    tpu.wait_dma2 semaphore(%arg12 : memref<!tpu.dma_semaphore, #tpu.memory_space<semaphore_mem>>) src(%dma_wait3A_803 : memref<128x128xf32, #tpu.memory_space<vmem>>) dst(%dma_wait3A_799 : memref<128x128xf32, #tpu.memory_space<hbm>>)
    %dma_start3A_804 = arith.constant 16 : i32
    %dma_start3A_805 = arith.constant 0 : i32
    %dma_start3A_806 = arith.constant 0 : i32
    %dma_start3A_807 = arith.constant 0 : i32
    %dma_start3A_808 = tpu.memref_slice %arg9[%dma_start3A_805, %dma_start3A_806, %dma_start3A_807] : memref<2x128x128xf32, #tpu.memory_space<vmem>> -> memref<1x128x128xf32, #tpu.memory_space<vmem>>
    %dma_start3A_809 = tpu.memref_squeeze %dma_start3A_808 : memref<1x128x128xf32, #tpu.memory_space<vmem>> -> memref<128x128xf32, #tpu.memory_space<vmem>>
    %dma_start3A_810 = arith.constant 0 : i32
    %dma_start3A_811 = tpu.memref_slice %arg7[%dma_start3A_804, %dma_start3A_810] : memref<50x128xi32, #tpu.memory_space<vmem>> -> memref<1x128xi32, #tpu.memory_space<vmem>>
    %dma_start3A_812 = tpu.memref_squeeze %dma_start3A_811 : memref<1x128xi32, #tpu.memory_space<vmem>> -> memref<128xi32, #tpu.memory_space<vmem>>
    %dma_start3A_813 = arith.constant 0 : i32
    %dma_start3A_814 = arith.constant 0 : i32
    %dma_start3A_815 = tpu.memref_slice %arg3[%dma_start3A_813, %dma_start3A_814] : memref<507904x128xf32, #tpu.memory_space<hbm>> -> memref<507904x128xf32, #tpu.memory_space<hbm>>
    tpu.enqueue_indirect_dma source(%dma_start3A_815 : memref<507904x128xf32, #tpu.memory_space<hbm>>) target(%dma_start3A_809 : memref<128x128xf32, #tpu.memory_space<vmem>>) offsets(%dma_start3A_812 : memref<128xi32, #tpu.memory_space<vmem>>) semaphore(%arg10 : memref<!tpu.dma_semaphore, #tpu.memory_space<semaphore_mem>>)
    %dma_wait3A_816 = arith.constant 15 : i32
    %dma_wait3A_817 = arith.constant 1 : i32
    %dma_wait3A_818 = arith.constant 0 : i32
    %dma_wait3A_819 = arith.constant 0 : i32
    %dma_wait3A_820 = tpu.memref_slice %arg9[%dma_wait3A_817, %dma_wait3A_818, %dma_wait3A_819] : memref<2x128x128xf32, #tpu.memory_space<vmem>> -> memref<1x128x128xf32, #tpu.memory_space<vmem>>
    %dma_wait3A_821 = tpu.memref_squeeze %dma_wait3A_820 : memref<1x128x128xf32, #tpu.memory_space<vmem>> -> memref<128x128xf32, #tpu.memory_space<vmem>>
    %dma_wait3A_822 = arith.constant 0 : i32
    %dma_wait3A_823 = tpu.memref_slice %arg7[%dma_wait3A_816, %dma_wait3A_822] : memref<50x128xi32, #tpu.memory_space<vmem>> -> memref<1x128xi32, #tpu.memory_space<vmem>>
    %dma_wait3A_824 = tpu.memref_squeeze %dma_wait3A_823 : memref<1x128xi32, #tpu.memory_space<vmem>> -> memref<128xi32, #tpu.memory_space<vmem>>
    %dma_wait3A_825 = arith.constant 0 : i32
    %dma_wait3A_826 = arith.constant 0 : i32
    %dma_wait3A_827 = tpu.memref_slice %arg3[%dma_wait3A_825, %dma_wait3A_826] : memref<507904x128xf32, #tpu.memory_space<hbm>> -> memref<507904x128xf32, #tpu.memory_space<hbm>>
    tpu.wait_indirect_dma semaphore(%arg11 : memref<!tpu.dma_semaphore, #tpu.memory_space<semaphore_mem>>) src(%dma_wait3A_827 : memref<507904x128xf32, #tpu.memory_space<hbm>>) dst(%dma_wait3A_821 : memref<128x128xf32, #tpu.memory_space<vmem>>)
    %add3A_828 = arith.constant 61440 : i32
    %add3A_829 = arith.addi %add3A_828, %mul3A_2 : i32
    %dma_start3A_830 = arith.constant 1 : i32
    %dma_start3A_831 = arith.constant 0 : i32
    %dma_start3A_832 = arith.constant 0 : i32
    %dma_start3A_833 = tpu.memref_slice %arg9[%dma_start3A_830, %dma_start3A_831, %dma_start3A_832] : memref<2x128x128xf32, #tpu.memory_space<vmem>> -> memref<1x128x128xf32, #tpu.memory_space<vmem>>
    %dma_start3A_834 = tpu.memref_squeeze %dma_start3A_833 : memref<1x128x128xf32, #tpu.memory_space<vmem>> -> memref<128x128xf32, #tpu.memory_space<vmem>>
    %dma_start3A_835 = arith.constant 0 : i32
    %dma_start3A_836 = tpu.memref_slice %arg4[%add3A_829, %dma_start3A_835] : memref<204800x128xf32, #tpu.memory_space<hbm>> -> memref<128x128xf32, #tpu.memory_space<hbm>>
    %dma_start3A_837 = arith.constant 0 : i32
    %dma_start3A_838 = tpu.memref_slice %arg4[%add3A_829, %dma_start3A_837] : memref<204800x128xf32, #tpu.memory_space<hbm>> -> memref<128x128xf32, #tpu.memory_space<hbm>>
    %dma_start3A_839 = arith.constant 0 : i32
    %dma_start3A_840 = arith.constant 0 : i32
    %dma_start3A_841 = tpu.memref_slice %arg9[%dma_start3A_830, %dma_start3A_839, %dma_start3A_840] : memref<2x128x128xf32, #tpu.memory_space<vmem>> -> memref<1x128x128xf32, #tpu.memory_space<vmem>>
    %dma_start3A_842 = tpu.memref_squeeze %dma_start3A_841 : memref<1x128x128xf32, #tpu.memory_space<vmem>> -> memref<128x128xf32, #tpu.memory_space<vmem>>
    tpu.enqueue_dma source(%dma_start3A_842 : memref<128x128xf32, #tpu.memory_space<vmem>>) target(%dma_start3A_838 : memref<128x128xf32, #tpu.memory_space<hbm>>) target_semaphore(%arg13 : memref<!tpu.dma_semaphore, #tpu.memory_space<semaphore_mem>>)
    %dma_wait3A_843 = arith.constant 1 : i32
    %dma_wait3A_844 = arith.constant 0 : i32
    %dma_wait3A_845 = arith.constant 0 : i32
    %dma_wait3A_846 = tpu.memref_slice %arg9[%dma_wait3A_843, %dma_wait3A_844, %dma_wait3A_845] : memref<2x128x128xf32, #tpu.memory_space<vmem>> -> memref<1x128x128xf32, #tpu.memory_space<vmem>>
    %dma_wait3A_847 = tpu.memref_squeeze %dma_wait3A_846 : memref<1x128x128xf32, #tpu.memory_space<vmem>> -> memref<128x128xf32, #tpu.memory_space<vmem>>
    %dma_wait3A_848 = arith.constant 0 : i32
    %dma_wait3A_849 = tpu.memref_slice %arg4[%add3A_829, %dma_wait3A_848] : memref<204800x128xf32, #tpu.memory_space<hbm>> -> memref<128x128xf32, #tpu.memory_space<hbm>>
    %dma_wait3A_850 = arith.constant 0 : i32
    %dma_wait3A_851 = tpu.memref_slice %arg4[%add3A_829, %dma_wait3A_850] : memref<204800x128xf32, #tpu.memory_space<hbm>> -> memref<128x128xf32, #tpu.memory_space<hbm>>
    %dma_wait3A_852 = arith.constant 0 : i32
    %dma_wait3A_853 = arith.constant 0 : i32
    %dma_wait3A_854 = tpu.memref_slice %arg9[%dma_wait3A_843, %dma_wait3A_852, %dma_wait3A_853] : memref<2x128x128xf32, #tpu.memory_space<vmem>> -> memref<1x128x128xf32, #tpu.memory_space<vmem>>
    %dma_wait3A_855 = tpu.memref_squeeze %dma_wait3A_854 : memref<1x128x128xf32, #tpu.memory_space<vmem>> -> memref<128x128xf32, #tpu.memory_space<vmem>>
    tpu.wait_dma2 semaphore(%arg13 : memref<!tpu.dma_semaphore, #tpu.memory_space<semaphore_mem>>) src(%dma_wait3A_855 : memref<128x128xf32, #tpu.memory_space<vmem>>) dst(%dma_wait3A_851 : memref<128x128xf32, #tpu.memory_space<hbm>>)
    %dma_start3A_856 = arith.constant 17 : i32
    %dma_start3A_857 = arith.constant 1 : i32
    %dma_start3A_858 = arith.constant 0 : i32
    %dma_start3A_859 = arith.constant 0 : i32
    %dma_start3A_860 = tpu.memref_slice %arg9[%dma_start3A_857, %dma_start3A_858, %dma_start3A_859] : memref<2x128x128xf32, #tpu.memory_space<vmem>> -> memref<1x128x128xf32, #tpu.memory_space<vmem>>
    %dma_start3A_861 = tpu.memref_squeeze %dma_start3A_860 : memref<1x128x128xf32, #tpu.memory_space<vmem>> -> memref<128x128xf32, #tpu.memory_space<vmem>>
    %dma_start3A_862 = arith.constant 0 : i32
    %dma_start3A_863 = tpu.memref_slice %arg7[%dma_start3A_856, %dma_start3A_862] : memref<50x128xi32, #tpu.memory_space<vmem>> -> memref<1x128xi32, #tpu.memory_space<vmem>>
    %dma_start3A_864 = tpu.memref_squeeze %dma_start3A_863 : memref<1x128xi32, #tpu.memory_space<vmem>> -> memref<128xi32, #tpu.memory_space<vmem>>
    %dma_start3A_865 = arith.constant 0 : i32
    %dma_start3A_866 = arith.constant 0 : i32
    %dma_start3A_867 = tpu.memref_slice %arg3[%dma_start3A_865, %dma_start3A_866] : memref<507904x128xf32, #tpu.memory_space<hbm>> -> memref<507904x128xf32, #tpu.memory_space<hbm>>
    tpu.enqueue_indirect_dma source(%dma_start3A_867 : memref<507904x128xf32, #tpu.memory_space<hbm>>) target(%dma_start3A_861 : memref<128x128xf32, #tpu.memory_space<vmem>>) offsets(%dma_start3A_864 : memref<128xi32, #tpu.memory_space<vmem>>) semaphore(%arg11 : memref<!tpu.dma_semaphore, #tpu.memory_space<semaphore_mem>>)
    %dma_wait3A_868 = arith.constant 16 : i32
    %dma_wait3A_869 = arith.constant 0 : i32
    %dma_wait3A_870 = arith.constant 0 : i32
    %dma_wait3A_871 = arith.constant 0 : i32
    %dma_wait3A_872 = tpu.memref_slice %arg9[%dma_wait3A_869, %dma_wait3A_870, %dma_wait3A_871] : memref<2x128x128xf32, #tpu.memory_space<vmem>> -> memref<1x128x128xf32, #tpu.memory_space<vmem>>
    %dma_wait3A_873 = tpu.memref_squeeze %dma_wait3A_872 : memref<1x128x128xf32, #tpu.memory_space<vmem>> -> memref<128x128xf32, #tpu.memory_space<vmem>>
    %dma_wait3A_874 = arith.constant 0 : i32
    %dma_wait3A_875 = tpu.memref_slice %arg7[%dma_wait3A_868, %dma_wait3A_874] : memref<50x128xi32, #tpu.memory_space<vmem>> -> memref<1x128xi32, #tpu.memory_space<vmem>>
    %dma_wait3A_876 = tpu.memref_squeeze %dma_wait3A_875 : memref<1x128xi32, #tpu.memory_space<vmem>> -> memref<128xi32, #tpu.memory_space<vmem>>
    %dma_wait3A_877 = arith.constant 0 : i32
    %dma_wait3A_878 = arith.constant 0 : i32
    %dma_wait3A_879 = tpu.memref_slice %arg3[%dma_wait3A_877, %dma_wait3A_878] : memref<507904x128xf32, #tpu.memory_space<hbm>> -> memref<507904x128xf32, #tpu.memory_space<hbm>>
    tpu.wait_indirect_dma semaphore(%arg10 : memref<!tpu.dma_semaphore, #tpu.memory_space<semaphore_mem>>) src(%dma_wait3A_879 : memref<507904x128xf32, #tpu.memory_space<hbm>>) dst(%dma_wait3A_873 : memref<128x128xf32, #tpu.memory_space<vmem>>)
    %add3A_880 = arith.constant 65536 : i32
    %add3A_881 = arith.addi %add3A_880, %mul3A_2 : i32
    %dma_start3A_882 = arith.constant 0 : i32
    %dma_start3A_883 = arith.constant 0 : i32
    %dma_start3A_884 = arith.constant 0 : i32
    %dma_start3A_885 = tpu.memref_slice %arg9[%dma_start3A_882, %dma_start3A_883, %dma_start3A_884] : memref<2x128x128xf32, #tpu.memory_space<vmem>> -> memref<1x128x128xf32, #tpu.memory_space<vmem>>
    %dma_start3A_886 = tpu.memref_squeeze %dma_start3A_885 : memref<1x128x128xf32, #tpu.memory_space<vmem>> -> memref<128x128xf32, #tpu.memory_space<vmem>>
    %dma_start3A_887 = arith.constant 0 : i32
    %dma_start3A_888 = tpu.memref_slice %arg4[%add3A_881, %dma_start3A_887] : memref<204800x128xf32, #tpu.memory_space<hbm>> -> memref<128x128xf32, #tpu.memory_space<hbm>>
    %dma_start3A_889 = arith.constant 0 : i32
    %dma_start3A_890 = tpu.memref_slice %arg4[%add3A_881, %dma_start3A_889] : memref<204800x128xf32, #tpu.memory_space<hbm>> -> memref<128x128xf32, #tpu.memory_space<hbm>>
    %dma_start3A_891 = arith.constant 0 : i32
    %dma_start3A_892 = arith.constant 0 : i32
    %dma_start3A_893 = tpu.memref_slice %arg9[%dma_start3A_882, %dma_start3A_891, %dma_start3A_892] : memref<2x128x128xf32, #tpu.memory_space<vmem>> -> memref<1x128x128xf32, #tpu.memory_space<vmem>>
    %dma_start3A_894 = tpu.memref_squeeze %dma_start3A_893 : memref<1x128x128xf32, #tpu.memory_space<vmem>> -> memref<128x128xf32, #tpu.memory_space<vmem>>
    tpu.enqueue_dma source(%dma_start3A_894 : memref<128x128xf32, #tpu.memory_space<vmem>>) target(%dma_start3A_890 : memref<128x128xf32, #tpu.memory_space<hbm>>) target_semaphore(%arg12 : memref<!tpu.dma_semaphore, #tpu.memory_space<semaphore_mem>>)
    %dma_wait3A_895 = arith.constant 0 : i32
    %dma_wait3A_896 = arith.constant 0 : i32
    %dma_wait3A_897 = arith.constant 0 : i32
    %dma_wait3A_898 = tpu.memref_slice %arg9[%dma_wait3A_895, %dma_wait3A_896, %dma_wait3A_897] : memref<2x128x128xf32, #tpu.memory_space<vmem>> -> memref<1x128x128xf32, #tpu.memory_space<vmem>>
    %dma_wait3A_899 = tpu.memref_squeeze %dma_wait3A_898 : memref<1x128x128xf32, #tpu.memory_space<vmem>> -> memref<128x128xf32, #tpu.memory_space<vmem>>
    %dma_wait3A_900 = arith.constant 0 : i32
    %dma_wait3A_901 = tpu.memref_slice %arg4[%add3A_881, %dma_wait3A_900] : memref<204800x128xf32, #tpu.memory_space<hbm>> -> memref<128x128xf32, #tpu.memory_space<hbm>>
    %dma_wait3A_902 = arith.constant 0 : i32
    %dma_wait3A_903 = tpu.memref_slice %arg4[%add3A_881, %dma_wait3A_902] : memref<204800x128xf32, #tpu.memory_space<hbm>> -> memref<128x128xf32, #tpu.memory_space<hbm>>
    %dma_wait3A_904 = arith.constant 0 : i32
    %dma_wait3A_905 = arith.constant 0 : i32
    %dma_wait3A_906 = tpu.memref_slice %arg9[%dma_wait3A_895, %dma_wait3A_904, %dma_wait3A_905] : memref<2x128x128xf32, #tpu.memory_space<vmem>> -> memref<1x128x128xf32, #tpu.memory_space<vmem>>
    %dma_wait3A_907 = tpu.memref_squeeze %dma_wait3A_906 : memref<1x128x128xf32, #tpu.memory_space<vmem>> -> memref<128x128xf32, #tpu.memory_space<vmem>>
    tpu.wait_dma2 semaphore(%arg12 : memref<!tpu.dma_semaphore, #tpu.memory_space<semaphore_mem>>) src(%dma_wait3A_907 : memref<128x128xf32, #tpu.memory_space<vmem>>) dst(%dma_wait3A_903 : memref<128x128xf32, #tpu.memory_space<hbm>>)
    %dma_start3A_908 = arith.constant 18 : i32
    %dma_start3A_909 = arith.constant 0 : i32
    %dma_start3A_910 = arith.constant 0 : i32
    %dma_start3A_911 = arith.constant 0 : i32
    %dma_start3A_912 = tpu.memref_slice %arg9[%dma_start3A_909, %dma_start3A_910, %dma_start3A_911] : memref<2x128x128xf32, #tpu.memory_space<vmem>> -> memref<1x128x128xf32, #tpu.memory_space<vmem>>
    %dma_start3A_913 = tpu.memref_squeeze %dma_start3A_912 : memref<1x128x128xf32, #tpu.memory_space<vmem>> -> memref<128x128xf32, #tpu.memory_space<vmem>>
    %dma_start3A_914 = arith.constant 0 : i32
    %dma_start3A_915 = tpu.memref_slice %arg7[%dma_start3A_908, %dma_start3A_914] : memref<50x128xi32, #tpu.memory_space<vmem>> -> memref<1x128xi32, #tpu.memory_space<vmem>>
    %dma_start3A_916 = tpu.memref_squeeze %dma_start3A_915 : memref<1x128xi32, #tpu.memory_space<vmem>> -> memref<128xi32, #tpu.memory_space<vmem>>
    %dma_start3A_917 = arith.constant 0 : i32
    %dma_start3A_918 = arith.constant 0 : i32
    %dma_start3A_919 = tpu.memref_slice %arg3[%dma_start3A_917, %dma_start3A_918] : memref<507904x128xf32, #tpu.memory_space<hbm>> -> memref<507904x128xf32, #tpu.memory_space<hbm>>
    tpu.enqueue_indirect_dma source(%dma_start3A_919 : memref<507904x128xf32, #tpu.memory_space<hbm>>) target(%dma_start3A_913 : memref<128x128xf32, #tpu.memory_space<vmem>>) offsets(%dma_start3A_916 : memref<128xi32, #tpu.memory_space<vmem>>) semaphore(%arg10 : memref<!tpu.dma_semaphore, #tpu.memory_space<semaphore_mem>>)
    %dma_wait3A_920 = arith.constant 17 : i32
    %dma_wait3A_921 = arith.constant 1 : i32
    %dma_wait3A_922 = arith.constant 0 : i32
    %dma_wait3A_923 = arith.constant 0 : i32
    %dma_wait3A_924 = tpu.memref_slice %arg9[%dma_wait3A_921, %dma_wait3A_922, %dma_wait3A_923] : memref<2x128x128xf32, #tpu.memory_space<vmem>> -> memref<1x128x128xf32, #tpu.memory_space<vmem>>
    %dma_wait3A_925 = tpu.memref_squeeze %dma_wait3A_924 : memref<1x128x128xf32, #tpu.memory_space<vmem>> -> memref<128x128xf32, #tpu.memory_space<vmem>>
    %dma_wait3A_926 = arith.constant 0 : i32
    %dma_wait3A_927 = tpu.memref_slice %arg7[%dma_wait3A_920, %dma_wait3A_926] : memref<50x128xi32, #tpu.memory_space<vmem>> -> memref<1x128xi32, #tpu.memory_space<vmem>>
    %dma_wait3A_928 = tpu.memref_squeeze %dma_wait3A_927 : memref<1x128xi32, #tpu.memory_space<vmem>> -> memref<128xi32, #tpu.memory_space<vmem>>
    %dma_wait3A_929 = arith.constant 0 : i32
    %dma_wait3A_930 = arith.constant 0 : i32
    %dma_wait3A_931 = tpu.memref_slice %arg3[%dma_wait3A_929, %dma_wait3A_930] : memref<507904x128xf32, #tpu.memory_space<hbm>> -> memref<507904x128xf32, #tpu.memory_space<hbm>>
    tpu.wait_indirect_dma semaphore(%arg11 : memref<!tpu.dma_semaphore, #tpu.memory_space<semaphore_mem>>) src(%dma_wait3A_931 : memref<507904x128xf32, #tpu.memory_space<hbm>>) dst(%dma_wait3A_925 : memref<128x128xf32, #tpu.memory_space<vmem>>)
    %add3A_932 = arith.constant 69632 : i32
    %add3A_933 = arith.addi %add3A_932, %mul3A_2 : i32
    %dma_start3A_934 = arith.constant 1 : i32
    %dma_start3A_935 = arith.constant 0 : i32
    %dma_start3A_936 = arith.constant 0 : i32
    %dma_start3A_937 = tpu.memref_slice %arg9[%dma_start3A_934, %dma_start3A_935, %dma_start3A_936] : memref<2x128x128xf32, #tpu.memory_space<vmem>> -> memref<1x128x128xf32, #tpu.memory_space<vmem>>
    %dma_start3A_938 = tpu.memref_squeeze %dma_start3A_937 : memref<1x128x128xf32, #tpu.memory_space<vmem>> -> memref<128x128xf32, #tpu.memory_space<vmem>>
    %dma_start3A_939 = arith.constant 0 : i32
    %dma_start3A_940 = tpu.memref_slice %arg4[%add3A_933, %dma_start3A_939] : memref<204800x128xf32, #tpu.memory_space<hbm>> -> memref<128x128xf32, #tpu.memory_space<hbm>>
    %dma_start3A_941 = arith.constant 0 : i32
    %dma_start3A_942 = tpu.memref_slice %arg4[%add3A_933, %dma_start3A_941] : memref<204800x128xf32, #tpu.memory_space<hbm>> -> memref<128x128xf32, #tpu.memory_space<hbm>>
    %dma_start3A_943 = arith.constant 0 : i32
    %dma_start3A_944 = arith.constant 0 : i32
    %dma_start3A_945 = tpu.memref_slice %arg9[%dma_start3A_934, %dma_start3A_943, %dma_start3A_944] : memref<2x128x128xf32, #tpu.memory_space<vmem>> -> memref<1x128x128xf32, #tpu.memory_space<vmem>>
    %dma_start3A_946 = tpu.memref_squeeze %dma_start3A_945 : memref<1x128x128xf32, #tpu.memory_space<vmem>> -> memref<128x128xf32, #tpu.memory_space<vmem>>
    tpu.enqueue_dma source(%dma_start3A_946 : memref<128x128xf32, #tpu.memory_space<vmem>>) target(%dma_start3A_942 : memref<128x128xf32, #tpu.memory_space<hbm>>) target_semaphore(%arg13 : memref<!tpu.dma_semaphore, #tpu.memory_space<semaphore_mem>>)
    %dma_wait3A_947 = arith.constant 1 : i32
    %dma_wait3A_948 = arith.constant 0 : i32
    %dma_wait3A_949 = arith.constant 0 : i32
    %dma_wait3A_950 = tpu.memref_slice %arg9[%dma_wait3A_947, %dma_wait3A_948, %dma_wait3A_949] : memref<2x128x128xf32, #tpu.memory_space<vmem>> -> memref<1x128x128xf32, #tpu.memory_space<vmem>>
    %dma_wait3A_951 = tpu.memref_squeeze %dma_wait3A_950 : memref<1x128x128xf32, #tpu.memory_space<vmem>> -> memref<128x128xf32, #tpu.memory_space<vmem>>
    %dma_wait3A_952 = arith.constant 0 : i32
    %dma_wait3A_953 = tpu.memref_slice %arg4[%add3A_933, %dma_wait3A_952] : memref<204800x128xf32, #tpu.memory_space<hbm>> -> memref<128x128xf32, #tpu.memory_space<hbm>>
    %dma_wait3A_954 = arith.constant 0 : i32
    %dma_wait3A_955 = tpu.memref_slice %arg4[%add3A_933, %dma_wait3A_954] : memref<204800x128xf32, #tpu.memory_space<hbm>> -> memref<128x128xf32, #tpu.memory_space<hbm>>
    %dma_wait3A_956 = arith.constant 0 : i32
    %dma_wait3A_957 = arith.constant 0 : i32
    %dma_wait3A_958 = tpu.memref_slice %arg9[%dma_wait3A_947, %dma_wait3A_956, %dma_wait3A_957] : memref<2x128x128xf32, #tpu.memory_space<vmem>> -> memref<1x128x128xf32, #tpu.memory_space<vmem>>
    %dma_wait3A_959 = tpu.memref_squeeze %dma_wait3A_958 : memref<1x128x128xf32, #tpu.memory_space<vmem>> -> memref<128x128xf32, #tpu.memory_space<vmem>>
    tpu.wait_dma2 semaphore(%arg13 : memref<!tpu.dma_semaphore, #tpu.memory_space<semaphore_mem>>) src(%dma_wait3A_959 : memref<128x128xf32, #tpu.memory_space<vmem>>) dst(%dma_wait3A_955 : memref<128x128xf32, #tpu.memory_space<hbm>>)
    %dma_start3A_960 = arith.constant 19 : i32
    %dma_start3A_961 = arith.constant 1 : i32
    %dma_start3A_962 = arith.constant 0 : i32
    %dma_start3A_963 = arith.constant 0 : i32
    %dma_start3A_964 = tpu.memref_slice %arg9[%dma_start3A_961, %dma_start3A_962, %dma_start3A_963] : memref<2x128x128xf32, #tpu.memory_space<vmem>> -> memref<1x128x128xf32, #tpu.memory_space<vmem>>
    %dma_start3A_965 = tpu.memref_squeeze %dma_start3A_964 : memref<1x128x128xf32, #tpu.memory_space<vmem>> -> memref<128x128xf32, #tpu.memory_space<vmem>>
    %dma_start3A_966 = arith.constant 0 : i32
    %dma_start3A_967 = tpu.memref_slice %arg7[%dma_start3A_960, %dma_start3A_966] : memref<50x128xi32, #tpu.memory_space<vmem>> -> memref<1x128xi32, #tpu.memory_space<vmem>>
    %dma_start3A_968 = tpu.memref_squeeze %dma_start3A_967 : memref<1x128xi32, #tpu.memory_space<vmem>> -> memref<128xi32, #tpu.memory_space<vmem>>
    %dma_start3A_969 = arith.constant 0 : i32
    %dma_start3A_970 = arith.constant 0 : i32
    %dma_start3A_971 = tpu.memref_slice %arg3[%dma_start3A_969, %dma_start3A_970] : memref<507904x128xf32, #tpu.memory_space<hbm>> -> memref<507904x128xf32, #tpu.memory_space<hbm>>
    tpu.enqueue_indirect_dma source(%dma_start3A_971 : memref<507904x128xf32, #tpu.memory_space<hbm>>) target(%dma_start3A_965 : memref<128x128xf32, #tpu.memory_space<vmem>>) offsets(%dma_start3A_968 : memref<128xi32, #tpu.memory_space<vmem>>) semaphore(%arg11 : memref<!tpu.dma_semaphore, #tpu.memory_space<semaphore_mem>>)
    %dma_wait3A_972 = arith.constant 18 : i32
    %dma_wait3A_973 = arith.constant 0 : i32
    %dma_wait3A_974 = arith.constant 0 : i32
    %dma_wait3A_975 = arith.constant 0 : i32
    %dma_wait3A_976 = tpu.memref_slice %arg9[%dma_wait3A_973, %dma_wait3A_974, %dma_wait3A_975] : memref<2x128x128xf32, #tpu.memory_space<vmem>> -> memref<1x128x128xf32, #tpu.memory_space<vmem>>
    %dma_wait3A_977 = tpu.memref_squeeze %dma_wait3A_976 : memref<1x128x128xf32, #tpu.memory_space<vmem>> -> memref<128x128xf32, #tpu.memory_space<vmem>>
    %dma_wait3A_978 = arith.constant 0 : i32
    %dma_wait3A_979 = tpu.memref_slice %arg7[%dma_wait3A_972, %dma_wait3A_978] : memref<50x128xi32, #tpu.memory_space<vmem>> -> memref<1x128xi32, #tpu.memory_space<vmem>>
    %dma_wait3A_980 = tpu.memref_squeeze %dma_wait3A_979 : memref<1x128xi32, #tpu.memory_space<vmem>> -> memref<128xi32, #tpu.memory_space<vmem>>
    %dma_wait3A_981 = arith.constant 0 : i32
    %dma_wait3A_982 = arith.constant 0 : i32
    %dma_wait3A_983 = tpu.memref_slice %arg3[%dma_wait3A_981, %dma_wait3A_982] : memref<507904x128xf32, #tpu.memory_space<hbm>> -> memref<507904x128xf32, #tpu.memory_space<hbm>>
    tpu.wait_indirect_dma semaphore(%arg10 : memref<!tpu.dma_semaphore, #tpu.memory_space<semaphore_mem>>) src(%dma_wait3A_983 : memref<507904x128xf32, #tpu.memory_space<hbm>>) dst(%dma_wait3A_977 : memref<128x128xf32, #tpu.memory_space<vmem>>)
    %add3A_984 = arith.constant 73728 : i32
    %add3A_985 = arith.addi %add3A_984, %mul3A_2 : i32
    %dma_start3A_986 = arith.constant 0 : i32
    %dma_start3A_987 = arith.constant 0 : i32
    %dma_start3A_988 = arith.constant 0 : i32
    %dma_start3A_989 = tpu.memref_slice %arg9[%dma_start3A_986, %dma_start3A_987, %dma_start3A_988] : memref<2x128x128xf32, #tpu.memory_space<vmem>> -> memref<1x128x128xf32, #tpu.memory_space<vmem>>
    %dma_start3A_990 = tpu.memref_squeeze %dma_start3A_989 : memref<1x128x128xf32, #tpu.memory_space<vmem>> -> memref<128x128xf32, #tpu.memory_space<vmem>>
    %dma_start3A_991 = arith.constant 0 : i32
    %dma_start3A_992 = tpu.memref_slice %arg4[%add3A_985, %dma_start3A_991] : memref<204800x128xf32, #tpu.memory_space<hbm>> -> memref<128x128xf32, #tpu.memory_space<hbm>>
    %dma_start3A_993 = arith.constant 0 : i32
    %dma_start3A_994 = tpu.memref_slice %arg4[%add3A_985, %dma_start3A_993] : memref<204800x128xf32, #tpu.memory_space<hbm>> -> memref<128x128xf32, #tpu.memory_space<hbm>>
    %dma_start3A_995 = arith.constant 0 : i32
    %dma_start3A_996 = arith.constant 0 : i32
    %dma_start3A_997 = tpu.memref_slice %arg9[%dma_start3A_986, %dma_start3A_995, %dma_start3A_996] : memref<2x128x128xf32, #tpu.memory_space<vmem>> -> memref<1x128x128xf32, #tpu.memory_space<vmem>>
    %dma_start3A_998 = tpu.memref_squeeze %dma_start3A_997 : memref<1x128x128xf32, #tpu.memory_space<vmem>> -> memref<128x128xf32, #tpu.memory_space<vmem>>
    tpu.enqueue_dma source(%dma_start3A_998 : memref<128x128xf32, #tpu.memory_space<vmem>>) target(%dma_start3A_994 : memref<128x128xf32, #tpu.memory_space<hbm>>) target_semaphore(%arg12 : memref<!tpu.dma_semaphore, #tpu.memory_space<semaphore_mem>>)
    %dma_wait3A_999 = arith.constant 0 : i32
    %dma_wait3A_1000 = arith.constant 0 : i32
    %dma_wait3A_1001 = arith.constant 0 : i32
    %dma_wait3A_1002 = tpu.memref_slice %arg9[%dma_wait3A_999, %dma_wait3A_1000, %dma_wait3A_1001] : memref<2x128x128xf32, #tpu.memory_space<vmem>> -> memref<1x128x128xf32, #tpu.memory_space<vmem>>
    %dma_wait3A_1003 = tpu.memref_squeeze %dma_wait3A_1002 : memref<1x128x128xf32, #tpu.memory_space<vmem>> -> memref<128x128xf32, #tpu.memory_space<vmem>>
    %dma_wait3A_1004 = arith.constant 0 : i32
    %dma_wait3A_1005 = tpu.memref_slice %arg4[%add3A_985, %dma_wait3A_1004] : memref<204800x128xf32, #tpu.memory_space<hbm>> -> memref<128x128xf32, #tpu.memory_space<hbm>>
    %dma_wait3A_1006 = arith.constant 0 : i32
    %dma_wait3A_1007 = tpu.memref_slice %arg4[%add3A_985, %dma_wait3A_1006] : memref<204800x128xf32, #tpu.memory_space<hbm>> -> memref<128x128xf32, #tpu.memory_space<hbm>>
    %dma_wait3A_1008 = arith.constant 0 : i32
    %dma_wait3A_1009 = arith.constant 0 : i32
    %dma_wait3A_1010 = tpu.memref_slice %arg9[%dma_wait3A_999, %dma_wait3A_1008, %dma_wait3A_1009] : memref<2x128x128xf32, #tpu.memory_space<vmem>> -> memref<1x128x128xf32, #tpu.memory_space<vmem>>
    %dma_wait3A_1011 = tpu.memref_squeeze %dma_wait3A_1010 : memref<1x128x128xf32, #tpu.memory_space<vmem>> -> memref<128x128xf32, #tpu.memory_space<vmem>>
    tpu.wait_dma2 semaphore(%arg12 : memref<!tpu.dma_semaphore, #tpu.memory_space<semaphore_mem>>) src(%dma_wait3A_1011 : memref<128x128xf32, #tpu.memory_space<vmem>>) dst(%dma_wait3A_1007 : memref<128x128xf32, #tpu.memory_space<hbm>>)
    %dma_start3A_1012 = arith.constant 20 : i32
    %dma_start3A_1013 = arith.constant 0 : i32
    %dma_start3A_1014 = arith.constant 0 : i32
    %dma_start3A_1015 = arith.constant 0 : i32
    %dma_start3A_1016 = tpu.memref_slice %arg9[%dma_start3A_1013, %dma_start3A_1014, %dma_start3A_1015] : memref<2x128x128xf32, #tpu.memory_space<vmem>> -> memref<1x128x128xf32, #tpu.memory_space<vmem>>
    %dma_start3A_1017 = tpu.memref_squeeze %dma_start3A_1016 : memref<1x128x128xf32, #tpu.memory_space<vmem>> -> memref<128x128xf32, #tpu.memory_space<vmem>>
    %dma_start3A_1018 = arith.constant 0 : i32
    %dma_start3A_1019 = tpu.memref_slice %arg7[%dma_start3A_1012, %dma_start3A_1018] : memref<50x128xi32, #tpu.memory_space<vmem>> -> memref<1x128xi32, #tpu.memory_space<vmem>>
    %dma_start3A_1020 = tpu.memref_squeeze %dma_start3A_1019 : memref<1x128xi32, #tpu.memory_space<vmem>> -> memref<128xi32, #tpu.memory_space<vmem>>
    %dma_start3A_1021 = arith.constant 0 : i32
    %dma_start3A_1022 = arith.constant 0 : i32
    %dma_start3A_1023 = tpu.memref_slice %arg3[%dma_start3A_1021, %dma_start3A_1022] : memref<507904x128xf32, #tpu.memory_space<hbm>> -> memref<507904x128xf32, #tpu.memory_space<hbm>>
    tpu.enqueue_indirect_dma source(%dma_start3A_1023 : memref<507904x128xf32, #tpu.memory_space<hbm>>) target(%dma_start3A_1017 : memref<128x128xf32, #tpu.memory_space<vmem>>) offsets(%dma_start3A_1020 : memref<128xi32, #tpu.memory_space<vmem>>) semaphore(%arg10 : memref<!tpu.dma_semaphore, #tpu.memory_space<semaphore_mem>>)
    %dma_wait3A_1024 = arith.constant 19 : i32
    %dma_wait3A_1025 = arith.constant 1 : i32
    %dma_wait3A_1026 = arith.constant 0 : i32
    %dma_wait3A_1027 = arith.constant 0 : i32
    %dma_wait3A_1028 = tpu.memref_slice %arg9[%dma_wait3A_1025, %dma_wait3A_1026, %dma_wait3A_1027] : memref<2x128x128xf32, #tpu.memory_space<vmem>> -> memref<1x128x128xf32, #tpu.memory_space<vmem>>
    %dma_wait3A_1029 = tpu.memref_squeeze %dma_wait3A_1028 : memref<1x128x128xf32, #tpu.memory_space<vmem>> -> memref<128x128xf32, #tpu.memory_space<vmem>>
    %dma_wait3A_1030 = arith.constant 0 : i32
    %dma_wait3A_1031 = tpu.memref_slice %arg7[%dma_wait3A_1024, %dma_wait3A_1030] : memref<50x128xi32, #tpu.memory_space<vmem>> -> memref<1x128xi32, #tpu.memory_space<vmem>>
    %dma_wait3A_1032 = tpu.memref_squeeze %dma_wait3A_1031 : memref<1x128xi32, #tpu.memory_space<vmem>> -> memref<128xi32, #tpu.memory_space<vmem>>
    %dma_wait3A_1033 = arith.constant 0 : i32
    %dma_wait3A_1034 = arith.constant 0 : i32
    %dma_wait3A_1035 = tpu.memref_slice %arg3[%dma_wait3A_1033, %dma_wait3A_1034] : memref<507904x128xf32, #tpu.memory_space<hbm>> -> memref<507904x128xf32, #tpu.memory_space<hbm>>
    tpu.wait_indirect_dma semaphore(%arg11 : memref<!tpu.dma_semaphore, #tpu.memory_space<semaphore_mem>>) src(%dma_wait3A_1035 : memref<507904x128xf32, #tpu.memory_space<hbm>>) dst(%dma_wait3A_1029 : memref<128x128xf32, #tpu.memory_space<vmem>>)
    %add3A_1036 = arith.constant 77824 : i32
    %add3A_1037 = arith.addi %add3A_1036, %mul3A_2 : i32
    %dma_start3A_1038 = arith.constant 1 : i32
    %dma_start3A_1039 = arith.constant 0 : i32
    %dma_start3A_1040 = arith.constant 0 : i32
    %dma_start3A_1041 = tpu.memref_slice %arg9[%dma_start3A_1038, %dma_start3A_1039, %dma_start3A_1040] : memref<2x128x128xf32, #tpu.memory_space<vmem>> -> memref<1x128x128xf32, #tpu.memory_space<vmem>>
    %dma_start3A_1042 = tpu.memref_squeeze %dma_start3A_1041 : memref<1x128x128xf32, #tpu.memory_space<vmem>> -> memref<128x128xf32, #tpu.memory_space<vmem>>
    %dma_start3A_1043 = arith.constant 0 : i32
    %dma_start3A_1044 = tpu.memref_slice %arg4[%add3A_1037, %dma_start3A_1043] : memref<204800x128xf32, #tpu.memory_space<hbm>> -> memref<128x128xf32, #tpu.memory_space<hbm>>
    %dma_start3A_1045 = arith.constant 0 : i32
    %dma_start3A_1046 = tpu.memref_slice %arg4[%add3A_1037, %dma_start3A_1045] : memref<204800x128xf32, #tpu.memory_space<hbm>> -> memref<128x128xf32, #tpu.memory_space<hbm>>
    %dma_start3A_1047 = arith.constant 0 : i32
    %dma_start3A_1048 = arith.constant 0 : i32
    %dma_start3A_1049 = tpu.memref_slice %arg9[%dma_start3A_1038, %dma_start3A_1047, %dma_start3A_1048] : memref<2x128x128xf32, #tpu.memory_space<vmem>> -> memref<1x128x128xf32, #tpu.memory_space<vmem>>
    %dma_start3A_1050 = tpu.memref_squeeze %dma_start3A_1049 : memref<1x128x128xf32, #tpu.memory_space<vmem>> -> memref<128x128xf32, #tpu.memory_space<vmem>>
    tpu.enqueue_dma source(%dma_start3A_1050 : memref<128x128xf32, #tpu.memory_space<vmem>>) target(%dma_start3A_1046 : memref<128x128xf32, #tpu.memory_space<hbm>>) target_semaphore(%arg13 : memref<!tpu.dma_semaphore, #tpu.memory_space<semaphore_mem>>)
    %dma_wait3A_1051 = arith.constant 1 : i32
    %dma_wait3A_1052 = arith.constant 0 : i32
    %dma_wait3A_1053 = arith.constant 0 : i32
    %dma_wait3A_1054 = tpu.memref_slice %arg9[%dma_wait3A_1051, %dma_wait3A_1052, %dma_wait3A_1053] : memref<2x128x128xf32, #tpu.memory_space<vmem>> -> memref<1x128x128xf32, #tpu.memory_space<vmem>>
    %dma_wait3A_1055 = tpu.memref_squeeze %dma_wait3A_1054 : memref<1x128x128xf32, #tpu.memory_space<vmem>> -> memref<128x128xf32, #tpu.memory_space<vmem>>
    %dma_wait3A_1056 = arith.constant 0 : i32
    %dma_wait3A_1057 = tpu.memref_slice %arg4[%add3A_1037, %dma_wait3A_1056] : memref<204800x128xf32, #tpu.memory_space<hbm>> -> memref<128x128xf32, #tpu.memory_space<hbm>>
    %dma_wait3A_1058 = arith.constant 0 : i32
    %dma_wait3A_1059 = tpu.memref_slice %arg4[%add3A_1037, %dma_wait3A_1058] : memref<204800x128xf32, #tpu.memory_space<hbm>> -> memref<128x128xf32, #tpu.memory_space<hbm>>
    %dma_wait3A_1060 = arith.constant 0 : i32
    %dma_wait3A_1061 = arith.constant 0 : i32
    %dma_wait3A_1062 = tpu.memref_slice %arg9[%dma_wait3A_1051, %dma_wait3A_1060, %dma_wait3A_1061] : memref<2x128x128xf32, #tpu.memory_space<vmem>> -> memref<1x128x128xf32, #tpu.memory_space<vmem>>
    %dma_wait3A_1063 = tpu.memref_squeeze %dma_wait3A_1062 : memref<1x128x128xf32, #tpu.memory_space<vmem>> -> memref<128x128xf32, #tpu.memory_space<vmem>>
    tpu.wait_dma2 semaphore(%arg13 : memref<!tpu.dma_semaphore, #tpu.memory_space<semaphore_mem>>) src(%dma_wait3A_1063 : memref<128x128xf32, #tpu.memory_space<vmem>>) dst(%dma_wait3A_1059 : memref<128x128xf32, #tpu.memory_space<hbm>>)
    %dma_start3A_1064 = arith.constant 21 : i32
    %dma_start3A_1065 = arith.constant 1 : i32
    %dma_start3A_1066 = arith.constant 0 : i32
    %dma_start3A_1067 = arith.constant 0 : i32
    %dma_start3A_1068 = tpu.memref_slice %arg9[%dma_start3A_1065, %dma_start3A_1066, %dma_start3A_1067] : memref<2x128x128xf32, #tpu.memory_space<vmem>> -> memref<1x128x128xf32, #tpu.memory_space<vmem>>
    %dma_start3A_1069 = tpu.memref_squeeze %dma_start3A_1068 : memref<1x128x128xf32, #tpu.memory_space<vmem>> -> memref<128x128xf32, #tpu.memory_space<vmem>>
    %dma_start3A_1070 = arith.constant 0 : i32
    %dma_start3A_1071 = tpu.memref_slice %arg7[%dma_start3A_1064, %dma_start3A_1070] : memref<50x128xi32, #tpu.memory_space<vmem>> -> memref<1x128xi32, #tpu.memory_space<vmem>>
    %dma_start3A_1072 = tpu.memref_squeeze %dma_start3A_1071 : memref<1x128xi32, #tpu.memory_space<vmem>> -> memref<128xi32, #tpu.memory_space<vmem>>
    %dma_start3A_1073 = arith.constant 0 : i32
    %dma_start3A_1074 = arith.constant 0 : i32
    %dma_start3A_1075 = tpu.memref_slice %arg3[%dma_start3A_1073, %dma_start3A_1074] : memref<507904x128xf32, #tpu.memory_space<hbm>> -> memref<507904x128xf32, #tpu.memory_space<hbm>>
    tpu.enqueue_indirect_dma source(%dma_start3A_1075 : memref<507904x128xf32, #tpu.memory_space<hbm>>) target(%dma_start3A_1069 : memref<128x128xf32, #tpu.memory_space<vmem>>) offsets(%dma_start3A_1072 : memref<128xi32, #tpu.memory_space<vmem>>) semaphore(%arg11 : memref<!tpu.dma_semaphore, #tpu.memory_space<semaphore_mem>>)
    %dma_wait3A_1076 = arith.constant 20 : i32
    %dma_wait3A_1077 = arith.constant 0 : i32
    %dma_wait3A_1078 = arith.constant 0 : i32
    %dma_wait3A_1079 = arith.constant 0 : i32
    %dma_wait3A_1080 = tpu.memref_slice %arg9[%dma_wait3A_1077, %dma_wait3A_1078, %dma_wait3A_1079] : memref<2x128x128xf32, #tpu.memory_space<vmem>> -> memref<1x128x128xf32, #tpu.memory_space<vmem>>
    %dma_wait3A_1081 = tpu.memref_squeeze %dma_wait3A_1080 : memref<1x128x128xf32, #tpu.memory_space<vmem>> -> memref<128x128xf32, #tpu.memory_space<vmem>>
    %dma_wait3A_1082 = arith.constant 0 : i32
    %dma_wait3A_1083 = tpu.memref_slice %arg7[%dma_wait3A_1076, %dma_wait3A_1082] : memref<50x128xi32, #tpu.memory_space<vmem>> -> memref<1x128xi32, #tpu.memory_space<vmem>>
    %dma_wait3A_1084 = tpu.memref_squeeze %dma_wait3A_1083 : memref<1x128xi32, #tpu.memory_space<vmem>> -> memref<128xi32, #tpu.memory_space<vmem>>
    %dma_wait3A_1085 = arith.constant 0 : i32
    %dma_wait3A_1086 = arith.constant 0 : i32
    %dma_wait3A_1087 = tpu.memref_slice %arg3[%dma_wait3A_1085, %dma_wait3A_1086] : memref<507904x128xf32, #tpu.memory_space<hbm>> -> memref<507904x128xf32, #tpu.memory_space<hbm>>
    tpu.wait_indirect_dma semaphore(%arg10 : memref<!tpu.dma_semaphore, #tpu.memory_space<semaphore_mem>>) src(%dma_wait3A_1087 : memref<507904x128xf32, #tpu.memory_space<hbm>>) dst(%dma_wait3A_1081 : memref<128x128xf32, #tpu.memory_space<vmem>>)
    %add3A_1088 = arith.constant 81920 : i32
    %add3A_1089 = arith.addi %add3A_1088, %mul3A_2 : i32
    %dma_start3A_1090 = arith.constant 0 : i32
    %dma_start3A_1091 = arith.constant 0 : i32
    %dma_start3A_1092 = arith.constant 0 : i32
    %dma_start3A_1093 = tpu.memref_slice %arg9[%dma_start3A_1090, %dma_start3A_1091, %dma_start3A_1092] : memref<2x128x128xf32, #tpu.memory_space<vmem>> -> memref<1x128x128xf32, #tpu.memory_space<vmem>>
    %dma_start3A_1094 = tpu.memref_squeeze %dma_start3A_1093 : memref<1x128x128xf32, #tpu.memory_space<vmem>> -> memref<128x128xf32, #tpu.memory_space<vmem>>
    %dma_start3A_1095 = arith.constant 0 : i32
    %dma_start3A_1096 = tpu.memref_slice %arg4[%add3A_1089, %dma_start3A_1095] : memref<204800x128xf32, #tpu.memory_space<hbm>> -> memref<128x128xf32, #tpu.memory_space<hbm>>
    %dma_start3A_1097 = arith.constant 0 : i32
    %dma_start3A_1098 = tpu.memref_slice %arg4[%add3A_1089, %dma_start3A_1097] : memref<204800x128xf32, #tpu.memory_space<hbm>> -> memref<128x128xf32, #tpu.memory_space<hbm>>
    %dma_start3A_1099 = arith.constant 0 : i32
    %dma_start3A_1100 = arith.constant 0 : i32
    %dma_start3A_1101 = tpu.memref_slice %arg9[%dma_start3A_1090, %dma_start3A_1099, %dma_start3A_1100] : memref<2x128x128xf32, #tpu.memory_space<vmem>> -> memref<1x128x128xf32, #tpu.memory_space<vmem>>
    %dma_start3A_1102 = tpu.memref_squeeze %dma_start3A_1101 : memref<1x128x128xf32, #tpu.memory_space<vmem>> -> memref<128x128xf32, #tpu.memory_space<vmem>>
    tpu.enqueue_dma source(%dma_start3A_1102 : memref<128x128xf32, #tpu.memory_space<vmem>>) target(%dma_start3A_1098 : memref<128x128xf32, #tpu.memory_space<hbm>>) target_semaphore(%arg12 : memref<!tpu.dma_semaphore, #tpu.memory_space<semaphore_mem>>)
    %dma_wait3A_1103 = arith.constant 0 : i32
    %dma_wait3A_1104 = arith.constant 0 : i32
    %dma_wait3A_1105 = arith.constant 0 : i32
    %dma_wait3A_1106 = tpu.memref_slice %arg9[%dma_wait3A_1103, %dma_wait3A_1104, %dma_wait3A_1105] : memref<2x128x128xf32, #tpu.memory_space<vmem>> -> memref<1x128x128xf32, #tpu.memory_space<vmem>>
    %dma_wait3A_1107 = tpu.memref_squeeze %dma_wait3A_1106 : memref<1x128x128xf32, #tpu.memory_space<vmem>> -> memref<128x128xf32, #tpu.memory_space<vmem>>
    %dma_wait3A_1108 = arith.constant 0 : i32
    %dma_wait3A_1109 = tpu.memref_slice %arg4[%add3A_1089, %dma_wait3A_1108] : memref<204800x128xf32, #tpu.memory_space<hbm>> -> memref<128x128xf32, #tpu.memory_space<hbm>>
    %dma_wait3A_1110 = arith.constant 0 : i32
    %dma_wait3A_1111 = tpu.memref_slice %arg4[%add3A_1089, %dma_wait3A_1110] : memref<204800x128xf32, #tpu.memory_space<hbm>> -> memref<128x128xf32, #tpu.memory_space<hbm>>
    %dma_wait3A_1112 = arith.constant 0 : i32
    %dma_wait3A_1113 = arith.constant 0 : i32
    %dma_wait3A_1114 = tpu.memref_slice %arg9[%dma_wait3A_1103, %dma_wait3A_1112, %dma_wait3A_1113] : memref<2x128x128xf32, #tpu.memory_space<vmem>> -> memref<1x128x128xf32, #tpu.memory_space<vmem>>
    %dma_wait3A_1115 = tpu.memref_squeeze %dma_wait3A_1114 : memref<1x128x128xf32, #tpu.memory_space<vmem>> -> memref<128x128xf32, #tpu.memory_space<vmem>>
    tpu.wait_dma2 semaphore(%arg12 : memref<!tpu.dma_semaphore, #tpu.memory_space<semaphore_mem>>) src(%dma_wait3A_1115 : memref<128x128xf32, #tpu.memory_space<vmem>>) dst(%dma_wait3A_1111 : memref<128x128xf32, #tpu.memory_space<hbm>>)
    %dma_start3A_1116 = arith.constant 22 : i32
    %dma_start3A_1117 = arith.constant 0 : i32
    %dma_start3A_1118 = arith.constant 0 : i32
    %dma_start3A_1119 = arith.constant 0 : i32
    %dma_start3A_1120 = tpu.memref_slice %arg9[%dma_start3A_1117, %dma_start3A_1118, %dma_start3A_1119] : memref<2x128x128xf32, #tpu.memory_space<vmem>> -> memref<1x128x128xf32, #tpu.memory_space<vmem>>
    %dma_start3A_1121 = tpu.memref_squeeze %dma_start3A_1120 : memref<1x128x128xf32, #tpu.memory_space<vmem>> -> memref<128x128xf32, #tpu.memory_space<vmem>>
    %dma_start3A_1122 = arith.constant 0 : i32
    %dma_start3A_1123 = tpu.memref_slice %arg7[%dma_start3A_1116, %dma_start3A_1122] : memref<50x128xi32, #tpu.memory_space<vmem>> -> memref<1x128xi32, #tpu.memory_space<vmem>>
    %dma_start3A_1124 = tpu.memref_squeeze %dma_start3A_1123 : memref<1x128xi32, #tpu.memory_space<vmem>> -> memref<128xi32, #tpu.memory_space<vmem>>
    %dma_start3A_1125 = arith.constant 0 : i32
    %dma_start3A_1126 = arith.constant 0 : i32
    %dma_start3A_1127 = tpu.memref_slice %arg3[%dma_start3A_1125, %dma_start3A_1126] : memref<507904x128xf32, #tpu.memory_space<hbm>> -> memref<507904x128xf32, #tpu.memory_space<hbm>>
    tpu.enqueue_indirect_dma source(%dma_start3A_1127 : memref<507904x128xf32, #tpu.memory_space<hbm>>) target(%dma_start3A_1121 : memref<128x128xf32, #tpu.memory_space<vmem>>) offsets(%dma_start3A_1124 : memref<128xi32, #tpu.memory_space<vmem>>) semaphore(%arg10 : memref<!tpu.dma_semaphore, #tpu.memory_space<semaphore_mem>>)
    %dma_wait3A_1128 = arith.constant 21 : i32
    %dma_wait3A_1129 = arith.constant 1 : i32
    %dma_wait3A_1130 = arith.constant 0 : i32
    %dma_wait3A_1131 = arith.constant 0 : i32
    %dma_wait3A_1132 = tpu.memref_slice %arg9[%dma_wait3A_1129, %dma_wait3A_1130, %dma_wait3A_1131] : memref<2x128x128xf32, #tpu.memory_space<vmem>> -> memref<1x128x128xf32, #tpu.memory_space<vmem>>
    %dma_wait3A_1133 = tpu.memref_squeeze %dma_wait3A_1132 : memref<1x128x128xf32, #tpu.memory_space<vmem>> -> memref<128x128xf32, #tpu.memory_space<vmem>>
    %dma_wait3A_1134 = arith.constant 0 : i32
    %dma_wait3A_1135 = tpu.memref_slice %arg7[%dma_wait3A_1128, %dma_wait3A_1134] : memref<50x128xi32, #tpu.memory_space<vmem>> -> memref<1x128xi32, #tpu.memory_space<vmem>>
    %dma_wait3A_1136 = tpu.memref_squeeze %dma_wait3A_1135 : memref<1x128xi32, #tpu.memory_space<vmem>> -> memref<128xi32, #tpu.memory_space<vmem>>
    %dma_wait3A_1137 = arith.constant 0 : i32
    %dma_wait3A_1138 = arith.constant 0 : i32
    %dma_wait3A_1139 = tpu.memref_slice %arg3[%dma_wait3A_1137, %dma_wait3A_1138] : memref<507904x128xf32, #tpu.memory_space<hbm>> -> memref<507904x128xf32, #tpu.memory_space<hbm>>
    tpu.wait_indirect_dma semaphore(%arg11 : memref<!tpu.dma_semaphore, #tpu.memory_space<semaphore_mem>>) src(%dma_wait3A_1139 : memref<507904x128xf32, #tpu.memory_space<hbm>>) dst(%dma_wait3A_1133 : memref<128x128xf32, #tpu.memory_space<vmem>>)
    %add3A_1140 = arith.constant 86016 : i32
    %add3A_1141 = arith.addi %add3A_1140, %mul3A_2 : i32
    %dma_start3A_1142 = arith.constant 1 : i32
    %dma_start3A_1143 = arith.constant 0 : i32
    %dma_start3A_1144 = arith.constant 0 : i32
    %dma_start3A_1145 = tpu.memref_slice %arg9[%dma_start3A_1142, %dma_start3A_1143, %dma_start3A_1144] : memref<2x128x128xf32, #tpu.memory_space<vmem>> -> memref<1x128x128xf32, #tpu.memory_space<vmem>>
    %dma_start3A_1146 = tpu.memref_squeeze %dma_start3A_1145 : memref<1x128x128xf32, #tpu.memory_space<vmem>> -> memref<128x128xf32, #tpu.memory_space<vmem>>
    %dma_start3A_1147 = arith.constant 0 : i32
    %dma_start3A_1148 = tpu.memref_slice %arg4[%add3A_1141, %dma_start3A_1147] : memref<204800x128xf32, #tpu.memory_space<hbm>> -> memref<128x128xf32, #tpu.memory_space<hbm>>
    %dma_start3A_1149 = arith.constant 0 : i32
    %dma_start3A_1150 = tpu.memref_slice %arg4[%add3A_1141, %dma_start3A_1149] : memref<204800x128xf32, #tpu.memory_space<hbm>> -> memref<128x128xf32, #tpu.memory_space<hbm>>
    %dma_start3A_1151 = arith.constant 0 : i32
    %dma_start3A_1152 = arith.constant 0 : i32
    %dma_start3A_1153 = tpu.memref_slice %arg9[%dma_start3A_1142, %dma_start3A_1151, %dma_start3A_1152] : memref<2x128x128xf32, #tpu.memory_space<vmem>> -> memref<1x128x128xf32, #tpu.memory_space<vmem>>
    %dma_start3A_1154 = tpu.memref_squeeze %dma_start3A_1153 : memref<1x128x128xf32, #tpu.memory_space<vmem>> -> memref<128x128xf32, #tpu.memory_space<vmem>>
    tpu.enqueue_dma source(%dma_start3A_1154 : memref<128x128xf32, #tpu.memory_space<vmem>>) target(%dma_start3A_1150 : memref<128x128xf32, #tpu.memory_space<hbm>>) target_semaphore(%arg13 : memref<!tpu.dma_semaphore, #tpu.memory_space<semaphore_mem>>)
    %dma_wait3A_1155 = arith.constant 1 : i32
    %dma_wait3A_1156 = arith.constant 0 : i32
    %dma_wait3A_1157 = arith.constant 0 : i32
    %dma_wait3A_1158 = tpu.memref_slice %arg9[%dma_wait3A_1155, %dma_wait3A_1156, %dma_wait3A_1157] : memref<2x128x128xf32, #tpu.memory_space<vmem>> -> memref<1x128x128xf32, #tpu.memory_space<vmem>>
    %dma_wait3A_1159 = tpu.memref_squeeze %dma_wait3A_1158 : memref<1x128x128xf32, #tpu.memory_space<vmem>> -> memref<128x128xf32, #tpu.memory_space<vmem>>
    %dma_wait3A_1160 = arith.constant 0 : i32
    %dma_wait3A_1161 = tpu.memref_slice %arg4[%add3A_1141, %dma_wait3A_1160] : memref<204800x128xf32, #tpu.memory_space<hbm>> -> memref<128x128xf32, #tpu.memory_space<hbm>>
    %dma_wait3A_1162 = arith.constant 0 : i32
    %dma_wait3A_1163 = tpu.memref_slice %arg4[%add3A_1141, %dma_wait3A_1162] : memref<204800x128xf32, #tpu.memory_space<hbm>> -> memref<128x128xf32, #tpu.memory_space<hbm>>
    %dma_wait3A_1164 = arith.constant 0 : i32
    %dma_wait3A_1165 = arith.constant 0 : i32
    %dma_wait3A_1166 = tpu.memref_slice %arg9[%dma_wait3A_1155, %dma_wait3A_1164, %dma_wait3A_1165] : memref<2x128x128xf32, #tpu.memory_space<vmem>> -> memref<1x128x128xf32, #tpu.memory_space<vmem>>
    %dma_wait3A_1167 = tpu.memref_squeeze %dma_wait3A_1166 : memref<1x128x128xf32, #tpu.memory_space<vmem>> -> memref<128x128xf32, #tpu.memory_space<vmem>>
    tpu.wait_dma2 semaphore(%arg13 : memref<!tpu.dma_semaphore, #tpu.memory_space<semaphore_mem>>) src(%dma_wait3A_1167 : memref<128x128xf32, #tpu.memory_space<vmem>>) dst(%dma_wait3A_1163 : memref<128x128xf32, #tpu.memory_space<hbm>>)
    %dma_start3A_1168 = arith.constant 23 : i32
    %dma_start3A_1169 = arith.constant 1 : i32
    %dma_start3A_1170 = arith.constant 0 : i32
    %dma_start3A_1171 = arith.constant 0 : i32
    %dma_start3A_1172 = tpu.memref_slice %arg9[%dma_start3A_1169, %dma_start3A_1170, %dma_start3A_1171] : memref<2x128x128xf32, #tpu.memory_space<vmem>> -> memref<1x128x128xf32, #tpu.memory_space<vmem>>
    %dma_start3A_1173 = tpu.memref_squeeze %dma_start3A_1172 : memref<1x128x128xf32, #tpu.memory_space<vmem>> -> memref<128x128xf32, #tpu.memory_space<vmem>>
    %dma_start3A_1174 = arith.constant 0 : i32
    %dma_start3A_1175 = tpu.memref_slice %arg7[%dma_start3A_1168, %dma_start3A_1174] : memref<50x128xi32, #tpu.memory_space<vmem>> -> memref<1x128xi32, #tpu.memory_space<vmem>>
    %dma_start3A_1176 = tpu.memref_squeeze %dma_start3A_1175 : memref<1x128xi32, #tpu.memory_space<vmem>> -> memref<128xi32, #tpu.memory_space<vmem>>
    %dma_start3A_1177 = arith.constant 0 : i32
    %dma_start3A_1178 = arith.constant 0 : i32
    %dma_start3A_1179 = tpu.memref_slice %arg3[%dma_start3A_1177, %dma_start3A_1178] : memref<507904x128xf32, #tpu.memory_space<hbm>> -> memref<507904x128xf32, #tpu.memory_space<hbm>>
    tpu.enqueue_indirect_dma source(%dma_start3A_1179 : memref<507904x128xf32, #tpu.memory_space<hbm>>) target(%dma_start3A_1173 : memref<128x128xf32, #tpu.memory_space<vmem>>) offsets(%dma_start3A_1176 : memref<128xi32, #tpu.memory_space<vmem>>) semaphore(%arg11 : memref<!tpu.dma_semaphore, #tpu.memory_space<semaphore_mem>>)
    %dma_wait3A_1180 = arith.constant 22 : i32
    %dma_wait3A_1181 = arith.constant 0 : i32
    %dma_wait3A_1182 = arith.constant 0 : i32
    %dma_wait3A_1183 = arith.constant 0 : i32
    %dma_wait3A_1184 = tpu.memref_slice %arg9[%dma_wait3A_1181, %dma_wait3A_1182, %dma_wait3A_1183] : memref<2x128x128xf32, #tpu.memory_space<vmem>> -> memref<1x128x128xf32, #tpu.memory_space<vmem>>
    %dma_wait3A_1185 = tpu.memref_squeeze %dma_wait3A_1184 : memref<1x128x128xf32, #tpu.memory_space<vmem>> -> memref<128x128xf32, #tpu.memory_space<vmem>>
    %dma_wait3A_1186 = arith.constant 0 : i32
    %dma_wait3A_1187 = tpu.memref_slice %arg7[%dma_wait3A_1180, %dma_wait3A_1186] : memref<50x128xi32, #tpu.memory_space<vmem>> -> memref<1x128xi32, #tpu.memory_space<vmem>>
    %dma_wait3A_1188 = tpu.memref_squeeze %dma_wait3A_1187 : memref<1x128xi32, #tpu.memory_space<vmem>> -> memref<128xi32, #tpu.memory_space<vmem>>
    %dma_wait3A_1189 = arith.constant 0 : i32
    %dma_wait3A_1190 = arith.constant 0 : i32
    %dma_wait3A_1191 = tpu.memref_slice %arg3[%dma_wait3A_1189, %dma_wait3A_1190] : memref<507904x128xf32, #tpu.memory_space<hbm>> -> memref<507904x128xf32, #tpu.memory_space<hbm>>
    tpu.wait_indirect_dma semaphore(%arg10 : memref<!tpu.dma_semaphore, #tpu.memory_space<semaphore_mem>>) src(%dma_wait3A_1191 : memref<507904x128xf32, #tpu.memory_space<hbm>>) dst(%dma_wait3A_1185 : memref<128x128xf32, #tpu.memory_space<vmem>>)
    %add3A_1192 = arith.constant 90112 : i32
    %add3A_1193 = arith.addi %add3A_1192, %mul3A_2 : i32
    %dma_start3A_1194 = arith.constant 0 : i32
    %dma_start3A_1195 = arith.constant 0 : i32
    %dma_start3A_1196 = arith.constant 0 : i32
    %dma_start3A_1197 = tpu.memref_slice %arg9[%dma_start3A_1194, %dma_start3A_1195, %dma_start3A_1196] : memref<2x128x128xf32, #tpu.memory_space<vmem>> -> memref<1x128x128xf32, #tpu.memory_space<vmem>>
    %dma_start3A_1198 = tpu.memref_squeeze %dma_start3A_1197 : memref<1x128x128xf32, #tpu.memory_space<vmem>> -> memref<128x128xf32, #tpu.memory_space<vmem>>
    %dma_start3A_1199 = arith.constant 0 : i32
    %dma_start3A_1200 = tpu.memref_slice %arg4[%add3A_1193, %dma_start3A_1199] : memref<204800x128xf32, #tpu.memory_space<hbm>> -> memref<128x128xf32, #tpu.memory_space<hbm>>
    %dma_start3A_1201 = arith.constant 0 : i32
    %dma_start3A_1202 = tpu.memref_slice %arg4[%add3A_1193, %dma_start3A_1201] : memref<204800x128xf32, #tpu.memory_space<hbm>> -> memref<128x128xf32, #tpu.memory_space<hbm>>
    %dma_start3A_1203 = arith.constant 0 : i32
    %dma_start3A_1204 = arith.constant 0 : i32
    %dma_start3A_1205 = tpu.memref_slice %arg9[%dma_start3A_1194, %dma_start3A_1203, %dma_start3A_1204] : memref<2x128x128xf32, #tpu.memory_space<vmem>> -> memref<1x128x128xf32, #tpu.memory_space<vmem>>
    %dma_start3A_1206 = tpu.memref_squeeze %dma_start3A_1205 : memref<1x128x128xf32, #tpu.memory_space<vmem>> -> memref<128x128xf32, #tpu.memory_space<vmem>>
    tpu.enqueue_dma source(%dma_start3A_1206 : memref<128x128xf32, #tpu.memory_space<vmem>>) target(%dma_start3A_1202 : memref<128x128xf32, #tpu.memory_space<hbm>>) target_semaphore(%arg12 : memref<!tpu.dma_semaphore, #tpu.memory_space<semaphore_mem>>)
    %dma_wait3A_1207 = arith.constant 0 : i32
    %dma_wait3A_1208 = arith.constant 0 : i32
    %dma_wait3A_1209 = arith.constant 0 : i32
    %dma_wait3A_1210 = tpu.memref_slice %arg9[%dma_wait3A_1207, %dma_wait3A_1208, %dma_wait3A_1209] : memref<2x128x128xf32, #tpu.memory_space<vmem>> -> memref<1x128x128xf32, #tpu.memory_space<vmem>>
    %dma_wait3A_1211 = tpu.memref_squeeze %dma_wait3A_1210 : memref<1x128x128xf32, #tpu.memory_space<vmem>> -> memref<128x128xf32, #tpu.memory_space<vmem>>
    %dma_wait3A_1212 = arith.constant 0 : i32
    %dma_wait3A_1213 = tpu.memref_slice %arg4[%add3A_1193, %dma_wait3A_1212] : memref<204800x128xf32, #tpu.memory_space<hbm>> -> memref<128x128xf32, #tpu.memory_space<hbm>>
    %dma_wait3A_1214 = arith.constant 0 : i32
    %dma_wait3A_1215 = tpu.memref_slice %arg4[%add3A_1193, %dma_wait3A_1214] : memref<204800x128xf32, #tpu.memory_space<hbm>> -> memref<128x128xf32, #tpu.memory_space<hbm>>
    %dma_wait3A_1216 = arith.constant 0 : i32
    %dma_wait3A_1217 = arith.constant 0 : i32
    %dma_wait3A_1218 = tpu.memref_slice %arg9[%dma_wait3A_1207, %dma_wait3A_1216, %dma_wait3A_1217] : memref<2x128x128xf32, #tpu.memory_space<vmem>> -> memref<1x128x128xf32, #tpu.memory_space<vmem>>
    %dma_wait3A_1219 = tpu.memref_squeeze %dma_wait3A_1218 : memref<1x128x128xf32, #tpu.memory_space<vmem>> -> memref<128x128xf32, #tpu.memory_space<vmem>>
    tpu.wait_dma2 semaphore(%arg12 : memref<!tpu.dma_semaphore, #tpu.memory_space<semaphore_mem>>) src(%dma_wait3A_1219 : memref<128x128xf32, #tpu.memory_space<vmem>>) dst(%dma_wait3A_1215 : memref<128x128xf32, #tpu.memory_space<hbm>>)
    %dma_start3A_1220 = arith.constant 24 : i32
    %dma_start3A_1221 = arith.constant 0 : i32
    %dma_start3A_1222 = arith.constant 0 : i32
    %dma_start3A_1223 = arith.constant 0 : i32
    %dma_start3A_1224 = tpu.memref_slice %arg9[%dma_start3A_1221, %dma_start3A_1222, %dma_start3A_1223] : memref<2x128x128xf32, #tpu.memory_space<vmem>> -> memref<1x128x128xf32, #tpu.memory_space<vmem>>
    %dma_start3A_1225 = tpu.memref_squeeze %dma_start3A_1224 : memref<1x128x128xf32, #tpu.memory_space<vmem>> -> memref<128x128xf32, #tpu.memory_space<vmem>>
    %dma_start3A_1226 = arith.constant 0 : i32
    %dma_start3A_1227 = tpu.memref_slice %arg7[%dma_start3A_1220, %dma_start3A_1226] : memref<50x128xi32, #tpu.memory_space<vmem>> -> memref<1x128xi32, #tpu.memory_space<vmem>>
    %dma_start3A_1228 = tpu.memref_squeeze %dma_start3A_1227 : memref<1x128xi32, #tpu.memory_space<vmem>> -> memref<128xi32, #tpu.memory_space<vmem>>
    %dma_start3A_1229 = arith.constant 0 : i32
    %dma_start3A_1230 = arith.constant 0 : i32
    %dma_start3A_1231 = tpu.memref_slice %arg3[%dma_start3A_1229, %dma_start3A_1230] : memref<507904x128xf32, #tpu.memory_space<hbm>> -> memref<507904x128xf32, #tpu.memory_space<hbm>>
    tpu.enqueue_indirect_dma source(%dma_start3A_1231 : memref<507904x128xf32, #tpu.memory_space<hbm>>) target(%dma_start3A_1225 : memref<128x128xf32, #tpu.memory_space<vmem>>) offsets(%dma_start3A_1228 : memref<128xi32, #tpu.memory_space<vmem>>) semaphore(%arg10 : memref<!tpu.dma_semaphore, #tpu.memory_space<semaphore_mem>>)
    %dma_wait3A_1232 = arith.constant 23 : i32
    %dma_wait3A_1233 = arith.constant 1 : i32
    %dma_wait3A_1234 = arith.constant 0 : i32
    %dma_wait3A_1235 = arith.constant 0 : i32
    %dma_wait3A_1236 = tpu.memref_slice %arg9[%dma_wait3A_1233, %dma_wait3A_1234, %dma_wait3A_1235] : memref<2x128x128xf32, #tpu.memory_space<vmem>> -> memref<1x128x128xf32, #tpu.memory_space<vmem>>
    %dma_wait3A_1237 = tpu.memref_squeeze %dma_wait3A_1236 : memref<1x128x128xf32, #tpu.memory_space<vmem>> -> memref<128x128xf32, #tpu.memory_space<vmem>>
    %dma_wait3A_1238 = arith.constant 0 : i32
    %dma_wait3A_1239 = tpu.memref_slice %arg7[%dma_wait3A_1232, %dma_wait3A_1238] : memref<50x128xi32, #tpu.memory_space<vmem>> -> memref<1x128xi32, #tpu.memory_space<vmem>>
    %dma_wait3A_1240 = tpu.memref_squeeze %dma_wait3A_1239 : memref<1x128xi32, #tpu.memory_space<vmem>> -> memref<128xi32, #tpu.memory_space<vmem>>
    %dma_wait3A_1241 = arith.constant 0 : i32
    %dma_wait3A_1242 = arith.constant 0 : i32
    %dma_wait3A_1243 = tpu.memref_slice %arg3[%dma_wait3A_1241, %dma_wait3A_1242] : memref<507904x128xf32, #tpu.memory_space<hbm>> -> memref<507904x128xf32, #tpu.memory_space<hbm>>
    tpu.wait_indirect_dma semaphore(%arg11 : memref<!tpu.dma_semaphore, #tpu.memory_space<semaphore_mem>>) src(%dma_wait3A_1243 : memref<507904x128xf32, #tpu.memory_space<hbm>>) dst(%dma_wait3A_1237 : memref<128x128xf32, #tpu.memory_space<vmem>>)
    %add3A_1244 = arith.constant 94208 : i32
    %add3A_1245 = arith.addi %add3A_1244, %mul3A_2 : i32
    %dma_start3A_1246 = arith.constant 1 : i32
    %dma_start3A_1247 = arith.constant 0 : i32
    %dma_start3A_1248 = arith.constant 0 : i32
    %dma_start3A_1249 = tpu.memref_slice %arg9[%dma_start3A_1246, %dma_start3A_1247, %dma_start3A_1248] : memref<2x128x128xf32, #tpu.memory_space<vmem>> -> memref<1x128x128xf32, #tpu.memory_space<vmem>>
    %dma_start3A_1250 = tpu.memref_squeeze %dma_start3A_1249 : memref<1x128x128xf32, #tpu.memory_space<vmem>> -> memref<128x128xf32, #tpu.memory_space<vmem>>
    %dma_start3A_1251 = arith.constant 0 : i32
    %dma_start3A_1252 = tpu.memref_slice %arg4[%add3A_1245, %dma_start3A_1251] : memref<204800x128xf32, #tpu.memory_space<hbm>> -> memref<128x128xf32, #tpu.memory_space<hbm>>
    %dma_start3A_1253 = arith.constant 0 : i32
    %dma_start3A_1254 = tpu.memref_slice %arg4[%add3A_1245, %dma_start3A_1253] : memref<204800x128xf32, #tpu.memory_space<hbm>> -> memref<128x128xf32, #tpu.memory_space<hbm>>
    %dma_start3A_1255 = arith.constant 0 : i32
    %dma_start3A_1256 = arith.constant 0 : i32
    %dma_start3A_1257 = tpu.memref_slice %arg9[%dma_start3A_1246, %dma_start3A_1255, %dma_start3A_1256] : memref<2x128x128xf32, #tpu.memory_space<vmem>> -> memref<1x128x128xf32, #tpu.memory_space<vmem>>
    %dma_start3A_1258 = tpu.memref_squeeze %dma_start3A_1257 : memref<1x128x128xf32, #tpu.memory_space<vmem>> -> memref<128x128xf32, #tpu.memory_space<vmem>>
    tpu.enqueue_dma source(%dma_start3A_1258 : memref<128x128xf32, #tpu.memory_space<vmem>>) target(%dma_start3A_1254 : memref<128x128xf32, #tpu.memory_space<hbm>>) target_semaphore(%arg13 : memref<!tpu.dma_semaphore, #tpu.memory_space<semaphore_mem>>)
    %dma_wait3A_1259 = arith.constant 1 : i32
    %dma_wait3A_1260 = arith.constant 0 : i32
    %dma_wait3A_1261 = arith.constant 0 : i32
    %dma_wait3A_1262 = tpu.memref_slice %arg9[%dma_wait3A_1259, %dma_wait3A_1260, %dma_wait3A_1261] : memref<2x128x128xf32, #tpu.memory_space<vmem>> -> memref<1x128x128xf32, #tpu.memory_space<vmem>>
    %dma_wait3A_1263 = tpu.memref_squeeze %dma_wait3A_1262 : memref<1x128x128xf32, #tpu.memory_space<vmem>> -> memref<128x128xf32, #tpu.memory_space<vmem>>
    %dma_wait3A_1264 = arith.constant 0 : i32
    %dma_wait3A_1265 = tpu.memref_slice %arg4[%add3A_1245, %dma_wait3A_1264] : memref<204800x128xf32, #tpu.memory_space<hbm>> -> memref<128x128xf32, #tpu.memory_space<hbm>>
    %dma_wait3A_1266 = arith.constant 0 : i32
    %dma_wait3A_1267 = tpu.memref_slice %arg4[%add3A_1245, %dma_wait3A_1266] : memref<204800x128xf32, #tpu.memory_space<hbm>> -> memref<128x128xf32, #tpu.memory_space<hbm>>
    %dma_wait3A_1268 = arith.constant 0 : i32
    %dma_wait3A_1269 = arith.constant 0 : i32
    %dma_wait3A_1270 = tpu.memref_slice %arg9[%dma_wait3A_1259, %dma_wait3A_1268, %dma_wait3A_1269] : memref<2x128x128xf32, #tpu.memory_space<vmem>> -> memref<1x128x128xf32, #tpu.memory_space<vmem>>
    %dma_wait3A_1271 = tpu.memref_squeeze %dma_wait3A_1270 : memref<1x128x128xf32, #tpu.memory_space<vmem>> -> memref<128x128xf32, #tpu.memory_space<vmem>>
    tpu.wait_dma2 semaphore(%arg13 : memref<!tpu.dma_semaphore, #tpu.memory_space<semaphore_mem>>) src(%dma_wait3A_1271 : memref<128x128xf32, #tpu.memory_space<vmem>>) dst(%dma_wait3A_1267 : memref<128x128xf32, #tpu.memory_space<hbm>>)
    %dma_start3A_1272 = arith.constant 25 : i32
    %dma_start3A_1273 = arith.constant 1 : i32
    %dma_start3A_1274 = arith.constant 0 : i32
    %dma_start3A_1275 = arith.constant 0 : i32
    %dma_start3A_1276 = tpu.memref_slice %arg9[%dma_start3A_1273, %dma_start3A_1274, %dma_start3A_1275] : memref<2x128x128xf32, #tpu.memory_space<vmem>> -> memref<1x128x128xf32, #tpu.memory_space<vmem>>
    %dma_start3A_1277 = tpu.memref_squeeze %dma_start3A_1276 : memref<1x128x128xf32, #tpu.memory_space<vmem>> -> memref<128x128xf32, #tpu.memory_space<vmem>>
    %dma_start3A_1278 = arith.constant 0 : i32
    %dma_start3A_1279 = tpu.memref_slice %arg7[%dma_start3A_1272, %dma_start3A_1278] : memref<50x128xi32, #tpu.memory_space<vmem>> -> memref<1x128xi32, #tpu.memory_space<vmem>>
    %dma_start3A_1280 = tpu.memref_squeeze %dma_start3A_1279 : memref<1x128xi32, #tpu.memory_space<vmem>> -> memref<128xi32, #tpu.memory_space<vmem>>
    %dma_start3A_1281 = arith.constant 0 : i32
    %dma_start3A_1282 = arith.constant 0 : i32
    %dma_start3A_1283 = tpu.memref_slice %arg3[%dma_start3A_1281, %dma_start3A_1282] : memref<507904x128xf32, #tpu.memory_space<hbm>> -> memref<507904x128xf32, #tpu.memory_space<hbm>>
    tpu.enqueue_indirect_dma source(%dma_start3A_1283 : memref<507904x128xf32, #tpu.memory_space<hbm>>) target(%dma_start3A_1277 : memref<128x128xf32, #tpu.memory_space<vmem>>) offsets(%dma_start3A_1280 : memref<128xi32, #tpu.memory_space<vmem>>) semaphore(%arg11 : memref<!tpu.dma_semaphore, #tpu.memory_space<semaphore_mem>>)
    %dma_wait3A_1284 = arith.constant 24 : i32
    %dma_wait3A_1285 = arith.constant 0 : i32
    %dma_wait3A_1286 = arith.constant 0 : i32
    %dma_wait3A_1287 = arith.constant 0 : i32
    %dma_wait3A_1288 = tpu.memref_slice %arg9[%dma_wait3A_1285, %dma_wait3A_1286, %dma_wait3A_1287] : memref<2x128x128xf32, #tpu.memory_space<vmem>> -> memref<1x128x128xf32, #tpu.memory_space<vmem>>
    %dma_wait3A_1289 = tpu.memref_squeeze %dma_wait3A_1288 : memref<1x128x128xf32, #tpu.memory_space<vmem>> -> memref<128x128xf32, #tpu.memory_space<vmem>>
    %dma_wait3A_1290 = arith.constant 0 : i32
    %dma_wait3A_1291 = tpu.memref_slice %arg7[%dma_wait3A_1284, %dma_wait3A_1290] : memref<50x128xi32, #tpu.memory_space<vmem>> -> memref<1x128xi32, #tpu.memory_space<vmem>>
    %dma_wait3A_1292 = tpu.memref_squeeze %dma_wait3A_1291 : memref<1x128xi32, #tpu.memory_space<vmem>> -> memref<128xi32, #tpu.memory_space<vmem>>
    %dma_wait3A_1293 = arith.constant 0 : i32
    %dma_wait3A_1294 = arith.constant 0 : i32
    %dma_wait3A_1295 = tpu.memref_slice %arg3[%dma_wait3A_1293, %dma_wait3A_1294] : memref<507904x128xf32, #tpu.memory_space<hbm>> -> memref<507904x128xf32, #tpu.memory_space<hbm>>
    tpu.wait_indirect_dma semaphore(%arg10 : memref<!tpu.dma_semaphore, #tpu.memory_space<semaphore_mem>>) src(%dma_wait3A_1295 : memref<507904x128xf32, #tpu.memory_space<hbm>>) dst(%dma_wait3A_1289 : memref<128x128xf32, #tpu.memory_space<vmem>>)
    %add3A_1296 = arith.constant 98304 : i32
    %add3A_1297 = arith.addi %add3A_1296, %mul3A_2 : i32
    %dma_start3A_1298 = arith.constant 0 : i32
    %dma_start3A_1299 = arith.constant 0 : i32
    %dma_start3A_1300 = arith.constant 0 : i32
    %dma_start3A_1301 = tpu.memref_slice %arg9[%dma_start3A_1298, %dma_start3A_1299, %dma_start3A_1300] : memref<2x128x128xf32, #tpu.memory_space<vmem>> -> memref<1x128x128xf32, #tpu.memory_space<vmem>>
    %dma_start3A_1302 = tpu.memref_squeeze %dma_start3A_1301 : memref<1x128x128xf32, #tpu.memory_space<vmem>> -> memref<128x128xf32, #tpu.memory_space<vmem>>
    %dma_start3A_1303 = arith.constant 0 : i32
    %dma_start3A_1304 = tpu.memref_slice %arg4[%add3A_1297, %dma_start3A_1303] : memref<204800x128xf32, #tpu.memory_space<hbm>> -> memref<128x128xf32, #tpu.memory_space<hbm>>
    %dma_start3A_1305 = arith.constant 0 : i32
    %dma_start3A_1306 = tpu.memref_slice %arg4[%add3A_1297, %dma_start3A_1305] : memref<204800x128xf32, #tpu.memory_space<hbm>> -> memref<128x128xf32, #tpu.memory_space<hbm>>
    %dma_start3A_1307 = arith.constant 0 : i32
    %dma_start3A_1308 = arith.constant 0 : i32
    %dma_start3A_1309 = tpu.memref_slice %arg9[%dma_start3A_1298, %dma_start3A_1307, %dma_start3A_1308] : memref<2x128x128xf32, #tpu.memory_space<vmem>> -> memref<1x128x128xf32, #tpu.memory_space<vmem>>
    %dma_start3A_1310 = tpu.memref_squeeze %dma_start3A_1309 : memref<1x128x128xf32, #tpu.memory_space<vmem>> -> memref<128x128xf32, #tpu.memory_space<vmem>>
    tpu.enqueue_dma source(%dma_start3A_1310 : memref<128x128xf32, #tpu.memory_space<vmem>>) target(%dma_start3A_1306 : memref<128x128xf32, #tpu.memory_space<hbm>>) target_semaphore(%arg12 : memref<!tpu.dma_semaphore, #tpu.memory_space<semaphore_mem>>)
    %dma_wait3A_1311 = arith.constant 0 : i32
    %dma_wait3A_1312 = arith.constant 0 : i32
    %dma_wait3A_1313 = arith.constant 0 : i32
    %dma_wait3A_1314 = tpu.memref_slice %arg9[%dma_wait3A_1311, %dma_wait3A_1312, %dma_wait3A_1313] : memref<2x128x128xf32, #tpu.memory_space<vmem>> -> memref<1x128x128xf32, #tpu.memory_space<vmem>>
    %dma_wait3A_1315 = tpu.memref_squeeze %dma_wait3A_1314 : memref<1x128x128xf32, #tpu.memory_space<vmem>> -> memref<128x128xf32, #tpu.memory_space<vmem>>
    %dma_wait3A_1316 = arith.constant 0 : i32
    %dma_wait3A_1317 = tpu.memref_slice %arg4[%add3A_1297, %dma_wait3A_1316] : memref<204800x128xf32, #tpu.memory_space<hbm>> -> memref<128x128xf32, #tpu.memory_space<hbm>>
    %dma_wait3A_1318 = arith.constant 0 : i32
    %dma_wait3A_1319 = tpu.memref_slice %arg4[%add3A_1297, %dma_wait3A_1318] : memref<204800x128xf32, #tpu.memory_space<hbm>> -> memref<128x128xf32, #tpu.memory_space<hbm>>
    %dma_wait3A_1320 = arith.constant 0 : i32
    %dma_wait3A_1321 = arith.constant 0 : i32
    %dma_wait3A_1322 = tpu.memref_slice %arg9[%dma_wait3A_1311, %dma_wait3A_1320, %dma_wait3A_1321] : memref<2x128x128xf32, #tpu.memory_space<vmem>> -> memref<1x128x128xf32, #tpu.memory_space<vmem>>
    %dma_wait3A_1323 = tpu.memref_squeeze %dma_wait3A_1322 : memref<1x128x128xf32, #tpu.memory_space<vmem>> -> memref<128x128xf32, #tpu.memory_space<vmem>>
    tpu.wait_dma2 semaphore(%arg12 : memref<!tpu.dma_semaphore, #tpu.memory_space<semaphore_mem>>) src(%dma_wait3A_1323 : memref<128x128xf32, #tpu.memory_space<vmem>>) dst(%dma_wait3A_1319 : memref<128x128xf32, #tpu.memory_space<hbm>>)
    %dma_start3A_1324 = arith.constant 26 : i32
    %dma_start3A_1325 = arith.constant 0 : i32
    %dma_start3A_1326 = arith.constant 0 : i32
    %dma_start3A_1327 = arith.constant 0 : i32
    %dma_start3A_1328 = tpu.memref_slice %arg9[%dma_start3A_1325, %dma_start3A_1326, %dma_start3A_1327] : memref<2x128x128xf32, #tpu.memory_space<vmem>> -> memref<1x128x128xf32, #tpu.memory_space<vmem>>
    %dma_start3A_1329 = tpu.memref_squeeze %dma_start3A_1328 : memref<1x128x128xf32, #tpu.memory_space<vmem>> -> memref<128x128xf32, #tpu.memory_space<vmem>>
    %dma_start3A_1330 = arith.constant 0 : i32
    %dma_start3A_1331 = tpu.memref_slice %arg7[%dma_start3A_1324, %dma_start3A_1330] : memref<50x128xi32, #tpu.memory_space<vmem>> -> memref<1x128xi32, #tpu.memory_space<vmem>>
    %dma_start3A_1332 = tpu.memref_squeeze %dma_start3A_1331 : memref<1x128xi32, #tpu.memory_space<vmem>> -> memref<128xi32, #tpu.memory_space<vmem>>
    %dma_start3A_1333 = arith.constant 0 : i32
    %dma_start3A_1334 = arith.constant 0 : i32
    %dma_start3A_1335 = tpu.memref_slice %arg3[%dma_start3A_1333, %dma_start3A_1334] : memref<507904x128xf32, #tpu.memory_space<hbm>> -> memref<507904x128xf32, #tpu.memory_space<hbm>>
    tpu.enqueue_indirect_dma source(%dma_start3A_1335 : memref<507904x128xf32, #tpu.memory_space<hbm>>) target(%dma_start3A_1329 : memref<128x128xf32, #tpu.memory_space<vmem>>) offsets(%dma_start3A_1332 : memref<128xi32, #tpu.memory_space<vmem>>) semaphore(%arg10 : memref<!tpu.dma_semaphore, #tpu.memory_space<semaphore_mem>>)
    %dma_wait3A_1336 = arith.constant 25 : i32
    %dma_wait3A_1337 = arith.constant 1 : i32
    %dma_wait3A_1338 = arith.constant 0 : i32
    %dma_wait3A_1339 = arith.constant 0 : i32
    %dma_wait3A_1340 = tpu.memref_slice %arg9[%dma_wait3A_1337, %dma_wait3A_1338, %dma_wait3A_1339] : memref<2x128x128xf32, #tpu.memory_space<vmem>> -> memref<1x128x128xf32, #tpu.memory_space<vmem>>
    %dma_wait3A_1341 = tpu.memref_squeeze %dma_wait3A_1340 : memref<1x128x128xf32, #tpu.memory_space<vmem>> -> memref<128x128xf32, #tpu.memory_space<vmem>>
    %dma_wait3A_1342 = arith.constant 0 : i32
    %dma_wait3A_1343 = tpu.memref_slice %arg7[%dma_wait3A_1336, %dma_wait3A_1342] : memref<50x128xi32, #tpu.memory_space<vmem>> -> memref<1x128xi32, #tpu.memory_space<vmem>>
    %dma_wait3A_1344 = tpu.memref_squeeze %dma_wait3A_1343 : memref<1x128xi32, #tpu.memory_space<vmem>> -> memref<128xi32, #tpu.memory_space<vmem>>
    %dma_wait3A_1345 = arith.constant 0 : i32
    %dma_wait3A_1346 = arith.constant 0 : i32
    %dma_wait3A_1347 = tpu.memref_slice %arg3[%dma_wait3A_1345, %dma_wait3A_1346] : memref<507904x128xf32, #tpu.memory_space<hbm>> -> memref<507904x128xf32, #tpu.memory_space<hbm>>
    tpu.wait_indirect_dma semaphore(%arg11 : memref<!tpu.dma_semaphore, #tpu.memory_space<semaphore_mem>>) src(%dma_wait3A_1347 : memref<507904x128xf32, #tpu.memory_space<hbm>>) dst(%dma_wait3A_1341 : memref<128x128xf32, #tpu.memory_space<vmem>>)
    %add3A_1348 = arith.constant 102400 : i32
    %add3A_1349 = arith.addi %add3A_1348, %mul3A_2 : i32
    %dma_start3A_1350 = arith.constant 1 : i32
    %dma_start3A_1351 = arith.constant 0 : i32
    %dma_start3A_1352 = arith.constant 0 : i32
    %dma_start3A_1353 = tpu.memref_slice %arg9[%dma_start3A_1350, %dma_start3A_1351, %dma_start3A_1352] : memref<2x128x128xf32, #tpu.memory_space<vmem>> -> memref<1x128x128xf32, #tpu.memory_space<vmem>>
    %dma_start3A_1354 = tpu.memref_squeeze %dma_start3A_1353 : memref<1x128x128xf32, #tpu.memory_space<vmem>> -> memref<128x128xf32, #tpu.memory_space<vmem>>
    %dma_start3A_1355 = arith.constant 0 : i32
    %dma_start3A_1356 = tpu.memref_slice %arg4[%add3A_1349, %dma_start3A_1355] : memref<204800x128xf32, #tpu.memory_space<hbm>> -> memref<128x128xf32, #tpu.memory_space<hbm>>
    %dma_start3A_1357 = arith.constant 0 : i32
    %dma_start3A_1358 = tpu.memref_slice %arg4[%add3A_1349, %dma_start3A_1357] : memref<204800x128xf32, #tpu.memory_space<hbm>> -> memref<128x128xf32, #tpu.memory_space<hbm>>
    %dma_start3A_1359 = arith.constant 0 : i32
    %dma_start3A_1360 = arith.constant 0 : i32
    %dma_start3A_1361 = tpu.memref_slice %arg9[%dma_start3A_1350, %dma_start3A_1359, %dma_start3A_1360] : memref<2x128x128xf32, #tpu.memory_space<vmem>> -> memref<1x128x128xf32, #tpu.memory_space<vmem>>
    %dma_start3A_1362 = tpu.memref_squeeze %dma_start3A_1361 : memref<1x128x128xf32, #tpu.memory_space<vmem>> -> memref<128x128xf32, #tpu.memory_space<vmem>>
    tpu.enqueue_dma source(%dma_start3A_1362 : memref<128x128xf32, #tpu.memory_space<vmem>>) target(%dma_start3A_1358 : memref<128x128xf32, #tpu.memory_space<hbm>>) target_semaphore(%arg13 : memref<!tpu.dma_semaphore, #tpu.memory_space<semaphore_mem>>)
    %dma_wait3A_1363 = arith.constant 1 : i32
    %dma_wait3A_1364 = arith.constant 0 : i32
    %dma_wait3A_1365 = arith.constant 0 : i32
    %dma_wait3A_1366 = tpu.memref_slice %arg9[%dma_wait3A_1363, %dma_wait3A_1364, %dma_wait3A_1365] : memref<2x128x128xf32, #tpu.memory_space<vmem>> -> memref<1x128x128xf32, #tpu.memory_space<vmem>>
    %dma_wait3A_1367 = tpu.memref_squeeze %dma_wait3A_1366 : memref<1x128x128xf32, #tpu.memory_space<vmem>> -> memref<128x128xf32, #tpu.memory_space<vmem>>
    %dma_wait3A_1368 = arith.constant 0 : i32
    %dma_wait3A_1369 = tpu.memref_slice %arg4[%add3A_1349, %dma_wait3A_1368] : memref<204800x128xf32, #tpu.memory_space<hbm>> -> memref<128x128xf32, #tpu.memory_space<hbm>>
    %dma_wait3A_1370 = arith.constant 0 : i32
    %dma_wait3A_1371 = tpu.memref_slice %arg4[%add3A_1349, %dma_wait3A_1370] : memref<204800x128xf32, #tpu.memory_space<hbm>> -> memref<128x128xf32, #tpu.memory_space<hbm>>
    %dma_wait3A_1372 = arith.constant 0 : i32
    %dma_wait3A_1373 = arith.constant 0 : i32
    %dma_wait3A_1374 = tpu.memref_slice %arg9[%dma_wait3A_1363, %dma_wait3A_1372, %dma_wait3A_1373] : memref<2x128x128xf32, #tpu.memory_space<vmem>> -> memref<1x128x128xf32, #tpu.memory_space<vmem>>
    %dma_wait3A_1375 = tpu.memref_squeeze %dma_wait3A_1374 : memref<1x128x128xf32, #tpu.memory_space<vmem>> -> memref<128x128xf32, #tpu.memory_space<vmem>>
    tpu.wait_dma2 semaphore(%arg13 : memref<!tpu.dma_semaphore, #tpu.memory_space<semaphore_mem>>) src(%dma_wait3A_1375 : memref<128x128xf32, #tpu.memory_space<vmem>>) dst(%dma_wait3A_1371 : memref<128x128xf32, #tpu.memory_space<hbm>>)
    %dma_start3A_1376 = arith.constant 27 : i32
    %dma_start3A_1377 = arith.constant 1 : i32
    %dma_start3A_1378 = arith.constant 0 : i32
    %dma_start3A_1379 = arith.constant 0 : i32
    %dma_start3A_1380 = tpu.memref_slice %arg9[%dma_start3A_1377, %dma_start3A_1378, %dma_start3A_1379] : memref<2x128x128xf32, #tpu.memory_space<vmem>> -> memref<1x128x128xf32, #tpu.memory_space<vmem>>
    %dma_start3A_1381 = tpu.memref_squeeze %dma_start3A_1380 : memref<1x128x128xf32, #tpu.memory_space<vmem>> -> memref<128x128xf32, #tpu.memory_space<vmem>>
    %dma_start3A_1382 = arith.constant 0 : i32
    %dma_start3A_1383 = tpu.memref_slice %arg7[%dma_start3A_1376, %dma_start3A_1382] : memref<50x128xi32, #tpu.memory_space<vmem>> -> memref<1x128xi32, #tpu.memory_space<vmem>>
    %dma_start3A_1384 = tpu.memref_squeeze %dma_start3A_1383 : memref<1x128xi32, #tpu.memory_space<vmem>> -> memref<128xi32, #tpu.memory_space<vmem>>
    %dma_start3A_1385 = arith.constant 0 : i32
    %dma_start3A_1386 = arith.constant 0 : i32
    %dma_start3A_1387 = tpu.memref_slice %arg3[%dma_start3A_1385, %dma_start3A_1386] : memref<507904x128xf32, #tpu.memory_space<hbm>> -> memref<507904x128xf32, #tpu.memory_space<hbm>>
    tpu.enqueue_indirect_dma source(%dma_start3A_1387 : memref<507904x128xf32, #tpu.memory_space<hbm>>) target(%dma_start3A_1381 : memref<128x128xf32, #tpu.memory_space<vmem>>) offsets(%dma_start3A_1384 : memref<128xi32, #tpu.memory_space<vmem>>) semaphore(%arg11 : memref<!tpu.dma_semaphore, #tpu.memory_space<semaphore_mem>>)
    %dma_wait3A_1388 = arith.constant 26 : i32
    %dma_wait3A_1389 = arith.constant 0 : i32
    %dma_wait3A_1390 = arith.constant 0 : i32
    %dma_wait3A_1391 = arith.constant 0 : i32
    %dma_wait3A_1392 = tpu.memref_slice %arg9[%dma_wait3A_1389, %dma_wait3A_1390, %dma_wait3A_1391] : memref<2x128x128xf32, #tpu.memory_space<vmem>> -> memref<1x128x128xf32, #tpu.memory_space<vmem>>
    %dma_wait3A_1393 = tpu.memref_squeeze %dma_wait3A_1392 : memref<1x128x128xf32, #tpu.memory_space<vmem>> -> memref<128x128xf32, #tpu.memory_space<vmem>>
    %dma_wait3A_1394 = arith.constant 0 : i32
    %dma_wait3A_1395 = tpu.memref_slice %arg7[%dma_wait3A_1388, %dma_wait3A_1394] : memref<50x128xi32, #tpu.memory_space<vmem>> -> memref<1x128xi32, #tpu.memory_space<vmem>>
    %dma_wait3A_1396 = tpu.memref_squeeze %dma_wait3A_1395 : memref<1x128xi32, #tpu.memory_space<vmem>> -> memref<128xi32, #tpu.memory_space<vmem>>
    %dma_wait3A_1397 = arith.constant 0 : i32
    %dma_wait3A_1398 = arith.constant 0 : i32
    %dma_wait3A_1399 = tpu.memref_slice %arg3[%dma_wait3A_1397, %dma_wait3A_1398] : memref<507904x128xf32, #tpu.memory_space<hbm>> -> memref<507904x128xf32, #tpu.memory_space<hbm>>
    tpu.wait_indirect_dma semaphore(%arg10 : memref<!tpu.dma_semaphore, #tpu.memory_space<semaphore_mem>>) src(%dma_wait3A_1399 : memref<507904x128xf32, #tpu.memory_space<hbm>>) dst(%dma_wait3A_1393 : memref<128x128xf32, #tpu.memory_space<vmem>>)
    %add3A_1400 = arith.constant 106496 : i32
    %add3A_1401 = arith.addi %add3A_1400, %mul3A_2 : i32
    %dma_start3A_1402 = arith.constant 0 : i32
    %dma_start3A_1403 = arith.constant 0 : i32
    %dma_start3A_1404 = arith.constant 0 : i32
    %dma_start3A_1405 = tpu.memref_slice %arg9[%dma_start3A_1402, %dma_start3A_1403, %dma_start3A_1404] : memref<2x128x128xf32, #tpu.memory_space<vmem>> -> memref<1x128x128xf32, #tpu.memory_space<vmem>>
    %dma_start3A_1406 = tpu.memref_squeeze %dma_start3A_1405 : memref<1x128x128xf32, #tpu.memory_space<vmem>> -> memref<128x128xf32, #tpu.memory_space<vmem>>
    %dma_start3A_1407 = arith.constant 0 : i32
    %dma_start3A_1408 = tpu.memref_slice %arg4[%add3A_1401, %dma_start3A_1407] : memref<204800x128xf32, #tpu.memory_space<hbm>> -> memref<128x128xf32, #tpu.memory_space<hbm>>
    %dma_start3A_1409 = arith.constant 0 : i32
    %dma_start3A_1410 = tpu.memref_slice %arg4[%add3A_1401, %dma_start3A_1409] : memref<204800x128xf32, #tpu.memory_space<hbm>> -> memref<128x128xf32, #tpu.memory_space<hbm>>
    %dma_start3A_1411 = arith.constant 0 : i32
    %dma_start3A_1412 = arith.constant 0 : i32
    %dma_start3A_1413 = tpu.memref_slice %arg9[%dma_start3A_1402, %dma_start3A_1411, %dma_start3A_1412] : memref<2x128x128xf32, #tpu.memory_space<vmem>> -> memref<1x128x128xf32, #tpu.memory_space<vmem>>
    %dma_start3A_1414 = tpu.memref_squeeze %dma_start3A_1413 : memref<1x128x128xf32, #tpu.memory_space<vmem>> -> memref<128x128xf32, #tpu.memory_space<vmem>>
    tpu.enqueue_dma source(%dma_start3A_1414 : memref<128x128xf32, #tpu.memory_space<vmem>>) target(%dma_start3A_1410 : memref<128x128xf32, #tpu.memory_space<hbm>>) target_semaphore(%arg12 : memref<!tpu.dma_semaphore, #tpu.memory_space<semaphore_mem>>)
    %dma_wait3A_1415 = arith.constant 0 : i32
    %dma_wait3A_1416 = arith.constant 0 : i32
    %dma_wait3A_1417 = arith.constant 0 : i32
    %dma_wait3A_1418 = tpu.memref_slice %arg9[%dma_wait3A_1415, %dma_wait3A_1416, %dma_wait3A_1417] : memref<2x128x128xf32, #tpu.memory_space<vmem>> -> memref<1x128x128xf32, #tpu.memory_space<vmem>>
    %dma_wait3A_1419 = tpu.memref_squeeze %dma_wait3A_1418 : memref<1x128x128xf32, #tpu.memory_space<vmem>> -> memref<128x128xf32, #tpu.memory_space<vmem>>
    %dma_wait3A_1420 = arith.constant 0 : i32
    %dma_wait3A_1421 = tpu.memref_slice %arg4[%add3A_1401, %dma_wait3A_1420] : memref<204800x128xf32, #tpu.memory_space<hbm>> -> memref<128x128xf32, #tpu.memory_space<hbm>>
    %dma_wait3A_1422 = arith.constant 0 : i32
    %dma_wait3A_1423 = tpu.memref_slice %arg4[%add3A_1401, %dma_wait3A_1422] : memref<204800x128xf32, #tpu.memory_space<hbm>> -> memref<128x128xf32, #tpu.memory_space<hbm>>
    %dma_wait3A_1424 = arith.constant 0 : i32
    %dma_wait3A_1425 = arith.constant 0 : i32
    %dma_wait3A_1426 = tpu.memref_slice %arg9[%dma_wait3A_1415, %dma_wait3A_1424, %dma_wait3A_1425] : memref<2x128x128xf32, #tpu.memory_space<vmem>> -> memref<1x128x128xf32, #tpu.memory_space<vmem>>
    %dma_wait3A_1427 = tpu.memref_squeeze %dma_wait3A_1426 : memref<1x128x128xf32, #tpu.memory_space<vmem>> -> memref<128x128xf32, #tpu.memory_space<vmem>>
    tpu.wait_dma2 semaphore(%arg12 : memref<!tpu.dma_semaphore, #tpu.memory_space<semaphore_mem>>) src(%dma_wait3A_1427 : memref<128x128xf32, #tpu.memory_space<vmem>>) dst(%dma_wait3A_1423 : memref<128x128xf32, #tpu.memory_space<hbm>>)
    %dma_start3A_1428 = arith.constant 28 : i32
    %dma_start3A_1429 = arith.constant 0 : i32
    %dma_start3A_1430 = arith.constant 0 : i32
    %dma_start3A_1431 = arith.constant 0 : i32
    %dma_start3A_1432 = tpu.memref_slice %arg9[%dma_start3A_1429, %dma_start3A_1430, %dma_start3A_1431] : memref<2x128x128xf32, #tpu.memory_space<vmem>> -> memref<1x128x128xf32, #tpu.memory_space<vmem>>
    %dma_start3A_1433 = tpu.memref_squeeze %dma_start3A_1432 : memref<1x128x128xf32, #tpu.memory_space<vmem>> -> memref<128x128xf32, #tpu.memory_space<vmem>>
    %dma_start3A_1434 = arith.constant 0 : i32
    %dma_start3A_1435 = tpu.memref_slice %arg7[%dma_start3A_1428, %dma_start3A_1434] : memref<50x128xi32, #tpu.memory_space<vmem>> -> memref<1x128xi32, #tpu.memory_space<vmem>>
    %dma_start3A_1436 = tpu.memref_squeeze %dma_start3A_1435 : memref<1x128xi32, #tpu.memory_space<vmem>> -> memref<128xi32, #tpu.memory_space<vmem>>
    %dma_start3A_1437 = arith.constant 0 : i32
    %dma_start3A_1438 = arith.constant 0 : i32
    %dma_start3A_1439 = tpu.memref_slice %arg3[%dma_start3A_1437, %dma_start3A_1438] : memref<507904x128xf32, #tpu.memory_space<hbm>> -> memref<507904x128xf32, #tpu.memory_space<hbm>>
    tpu.enqueue_indirect_dma source(%dma_start3A_1439 : memref<507904x128xf32, #tpu.memory_space<hbm>>) target(%dma_start3A_1433 : memref<128x128xf32, #tpu.memory_space<vmem>>) offsets(%dma_start3A_1436 : memref<128xi32, #tpu.memory_space<vmem>>) semaphore(%arg10 : memref<!tpu.dma_semaphore, #tpu.memory_space<semaphore_mem>>)
    %dma_wait3A_1440 = arith.constant 27 : i32
    %dma_wait3A_1441 = arith.constant 1 : i32
    %dma_wait3A_1442 = arith.constant 0 : i32
    %dma_wait3A_1443 = arith.constant 0 : i32
    %dma_wait3A_1444 = tpu.memref_slice %arg9[%dma_wait3A_1441, %dma_wait3A_1442, %dma_wait3A_1443] : memref<2x128x128xf32, #tpu.memory_space<vmem>> -> memref<1x128x128xf32, #tpu.memory_space<vmem>>
    %dma_wait3A_1445 = tpu.memref_squeeze %dma_wait3A_1444 : memref<1x128x128xf32, #tpu.memory_space<vmem>> -> memref<128x128xf32, #tpu.memory_space<vmem>>
    %dma_wait3A_1446 = arith.constant 0 : i32
    %dma_wait3A_1447 = tpu.memref_slice %arg7[%dma_wait3A_1440, %dma_wait3A_1446] : memref<50x128xi32, #tpu.memory_space<vmem>> -> memref<1x128xi32, #tpu.memory_space<vmem>>
    %dma_wait3A_1448 = tpu.memref_squeeze %dma_wait3A_1447 : memref<1x128xi32, #tpu.memory_space<vmem>> -> memref<128xi32, #tpu.memory_space<vmem>>
    %dma_wait3A_1449 = arith.constant 0 : i32
    %dma_wait3A_1450 = arith.constant 0 : i32
    %dma_wait3A_1451 = tpu.memref_slice %arg3[%dma_wait3A_1449, %dma_wait3A_1450] : memref<507904x128xf32, #tpu.memory_space<hbm>> -> memref<507904x128xf32, #tpu.memory_space<hbm>>
    tpu.wait_indirect_dma semaphore(%arg11 : memref<!tpu.dma_semaphore, #tpu.memory_space<semaphore_mem>>) src(%dma_wait3A_1451 : memref<507904x128xf32, #tpu.memory_space<hbm>>) dst(%dma_wait3A_1445 : memref<128x128xf32, #tpu.memory_space<vmem>>)
    %add3A_1452 = arith.constant 110592 : i32
    %add3A_1453 = arith.addi %add3A_1452, %mul3A_2 : i32
    %dma_start3A_1454 = arith.constant 1 : i32
    %dma_start3A_1455 = arith.constant 0 : i32
    %dma_start3A_1456 = arith.constant 0 : i32
    %dma_start3A_1457 = tpu.memref_slice %arg9[%dma_start3A_1454, %dma_start3A_1455, %dma_start3A_1456] : memref<2x128x128xf32, #tpu.memory_space<vmem>> -> memref<1x128x128xf32, #tpu.memory_space<vmem>>
    %dma_start3A_1458 = tpu.memref_squeeze %dma_start3A_1457 : memref<1x128x128xf32, #tpu.memory_space<vmem>> -> memref<128x128xf32, #tpu.memory_space<vmem>>
    %dma_start3A_1459 = arith.constant 0 : i32
    %dma_start3A_1460 = tpu.memref_slice %arg4[%add3A_1453, %dma_start3A_1459] : memref<204800x128xf32, #tpu.memory_space<hbm>> -> memref<128x128xf32, #tpu.memory_space<hbm>>
    %dma_start3A_1461 = arith.constant 0 : i32
    %dma_start3A_1462 = tpu.memref_slice %arg4[%add3A_1453, %dma_start3A_1461] : memref<204800x128xf32, #tpu.memory_space<hbm>> -> memref<128x128xf32, #tpu.memory_space<hbm>>
    %dma_start3A_1463 = arith.constant 0 : i32
    %dma_start3A_1464 = arith.constant 0 : i32
    %dma_start3A_1465 = tpu.memref_slice %arg9[%dma_start3A_1454, %dma_start3A_1463, %dma_start3A_1464] : memref<2x128x128xf32, #tpu.memory_space<vmem>> -> memref<1x128x128xf32, #tpu.memory_space<vmem>>
    %dma_start3A_1466 = tpu.memref_squeeze %dma_start3A_1465 : memref<1x128x128xf32, #tpu.memory_space<vmem>> -> memref<128x128xf32, #tpu.memory_space<vmem>>
    tpu.enqueue_dma source(%dma_start3A_1466 : memref<128x128xf32, #tpu.memory_space<vmem>>) target(%dma_start3A_1462 : memref<128x128xf32, #tpu.memory_space<hbm>>) target_semaphore(%arg13 : memref<!tpu.dma_semaphore, #tpu.memory_space<semaphore_mem>>)
    %dma_wait3A_1467 = arith.constant 1 : i32
    %dma_wait3A_1468 = arith.constant 0 : i32
    %dma_wait3A_1469 = arith.constant 0 : i32
    %dma_wait3A_1470 = tpu.memref_slice %arg9[%dma_wait3A_1467, %dma_wait3A_1468, %dma_wait3A_1469] : memref<2x128x128xf32, #tpu.memory_space<vmem>> -> memref<1x128x128xf32, #tpu.memory_space<vmem>>
    %dma_wait3A_1471 = tpu.memref_squeeze %dma_wait3A_1470 : memref<1x128x128xf32, #tpu.memory_space<vmem>> -> memref<128x128xf32, #tpu.memory_space<vmem>>
    %dma_wait3A_1472 = arith.constant 0 : i32
    %dma_wait3A_1473 = tpu.memref_slice %arg4[%add3A_1453, %dma_wait3A_1472] : memref<204800x128xf32, #tpu.memory_space<hbm>> -> memref<128x128xf32, #tpu.memory_space<hbm>>
    %dma_wait3A_1474 = arith.constant 0 : i32
    %dma_wait3A_1475 = tpu.memref_slice %arg4[%add3A_1453, %dma_wait3A_1474] : memref<204800x128xf32, #tpu.memory_space<hbm>> -> memref<128x128xf32, #tpu.memory_space<hbm>>
    %dma_wait3A_1476 = arith.constant 0 : i32
    %dma_wait3A_1477 = arith.constant 0 : i32
    %dma_wait3A_1478 = tpu.memref_slice %arg9[%dma_wait3A_1467, %dma_wait3A_1476, %dma_wait3A_1477] : memref<2x128x128xf32, #tpu.memory_space<vmem>> -> memref<1x128x128xf32, #tpu.memory_space<vmem>>
    %dma_wait3A_1479 = tpu.memref_squeeze %dma_wait3A_1478 : memref<1x128x128xf32, #tpu.memory_space<vmem>> -> memref<128x128xf32, #tpu.memory_space<vmem>>
    tpu.wait_dma2 semaphore(%arg13 : memref<!tpu.dma_semaphore, #tpu.memory_space<semaphore_mem>>) src(%dma_wait3A_1479 : memref<128x128xf32, #tpu.memory_space<vmem>>) dst(%dma_wait3A_1475 : memref<128x128xf32, #tpu.memory_space<hbm>>)
    %dma_start3A_1480 = arith.constant 29 : i32
    %dma_start3A_1481 = arith.constant 1 : i32
    %dma_start3A_1482 = arith.constant 0 : i32
    %dma_start3A_1483 = arith.constant 0 : i32
    %dma_start3A_1484 = tpu.memref_slice %arg9[%dma_start3A_1481, %dma_start3A_1482, %dma_start3A_1483] : memref<2x128x128xf32, #tpu.memory_space<vmem>> -> memref<1x128x128xf32, #tpu.memory_space<vmem>>
    %dma_start3A_1485 = tpu.memref_squeeze %dma_start3A_1484 : memref<1x128x128xf32, #tpu.memory_space<vmem>> -> memref<128x128xf32, #tpu.memory_space<vmem>>
    %dma_start3A_1486 = arith.constant 0 : i32
    %dma_start3A_1487 = tpu.memref_slice %arg7[%dma_start3A_1480, %dma_start3A_1486] : memref<50x128xi32, #tpu.memory_space<vmem>> -> memref<1x128xi32, #tpu.memory_space<vmem>>
    %dma_start3A_1488 = tpu.memref_squeeze %dma_start3A_1487 : memref<1x128xi32, #tpu.memory_space<vmem>> -> memref<128xi32, #tpu.memory_space<vmem>>
    %dma_start3A_1489 = arith.constant 0 : i32
    %dma_start3A_1490 = arith.constant 0 : i32
    %dma_start3A_1491 = tpu.memref_slice %arg3[%dma_start3A_1489, %dma_start3A_1490] : memref<507904x128xf32, #tpu.memory_space<hbm>> -> memref<507904x128xf32, #tpu.memory_space<hbm>>
    tpu.enqueue_indirect_dma source(%dma_start3A_1491 : memref<507904x128xf32, #tpu.memory_space<hbm>>) target(%dma_start3A_1485 : memref<128x128xf32, #tpu.memory_space<vmem>>) offsets(%dma_start3A_1488 : memref<128xi32, #tpu.memory_space<vmem>>) semaphore(%arg11 : memref<!tpu.dma_semaphore, #tpu.memory_space<semaphore_mem>>)
    %dma_wait3A_1492 = arith.constant 28 : i32
    %dma_wait3A_1493 = arith.constant 0 : i32
    %dma_wait3A_1494 = arith.constant 0 : i32
    %dma_wait3A_1495 = arith.constant 0 : i32
    %dma_wait3A_1496 = tpu.memref_slice %arg9[%dma_wait3A_1493, %dma_wait3A_1494, %dma_wait3A_1495] : memref<2x128x128xf32, #tpu.memory_space<vmem>> -> memref<1x128x128xf32, #tpu.memory_space<vmem>>
    %dma_wait3A_1497 = tpu.memref_squeeze %dma_wait3A_1496 : memref<1x128x128xf32, #tpu.memory_space<vmem>> -> memref<128x128xf32, #tpu.memory_space<vmem>>
    %dma_wait3A_1498 = arith.constant 0 : i32
    %dma_wait3A_1499 = tpu.memref_slice %arg7[%dma_wait3A_1492, %dma_wait3A_1498] : memref<50x128xi32, #tpu.memory_space<vmem>> -> memref<1x128xi32, #tpu.memory_space<vmem>>
    %dma_wait3A_1500 = tpu.memref_squeeze %dma_wait3A_1499 : memref<1x128xi32, #tpu.memory_space<vmem>> -> memref<128xi32, #tpu.memory_space<vmem>>
    %dma_wait3A_1501 = arith.constant 0 : i32
    %dma_wait3A_1502 = arith.constant 0 : i32
    %dma_wait3A_1503 = tpu.memref_slice %arg3[%dma_wait3A_1501, %dma_wait3A_1502] : memref<507904x128xf32, #tpu.memory_space<hbm>> -> memref<507904x128xf32, #tpu.memory_space<hbm>>
    tpu.wait_indirect_dma semaphore(%arg10 : memref<!tpu.dma_semaphore, #tpu.memory_space<semaphore_mem>>) src(%dma_wait3A_1503 : memref<507904x128xf32, #tpu.memory_space<hbm>>) dst(%dma_wait3A_1497 : memref<128x128xf32, #tpu.memory_space<vmem>>)
    %add3A_1504 = arith.constant 114688 : i32
    %add3A_1505 = arith.addi %add3A_1504, %mul3A_2 : i32
    %dma_start3A_1506 = arith.constant 0 : i32
    %dma_start3A_1507 = arith.constant 0 : i32
    %dma_start3A_1508 = arith.constant 0 : i32
    %dma_start3A_1509 = tpu.memref_slice %arg9[%dma_start3A_1506, %dma_start3A_1507, %dma_start3A_1508] : memref<2x128x128xf32, #tpu.memory_space<vmem>> -> memref<1x128x128xf32, #tpu.memory_space<vmem>>
    %dma_start3A_1510 = tpu.memref_squeeze %dma_start3A_1509 : memref<1x128x128xf32, #tpu.memory_space<vmem>> -> memref<128x128xf32, #tpu.memory_space<vmem>>
    %dma_start3A_1511 = arith.constant 0 : i32
    %dma_start3A_1512 = tpu.memref_slice %arg4[%add3A_1505, %dma_start3A_1511] : memref<204800x128xf32, #tpu.memory_space<hbm>> -> memref<128x128xf32, #tpu.memory_space<hbm>>
    %dma_start3A_1513 = arith.constant 0 : i32
    %dma_start3A_1514 = tpu.memref_slice %arg4[%add3A_1505, %dma_start3A_1513] : memref<204800x128xf32, #tpu.memory_space<hbm>> -> memref<128x128xf32, #tpu.memory_space<hbm>>
    %dma_start3A_1515 = arith.constant 0 : i32
    %dma_start3A_1516 = arith.constant 0 : i32
    %dma_start3A_1517 = tpu.memref_slice %arg9[%dma_start3A_1506, %dma_start3A_1515, %dma_start3A_1516] : memref<2x128x128xf32, #tpu.memory_space<vmem>> -> memref<1x128x128xf32, #tpu.memory_space<vmem>>
    %dma_start3A_1518 = tpu.memref_squeeze %dma_start3A_1517 : memref<1x128x128xf32, #tpu.memory_space<vmem>> -> memref<128x128xf32, #tpu.memory_space<vmem>>
    tpu.enqueue_dma source(%dma_start3A_1518 : memref<128x128xf32, #tpu.memory_space<vmem>>) target(%dma_start3A_1514 : memref<128x128xf32, #tpu.memory_space<hbm>>) target_semaphore(%arg12 : memref<!tpu.dma_semaphore, #tpu.memory_space<semaphore_mem>>)
    %dma_wait3A_1519 = arith.constant 0 : i32
    %dma_wait3A_1520 = arith.constant 0 : i32
    %dma_wait3A_1521 = arith.constant 0 : i32
    %dma_wait3A_1522 = tpu.memref_slice %arg9[%dma_wait3A_1519, %dma_wait3A_1520, %dma_wait3A_1521] : memref<2x128x128xf32, #tpu.memory_space<vmem>> -> memref<1x128x128xf32, #tpu.memory_space<vmem>>
    %dma_wait3A_1523 = tpu.memref_squeeze %dma_wait3A_1522 : memref<1x128x128xf32, #tpu.memory_space<vmem>> -> memref<128x128xf32, #tpu.memory_space<vmem>>
    %dma_wait3A_1524 = arith.constant 0 : i32
    %dma_wait3A_1525 = tpu.memref_slice %arg4[%add3A_1505, %dma_wait3A_1524] : memref<204800x128xf32, #tpu.memory_space<hbm>> -> memref<128x128xf32, #tpu.memory_space<hbm>>
    %dma_wait3A_1526 = arith.constant 0 : i32
    %dma_wait3A_1527 = tpu.memref_slice %arg4[%add3A_1505, %dma_wait3A_1526] : memref<204800x128xf32, #tpu.memory_space<hbm>> -> memref<128x128xf32, #tpu.memory_space<hbm>>
    %dma_wait3A_1528 = arith.constant 0 : i32
    %dma_wait3A_1529 = arith.constant 0 : i32
    %dma_wait3A_1530 = tpu.memref_slice %arg9[%dma_wait3A_1519, %dma_wait3A_1528, %dma_wait3A_1529] : memref<2x128x128xf32, #tpu.memory_space<vmem>> -> memref<1x128x128xf32, #tpu.memory_space<vmem>>
    %dma_wait3A_1531 = tpu.memref_squeeze %dma_wait3A_1530 : memref<1x128x128xf32, #tpu.memory_space<vmem>> -> memref<128x128xf32, #tpu.memory_space<vmem>>
    tpu.wait_dma2 semaphore(%arg12 : memref<!tpu.dma_semaphore, #tpu.memory_space<semaphore_mem>>) src(%dma_wait3A_1531 : memref<128x128xf32, #tpu.memory_space<vmem>>) dst(%dma_wait3A_1527 : memref<128x128xf32, #tpu.memory_space<hbm>>)
    %dma_start3A_1532 = arith.constant 30 : i32
    %dma_start3A_1533 = arith.constant 0 : i32
    %dma_start3A_1534 = arith.constant 0 : i32
    %dma_start3A_1535 = arith.constant 0 : i32
    %dma_start3A_1536 = tpu.memref_slice %arg9[%dma_start3A_1533, %dma_start3A_1534, %dma_start3A_1535] : memref<2x128x128xf32, #tpu.memory_space<vmem>> -> memref<1x128x128xf32, #tpu.memory_space<vmem>>
    %dma_start3A_1537 = tpu.memref_squeeze %dma_start3A_1536 : memref<1x128x128xf32, #tpu.memory_space<vmem>> -> memref<128x128xf32, #tpu.memory_space<vmem>>
    %dma_start3A_1538 = arith.constant 0 : i32
    %dma_start3A_1539 = tpu.memref_slice %arg7[%dma_start3A_1532, %dma_start3A_1538] : memref<50x128xi32, #tpu.memory_space<vmem>> -> memref<1x128xi32, #tpu.memory_space<vmem>>
    %dma_start3A_1540 = tpu.memref_squeeze %dma_start3A_1539 : memref<1x128xi32, #tpu.memory_space<vmem>> -> memref<128xi32, #tpu.memory_space<vmem>>
    %dma_start3A_1541 = arith.constant 0 : i32
    %dma_start3A_1542 = arith.constant 0 : i32
    %dma_start3A_1543 = tpu.memref_slice %arg3[%dma_start3A_1541, %dma_start3A_1542] : memref<507904x128xf32, #tpu.memory_space<hbm>> -> memref<507904x128xf32, #tpu.memory_space<hbm>>
    tpu.enqueue_indirect_dma source(%dma_start3A_1543 : memref<507904x128xf32, #tpu.memory_space<hbm>>) target(%dma_start3A_1537 : memref<128x128xf32, #tpu.memory_space<vmem>>) offsets(%dma_start3A_1540 : memref<128xi32, #tpu.memory_space<vmem>>) semaphore(%arg10 : memref<!tpu.dma_semaphore, #tpu.memory_space<semaphore_mem>>)
    %dma_wait3A_1544 = arith.constant 29 : i32
    %dma_wait3A_1545 = arith.constant 1 : i32
    %dma_wait3A_1546 = arith.constant 0 : i32
    %dma_wait3A_1547 = arith.constant 0 : i32
    %dma_wait3A_1548 = tpu.memref_slice %arg9[%dma_wait3A_1545, %dma_wait3A_1546, %dma_wait3A_1547] : memref<2x128x128xf32, #tpu.memory_space<vmem>> -> memref<1x128x128xf32, #tpu.memory_space<vmem>>
    %dma_wait3A_1549 = tpu.memref_squeeze %dma_wait3A_1548 : memref<1x128x128xf32, #tpu.memory_space<vmem>> -> memref<128x128xf32, #tpu.memory_space<vmem>>
    %dma_wait3A_1550 = arith.constant 0 : i32
    %dma_wait3A_1551 = tpu.memref_slice %arg7[%dma_wait3A_1544, %dma_wait3A_1550] : memref<50x128xi32, #tpu.memory_space<vmem>> -> memref<1x128xi32, #tpu.memory_space<vmem>>
    %dma_wait3A_1552 = tpu.memref_squeeze %dma_wait3A_1551 : memref<1x128xi32, #tpu.memory_space<vmem>> -> memref<128xi32, #tpu.memory_space<vmem>>
    %dma_wait3A_1553 = arith.constant 0 : i32
    %dma_wait3A_1554 = arith.constant 0 : i32
    %dma_wait3A_1555 = tpu.memref_slice %arg3[%dma_wait3A_1553, %dma_wait3A_1554] : memref<507904x128xf32, #tpu.memory_space<hbm>> -> memref<507904x128xf32, #tpu.memory_space<hbm>>
    tpu.wait_indirect_dma semaphore(%arg11 : memref<!tpu.dma_semaphore, #tpu.memory_space<semaphore_mem>>) src(%dma_wait3A_1555 : memref<507904x128xf32, #tpu.memory_space<hbm>>) dst(%dma_wait3A_1549 : memref<128x128xf32, #tpu.memory_space<vmem>>)
    %add3A_1556 = arith.constant 118784 : i32
    %add3A_1557 = arith.addi %add3A_1556, %mul3A_2 : i32
    %dma_start3A_1558 = arith.constant 1 : i32
    %dma_start3A_1559 = arith.constant 0 : i32
    %dma_start3A_1560 = arith.constant 0 : i32
    %dma_start3A_1561 = tpu.memref_slice %arg9[%dma_start3A_1558, %dma_start3A_1559, %dma_start3A_1560] : memref<2x128x128xf32, #tpu.memory_space<vmem>> -> memref<1x128x128xf32, #tpu.memory_space<vmem>>
    %dma_start3A_1562 = tpu.memref_squeeze %dma_start3A_1561 : memref<1x128x128xf32, #tpu.memory_space<vmem>> -> memref<128x128xf32, #tpu.memory_space<vmem>>
    %dma_start3A_1563 = arith.constant 0 : i32
    %dma_start3A_1564 = tpu.memref_slice %arg4[%add3A_1557, %dma_start3A_1563] : memref<204800x128xf32, #tpu.memory_space<hbm>> -> memref<128x128xf32, #tpu.memory_space<hbm>>
    %dma_start3A_1565 = arith.constant 0 : i32
    %dma_start3A_1566 = tpu.memref_slice %arg4[%add3A_1557, %dma_start3A_1565] : memref<204800x128xf32, #tpu.memory_space<hbm>> -> memref<128x128xf32, #tpu.memory_space<hbm>>
    %dma_start3A_1567 = arith.constant 0 : i32
    %dma_start3A_1568 = arith.constant 0 : i32
    %dma_start3A_1569 = tpu.memref_slice %arg9[%dma_start3A_1558, %dma_start3A_1567, %dma_start3A_1568] : memref<2x128x128xf32, #tpu.memory_space<vmem>> -> memref<1x128x128xf32, #tpu.memory_space<vmem>>
    %dma_start3A_1570 = tpu.memref_squeeze %dma_start3A_1569 : memref<1x128x128xf32, #tpu.memory_space<vmem>> -> memref<128x128xf32, #tpu.memory_space<vmem>>
    tpu.enqueue_dma source(%dma_start3A_1570 : memref<128x128xf32, #tpu.memory_space<vmem>>) target(%dma_start3A_1566 : memref<128x128xf32, #tpu.memory_space<hbm>>) target_semaphore(%arg13 : memref<!tpu.dma_semaphore, #tpu.memory_space<semaphore_mem>>)
    %dma_wait3A_1571 = arith.constant 1 : i32
    %dma_wait3A_1572 = arith.constant 0 : i32
    %dma_wait3A_1573 = arith.constant 0 : i32
    %dma_wait3A_1574 = tpu.memref_slice %arg9[%dma_wait3A_1571, %dma_wait3A_1572, %dma_wait3A_1573] : memref<2x128x128xf32, #tpu.memory_space<vmem>> -> memref<1x128x128xf32, #tpu.memory_space<vmem>>
    %dma_wait3A_1575 = tpu.memref_squeeze %dma_wait3A_1574 : memref<1x128x128xf32, #tpu.memory_space<vmem>> -> memref<128x128xf32, #tpu.memory_space<vmem>>
    %dma_wait3A_1576 = arith.constant 0 : i32
    %dma_wait3A_1577 = tpu.memref_slice %arg4[%add3A_1557, %dma_wait3A_1576] : memref<204800x128xf32, #tpu.memory_space<hbm>> -> memref<128x128xf32, #tpu.memory_space<hbm>>
    %dma_wait3A_1578 = arith.constant 0 : i32
    %dma_wait3A_1579 = tpu.memref_slice %arg4[%add3A_1557, %dma_wait3A_1578] : memref<204800x128xf32, #tpu.memory_space<hbm>> -> memref<128x128xf32, #tpu.memory_space<hbm>>
    %dma_wait3A_1580 = arith.constant 0 : i32
    %dma_wait3A_1581 = arith.constant 0 : i32
    %dma_wait3A_1582 = tpu.memref_slice %arg9[%dma_wait3A_1571, %dma_wait3A_1580, %dma_wait3A_1581] : memref<2x128x128xf32, #tpu.memory_space<vmem>> -> memref<1x128x128xf32, #tpu.memory_space<vmem>>
    %dma_wait3A_1583 = tpu.memref_squeeze %dma_wait3A_1582 : memref<1x128x128xf32, #tpu.memory_space<vmem>> -> memref<128x128xf32, #tpu.memory_space<vmem>>
    tpu.wait_dma2 semaphore(%arg13 : memref<!tpu.dma_semaphore, #tpu.memory_space<semaphore_mem>>) src(%dma_wait3A_1583 : memref<128x128xf32, #tpu.memory_space<vmem>>) dst(%dma_wait3A_1579 : memref<128x128xf32, #tpu.memory_space<hbm>>)
    %dma_start3A_1584 = arith.constant 31 : i32
    %dma_start3A_1585 = arith.constant 1 : i32
    %dma_start3A_1586 = arith.constant 0 : i32
    %dma_start3A_1587 = arith.constant 0 : i32
    %dma_start3A_1588 = tpu.memref_slice %arg9[%dma_start3A_1585, %dma_start3A_1586, %dma_start3A_1587] : memref<2x128x128xf32, #tpu.memory_space<vmem>> -> memref<1x128x128xf32, #tpu.memory_space<vmem>>
    %dma_start3A_1589 = tpu.memref_squeeze %dma_start3A_1588 : memref<1x128x128xf32, #tpu.memory_space<vmem>> -> memref<128x128xf32, #tpu.memory_space<vmem>>
    %dma_start3A_1590 = arith.constant 0 : i32
    %dma_start3A_1591 = tpu.memref_slice %arg7[%dma_start3A_1584, %dma_start3A_1590] : memref<50x128xi32, #tpu.memory_space<vmem>> -> memref<1x128xi32, #tpu.memory_space<vmem>>
    %dma_start3A_1592 = tpu.memref_squeeze %dma_start3A_1591 : memref<1x128xi32, #tpu.memory_space<vmem>> -> memref<128xi32, #tpu.memory_space<vmem>>
    %dma_start3A_1593 = arith.constant 0 : i32
    %dma_start3A_1594 = arith.constant 0 : i32
    %dma_start3A_1595 = tpu.memref_slice %arg3[%dma_start3A_1593, %dma_start3A_1594] : memref<507904x128xf32, #tpu.memory_space<hbm>> -> memref<507904x128xf32, #tpu.memory_space<hbm>>
    tpu.enqueue_indirect_dma source(%dma_start3A_1595 : memref<507904x128xf32, #tpu.memory_space<hbm>>) target(%dma_start3A_1589 : memref<128x128xf32, #tpu.memory_space<vmem>>) offsets(%dma_start3A_1592 : memref<128xi32, #tpu.memory_space<vmem>>) semaphore(%arg11 : memref<!tpu.dma_semaphore, #tpu.memory_space<semaphore_mem>>)
    %dma_wait3A_1596 = arith.constant 30 : i32
    %dma_wait3A_1597 = arith.constant 0 : i32
    %dma_wait3A_1598 = arith.constant 0 : i32
    %dma_wait3A_1599 = arith.constant 0 : i32
    %dma_wait3A_1600 = tpu.memref_slice %arg9[%dma_wait3A_1597, %dma_wait3A_1598, %dma_wait3A_1599] : memref<2x128x128xf32, #tpu.memory_space<vmem>> -> memref<1x128x128xf32, #tpu.memory_space<vmem>>
    %dma_wait3A_1601 = tpu.memref_squeeze %dma_wait3A_1600 : memref<1x128x128xf32, #tpu.memory_space<vmem>> -> memref<128x128xf32, #tpu.memory_space<vmem>>
    %dma_wait3A_1602 = arith.constant 0 : i32
    %dma_wait3A_1603 = tpu.memref_slice %arg7[%dma_wait3A_1596, %dma_wait3A_1602] : memref<50x128xi32, #tpu.memory_space<vmem>> -> memref<1x128xi32, #tpu.memory_space<vmem>>
    %dma_wait3A_1604 = tpu.memref_squeeze %dma_wait3A_1603 : memref<1x128xi32, #tpu.memory_space<vmem>> -> memref<128xi32, #tpu.memory_space<vmem>>
    %dma_wait3A_1605 = arith.constant 0 : i32
    %dma_wait3A_1606 = arith.constant 0 : i32
    %dma_wait3A_1607 = tpu.memref_slice %arg3[%dma_wait3A_1605, %dma_wait3A_1606] : memref<507904x128xf32, #tpu.memory_space<hbm>> -> memref<507904x128xf32, #tpu.memory_space<hbm>>
    tpu.wait_indirect_dma semaphore(%arg10 : memref<!tpu.dma_semaphore, #tpu.memory_space<semaphore_mem>>) src(%dma_wait3A_1607 : memref<507904x128xf32, #tpu.memory_space<hbm>>) dst(%dma_wait3A_1601 : memref<128x128xf32, #tpu.memory_space<vmem>>)
    %add3A_1608 = arith.constant 122880 : i32
    %add3A_1609 = arith.addi %add3A_1608, %mul3A_2 : i32
    %dma_start3A_1610 = arith.constant 0 : i32
    %dma_start3A_1611 = arith.constant 0 : i32
    %dma_start3A_1612 = arith.constant 0 : i32
    %dma_start3A_1613 = tpu.memref_slice %arg9[%dma_start3A_1610, %dma_start3A_1611, %dma_start3A_1612] : memref<2x128x128xf32, #tpu.memory_space<vmem>> -> memref<1x128x128xf32, #tpu.memory_space<vmem>>
    %dma_start3A_1614 = tpu.memref_squeeze %dma_start3A_1613 : memref<1x128x128xf32, #tpu.memory_space<vmem>> -> memref<128x128xf32, #tpu.memory_space<vmem>>
    %dma_start3A_1615 = arith.constant 0 : i32
    %dma_start3A_1616 = tpu.memref_slice %arg4[%add3A_1609, %dma_start3A_1615] : memref<204800x128xf32, #tpu.memory_space<hbm>> -> memref<128x128xf32, #tpu.memory_space<hbm>>
    %dma_start3A_1617 = arith.constant 0 : i32
    %dma_start3A_1618 = tpu.memref_slice %arg4[%add3A_1609, %dma_start3A_1617] : memref<204800x128xf32, #tpu.memory_space<hbm>> -> memref<128x128xf32, #tpu.memory_space<hbm>>
    %dma_start3A_1619 = arith.constant 0 : i32
    %dma_start3A_1620 = arith.constant 0 : i32
    %dma_start3A_1621 = tpu.memref_slice %arg9[%dma_start3A_1610, %dma_start3A_1619, %dma_start3A_1620] : memref<2x128x128xf32, #tpu.memory_space<vmem>> -> memref<1x128x128xf32, #tpu.memory_space<vmem>>
    %dma_start3A_1622 = tpu.memref_squeeze %dma_start3A_1621 : memref<1x128x128xf32, #tpu.memory_space<vmem>> -> memref<128x128xf32, #tpu.memory_space<vmem>>
    tpu.enqueue_dma source(%dma_start3A_1622 : memref<128x128xf32, #tpu.memory_space<vmem>>) target(%dma_start3A_1618 : memref<128x128xf32, #tpu.memory_space<hbm>>) target_semaphore(%arg12 : memref<!tpu.dma_semaphore, #tpu.memory_space<semaphore_mem>>)
    %dma_wait3A_1623 = arith.constant 0 : i32
    %dma_wait3A_1624 = arith.constant 0 : i32
    %dma_wait3A_1625 = arith.constant 0 : i32
    %dma_wait3A_1626 = tpu.memref_slice %arg9[%dma_wait3A_1623, %dma_wait3A_1624, %dma_wait3A_1625] : memref<2x128x128xf32, #tpu.memory_space<vmem>> -> memref<1x128x128xf32, #tpu.memory_space<vmem>>
    %dma_wait3A_1627 = tpu.memref_squeeze %dma_wait3A_1626 : memref<1x128x128xf32, #tpu.memory_space<vmem>> -> memref<128x128xf32, #tpu.memory_space<vmem>>
    %dma_wait3A_1628 = arith.constant 0 : i32
    %dma_wait3A_1629 = tpu.memref_slice %arg4[%add3A_1609, %dma_wait3A_1628] : memref<204800x128xf32, #tpu.memory_space<hbm>> -> memref<128x128xf32, #tpu.memory_space<hbm>>
    %dma_wait3A_1630 = arith.constant 0 : i32
    %dma_wait3A_1631 = tpu.memref_slice %arg4[%add3A_1609, %dma_wait3A_1630] : memref<204800x128xf32, #tpu.memory_space<hbm>> -> memref<128x128xf32, #tpu.memory_space<hbm>>
    %dma_wait3A_1632 = arith.constant 0 : i32
    %dma_wait3A_1633 = arith.constant 0 : i32
    %dma_wait3A_1634 = tpu.memref_slice %arg9[%dma_wait3A_1623, %dma_wait3A_1632, %dma_wait3A_1633] : memref<2x128x128xf32, #tpu.memory_space<vmem>> -> memref<1x128x128xf32, #tpu.memory_space<vmem>>
    %dma_wait3A_1635 = tpu.memref_squeeze %dma_wait3A_1634 : memref<1x128x128xf32, #tpu.memory_space<vmem>> -> memref<128x128xf32, #tpu.memory_space<vmem>>
    tpu.wait_dma2 semaphore(%arg12 : memref<!tpu.dma_semaphore, #tpu.memory_space<semaphore_mem>>) src(%dma_wait3A_1635 : memref<128x128xf32, #tpu.memory_space<vmem>>) dst(%dma_wait3A_1631 : memref<128x128xf32, #tpu.memory_space<hbm>>)
    %dma_start3A_1636 = arith.constant 32 : i32
    %dma_start3A_1637 = arith.constant 0 : i32
    %dma_start3A_1638 = arith.constant 0 : i32
    %dma_start3A_1639 = arith.constant 0 : i32
    %dma_start3A_1640 = tpu.memref_slice %arg9[%dma_start3A_1637, %dma_start3A_1638, %dma_start3A_1639] : memref<2x128x128xf32, #tpu.memory_space<vmem>> -> memref<1x128x128xf32, #tpu.memory_space<vmem>>
    %dma_start3A_1641 = tpu.memref_squeeze %dma_start3A_1640 : memref<1x128x128xf32, #tpu.memory_space<vmem>> -> memref<128x128xf32, #tpu.memory_space<vmem>>
    %dma_start3A_1642 = arith.constant 0 : i32
    %dma_start3A_1643 = tpu.memref_slice %arg7[%dma_start3A_1636, %dma_start3A_1642] : memref<50x128xi32, #tpu.memory_space<vmem>> -> memref<1x128xi32, #tpu.memory_space<vmem>>
    %dma_start3A_1644 = tpu.memref_squeeze %dma_start3A_1643 : memref<1x128xi32, #tpu.memory_space<vmem>> -> memref<128xi32, #tpu.memory_space<vmem>>
    %dma_start3A_1645 = arith.constant 0 : i32
    %dma_start3A_1646 = arith.constant 0 : i32
    %dma_start3A_1647 = tpu.memref_slice %arg3[%dma_start3A_1645, %dma_start3A_1646] : memref<507904x128xf32, #tpu.memory_space<hbm>> -> memref<507904x128xf32, #tpu.memory_space<hbm>>
    tpu.enqueue_indirect_dma source(%dma_start3A_1647 : memref<507904x128xf32, #tpu.memory_space<hbm>>) target(%dma_start3A_1641 : memref<128x128xf32, #tpu.memory_space<vmem>>) offsets(%dma_start3A_1644 : memref<128xi32, #tpu.memory_space<vmem>>) semaphore(%arg10 : memref<!tpu.dma_semaphore, #tpu.memory_space<semaphore_mem>>)
    %dma_wait3A_1648 = arith.constant 31 : i32
    %dma_wait3A_1649 = arith.constant 1 : i32
    %dma_wait3A_1650 = arith.constant 0 : i32
    %dma_wait3A_1651 = arith.constant 0 : i32
    %dma_wait3A_1652 = tpu.memref_slice %arg9[%dma_wait3A_1649, %dma_wait3A_1650, %dma_wait3A_1651] : memref<2x128x128xf32, #tpu.memory_space<vmem>> -> memref<1x128x128xf32, #tpu.memory_space<vmem>>
    %dma_wait3A_1653 = tpu.memref_squeeze %dma_wait3A_1652 : memref<1x128x128xf32, #tpu.memory_space<vmem>> -> memref<128x128xf32, #tpu.memory_space<vmem>>
    %dma_wait3A_1654 = arith.constant 0 : i32
    %dma_wait3A_1655 = tpu.memref_slice %arg7[%dma_wait3A_1648, %dma_wait3A_1654] : memref<50x128xi32, #tpu.memory_space<vmem>> -> memref<1x128xi32, #tpu.memory_space<vmem>>
    %dma_wait3A_1656 = tpu.memref_squeeze %dma_wait3A_1655 : memref<1x128xi32, #tpu.memory_space<vmem>> -> memref<128xi32, #tpu.memory_space<vmem>>
    %dma_wait3A_1657 = arith.constant 0 : i32
    %dma_wait3A_1658 = arith.constant 0 : i32
    %dma_wait3A_1659 = tpu.memref_slice %arg3[%dma_wait3A_1657, %dma_wait3A_1658] : memref<507904x128xf32, #tpu.memory_space<hbm>> -> memref<507904x128xf32, #tpu.memory_space<hbm>>
    tpu.wait_indirect_dma semaphore(%arg11 : memref<!tpu.dma_semaphore, #tpu.memory_space<semaphore_mem>>) src(%dma_wait3A_1659 : memref<507904x128xf32, #tpu.memory_space<hbm>>) dst(%dma_wait3A_1653 : memref<128x128xf32, #tpu.memory_space<vmem>>)
    %add3A_1660 = arith.constant 126976 : i32
    %add3A_1661 = arith.addi %add3A_1660, %mul3A_2 : i32
    %dma_start3A_1662 = arith.constant 1 : i32
    %dma_start3A_1663 = arith.constant 0 : i32
    %dma_start3A_1664 = arith.constant 0 : i32
    %dma_start3A_1665 = tpu.memref_slice %arg9[%dma_start3A_1662, %dma_start3A_1663, %dma_start3A_1664] : memref<2x128x128xf32, #tpu.memory_space<vmem>> -> memref<1x128x128xf32, #tpu.memory_space<vmem>>
    %dma_start3A_1666 = tpu.memref_squeeze %dma_start3A_1665 : memref<1x128x128xf32, #tpu.memory_space<vmem>> -> memref<128x128xf32, #tpu.memory_space<vmem>>
    %dma_start3A_1667 = arith.constant 0 : i32
    %dma_start3A_1668 = tpu.memref_slice %arg4[%add3A_1661, %dma_start3A_1667] : memref<204800x128xf32, #tpu.memory_space<hbm>> -> memref<128x128xf32, #tpu.memory_space<hbm>>
    %dma_start3A_1669 = arith.constant 0 : i32
    %dma_start3A_1670 = tpu.memref_slice %arg4[%add3A_1661, %dma_start3A_1669] : memref<204800x128xf32, #tpu.memory_space<hbm>> -> memref<128x128xf32, #tpu.memory_space<hbm>>
    %dma_start3A_1671 = arith.constant 0 : i32
    %dma_start3A_1672 = arith.constant 0 : i32
    %dma_start3A_1673 = tpu.memref_slice %arg9[%dma_start3A_1662, %dma_start3A_1671, %dma_start3A_1672] : memref<2x128x128xf32, #tpu.memory_space<vmem>> -> memref<1x128x128xf32, #tpu.memory_space<vmem>>
    %dma_start3A_1674 = tpu.memref_squeeze %dma_start3A_1673 : memref<1x128x128xf32, #tpu.memory_space<vmem>> -> memref<128x128xf32, #tpu.memory_space<vmem>>
    tpu.enqueue_dma source(%dma_start3A_1674 : memref<128x128xf32, #tpu.memory_space<vmem>>) target(%dma_start3A_1670 : memref<128x128xf32, #tpu.memory_space<hbm>>) target_semaphore(%arg13 : memref<!tpu.dma_semaphore, #tpu.memory_space<semaphore_mem>>)
    %dma_wait3A_1675 = arith.constant 1 : i32
    %dma_wait3A_1676 = arith.constant 0 : i32
    %dma_wait3A_1677 = arith.constant 0 : i32
    %dma_wait3A_1678 = tpu.memref_slice %arg9[%dma_wait3A_1675, %dma_wait3A_1676, %dma_wait3A_1677] : memref<2x128x128xf32, #tpu.memory_space<vmem>> -> memref<1x128x128xf32, #tpu.memory_space<vmem>>
    %dma_wait3A_1679 = tpu.memref_squeeze %dma_wait3A_1678 : memref<1x128x128xf32, #tpu.memory_space<vmem>> -> memref<128x128xf32, #tpu.memory_space<vmem>>
    %dma_wait3A_1680 = arith.constant 0 : i32
    %dma_wait3A_1681 = tpu.memref_slice %arg4[%add3A_1661, %dma_wait3A_1680] : memref<204800x128xf32, #tpu.memory_space<hbm>> -> memref<128x128xf32, #tpu.memory_space<hbm>>
    %dma_wait3A_1682 = arith.constant 0 : i32
    %dma_wait3A_1683 = tpu.memref_slice %arg4[%add3A_1661, %dma_wait3A_1682] : memref<204800x128xf32, #tpu.memory_space<hbm>> -> memref<128x128xf32, #tpu.memory_space<hbm>>
    %dma_wait3A_1684 = arith.constant 0 : i32
    %dma_wait3A_1685 = arith.constant 0 : i32
    %dma_wait3A_1686 = tpu.memref_slice %arg9[%dma_wait3A_1675, %dma_wait3A_1684, %dma_wait3A_1685] : memref<2x128x128xf32, #tpu.memory_space<vmem>> -> memref<1x128x128xf32, #tpu.memory_space<vmem>>
    %dma_wait3A_1687 = tpu.memref_squeeze %dma_wait3A_1686 : memref<1x128x128xf32, #tpu.memory_space<vmem>> -> memref<128x128xf32, #tpu.memory_space<vmem>>
    tpu.wait_dma2 semaphore(%arg13 : memref<!tpu.dma_semaphore, #tpu.memory_space<semaphore_mem>>) src(%dma_wait3A_1687 : memref<128x128xf32, #tpu.memory_space<vmem>>) dst(%dma_wait3A_1683 : memref<128x128xf32, #tpu.memory_space<hbm>>)
    %dma_start3A_1688 = arith.constant 33 : i32
    %dma_start3A_1689 = arith.constant 1 : i32
    %dma_start3A_1690 = arith.constant 0 : i32
    %dma_start3A_1691 = arith.constant 0 : i32
    %dma_start3A_1692 = tpu.memref_slice %arg9[%dma_start3A_1689, %dma_start3A_1690, %dma_start3A_1691] : memref<2x128x128xf32, #tpu.memory_space<vmem>> -> memref<1x128x128xf32, #tpu.memory_space<vmem>>
    %dma_start3A_1693 = tpu.memref_squeeze %dma_start3A_1692 : memref<1x128x128xf32, #tpu.memory_space<vmem>> -> memref<128x128xf32, #tpu.memory_space<vmem>>
    %dma_start3A_1694 = arith.constant 0 : i32
    %dma_start3A_1695 = tpu.memref_slice %arg7[%dma_start3A_1688, %dma_start3A_1694] : memref<50x128xi32, #tpu.memory_space<vmem>> -> memref<1x128xi32, #tpu.memory_space<vmem>>
    %dma_start3A_1696 = tpu.memref_squeeze %dma_start3A_1695 : memref<1x128xi32, #tpu.memory_space<vmem>> -> memref<128xi32, #tpu.memory_space<vmem>>
    %dma_start3A_1697 = arith.constant 0 : i32
    %dma_start3A_1698 = arith.constant 0 : i32
    %dma_start3A_1699 = tpu.memref_slice %arg3[%dma_start3A_1697, %dma_start3A_1698] : memref<507904x128xf32, #tpu.memory_space<hbm>> -> memref<507904x128xf32, #tpu.memory_space<hbm>>
    tpu.enqueue_indirect_dma source(%dma_start3A_1699 : memref<507904x128xf32, #tpu.memory_space<hbm>>) target(%dma_start3A_1693 : memref<128x128xf32, #tpu.memory_space<vmem>>) offsets(%dma_start3A_1696 : memref<128xi32, #tpu.memory_space<vmem>>) semaphore(%arg11 : memref<!tpu.dma_semaphore, #tpu.memory_space<semaphore_mem>>)
    %dma_wait3A_1700 = arith.constant 32 : i32
    %dma_wait3A_1701 = arith.constant 0 : i32
    %dma_wait3A_1702 = arith.constant 0 : i32
    %dma_wait3A_1703 = arith.constant 0 : i32
    %dma_wait3A_1704 = tpu.memref_slice %arg9[%dma_wait3A_1701, %dma_wait3A_1702, %dma_wait3A_1703] : memref<2x128x128xf32, #tpu.memory_space<vmem>> -> memref<1x128x128xf32, #tpu.memory_space<vmem>>
    %dma_wait3A_1705 = tpu.memref_squeeze %dma_wait3A_1704 : memref<1x128x128xf32, #tpu.memory_space<vmem>> -> memref<128x128xf32, #tpu.memory_space<vmem>>
    %dma_wait3A_1706 = arith.constant 0 : i32
    %dma_wait3A_1707 = tpu.memref_slice %arg7[%dma_wait3A_1700, %dma_wait3A_1706] : memref<50x128xi32, #tpu.memory_space<vmem>> -> memref<1x128xi32, #tpu.memory_space<vmem>>
    %dma_wait3A_1708 = tpu.memref_squeeze %dma_wait3A_1707 : memref<1x128xi32, #tpu.memory_space<vmem>> -> memref<128xi32, #tpu.memory_space<vmem>>
    %dma_wait3A_1709 = arith.constant 0 : i32
    %dma_wait3A_1710 = arith.constant 0 : i32
    %dma_wait3A_1711 = tpu.memref_slice %arg3[%dma_wait3A_1709, %dma_wait3A_1710] : memref<507904x128xf32, #tpu.memory_space<hbm>> -> memref<507904x128xf32, #tpu.memory_space<hbm>>
    tpu.wait_indirect_dma semaphore(%arg10 : memref<!tpu.dma_semaphore, #tpu.memory_space<semaphore_mem>>) src(%dma_wait3A_1711 : memref<507904x128xf32, #tpu.memory_space<hbm>>) dst(%dma_wait3A_1705 : memref<128x128xf32, #tpu.memory_space<vmem>>)
    %add3A_1712 = arith.constant 131072 : i32
    %add3A_1713 = arith.addi %add3A_1712, %mul3A_2 : i32
    %dma_start3A_1714 = arith.constant 0 : i32
    %dma_start3A_1715 = arith.constant 0 : i32
    %dma_start3A_1716 = arith.constant 0 : i32
    %dma_start3A_1717 = tpu.memref_slice %arg9[%dma_start3A_1714, %dma_start3A_1715, %dma_start3A_1716] : memref<2x128x128xf32, #tpu.memory_space<vmem>> -> memref<1x128x128xf32, #tpu.memory_space<vmem>>
    %dma_start3A_1718 = tpu.memref_squeeze %dma_start3A_1717 : memref<1x128x128xf32, #tpu.memory_space<vmem>> -> memref<128x128xf32, #tpu.memory_space<vmem>>
    %dma_start3A_1719 = arith.constant 0 : i32
    %dma_start3A_1720 = tpu.memref_slice %arg4[%add3A_1713, %dma_start3A_1719] : memref<204800x128xf32, #tpu.memory_space<hbm>> -> memref<128x128xf32, #tpu.memory_space<hbm>>
    %dma_start3A_1721 = arith.constant 0 : i32
    %dma_start3A_1722 = tpu.memref_slice %arg4[%add3A_1713, %dma_start3A_1721] : memref<204800x128xf32, #tpu.memory_space<hbm>> -> memref<128x128xf32, #tpu.memory_space<hbm>>
    %dma_start3A_1723 = arith.constant 0 : i32
    %dma_start3A_1724 = arith.constant 0 : i32
    %dma_start3A_1725 = tpu.memref_slice %arg9[%dma_start3A_1714, %dma_start3A_1723, %dma_start3A_1724] : memref<2x128x128xf32, #tpu.memory_space<vmem>> -> memref<1x128x128xf32, #tpu.memory_space<vmem>>
    %dma_start3A_1726 = tpu.memref_squeeze %dma_start3A_1725 : memref<1x128x128xf32, #tpu.memory_space<vmem>> -> memref<128x128xf32, #tpu.memory_space<vmem>>
    tpu.enqueue_dma source(%dma_start3A_1726 : memref<128x128xf32, #tpu.memory_space<vmem>>) target(%dma_start3A_1722 : memref<128x128xf32, #tpu.memory_space<hbm>>) target_semaphore(%arg12 : memref<!tpu.dma_semaphore, #tpu.memory_space<semaphore_mem>>)
    %dma_wait3A_1727 = arith.constant 0 : i32
    %dma_wait3A_1728 = arith.constant 0 : i32
    %dma_wait3A_1729 = arith.constant 0 : i32
    %dma_wait3A_1730 = tpu.memref_slice %arg9[%dma_wait3A_1727, %dma_wait3A_1728, %dma_wait3A_1729] : memref<2x128x128xf32, #tpu.memory_space<vmem>> -> memref<1x128x128xf32, #tpu.memory_space<vmem>>
    %dma_wait3A_1731 = tpu.memref_squeeze %dma_wait3A_1730 : memref<1x128x128xf32, #tpu.memory_space<vmem>> -> memref<128x128xf32, #tpu.memory_space<vmem>>
    %dma_wait3A_1732 = arith.constant 0 : i32
    %dma_wait3A_1733 = tpu.memref_slice %arg4[%add3A_1713, %dma_wait3A_1732] : memref<204800x128xf32, #tpu.memory_space<hbm>> -> memref<128x128xf32, #tpu.memory_space<hbm>>
    %dma_wait3A_1734 = arith.constant 0 : i32
    %dma_wait3A_1735 = tpu.memref_slice %arg4[%add3A_1713, %dma_wait3A_1734] : memref<204800x128xf32, #tpu.memory_space<hbm>> -> memref<128x128xf32, #tpu.memory_space<hbm>>
    %dma_wait3A_1736 = arith.constant 0 : i32
    %dma_wait3A_1737 = arith.constant 0 : i32
    %dma_wait3A_1738 = tpu.memref_slice %arg9[%dma_wait3A_1727, %dma_wait3A_1736, %dma_wait3A_1737] : memref<2x128x128xf32, #tpu.memory_space<vmem>> -> memref<1x128x128xf32, #tpu.memory_space<vmem>>
    %dma_wait3A_1739 = tpu.memref_squeeze %dma_wait3A_1738 : memref<1x128x128xf32, #tpu.memory_space<vmem>> -> memref<128x128xf32, #tpu.memory_space<vmem>>
    tpu.wait_dma2 semaphore(%arg12 : memref<!tpu.dma_semaphore, #tpu.memory_space<semaphore_mem>>) src(%dma_wait3A_1739 : memref<128x128xf32, #tpu.memory_space<vmem>>) dst(%dma_wait3A_1735 : memref<128x128xf32, #tpu.memory_space<hbm>>)
    %dma_start3A_1740 = arith.constant 34 : i32
    %dma_start3A_1741 = arith.constant 0 : i32
    %dma_start3A_1742 = arith.constant 0 : i32
    %dma_start3A_1743 = arith.constant 0 : i32
    %dma_start3A_1744 = tpu.memref_slice %arg9[%dma_start3A_1741, %dma_start3A_1742, %dma_start3A_1743] : memref<2x128x128xf32, #tpu.memory_space<vmem>> -> memref<1x128x128xf32, #tpu.memory_space<vmem>>
    %dma_start3A_1745 = tpu.memref_squeeze %dma_start3A_1744 : memref<1x128x128xf32, #tpu.memory_space<vmem>> -> memref<128x128xf32, #tpu.memory_space<vmem>>
    %dma_start3A_1746 = arith.constant 0 : i32
    %dma_start3A_1747 = tpu.memref_slice %arg7[%dma_start3A_1740, %dma_start3A_1746] : memref<50x128xi32, #tpu.memory_space<vmem>> -> memref<1x128xi32, #tpu.memory_space<vmem>>
    %dma_start3A_1748 = tpu.memref_squeeze %dma_start3A_1747 : memref<1x128xi32, #tpu.memory_space<vmem>> -> memref<128xi32, #tpu.memory_space<vmem>>
    %dma_start3A_1749 = arith.constant 0 : i32
    %dma_start3A_1750 = arith.constant 0 : i32
    %dma_start3A_1751 = tpu.memref_slice %arg3[%dma_start3A_1749, %dma_start3A_1750] : memref<507904x128xf32, #tpu.memory_space<hbm>> -> memref<507904x128xf32, #tpu.memory_space<hbm>>
    tpu.enqueue_indirect_dma source(%dma_start3A_1751 : memref<507904x128xf32, #tpu.memory_space<hbm>>) target(%dma_start3A_1745 : memref<128x128xf32, #tpu.memory_space<vmem>>) offsets(%dma_start3A_1748 : memref<128xi32, #tpu.memory_space<vmem>>) semaphore(%arg10 : memref<!tpu.dma_semaphore, #tpu.memory_space<semaphore_mem>>)
    %dma_wait3A_1752 = arith.constant 33 : i32
    %dma_wait3A_1753 = arith.constant 1 : i32
    %dma_wait3A_1754 = arith.constant 0 : i32
    %dma_wait3A_1755 = arith.constant 0 : i32
    %dma_wait3A_1756 = tpu.memref_slice %arg9[%dma_wait3A_1753, %dma_wait3A_1754, %dma_wait3A_1755] : memref<2x128x128xf32, #tpu.memory_space<vmem>> -> memref<1x128x128xf32, #tpu.memory_space<vmem>>
    %dma_wait3A_1757 = tpu.memref_squeeze %dma_wait3A_1756 : memref<1x128x128xf32, #tpu.memory_space<vmem>> -> memref<128x128xf32, #tpu.memory_space<vmem>>
    %dma_wait3A_1758 = arith.constant 0 : i32
    %dma_wait3A_1759 = tpu.memref_slice %arg7[%dma_wait3A_1752, %dma_wait3A_1758] : memref<50x128xi32, #tpu.memory_space<vmem>> -> memref<1x128xi32, #tpu.memory_space<vmem>>
    %dma_wait3A_1760 = tpu.memref_squeeze %dma_wait3A_1759 : memref<1x128xi32, #tpu.memory_space<vmem>> -> memref<128xi32, #tpu.memory_space<vmem>>
    %dma_wait3A_1761 = arith.constant 0 : i32
    %dma_wait3A_1762 = arith.constant 0 : i32
    %dma_wait3A_1763 = tpu.memref_slice %arg3[%dma_wait3A_1761, %dma_wait3A_1762] : memref<507904x128xf32, #tpu.memory_space<hbm>> -> memref<507904x128xf32, #tpu.memory_space<hbm>>
    tpu.wait_indirect_dma semaphore(%arg11 : memref<!tpu.dma_semaphore, #tpu.memory_space<semaphore_mem>>) src(%dma_wait3A_1763 : memref<507904x128xf32, #tpu.memory_space<hbm>>) dst(%dma_wait3A_1757 : memref<128x128xf32, #tpu.memory_space<vmem>>)
    %add3A_1764 = arith.constant 135168 : i32
    %add3A_1765 = arith.addi %add3A_1764, %mul3A_2 : i32
    %dma_start3A_1766 = arith.constant 1 : i32
    %dma_start3A_1767 = arith.constant 0 : i32
    %dma_start3A_1768 = arith.constant 0 : i32
    %dma_start3A_1769 = tpu.memref_slice %arg9[%dma_start3A_1766, %dma_start3A_1767, %dma_start3A_1768] : memref<2x128x128xf32, #tpu.memory_space<vmem>> -> memref<1x128x128xf32, #tpu.memory_space<vmem>>
    %dma_start3A_1770 = tpu.memref_squeeze %dma_start3A_1769 : memref<1x128x128xf32, #tpu.memory_space<vmem>> -> memref<128x128xf32, #tpu.memory_space<vmem>>
    %dma_start3A_1771 = arith.constant 0 : i32
    %dma_start3A_1772 = tpu.memref_slice %arg4[%add3A_1765, %dma_start3A_1771] : memref<204800x128xf32, #tpu.memory_space<hbm>> -> memref<128x128xf32, #tpu.memory_space<hbm>>
    %dma_start3A_1773 = arith.constant 0 : i32
    %dma_start3A_1774 = tpu.memref_slice %arg4[%add3A_1765, %dma_start3A_1773] : memref<204800x128xf32, #tpu.memory_space<hbm>> -> memref<128x128xf32, #tpu.memory_space<hbm>>
    %dma_start3A_1775 = arith.constant 0 : i32
    %dma_start3A_1776 = arith.constant 0 : i32
    %dma_start3A_1777 = tpu.memref_slice %arg9[%dma_start3A_1766, %dma_start3A_1775, %dma_start3A_1776] : memref<2x128x128xf32, #tpu.memory_space<vmem>> -> memref<1x128x128xf32, #tpu.memory_space<vmem>>
    %dma_start3A_1778 = tpu.memref_squeeze %dma_start3A_1777 : memref<1x128x128xf32, #tpu.memory_space<vmem>> -> memref<128x128xf32, #tpu.memory_space<vmem>>
    tpu.enqueue_dma source(%dma_start3A_1778 : memref<128x128xf32, #tpu.memory_space<vmem>>) target(%dma_start3A_1774 : memref<128x128xf32, #tpu.memory_space<hbm>>) target_semaphore(%arg13 : memref<!tpu.dma_semaphore, #tpu.memory_space<semaphore_mem>>)
    %dma_wait3A_1779 = arith.constant 1 : i32
    %dma_wait3A_1780 = arith.constant 0 : i32
    %dma_wait3A_1781 = arith.constant 0 : i32
    %dma_wait3A_1782 = tpu.memref_slice %arg9[%dma_wait3A_1779, %dma_wait3A_1780, %dma_wait3A_1781] : memref<2x128x128xf32, #tpu.memory_space<vmem>> -> memref<1x128x128xf32, #tpu.memory_space<vmem>>
    %dma_wait3A_1783 = tpu.memref_squeeze %dma_wait3A_1782 : memref<1x128x128xf32, #tpu.memory_space<vmem>> -> memref<128x128xf32, #tpu.memory_space<vmem>>
    %dma_wait3A_1784 = arith.constant 0 : i32
    %dma_wait3A_1785 = tpu.memref_slice %arg4[%add3A_1765, %dma_wait3A_1784] : memref<204800x128xf32, #tpu.memory_space<hbm>> -> memref<128x128xf32, #tpu.memory_space<hbm>>
    %dma_wait3A_1786 = arith.constant 0 : i32
    %dma_wait3A_1787 = tpu.memref_slice %arg4[%add3A_1765, %dma_wait3A_1786] : memref<204800x128xf32, #tpu.memory_space<hbm>> -> memref<128x128xf32, #tpu.memory_space<hbm>>
    %dma_wait3A_1788 = arith.constant 0 : i32
    %dma_wait3A_1789 = arith.constant 0 : i32
    %dma_wait3A_1790 = tpu.memref_slice %arg9[%dma_wait3A_1779, %dma_wait3A_1788, %dma_wait3A_1789] : memref<2x128x128xf32, #tpu.memory_space<vmem>> -> memref<1x128x128xf32, #tpu.memory_space<vmem>>
    %dma_wait3A_1791 = tpu.memref_squeeze %dma_wait3A_1790 : memref<1x128x128xf32, #tpu.memory_space<vmem>> -> memref<128x128xf32, #tpu.memory_space<vmem>>
    tpu.wait_dma2 semaphore(%arg13 : memref<!tpu.dma_semaphore, #tpu.memory_space<semaphore_mem>>) src(%dma_wait3A_1791 : memref<128x128xf32, #tpu.memory_space<vmem>>) dst(%dma_wait3A_1787 : memref<128x128xf32, #tpu.memory_space<hbm>>)
    %dma_start3A_1792 = arith.constant 35 : i32
    %dma_start3A_1793 = arith.constant 1 : i32
    %dma_start3A_1794 = arith.constant 0 : i32
    %dma_start3A_1795 = arith.constant 0 : i32
    %dma_start3A_1796 = tpu.memref_slice %arg9[%dma_start3A_1793, %dma_start3A_1794, %dma_start3A_1795] : memref<2x128x128xf32, #tpu.memory_space<vmem>> -> memref<1x128x128xf32, #tpu.memory_space<vmem>>
    %dma_start3A_1797 = tpu.memref_squeeze %dma_start3A_1796 : memref<1x128x128xf32, #tpu.memory_space<vmem>> -> memref<128x128xf32, #tpu.memory_space<vmem>>
    %dma_start3A_1798 = arith.constant 0 : i32
    %dma_start3A_1799 = tpu.memref_slice %arg7[%dma_start3A_1792, %dma_start3A_1798] : memref<50x128xi32, #tpu.memory_space<vmem>> -> memref<1x128xi32, #tpu.memory_space<vmem>>
    %dma_start3A_1800 = tpu.memref_squeeze %dma_start3A_1799 : memref<1x128xi32, #tpu.memory_space<vmem>> -> memref<128xi32, #tpu.memory_space<vmem>>
    %dma_start3A_1801 = arith.constant 0 : i32
    %dma_start3A_1802 = arith.constant 0 : i32
    %dma_start3A_1803 = tpu.memref_slice %arg3[%dma_start3A_1801, %dma_start3A_1802] : memref<507904x128xf32, #tpu.memory_space<hbm>> -> memref<507904x128xf32, #tpu.memory_space<hbm>>
    tpu.enqueue_indirect_dma source(%dma_start3A_1803 : memref<507904x128xf32, #tpu.memory_space<hbm>>) target(%dma_start3A_1797 : memref<128x128xf32, #tpu.memory_space<vmem>>) offsets(%dma_start3A_1800 : memref<128xi32, #tpu.memory_space<vmem>>) semaphore(%arg11 : memref<!tpu.dma_semaphore, #tpu.memory_space<semaphore_mem>>)
    %dma_wait3A_1804 = arith.constant 34 : i32
    %dma_wait3A_1805 = arith.constant 0 : i32
    %dma_wait3A_1806 = arith.constant 0 : i32
    %dma_wait3A_1807 = arith.constant 0 : i32
    %dma_wait3A_1808 = tpu.memref_slice %arg9[%dma_wait3A_1805, %dma_wait3A_1806, %dma_wait3A_1807] : memref<2x128x128xf32, #tpu.memory_space<vmem>> -> memref<1x128x128xf32, #tpu.memory_space<vmem>>
    %dma_wait3A_1809 = tpu.memref_squeeze %dma_wait3A_1808 : memref<1x128x128xf32, #tpu.memory_space<vmem>> -> memref<128x128xf32, #tpu.memory_space<vmem>>
    %dma_wait3A_1810 = arith.constant 0 : i32
    %dma_wait3A_1811 = tpu.memref_slice %arg7[%dma_wait3A_1804, %dma_wait3A_1810] : memref<50x128xi32, #tpu.memory_space<vmem>> -> memref<1x128xi32, #tpu.memory_space<vmem>>
    %dma_wait3A_1812 = tpu.memref_squeeze %dma_wait3A_1811 : memref<1x128xi32, #tpu.memory_space<vmem>> -> memref<128xi32, #tpu.memory_space<vmem>>
    %dma_wait3A_1813 = arith.constant 0 : i32
    %dma_wait3A_1814 = arith.constant 0 : i32
    %dma_wait3A_1815 = tpu.memref_slice %arg3[%dma_wait3A_1813, %dma_wait3A_1814] : memref<507904x128xf32, #tpu.memory_space<hbm>> -> memref<507904x128xf32, #tpu.memory_space<hbm>>
    tpu.wait_indirect_dma semaphore(%arg10 : memref<!tpu.dma_semaphore, #tpu.memory_space<semaphore_mem>>) src(%dma_wait3A_1815 : memref<507904x128xf32, #tpu.memory_space<hbm>>) dst(%dma_wait3A_1809 : memref<128x128xf32, #tpu.memory_space<vmem>>)
    %add3A_1816 = arith.constant 139264 : i32
    %add3A_1817 = arith.addi %add3A_1816, %mul3A_2 : i32
    %dma_start3A_1818 = arith.constant 0 : i32
    %dma_start3A_1819 = arith.constant 0 : i32
    %dma_start3A_1820 = arith.constant 0 : i32
    %dma_start3A_1821 = tpu.memref_slice %arg9[%dma_start3A_1818, %dma_start3A_1819, %dma_start3A_1820] : memref<2x128x128xf32, #tpu.memory_space<vmem>> -> memref<1x128x128xf32, #tpu.memory_space<vmem>>
    %dma_start3A_1822 = tpu.memref_squeeze %dma_start3A_1821 : memref<1x128x128xf32, #tpu.memory_space<vmem>> -> memref<128x128xf32, #tpu.memory_space<vmem>>
    %dma_start3A_1823 = arith.constant 0 : i32
    %dma_start3A_1824 = tpu.memref_slice %arg4[%add3A_1817, %dma_start3A_1823] : memref<204800x128xf32, #tpu.memory_space<hbm>> -> memref<128x128xf32, #tpu.memory_space<hbm>>
    %dma_start3A_1825 = arith.constant 0 : i32
    %dma_start3A_1826 = tpu.memref_slice %arg4[%add3A_1817, %dma_start3A_1825] : memref<204800x128xf32, #tpu.memory_space<hbm>> -> memref<128x128xf32, #tpu.memory_space<hbm>>
    %dma_start3A_1827 = arith.constant 0 : i32
    %dma_start3A_1828 = arith.constant 0 : i32
    %dma_start3A_1829 = tpu.memref_slice %arg9[%dma_start3A_1818, %dma_start3A_1827, %dma_start3A_1828] : memref<2x128x128xf32, #tpu.memory_space<vmem>> -> memref<1x128x128xf32, #tpu.memory_space<vmem>>
    %dma_start3A_1830 = tpu.memref_squeeze %dma_start3A_1829 : memref<1x128x128xf32, #tpu.memory_space<vmem>> -> memref<128x128xf32, #tpu.memory_space<vmem>>
    tpu.enqueue_dma source(%dma_start3A_1830 : memref<128x128xf32, #tpu.memory_space<vmem>>) target(%dma_start3A_1826 : memref<128x128xf32, #tpu.memory_space<hbm>>) target_semaphore(%arg12 : memref<!tpu.dma_semaphore, #tpu.memory_space<semaphore_mem>>)
    %dma_wait3A_1831 = arith.constant 0 : i32
    %dma_wait3A_1832 = arith.constant 0 : i32
    %dma_wait3A_1833 = arith.constant 0 : i32
    %dma_wait3A_1834 = tpu.memref_slice %arg9[%dma_wait3A_1831, %dma_wait3A_1832, %dma_wait3A_1833] : memref<2x128x128xf32, #tpu.memory_space<vmem>> -> memref<1x128x128xf32, #tpu.memory_space<vmem>>
    %dma_wait3A_1835 = tpu.memref_squeeze %dma_wait3A_1834 : memref<1x128x128xf32, #tpu.memory_space<vmem>> -> memref<128x128xf32, #tpu.memory_space<vmem>>
    %dma_wait3A_1836 = arith.constant 0 : i32
    %dma_wait3A_1837 = tpu.memref_slice %arg4[%add3A_1817, %dma_wait3A_1836] : memref<204800x128xf32, #tpu.memory_space<hbm>> -> memref<128x128xf32, #tpu.memory_space<hbm>>
    %dma_wait3A_1838 = arith.constant 0 : i32
    %dma_wait3A_1839 = tpu.memref_slice %arg4[%add3A_1817, %dma_wait3A_1838] : memref<204800x128xf32, #tpu.memory_space<hbm>> -> memref<128x128xf32, #tpu.memory_space<hbm>>
    %dma_wait3A_1840 = arith.constant 0 : i32
    %dma_wait3A_1841 = arith.constant 0 : i32
    %dma_wait3A_1842 = tpu.memref_slice %arg9[%dma_wait3A_1831, %dma_wait3A_1840, %dma_wait3A_1841] : memref<2x128x128xf32, #tpu.memory_space<vmem>> -> memref<1x128x128xf32, #tpu.memory_space<vmem>>
    %dma_wait3A_1843 = tpu.memref_squeeze %dma_wait3A_1842 : memref<1x128x128xf32, #tpu.memory_space<vmem>> -> memref<128x128xf32, #tpu.memory_space<vmem>>
    tpu.wait_dma2 semaphore(%arg12 : memref<!tpu.dma_semaphore, #tpu.memory_space<semaphore_mem>>) src(%dma_wait3A_1843 : memref<128x128xf32, #tpu.memory_space<vmem>>) dst(%dma_wait3A_1839 : memref<128x128xf32, #tpu.memory_space<hbm>>)
    %dma_start3A_1844 = arith.constant 36 : i32
    %dma_start3A_1845 = arith.constant 0 : i32
    %dma_start3A_1846 = arith.constant 0 : i32
    %dma_start3A_1847 = arith.constant 0 : i32
    %dma_start3A_1848 = tpu.memref_slice %arg9[%dma_start3A_1845, %dma_start3A_1846, %dma_start3A_1847] : memref<2x128x128xf32, #tpu.memory_space<vmem>> -> memref<1x128x128xf32, #tpu.memory_space<vmem>>
    %dma_start3A_1849 = tpu.memref_squeeze %dma_start3A_1848 : memref<1x128x128xf32, #tpu.memory_space<vmem>> -> memref<128x128xf32, #tpu.memory_space<vmem>>
    %dma_start3A_1850 = arith.constant 0 : i32
    %dma_start3A_1851 = tpu.memref_slice %arg7[%dma_start3A_1844, %dma_start3A_1850] : memref<50x128xi32, #tpu.memory_space<vmem>> -> memref<1x128xi32, #tpu.memory_space<vmem>>
    %dma_start3A_1852 = tpu.memref_squeeze %dma_start3A_1851 : memref<1x128xi32, #tpu.memory_space<vmem>> -> memref<128xi32, #tpu.memory_space<vmem>>
    %dma_start3A_1853 = arith.constant 0 : i32
    %dma_start3A_1854 = arith.constant 0 : i32
    %dma_start3A_1855 = tpu.memref_slice %arg3[%dma_start3A_1853, %dma_start3A_1854] : memref<507904x128xf32, #tpu.memory_space<hbm>> -> memref<507904x128xf32, #tpu.memory_space<hbm>>
    tpu.enqueue_indirect_dma source(%dma_start3A_1855 : memref<507904x128xf32, #tpu.memory_space<hbm>>) target(%dma_start3A_1849 : memref<128x128xf32, #tpu.memory_space<vmem>>) offsets(%dma_start3A_1852 : memref<128xi32, #tpu.memory_space<vmem>>) semaphore(%arg10 : memref<!tpu.dma_semaphore, #tpu.memory_space<semaphore_mem>>)
    %dma_wait3A_1856 = arith.constant 35 : i32
    %dma_wait3A_1857 = arith.constant 1 : i32
    %dma_wait3A_1858 = arith.constant 0 : i32
    %dma_wait3A_1859 = arith.constant 0 : i32
    %dma_wait3A_1860 = tpu.memref_slice %arg9[%dma_wait3A_1857, %dma_wait3A_1858, %dma_wait3A_1859] : memref<2x128x128xf32, #tpu.memory_space<vmem>> -> memref<1x128x128xf32, #tpu.memory_space<vmem>>
    %dma_wait3A_1861 = tpu.memref_squeeze %dma_wait3A_1860 : memref<1x128x128xf32, #tpu.memory_space<vmem>> -> memref<128x128xf32, #tpu.memory_space<vmem>>
    %dma_wait3A_1862 = arith.constant 0 : i32
    %dma_wait3A_1863 = tpu.memref_slice %arg7[%dma_wait3A_1856, %dma_wait3A_1862] : memref<50x128xi32, #tpu.memory_space<vmem>> -> memref<1x128xi32, #tpu.memory_space<vmem>>
    %dma_wait3A_1864 = tpu.memref_squeeze %dma_wait3A_1863 : memref<1x128xi32, #tpu.memory_space<vmem>> -> memref<128xi32, #tpu.memory_space<vmem>>
    %dma_wait3A_1865 = arith.constant 0 : i32
    %dma_wait3A_1866 = arith.constant 0 : i32
    %dma_wait3A_1867 = tpu.memref_slice %arg3[%dma_wait3A_1865, %dma_wait3A_1866] : memref<507904x128xf32, #tpu.memory_space<hbm>> -> memref<507904x128xf32, #tpu.memory_space<hbm>>
    tpu.wait_indirect_dma semaphore(%arg11 : memref<!tpu.dma_semaphore, #tpu.memory_space<semaphore_mem>>) src(%dma_wait3A_1867 : memref<507904x128xf32, #tpu.memory_space<hbm>>) dst(%dma_wait3A_1861 : memref<128x128xf32, #tpu.memory_space<vmem>>)
    %add3A_1868 = arith.constant 143360 : i32
    %add3A_1869 = arith.addi %add3A_1868, %mul3A_2 : i32
    %dma_start3A_1870 = arith.constant 1 : i32
    %dma_start3A_1871 = arith.constant 0 : i32
    %dma_start3A_1872 = arith.constant 0 : i32
    %dma_start3A_1873 = tpu.memref_slice %arg9[%dma_start3A_1870, %dma_start3A_1871, %dma_start3A_1872] : memref<2x128x128xf32, #tpu.memory_space<vmem>> -> memref<1x128x128xf32, #tpu.memory_space<vmem>>
    %dma_start3A_1874 = tpu.memref_squeeze %dma_start3A_1873 : memref<1x128x128xf32, #tpu.memory_space<vmem>> -> memref<128x128xf32, #tpu.memory_space<vmem>>
    %dma_start3A_1875 = arith.constant 0 : i32
    %dma_start3A_1876 = tpu.memref_slice %arg4[%add3A_1869, %dma_start3A_1875] : memref<204800x128xf32, #tpu.memory_space<hbm>> -> memref<128x128xf32, #tpu.memory_space<hbm>>
    %dma_start3A_1877 = arith.constant 0 : i32
    %dma_start3A_1878 = tpu.memref_slice %arg4[%add3A_1869, %dma_start3A_1877] : memref<204800x128xf32, #tpu.memory_space<hbm>> -> memref<128x128xf32, #tpu.memory_space<hbm>>
    %dma_start3A_1879 = arith.constant 0 : i32
    %dma_start3A_1880 = arith.constant 0 : i32
    %dma_start3A_1881 = tpu.memref_slice %arg9[%dma_start3A_1870, %dma_start3A_1879, %dma_start3A_1880] : memref<2x128x128xf32, #tpu.memory_space<vmem>> -> memref<1x128x128xf32, #tpu.memory_space<vmem>>
    %dma_start3A_1882 = tpu.memref_squeeze %dma_start3A_1881 : memref<1x128x128xf32, #tpu.memory_space<vmem>> -> memref<128x128xf32, #tpu.memory_space<vmem>>
    tpu.enqueue_dma source(%dma_start3A_1882 : memref<128x128xf32, #tpu.memory_space<vmem>>) target(%dma_start3A_1878 : memref<128x128xf32, #tpu.memory_space<hbm>>) target_semaphore(%arg13 : memref<!tpu.dma_semaphore, #tpu.memory_space<semaphore_mem>>)
    %dma_wait3A_1883 = arith.constant 1 : i32
    %dma_wait3A_1884 = arith.constant 0 : i32
    %dma_wait3A_1885 = arith.constant 0 : i32
    %dma_wait3A_1886 = tpu.memref_slice %arg9[%dma_wait3A_1883, %dma_wait3A_1884, %dma_wait3A_1885] : memref<2x128x128xf32, #tpu.memory_space<vmem>> -> memref<1x128x128xf32, #tpu.memory_space<vmem>>
    %dma_wait3A_1887 = tpu.memref_squeeze %dma_wait3A_1886 : memref<1x128x128xf32, #tpu.memory_space<vmem>> -> memref<128x128xf32, #tpu.memory_space<vmem>>
    %dma_wait3A_1888 = arith.constant 0 : i32
    %dma_wait3A_1889 = tpu.memref_slice %arg4[%add3A_1869, %dma_wait3A_1888] : memref<204800x128xf32, #tpu.memory_space<hbm>> -> memref<128x128xf32, #tpu.memory_space<hbm>>
    %dma_wait3A_1890 = arith.constant 0 : i32
    %dma_wait3A_1891 = tpu.memref_slice %arg4[%add3A_1869, %dma_wait3A_1890] : memref<204800x128xf32, #tpu.memory_space<hbm>> -> memref<128x128xf32, #tpu.memory_space<hbm>>
    %dma_wait3A_1892 = arith.constant 0 : i32
    %dma_wait3A_1893 = arith.constant 0 : i32
    %dma_wait3A_1894 = tpu.memref_slice %arg9[%dma_wait3A_1883, %dma_wait3A_1892, %dma_wait3A_1893] : memref<2x128x128xf32, #tpu.memory_space<vmem>> -> memref<1x128x128xf32, #tpu.memory_space<vmem>>
    %dma_wait3A_1895 = tpu.memref_squeeze %dma_wait3A_1894 : memref<1x128x128xf32, #tpu.memory_space<vmem>> -> memref<128x128xf32, #tpu.memory_space<vmem>>
    tpu.wait_dma2 semaphore(%arg13 : memref<!tpu.dma_semaphore, #tpu.memory_space<semaphore_mem>>) src(%dma_wait3A_1895 : memref<128x128xf32, #tpu.memory_space<vmem>>) dst(%dma_wait3A_1891 : memref<128x128xf32, #tpu.memory_space<hbm>>)
    %dma_start3A_1896 = arith.constant 37 : i32
    %dma_start3A_1897 = arith.constant 1 : i32
    %dma_start3A_1898 = arith.constant 0 : i32
    %dma_start3A_1899 = arith.constant 0 : i32
    %dma_start3A_1900 = tpu.memref_slice %arg9[%dma_start3A_1897, %dma_start3A_1898, %dma_start3A_1899] : memref<2x128x128xf32, #tpu.memory_space<vmem>> -> memref<1x128x128xf32, #tpu.memory_space<vmem>>
    %dma_start3A_1901 = tpu.memref_squeeze %dma_start3A_1900 : memref<1x128x128xf32, #tpu.memory_space<vmem>> -> memref<128x128xf32, #tpu.memory_space<vmem>>
    %dma_start3A_1902 = arith.constant 0 : i32
    %dma_start3A_1903 = tpu.memref_slice %arg7[%dma_start3A_1896, %dma_start3A_1902] : memref<50x128xi32, #tpu.memory_space<vmem>> -> memref<1x128xi32, #tpu.memory_space<vmem>>
    %dma_start3A_1904 = tpu.memref_squeeze %dma_start3A_1903 : memref<1x128xi32, #tpu.memory_space<vmem>> -> memref<128xi32, #tpu.memory_space<vmem>>
    %dma_start3A_1905 = arith.constant 0 : i32
    %dma_start3A_1906 = arith.constant 0 : i32
    %dma_start3A_1907 = tpu.memref_slice %arg3[%dma_start3A_1905, %dma_start3A_1906] : memref<507904x128xf32, #tpu.memory_space<hbm>> -> memref<507904x128xf32, #tpu.memory_space<hbm>>
    tpu.enqueue_indirect_dma source(%dma_start3A_1907 : memref<507904x128xf32, #tpu.memory_space<hbm>>) target(%dma_start3A_1901 : memref<128x128xf32, #tpu.memory_space<vmem>>) offsets(%dma_start3A_1904 : memref<128xi32, #tpu.memory_space<vmem>>) semaphore(%arg11 : memref<!tpu.dma_semaphore, #tpu.memory_space<semaphore_mem>>)
    %dma_wait3A_1908 = arith.constant 36 : i32
    %dma_wait3A_1909 = arith.constant 0 : i32
    %dma_wait3A_1910 = arith.constant 0 : i32
    %dma_wait3A_1911 = arith.constant 0 : i32
    %dma_wait3A_1912 = tpu.memref_slice %arg9[%dma_wait3A_1909, %dma_wait3A_1910, %dma_wait3A_1911] : memref<2x128x128xf32, #tpu.memory_space<vmem>> -> memref<1x128x128xf32, #tpu.memory_space<vmem>>
    %dma_wait3A_1913 = tpu.memref_squeeze %dma_wait3A_1912 : memref<1x128x128xf32, #tpu.memory_space<vmem>> -> memref<128x128xf32, #tpu.memory_space<vmem>>
    %dma_wait3A_1914 = arith.constant 0 : i32
    %dma_wait3A_1915 = tpu.memref_slice %arg7[%dma_wait3A_1908, %dma_wait3A_1914] : memref<50x128xi32, #tpu.memory_space<vmem>> -> memref<1x128xi32, #tpu.memory_space<vmem>>
    %dma_wait3A_1916 = tpu.memref_squeeze %dma_wait3A_1915 : memref<1x128xi32, #tpu.memory_space<vmem>> -> memref<128xi32, #tpu.memory_space<vmem>>
    %dma_wait3A_1917 = arith.constant 0 : i32
    %dma_wait3A_1918 = arith.constant 0 : i32
    %dma_wait3A_1919 = tpu.memref_slice %arg3[%dma_wait3A_1917, %dma_wait3A_1918] : memref<507904x128xf32, #tpu.memory_space<hbm>> -> memref<507904x128xf32, #tpu.memory_space<hbm>>
    tpu.wait_indirect_dma semaphore(%arg10 : memref<!tpu.dma_semaphore, #tpu.memory_space<semaphore_mem>>) src(%dma_wait3A_1919 : memref<507904x128xf32, #tpu.memory_space<hbm>>) dst(%dma_wait3A_1913 : memref<128x128xf32, #tpu.memory_space<vmem>>)
    %add3A_1920 = arith.constant 147456 : i32
    %add3A_1921 = arith.addi %add3A_1920, %mul3A_2 : i32
    %dma_start3A_1922 = arith.constant 0 : i32
    %dma_start3A_1923 = arith.constant 0 : i32
    %dma_start3A_1924 = arith.constant 0 : i32
    %dma_start3A_1925 = tpu.memref_slice %arg9[%dma_start3A_1922, %dma_start3A_1923, %dma_start3A_1924] : memref<2x128x128xf32, #tpu.memory_space<vmem>> -> memref<1x128x128xf32, #tpu.memory_space<vmem>>
    %dma_start3A_1926 = tpu.memref_squeeze %dma_start3A_1925 : memref<1x128x128xf32, #tpu.memory_space<vmem>> -> memref<128x128xf32, #tpu.memory_space<vmem>>
    %dma_start3A_1927 = arith.constant 0 : i32
    %dma_start3A_1928 = tpu.memref_slice %arg4[%add3A_1921, %dma_start3A_1927] : memref<204800x128xf32, #tpu.memory_space<hbm>> -> memref<128x128xf32, #tpu.memory_space<hbm>>
    %dma_start3A_1929 = arith.constant 0 : i32
    %dma_start3A_1930 = tpu.memref_slice %arg4[%add3A_1921, %dma_start3A_1929] : memref<204800x128xf32, #tpu.memory_space<hbm>> -> memref<128x128xf32, #tpu.memory_space<hbm>>
    %dma_start3A_1931 = arith.constant 0 : i32
    %dma_start3A_1932 = arith.constant 0 : i32
    %dma_start3A_1933 = tpu.memref_slice %arg9[%dma_start3A_1922, %dma_start3A_1931, %dma_start3A_1932] : memref<2x128x128xf32, #tpu.memory_space<vmem>> -> memref<1x128x128xf32, #tpu.memory_space<vmem>>
    %dma_start3A_1934 = tpu.memref_squeeze %dma_start3A_1933 : memref<1x128x128xf32, #tpu.memory_space<vmem>> -> memref<128x128xf32, #tpu.memory_space<vmem>>
    tpu.enqueue_dma source(%dma_start3A_1934 : memref<128x128xf32, #tpu.memory_space<vmem>>) target(%dma_start3A_1930 : memref<128x128xf32, #tpu.memory_space<hbm>>) target_semaphore(%arg12 : memref<!tpu.dma_semaphore, #tpu.memory_space<semaphore_mem>>)
    %dma_wait3A_1935 = arith.constant 0 : i32
    %dma_wait3A_1936 = arith.constant 0 : i32
    %dma_wait3A_1937 = arith.constant 0 : i32
    %dma_wait3A_1938 = tpu.memref_slice %arg9[%dma_wait3A_1935, %dma_wait3A_1936, %dma_wait3A_1937] : memref<2x128x128xf32, #tpu.memory_space<vmem>> -> memref<1x128x128xf32, #tpu.memory_space<vmem>>
    %dma_wait3A_1939 = tpu.memref_squeeze %dma_wait3A_1938 : memref<1x128x128xf32, #tpu.memory_space<vmem>> -> memref<128x128xf32, #tpu.memory_space<vmem>>
    %dma_wait3A_1940 = arith.constant 0 : i32
    %dma_wait3A_1941 = tpu.memref_slice %arg4[%add3A_1921, %dma_wait3A_1940] : memref<204800x128xf32, #tpu.memory_space<hbm>> -> memref<128x128xf32, #tpu.memory_space<hbm>>
    %dma_wait3A_1942 = arith.constant 0 : i32
    %dma_wait3A_1943 = tpu.memref_slice %arg4[%add3A_1921, %dma_wait3A_1942] : memref<204800x128xf32, #tpu.memory_space<hbm>> -> memref<128x128xf32, #tpu.memory_space<hbm>>
    %dma_wait3A_1944 = arith.constant 0 : i32
    %dma_wait3A_1945 = arith.constant 0 : i32
    %dma_wait3A_1946 = tpu.memref_slice %arg9[%dma_wait3A_1935, %dma_wait3A_1944, %dma_wait3A_1945] : memref<2x128x128xf32, #tpu.memory_space<vmem>> -> memref<1x128x128xf32, #tpu.memory_space<vmem>>
    %dma_wait3A_1947 = tpu.memref_squeeze %dma_wait3A_1946 : memref<1x128x128xf32, #tpu.memory_space<vmem>> -> memref<128x128xf32, #tpu.memory_space<vmem>>
    tpu.wait_dma2 semaphore(%arg12 : memref<!tpu.dma_semaphore, #tpu.memory_space<semaphore_mem>>) src(%dma_wait3A_1947 : memref<128x128xf32, #tpu.memory_space<vmem>>) dst(%dma_wait3A_1943 : memref<128x128xf32, #tpu.memory_space<hbm>>)
    %dma_start3A_1948 = arith.constant 38 : i32
    %dma_start3A_1949 = arith.constant 0 : i32
    %dma_start3A_1950 = arith.constant 0 : i32
    %dma_start3A_1951 = arith.constant 0 : i32
    %dma_start3A_1952 = tpu.memref_slice %arg9[%dma_start3A_1949, %dma_start3A_1950, %dma_start3A_1951] : memref<2x128x128xf32, #tpu.memory_space<vmem>> -> memref<1x128x128xf32, #tpu.memory_space<vmem>>
    %dma_start3A_1953 = tpu.memref_squeeze %dma_start3A_1952 : memref<1x128x128xf32, #tpu.memory_space<vmem>> -> memref<128x128xf32, #tpu.memory_space<vmem>>
    %dma_start3A_1954 = arith.constant 0 : i32
    %dma_start3A_1955 = tpu.memref_slice %arg7[%dma_start3A_1948, %dma_start3A_1954] : memref<50x128xi32, #tpu.memory_space<vmem>> -> memref<1x128xi32, #tpu.memory_space<vmem>>
    %dma_start3A_1956 = tpu.memref_squeeze %dma_start3A_1955 : memref<1x128xi32, #tpu.memory_space<vmem>> -> memref<128xi32, #tpu.memory_space<vmem>>
    %dma_start3A_1957 = arith.constant 0 : i32
    %dma_start3A_1958 = arith.constant 0 : i32
    %dma_start3A_1959 = tpu.memref_slice %arg3[%dma_start3A_1957, %dma_start3A_1958] : memref<507904x128xf32, #tpu.memory_space<hbm>> -> memref<507904x128xf32, #tpu.memory_space<hbm>>
    tpu.enqueue_indirect_dma source(%dma_start3A_1959 : memref<507904x128xf32, #tpu.memory_space<hbm>>) target(%dma_start3A_1953 : memref<128x128xf32, #tpu.memory_space<vmem>>) offsets(%dma_start3A_1956 : memref<128xi32, #tpu.memory_space<vmem>>) semaphore(%arg10 : memref<!tpu.dma_semaphore, #tpu.memory_space<semaphore_mem>>)
    %dma_wait3A_1960 = arith.constant 37 : i32
    %dma_wait3A_1961 = arith.constant 1 : i32
    %dma_wait3A_1962 = arith.constant 0 : i32
    %dma_wait3A_1963 = arith.constant 0 : i32
    %dma_wait3A_1964 = tpu.memref_slice %arg9[%dma_wait3A_1961, %dma_wait3A_1962, %dma_wait3A_1963] : memref<2x128x128xf32, #tpu.memory_space<vmem>> -> memref<1x128x128xf32, #tpu.memory_space<vmem>>
    %dma_wait3A_1965 = tpu.memref_squeeze %dma_wait3A_1964 : memref<1x128x128xf32, #tpu.memory_space<vmem>> -> memref<128x128xf32, #tpu.memory_space<vmem>>
    %dma_wait3A_1966 = arith.constant 0 : i32
    %dma_wait3A_1967 = tpu.memref_slice %arg7[%dma_wait3A_1960, %dma_wait3A_1966] : memref<50x128xi32, #tpu.memory_space<vmem>> -> memref<1x128xi32, #tpu.memory_space<vmem>>
    %dma_wait3A_1968 = tpu.memref_squeeze %dma_wait3A_1967 : memref<1x128xi32, #tpu.memory_space<vmem>> -> memref<128xi32, #tpu.memory_space<vmem>>
    %dma_wait3A_1969 = arith.constant 0 : i32
    %dma_wait3A_1970 = arith.constant 0 : i32
    %dma_wait3A_1971 = tpu.memref_slice %arg3[%dma_wait3A_1969, %dma_wait3A_1970] : memref<507904x128xf32, #tpu.memory_space<hbm>> -> memref<507904x128xf32, #tpu.memory_space<hbm>>
    tpu.wait_indirect_dma semaphore(%arg11 : memref<!tpu.dma_semaphore, #tpu.memory_space<semaphore_mem>>) src(%dma_wait3A_1971 : memref<507904x128xf32, #tpu.memory_space<hbm>>) dst(%dma_wait3A_1965 : memref<128x128xf32, #tpu.memory_space<vmem>>)
    %add3A_1972 = arith.constant 151552 : i32
    %add3A_1973 = arith.addi %add3A_1972, %mul3A_2 : i32
    %dma_start3A_1974 = arith.constant 1 : i32
    %dma_start3A_1975 = arith.constant 0 : i32
    %dma_start3A_1976 = arith.constant 0 : i32
    %dma_start3A_1977 = tpu.memref_slice %arg9[%dma_start3A_1974, %dma_start3A_1975, %dma_start3A_1976] : memref<2x128x128xf32, #tpu.memory_space<vmem>> -> memref<1x128x128xf32, #tpu.memory_space<vmem>>
    %dma_start3A_1978 = tpu.memref_squeeze %dma_start3A_1977 : memref<1x128x128xf32, #tpu.memory_space<vmem>> -> memref<128x128xf32, #tpu.memory_space<vmem>>
    %dma_start3A_1979 = arith.constant 0 : i32
    %dma_start3A_1980 = tpu.memref_slice %arg4[%add3A_1973, %dma_start3A_1979] : memref<204800x128xf32, #tpu.memory_space<hbm>> -> memref<128x128xf32, #tpu.memory_space<hbm>>
    %dma_start3A_1981 = arith.constant 0 : i32
    %dma_start3A_1982 = tpu.memref_slice %arg4[%add3A_1973, %dma_start3A_1981] : memref<204800x128xf32, #tpu.memory_space<hbm>> -> memref<128x128xf32, #tpu.memory_space<hbm>>
    %dma_start3A_1983 = arith.constant 0 : i32
    %dma_start3A_1984 = arith.constant 0 : i32
    %dma_start3A_1985 = tpu.memref_slice %arg9[%dma_start3A_1974, %dma_start3A_1983, %dma_start3A_1984] : memref<2x128x128xf32, #tpu.memory_space<vmem>> -> memref<1x128x128xf32, #tpu.memory_space<vmem>>
    %dma_start3A_1986 = tpu.memref_squeeze %dma_start3A_1985 : memref<1x128x128xf32, #tpu.memory_space<vmem>> -> memref<128x128xf32, #tpu.memory_space<vmem>>
    tpu.enqueue_dma source(%dma_start3A_1986 : memref<128x128xf32, #tpu.memory_space<vmem>>) target(%dma_start3A_1982 : memref<128x128xf32, #tpu.memory_space<hbm>>) target_semaphore(%arg13 : memref<!tpu.dma_semaphore, #tpu.memory_space<semaphore_mem>>)
    %dma_wait3A_1987 = arith.constant 1 : i32
    %dma_wait3A_1988 = arith.constant 0 : i32
    %dma_wait3A_1989 = arith.constant 0 : i32
    %dma_wait3A_1990 = tpu.memref_slice %arg9[%dma_wait3A_1987, %dma_wait3A_1988, %dma_wait3A_1989] : memref<2x128x128xf32, #tpu.memory_space<vmem>> -> memref<1x128x128xf32, #tpu.memory_space<vmem>>
    %dma_wait3A_1991 = tpu.memref_squeeze %dma_wait3A_1990 : memref<1x128x128xf32, #tpu.memory_space<vmem>> -> memref<128x128xf32, #tpu.memory_space<vmem>>
    %dma_wait3A_1992 = arith.constant 0 : i32
    %dma_wait3A_1993 = tpu.memref_slice %arg4[%add3A_1973, %dma_wait3A_1992] : memref<204800x128xf32, #tpu.memory_space<hbm>> -> memref<128x128xf32, #tpu.memory_space<hbm>>
    %dma_wait3A_1994 = arith.constant 0 : i32
    %dma_wait3A_1995 = tpu.memref_slice %arg4[%add3A_1973, %dma_wait3A_1994] : memref<204800x128xf32, #tpu.memory_space<hbm>> -> memref<128x128xf32, #tpu.memory_space<hbm>>
    %dma_wait3A_1996 = arith.constant 0 : i32
    %dma_wait3A_1997 = arith.constant 0 : i32
    %dma_wait3A_1998 = tpu.memref_slice %arg9[%dma_wait3A_1987, %dma_wait3A_1996, %dma_wait3A_1997] : memref<2x128x128xf32, #tpu.memory_space<vmem>> -> memref<1x128x128xf32, #tpu.memory_space<vmem>>
    %dma_wait3A_1999 = tpu.memref_squeeze %dma_wait3A_1998 : memref<1x128x128xf32, #tpu.memory_space<vmem>> -> memref<128x128xf32, #tpu.memory_space<vmem>>
    tpu.wait_dma2 semaphore(%arg13 : memref<!tpu.dma_semaphore, #tpu.memory_space<semaphore_mem>>) src(%dma_wait3A_1999 : memref<128x128xf32, #tpu.memory_space<vmem>>) dst(%dma_wait3A_1995 : memref<128x128xf32, #tpu.memory_space<hbm>>)
    %dma_start3A_2000 = arith.constant 39 : i32
    %dma_start3A_2001 = arith.constant 1 : i32
    %dma_start3A_2002 = arith.constant 0 : i32
    %dma_start3A_2003 = arith.constant 0 : i32
    %dma_start3A_2004 = tpu.memref_slice %arg9[%dma_start3A_2001, %dma_start3A_2002, %dma_start3A_2003] : memref<2x128x128xf32, #tpu.memory_space<vmem>> -> memref<1x128x128xf32, #tpu.memory_space<vmem>>
    %dma_start3A_2005 = tpu.memref_squeeze %dma_start3A_2004 : memref<1x128x128xf32, #tpu.memory_space<vmem>> -> memref<128x128xf32, #tpu.memory_space<vmem>>
    %dma_start3A_2006 = arith.constant 0 : i32
    %dma_start3A_2007 = tpu.memref_slice %arg7[%dma_start3A_2000, %dma_start3A_2006] : memref<50x128xi32, #tpu.memory_space<vmem>> -> memref<1x128xi32, #tpu.memory_space<vmem>>
    %dma_start3A_2008 = tpu.memref_squeeze %dma_start3A_2007 : memref<1x128xi32, #tpu.memory_space<vmem>> -> memref<128xi32, #tpu.memory_space<vmem>>
    %dma_start3A_2009 = arith.constant 0 : i32
    %dma_start3A_2010 = arith.constant 0 : i32
    %dma_start3A_2011 = tpu.memref_slice %arg3[%dma_start3A_2009, %dma_start3A_2010] : memref<507904x128xf32, #tpu.memory_space<hbm>> -> memref<507904x128xf32, #tpu.memory_space<hbm>>
    tpu.enqueue_indirect_dma source(%dma_start3A_2011 : memref<507904x128xf32, #tpu.memory_space<hbm>>) target(%dma_start3A_2005 : memref<128x128xf32, #tpu.memory_space<vmem>>) offsets(%dma_start3A_2008 : memref<128xi32, #tpu.memory_space<vmem>>) semaphore(%arg11 : memref<!tpu.dma_semaphore, #tpu.memory_space<semaphore_mem>>)
    %dma_wait3A_2012 = arith.constant 38 : i32
    %dma_wait3A_2013 = arith.constant 0 : i32
    %dma_wait3A_2014 = arith.constant 0 : i32
    %dma_wait3A_2015 = arith.constant 0 : i32
    %dma_wait3A_2016 = tpu.memref_slice %arg9[%dma_wait3A_2013, %dma_wait3A_2014, %dma_wait3A_2015] : memref<2x128x128xf32, #tpu.memory_space<vmem>> -> memref<1x128x128xf32, #tpu.memory_space<vmem>>
    %dma_wait3A_2017 = tpu.memref_squeeze %dma_wait3A_2016 : memref<1x128x128xf32, #tpu.memory_space<vmem>> -> memref<128x128xf32, #tpu.memory_space<vmem>>
    %dma_wait3A_2018 = arith.constant 0 : i32
    %dma_wait3A_2019 = tpu.memref_slice %arg7[%dma_wait3A_2012, %dma_wait3A_2018] : memref<50x128xi32, #tpu.memory_space<vmem>> -> memref<1x128xi32, #tpu.memory_space<vmem>>
    %dma_wait3A_2020 = tpu.memref_squeeze %dma_wait3A_2019 : memref<1x128xi32, #tpu.memory_space<vmem>> -> memref<128xi32, #tpu.memory_space<vmem>>
    %dma_wait3A_2021 = arith.constant 0 : i32
    %dma_wait3A_2022 = arith.constant 0 : i32
    %dma_wait3A_2023 = tpu.memref_slice %arg3[%dma_wait3A_2021, %dma_wait3A_2022] : memref<507904x128xf32, #tpu.memory_space<hbm>> -> memref<507904x128xf32, #tpu.memory_space<hbm>>
    tpu.wait_indirect_dma semaphore(%arg10 : memref<!tpu.dma_semaphore, #tpu.memory_space<semaphore_mem>>) src(%dma_wait3A_2023 : memref<507904x128xf32, #tpu.memory_space<hbm>>) dst(%dma_wait3A_2017 : memref<128x128xf32, #tpu.memory_space<vmem>>)
    %add3A_2024 = arith.constant 155648 : i32
    %add3A_2025 = arith.addi %add3A_2024, %mul3A_2 : i32
    %dma_start3A_2026 = arith.constant 0 : i32
    %dma_start3A_2027 = arith.constant 0 : i32
    %dma_start3A_2028 = arith.constant 0 : i32
    %dma_start3A_2029 = tpu.memref_slice %arg9[%dma_start3A_2026, %dma_start3A_2027, %dma_start3A_2028] : memref<2x128x128xf32, #tpu.memory_space<vmem>> -> memref<1x128x128xf32, #tpu.memory_space<vmem>>
    %dma_start3A_2030 = tpu.memref_squeeze %dma_start3A_2029 : memref<1x128x128xf32, #tpu.memory_space<vmem>> -> memref<128x128xf32, #tpu.memory_space<vmem>>
    %dma_start3A_2031 = arith.constant 0 : i32
    %dma_start3A_2032 = tpu.memref_slice %arg4[%add3A_2025, %dma_start3A_2031] : memref<204800x128xf32, #tpu.memory_space<hbm>> -> memref<128x128xf32, #tpu.memory_space<hbm>>
    %dma_start3A_2033 = arith.constant 0 : i32
    %dma_start3A_2034 = tpu.memref_slice %arg4[%add3A_2025, %dma_start3A_2033] : memref<204800x128xf32, #tpu.memory_space<hbm>> -> memref<128x128xf32, #tpu.memory_space<hbm>>
    %dma_start3A_2035 = arith.constant 0 : i32
    %dma_start3A_2036 = arith.constant 0 : i32
    %dma_start3A_2037 = tpu.memref_slice %arg9[%dma_start3A_2026, %dma_start3A_2035, %dma_start3A_2036] : memref<2x128x128xf32, #tpu.memory_space<vmem>> -> memref<1x128x128xf32, #tpu.memory_space<vmem>>
    %dma_start3A_2038 = tpu.memref_squeeze %dma_start3A_2037 : memref<1x128x128xf32, #tpu.memory_space<vmem>> -> memref<128x128xf32, #tpu.memory_space<vmem>>
    tpu.enqueue_dma source(%dma_start3A_2038 : memref<128x128xf32, #tpu.memory_space<vmem>>) target(%dma_start3A_2034 : memref<128x128xf32, #tpu.memory_space<hbm>>) target_semaphore(%arg12 : memref<!tpu.dma_semaphore, #tpu.memory_space<semaphore_mem>>)
    %dma_wait3A_2039 = arith.constant 0 : i32
    %dma_wait3A_2040 = arith.constant 0 : i32
    %dma_wait3A_2041 = arith.constant 0 : i32
    %dma_wait3A_2042 = tpu.memref_slice %arg9[%dma_wait3A_2039, %dma_wait3A_2040, %dma_wait3A_2041] : memref<2x128x128xf32, #tpu.memory_space<vmem>> -> memref<1x128x128xf32, #tpu.memory_space<vmem>>
    %dma_wait3A_2043 = tpu.memref_squeeze %dma_wait3A_2042 : memref<1x128x128xf32, #tpu.memory_space<vmem>> -> memref<128x128xf32, #tpu.memory_space<vmem>>
    %dma_wait3A_2044 = arith.constant 0 : i32
    %dma_wait3A_2045 = tpu.memref_slice %arg4[%add3A_2025, %dma_wait3A_2044] : memref<204800x128xf32, #tpu.memory_space<hbm>> -> memref<128x128xf32, #tpu.memory_space<hbm>>
    %dma_wait3A_2046 = arith.constant 0 : i32
    %dma_wait3A_2047 = tpu.memref_slice %arg4[%add3A_2025, %dma_wait3A_2046] : memref<204800x128xf32, #tpu.memory_space<hbm>> -> memref<128x128xf32, #tpu.memory_space<hbm>>
    %dma_wait3A_2048 = arith.constant 0 : i32
    %dma_wait3A_2049 = arith.constant 0 : i32
    %dma_wait3A_2050 = tpu.memref_slice %arg9[%dma_wait3A_2039, %dma_wait3A_2048, %dma_wait3A_2049] : memref<2x128x128xf32, #tpu.memory_space<vmem>> -> memref<1x128x128xf32, #tpu.memory_space<vmem>>
    %dma_wait3A_2051 = tpu.memref_squeeze %dma_wait3A_2050 : memref<1x128x128xf32, #tpu.memory_space<vmem>> -> memref<128x128xf32, #tpu.memory_space<vmem>>
    tpu.wait_dma2 semaphore(%arg12 : memref<!tpu.dma_semaphore, #tpu.memory_space<semaphore_mem>>) src(%dma_wait3A_2051 : memref<128x128xf32, #tpu.memory_space<vmem>>) dst(%dma_wait3A_2047 : memref<128x128xf32, #tpu.memory_space<hbm>>)
    %dma_start3A_2052 = arith.constant 40 : i32
    %dma_start3A_2053 = arith.constant 0 : i32
    %dma_start3A_2054 = arith.constant 0 : i32
    %dma_start3A_2055 = arith.constant 0 : i32
    %dma_start3A_2056 = tpu.memref_slice %arg9[%dma_start3A_2053, %dma_start3A_2054, %dma_start3A_2055] : memref<2x128x128xf32, #tpu.memory_space<vmem>> -> memref<1x128x128xf32, #tpu.memory_space<vmem>>
    %dma_start3A_2057 = tpu.memref_squeeze %dma_start3A_2056 : memref<1x128x128xf32, #tpu.memory_space<vmem>> -> memref<128x128xf32, #tpu.memory_space<vmem>>
    %dma_start3A_2058 = arith.constant 0 : i32
    %dma_start3A_2059 = tpu.memref_slice %arg7[%dma_start3A_2052, %dma_start3A_2058] : memref<50x128xi32, #tpu.memory_space<vmem>> -> memref<1x128xi32, #tpu.memory_space<vmem>>
    %dma_start3A_2060 = tpu.memref_squeeze %dma_start3A_2059 : memref<1x128xi32, #tpu.memory_space<vmem>> -> memref<128xi32, #tpu.memory_space<vmem>>
    %dma_start3A_2061 = arith.constant 0 : i32
    %dma_start3A_2062 = arith.constant 0 : i32
    %dma_start3A_2063 = tpu.memref_slice %arg3[%dma_start3A_2061, %dma_start3A_2062] : memref<507904x128xf32, #tpu.memory_space<hbm>> -> memref<507904x128xf32, #tpu.memory_space<hbm>>
    tpu.enqueue_indirect_dma source(%dma_start3A_2063 : memref<507904x128xf32, #tpu.memory_space<hbm>>) target(%dma_start3A_2057 : memref<128x128xf32, #tpu.memory_space<vmem>>) offsets(%dma_start3A_2060 : memref<128xi32, #tpu.memory_space<vmem>>) semaphore(%arg10 : memref<!tpu.dma_semaphore, #tpu.memory_space<semaphore_mem>>)
    %dma_wait3A_2064 = arith.constant 39 : i32
    %dma_wait3A_2065 = arith.constant 1 : i32
    %dma_wait3A_2066 = arith.constant 0 : i32
    %dma_wait3A_2067 = arith.constant 0 : i32
    %dma_wait3A_2068 = tpu.memref_slice %arg9[%dma_wait3A_2065, %dma_wait3A_2066, %dma_wait3A_2067] : memref<2x128x128xf32, #tpu.memory_space<vmem>> -> memref<1x128x128xf32, #tpu.memory_space<vmem>>
    %dma_wait3A_2069 = tpu.memref_squeeze %dma_wait3A_2068 : memref<1x128x128xf32, #tpu.memory_space<vmem>> -> memref<128x128xf32, #tpu.memory_space<vmem>>
    %dma_wait3A_2070 = arith.constant 0 : i32
    %dma_wait3A_2071 = tpu.memref_slice %arg7[%dma_wait3A_2064, %dma_wait3A_2070] : memref<50x128xi32, #tpu.memory_space<vmem>> -> memref<1x128xi32, #tpu.memory_space<vmem>>
    %dma_wait3A_2072 = tpu.memref_squeeze %dma_wait3A_2071 : memref<1x128xi32, #tpu.memory_space<vmem>> -> memref<128xi32, #tpu.memory_space<vmem>>
    %dma_wait3A_2073 = arith.constant 0 : i32
    %dma_wait3A_2074 = arith.constant 0 : i32
    %dma_wait3A_2075 = tpu.memref_slice %arg3[%dma_wait3A_2073, %dma_wait3A_2074] : memref<507904x128xf32, #tpu.memory_space<hbm>> -> memref<507904x128xf32, #tpu.memory_space<hbm>>
    tpu.wait_indirect_dma semaphore(%arg11 : memref<!tpu.dma_semaphore, #tpu.memory_space<semaphore_mem>>) src(%dma_wait3A_2075 : memref<507904x128xf32, #tpu.memory_space<hbm>>) dst(%dma_wait3A_2069 : memref<128x128xf32, #tpu.memory_space<vmem>>)
    %add3A_2076 = arith.constant 159744 : i32
    %add3A_2077 = arith.addi %add3A_2076, %mul3A_2 : i32
    %dma_start3A_2078 = arith.constant 1 : i32
    %dma_start3A_2079 = arith.constant 0 : i32
    %dma_start3A_2080 = arith.constant 0 : i32
    %dma_start3A_2081 = tpu.memref_slice %arg9[%dma_start3A_2078, %dma_start3A_2079, %dma_start3A_2080] : memref<2x128x128xf32, #tpu.memory_space<vmem>> -> memref<1x128x128xf32, #tpu.memory_space<vmem>>
    %dma_start3A_2082 = tpu.memref_squeeze %dma_start3A_2081 : memref<1x128x128xf32, #tpu.memory_space<vmem>> -> memref<128x128xf32, #tpu.memory_space<vmem>>
    %dma_start3A_2083 = arith.constant 0 : i32
    %dma_start3A_2084 = tpu.memref_slice %arg4[%add3A_2077, %dma_start3A_2083] : memref<204800x128xf32, #tpu.memory_space<hbm>> -> memref<128x128xf32, #tpu.memory_space<hbm>>
    %dma_start3A_2085 = arith.constant 0 : i32
    %dma_start3A_2086 = tpu.memref_slice %arg4[%add3A_2077, %dma_start3A_2085] : memref<204800x128xf32, #tpu.memory_space<hbm>> -> memref<128x128xf32, #tpu.memory_space<hbm>>
    %dma_start3A_2087 = arith.constant 0 : i32
    %dma_start3A_2088 = arith.constant 0 : i32
    %dma_start3A_2089 = tpu.memref_slice %arg9[%dma_start3A_2078, %dma_start3A_2087, %dma_start3A_2088] : memref<2x128x128xf32, #tpu.memory_space<vmem>> -> memref<1x128x128xf32, #tpu.memory_space<vmem>>
    %dma_start3A_2090 = tpu.memref_squeeze %dma_start3A_2089 : memref<1x128x128xf32, #tpu.memory_space<vmem>> -> memref<128x128xf32, #tpu.memory_space<vmem>>
    tpu.enqueue_dma source(%dma_start3A_2090 : memref<128x128xf32, #tpu.memory_space<vmem>>) target(%dma_start3A_2086 : memref<128x128xf32, #tpu.memory_space<hbm>>) target_semaphore(%arg13 : memref<!tpu.dma_semaphore, #tpu.memory_space<semaphore_mem>>)
    %dma_wait3A_2091 = arith.constant 1 : i32
    %dma_wait3A_2092 = arith.constant 0 : i32
    %dma_wait3A_2093 = arith.constant 0 : i32
    %dma_wait3A_2094 = tpu.memref_slice %arg9[%dma_wait3A_2091, %dma_wait3A_2092, %dma_wait3A_2093] : memref<2x128x128xf32, #tpu.memory_space<vmem>> -> memref<1x128x128xf32, #tpu.memory_space<vmem>>
    %dma_wait3A_2095 = tpu.memref_squeeze %dma_wait3A_2094 : memref<1x128x128xf32, #tpu.memory_space<vmem>> -> memref<128x128xf32, #tpu.memory_space<vmem>>
    %dma_wait3A_2096 = arith.constant 0 : i32
    %dma_wait3A_2097 = tpu.memref_slice %arg4[%add3A_2077, %dma_wait3A_2096] : memref<204800x128xf32, #tpu.memory_space<hbm>> -> memref<128x128xf32, #tpu.memory_space<hbm>>
    %dma_wait3A_2098 = arith.constant 0 : i32
    %dma_wait3A_2099 = tpu.memref_slice %arg4[%add3A_2077, %dma_wait3A_2098] : memref<204800x128xf32, #tpu.memory_space<hbm>> -> memref<128x128xf32, #tpu.memory_space<hbm>>
    %dma_wait3A_2100 = arith.constant 0 : i32
    %dma_wait3A_2101 = arith.constant 0 : i32
    %dma_wait3A_2102 = tpu.memref_slice %arg9[%dma_wait3A_2091, %dma_wait3A_2100, %dma_wait3A_2101] : memref<2x128x128xf32, #tpu.memory_space<vmem>> -> memref<1x128x128xf32, #tpu.memory_space<vmem>>
    %dma_wait3A_2103 = tpu.memref_squeeze %dma_wait3A_2102 : memref<1x128x128xf32, #tpu.memory_space<vmem>> -> memref<128x128xf32, #tpu.memory_space<vmem>>
    tpu.wait_dma2 semaphore(%arg13 : memref<!tpu.dma_semaphore, #tpu.memory_space<semaphore_mem>>) src(%dma_wait3A_2103 : memref<128x128xf32, #tpu.memory_space<vmem>>) dst(%dma_wait3A_2099 : memref<128x128xf32, #tpu.memory_space<hbm>>)
    %dma_start3A_2104 = arith.constant 41 : i32
    %dma_start3A_2105 = arith.constant 1 : i32
    %dma_start3A_2106 = arith.constant 0 : i32
    %dma_start3A_2107 = arith.constant 0 : i32
    %dma_start3A_2108 = tpu.memref_slice %arg9[%dma_start3A_2105, %dma_start3A_2106, %dma_start3A_2107] : memref<2x128x128xf32, #tpu.memory_space<vmem>> -> memref<1x128x128xf32, #tpu.memory_space<vmem>>
    %dma_start3A_2109 = tpu.memref_squeeze %dma_start3A_2108 : memref<1x128x128xf32, #tpu.memory_space<vmem>> -> memref<128x128xf32, #tpu.memory_space<vmem>>
    %dma_start3A_2110 = arith.constant 0 : i32
    %dma_start3A_2111 = tpu.memref_slice %arg7[%dma_start3A_2104, %dma_start3A_2110] : memref<50x128xi32, #tpu.memory_space<vmem>> -> memref<1x128xi32, #tpu.memory_space<vmem>>
    %dma_start3A_2112 = tpu.memref_squeeze %dma_start3A_2111 : memref<1x128xi32, #tpu.memory_space<vmem>> -> memref<128xi32, #tpu.memory_space<vmem>>
    %dma_start3A_2113 = arith.constant 0 : i32
    %dma_start3A_2114 = arith.constant 0 : i32
    %dma_start3A_2115 = tpu.memref_slice %arg3[%dma_start3A_2113, %dma_start3A_2114] : memref<507904x128xf32, #tpu.memory_space<hbm>> -> memref<507904x128xf32, #tpu.memory_space<hbm>>
    tpu.enqueue_indirect_dma source(%dma_start3A_2115 : memref<507904x128xf32, #tpu.memory_space<hbm>>) target(%dma_start3A_2109 : memref<128x128xf32, #tpu.memory_space<vmem>>) offsets(%dma_start3A_2112 : memref<128xi32, #tpu.memory_space<vmem>>) semaphore(%arg11 : memref<!tpu.dma_semaphore, #tpu.memory_space<semaphore_mem>>)
    %dma_wait3A_2116 = arith.constant 40 : i32
    %dma_wait3A_2117 = arith.constant 0 : i32
    %dma_wait3A_2118 = arith.constant 0 : i32
    %dma_wait3A_2119 = arith.constant 0 : i32
    %dma_wait3A_2120 = tpu.memref_slice %arg9[%dma_wait3A_2117, %dma_wait3A_2118, %dma_wait3A_2119] : memref<2x128x128xf32, #tpu.memory_space<vmem>> -> memref<1x128x128xf32, #tpu.memory_space<vmem>>
    %dma_wait3A_2121 = tpu.memref_squeeze %dma_wait3A_2120 : memref<1x128x128xf32, #tpu.memory_space<vmem>> -> memref<128x128xf32, #tpu.memory_space<vmem>>
    %dma_wait3A_2122 = arith.constant 0 : i32
    %dma_wait3A_2123 = tpu.memref_slice %arg7[%dma_wait3A_2116, %dma_wait3A_2122] : memref<50x128xi32, #tpu.memory_space<vmem>> -> memref<1x128xi32, #tpu.memory_space<vmem>>
    %dma_wait3A_2124 = tpu.memref_squeeze %dma_wait3A_2123 : memref<1x128xi32, #tpu.memory_space<vmem>> -> memref<128xi32, #tpu.memory_space<vmem>>
    %dma_wait3A_2125 = arith.constant 0 : i32
    %dma_wait3A_2126 = arith.constant 0 : i32
    %dma_wait3A_2127 = tpu.memref_slice %arg3[%dma_wait3A_2125, %dma_wait3A_2126] : memref<507904x128xf32, #tpu.memory_space<hbm>> -> memref<507904x128xf32, #tpu.memory_space<hbm>>
    tpu.wait_indirect_dma semaphore(%arg10 : memref<!tpu.dma_semaphore, #tpu.memory_space<semaphore_mem>>) src(%dma_wait3A_2127 : memref<507904x128xf32, #tpu.memory_space<hbm>>) dst(%dma_wait3A_2121 : memref<128x128xf32, #tpu.memory_space<vmem>>)
    %add3A_2128 = arith.constant 163840 : i32
    %add3A_2129 = arith.addi %add3A_2128, %mul3A_2 : i32
    %dma_start3A_2130 = arith.constant 0 : i32
    %dma_start3A_2131 = arith.constant 0 : i32
    %dma_start3A_2132 = arith.constant 0 : i32
    %dma_start3A_2133 = tpu.memref_slice %arg9[%dma_start3A_2130, %dma_start3A_2131, %dma_start3A_2132] : memref<2x128x128xf32, #tpu.memory_space<vmem>> -> memref<1x128x128xf32, #tpu.memory_space<vmem>>
    %dma_start3A_2134 = tpu.memref_squeeze %dma_start3A_2133 : memref<1x128x128xf32, #tpu.memory_space<vmem>> -> memref<128x128xf32, #tpu.memory_space<vmem>>
    %dma_start3A_2135 = arith.constant 0 : i32
    %dma_start3A_2136 = tpu.memref_slice %arg4[%add3A_2129, %dma_start3A_2135] : memref<204800x128xf32, #tpu.memory_space<hbm>> -> memref<128x128xf32, #tpu.memory_space<hbm>>
    %dma_start3A_2137 = arith.constant 0 : i32
    %dma_start3A_2138 = tpu.memref_slice %arg4[%add3A_2129, %dma_start3A_2137] : memref<204800x128xf32, #tpu.memory_space<hbm>> -> memref<128x128xf32, #tpu.memory_space<hbm>>
    %dma_start3A_2139 = arith.constant 0 : i32
    %dma_start3A_2140 = arith.constant 0 : i32
    %dma_start3A_2141 = tpu.memref_slice %arg9[%dma_start3A_2130, %dma_start3A_2139, %dma_start3A_2140] : memref<2x128x128xf32, #tpu.memory_space<vmem>> -> memref<1x128x128xf32, #tpu.memory_space<vmem>>
    %dma_start3A_2142 = tpu.memref_squeeze %dma_start3A_2141 : memref<1x128x128xf32, #tpu.memory_space<vmem>> -> memref<128x128xf32, #tpu.memory_space<vmem>>
    tpu.enqueue_dma source(%dma_start3A_2142 : memref<128x128xf32, #tpu.memory_space<vmem>>) target(%dma_start3A_2138 : memref<128x128xf32, #tpu.memory_space<hbm>>) target_semaphore(%arg12 : memref<!tpu.dma_semaphore, #tpu.memory_space<semaphore_mem>>)
    %dma_wait3A_2143 = arith.constant 0 : i32
    %dma_wait3A_2144 = arith.constant 0 : i32
    %dma_wait3A_2145 = arith.constant 0 : i32
    %dma_wait3A_2146 = tpu.memref_slice %arg9[%dma_wait3A_2143, %dma_wait3A_2144, %dma_wait3A_2145] : memref<2x128x128xf32, #tpu.memory_space<vmem>> -> memref<1x128x128xf32, #tpu.memory_space<vmem>>
    %dma_wait3A_2147 = tpu.memref_squeeze %dma_wait3A_2146 : memref<1x128x128xf32, #tpu.memory_space<vmem>> -> memref<128x128xf32, #tpu.memory_space<vmem>>
    %dma_wait3A_2148 = arith.constant 0 : i32
    %dma_wait3A_2149 = tpu.memref_slice %arg4[%add3A_2129, %dma_wait3A_2148] : memref<204800x128xf32, #tpu.memory_space<hbm>> -> memref<128x128xf32, #tpu.memory_space<hbm>>
    %dma_wait3A_2150 = arith.constant 0 : i32
    %dma_wait3A_2151 = tpu.memref_slice %arg4[%add3A_2129, %dma_wait3A_2150] : memref<204800x128xf32, #tpu.memory_space<hbm>> -> memref<128x128xf32, #tpu.memory_space<hbm>>
    %dma_wait3A_2152 = arith.constant 0 : i32
    %dma_wait3A_2153 = arith.constant 0 : i32
    %dma_wait3A_2154 = tpu.memref_slice %arg9[%dma_wait3A_2143, %dma_wait3A_2152, %dma_wait3A_2153] : memref<2x128x128xf32, #tpu.memory_space<vmem>> -> memref<1x128x128xf32, #tpu.memory_space<vmem>>
    %dma_wait3A_2155 = tpu.memref_squeeze %dma_wait3A_2154 : memref<1x128x128xf32, #tpu.memory_space<vmem>> -> memref<128x128xf32, #tpu.memory_space<vmem>>
    tpu.wait_dma2 semaphore(%arg12 : memref<!tpu.dma_semaphore, #tpu.memory_space<semaphore_mem>>) src(%dma_wait3A_2155 : memref<128x128xf32, #tpu.memory_space<vmem>>) dst(%dma_wait3A_2151 : memref<128x128xf32, #tpu.memory_space<hbm>>)
    %dma_start3A_2156 = arith.constant 42 : i32
    %dma_start3A_2157 = arith.constant 0 : i32
    %dma_start3A_2158 = arith.constant 0 : i32
    %dma_start3A_2159 = arith.constant 0 : i32
    %dma_start3A_2160 = tpu.memref_slice %arg9[%dma_start3A_2157, %dma_start3A_2158, %dma_start3A_2159] : memref<2x128x128xf32, #tpu.memory_space<vmem>> -> memref<1x128x128xf32, #tpu.memory_space<vmem>>
    %dma_start3A_2161 = tpu.memref_squeeze %dma_start3A_2160 : memref<1x128x128xf32, #tpu.memory_space<vmem>> -> memref<128x128xf32, #tpu.memory_space<vmem>>
    %dma_start3A_2162 = arith.constant 0 : i32
    %dma_start3A_2163 = tpu.memref_slice %arg7[%dma_start3A_2156, %dma_start3A_2162] : memref<50x128xi32, #tpu.memory_space<vmem>> -> memref<1x128xi32, #tpu.memory_space<vmem>>
    %dma_start3A_2164 = tpu.memref_squeeze %dma_start3A_2163 : memref<1x128xi32, #tpu.memory_space<vmem>> -> memref<128xi32, #tpu.memory_space<vmem>>
    %dma_start3A_2165 = arith.constant 0 : i32
    %dma_start3A_2166 = arith.constant 0 : i32
    %dma_start3A_2167 = tpu.memref_slice %arg3[%dma_start3A_2165, %dma_start3A_2166] : memref<507904x128xf32, #tpu.memory_space<hbm>> -> memref<507904x128xf32, #tpu.memory_space<hbm>>
    tpu.enqueue_indirect_dma source(%dma_start3A_2167 : memref<507904x128xf32, #tpu.memory_space<hbm>>) target(%dma_start3A_2161 : memref<128x128xf32, #tpu.memory_space<vmem>>) offsets(%dma_start3A_2164 : memref<128xi32, #tpu.memory_space<vmem>>) semaphore(%arg10 : memref<!tpu.dma_semaphore, #tpu.memory_space<semaphore_mem>>)
    %dma_wait3A_2168 = arith.constant 41 : i32
    %dma_wait3A_2169 = arith.constant 1 : i32
    %dma_wait3A_2170 = arith.constant 0 : i32
    %dma_wait3A_2171 = arith.constant 0 : i32
    %dma_wait3A_2172 = tpu.memref_slice %arg9[%dma_wait3A_2169, %dma_wait3A_2170, %dma_wait3A_2171] : memref<2x128x128xf32, #tpu.memory_space<vmem>> -> memref<1x128x128xf32, #tpu.memory_space<vmem>>
    %dma_wait3A_2173 = tpu.memref_squeeze %dma_wait3A_2172 : memref<1x128x128xf32, #tpu.memory_space<vmem>> -> memref<128x128xf32, #tpu.memory_space<vmem>>
    %dma_wait3A_2174 = arith.constant 0 : i32
    %dma_wait3A_2175 = tpu.memref_slice %arg7[%dma_wait3A_2168, %dma_wait3A_2174] : memref<50x128xi32, #tpu.memory_space<vmem>> -> memref<1x128xi32, #tpu.memory_space<vmem>>
    %dma_wait3A_2176 = tpu.memref_squeeze %dma_wait3A_2175 : memref<1x128xi32, #tpu.memory_space<vmem>> -> memref<128xi32, #tpu.memory_space<vmem>>
    %dma_wait3A_2177 = arith.constant 0 : i32
    %dma_wait3A_2178 = arith.constant 0 : i32
    %dma_wait3A_2179 = tpu.memref_slice %arg3[%dma_wait3A_2177, %dma_wait3A_2178] : memref<507904x128xf32, #tpu.memory_space<hbm>> -> memref<507904x128xf32, #tpu.memory_space<hbm>>
    tpu.wait_indirect_dma semaphore(%arg11 : memref<!tpu.dma_semaphore, #tpu.memory_space<semaphore_mem>>) src(%dma_wait3A_2179 : memref<507904x128xf32, #tpu.memory_space<hbm>>) dst(%dma_wait3A_2173 : memref<128x128xf32, #tpu.memory_space<vmem>>)
    %add3A_2180 = arith.constant 167936 : i32
    %add3A_2181 = arith.addi %add3A_2180, %mul3A_2 : i32
    %dma_start3A_2182 = arith.constant 1 : i32
    %dma_start3A_2183 = arith.constant 0 : i32
    %dma_start3A_2184 = arith.constant 0 : i32
    %dma_start3A_2185 = tpu.memref_slice %arg9[%dma_start3A_2182, %dma_start3A_2183, %dma_start3A_2184] : memref<2x128x128xf32, #tpu.memory_space<vmem>> -> memref<1x128x128xf32, #tpu.memory_space<vmem>>
    %dma_start3A_2186 = tpu.memref_squeeze %dma_start3A_2185 : memref<1x128x128xf32, #tpu.memory_space<vmem>> -> memref<128x128xf32, #tpu.memory_space<vmem>>
    %dma_start3A_2187 = arith.constant 0 : i32
    %dma_start3A_2188 = tpu.memref_slice %arg4[%add3A_2181, %dma_start3A_2187] : memref<204800x128xf32, #tpu.memory_space<hbm>> -> memref<128x128xf32, #tpu.memory_space<hbm>>
    %dma_start3A_2189 = arith.constant 0 : i32
    %dma_start3A_2190 = tpu.memref_slice %arg4[%add3A_2181, %dma_start3A_2189] : memref<204800x128xf32, #tpu.memory_space<hbm>> -> memref<128x128xf32, #tpu.memory_space<hbm>>
    %dma_start3A_2191 = arith.constant 0 : i32
    %dma_start3A_2192 = arith.constant 0 : i32
    %dma_start3A_2193 = tpu.memref_slice %arg9[%dma_start3A_2182, %dma_start3A_2191, %dma_start3A_2192] : memref<2x128x128xf32, #tpu.memory_space<vmem>> -> memref<1x128x128xf32, #tpu.memory_space<vmem>>
    %dma_start3A_2194 = tpu.memref_squeeze %dma_start3A_2193 : memref<1x128x128xf32, #tpu.memory_space<vmem>> -> memref<128x128xf32, #tpu.memory_space<vmem>>
    tpu.enqueue_dma source(%dma_start3A_2194 : memref<128x128xf32, #tpu.memory_space<vmem>>) target(%dma_start3A_2190 : memref<128x128xf32, #tpu.memory_space<hbm>>) target_semaphore(%arg13 : memref<!tpu.dma_semaphore, #tpu.memory_space<semaphore_mem>>)
    %dma_wait3A_2195 = arith.constant 1 : i32
    %dma_wait3A_2196 = arith.constant 0 : i32
    %dma_wait3A_2197 = arith.constant 0 : i32
    %dma_wait3A_2198 = tpu.memref_slice %arg9[%dma_wait3A_2195, %dma_wait3A_2196, %dma_wait3A_2197] : memref<2x128x128xf32, #tpu.memory_space<vmem>> -> memref<1x128x128xf32, #tpu.memory_space<vmem>>
    %dma_wait3A_2199 = tpu.memref_squeeze %dma_wait3A_2198 : memref<1x128x128xf32, #tpu.memory_space<vmem>> -> memref<128x128xf32, #tpu.memory_space<vmem>>
    %dma_wait3A_2200 = arith.constant 0 : i32
    %dma_wait3A_2201 = tpu.memref_slice %arg4[%add3A_2181, %dma_wait3A_2200] : memref<204800x128xf32, #tpu.memory_space<hbm>> -> memref<128x128xf32, #tpu.memory_space<hbm>>
    %dma_wait3A_2202 = arith.constant 0 : i32
    %dma_wait3A_2203 = tpu.memref_slice %arg4[%add3A_2181, %dma_wait3A_2202] : memref<204800x128xf32, #tpu.memory_space<hbm>> -> memref<128x128xf32, #tpu.memory_space<hbm>>
    %dma_wait3A_2204 = arith.constant 0 : i32
    %dma_wait3A_2205 = arith.constant 0 : i32
    %dma_wait3A_2206 = tpu.memref_slice %arg9[%dma_wait3A_2195, %dma_wait3A_2204, %dma_wait3A_2205] : memref<2x128x128xf32, #tpu.memory_space<vmem>> -> memref<1x128x128xf32, #tpu.memory_space<vmem>>
    %dma_wait3A_2207 = tpu.memref_squeeze %dma_wait3A_2206 : memref<1x128x128xf32, #tpu.memory_space<vmem>> -> memref<128x128xf32, #tpu.memory_space<vmem>>
    tpu.wait_dma2 semaphore(%arg13 : memref<!tpu.dma_semaphore, #tpu.memory_space<semaphore_mem>>) src(%dma_wait3A_2207 : memref<128x128xf32, #tpu.memory_space<vmem>>) dst(%dma_wait3A_2203 : memref<128x128xf32, #tpu.memory_space<hbm>>)
    %dma_start3A_2208 = arith.constant 43 : i32
    %dma_start3A_2209 = arith.constant 1 : i32
    %dma_start3A_2210 = arith.constant 0 : i32
    %dma_start3A_2211 = arith.constant 0 : i32
    %dma_start3A_2212 = tpu.memref_slice %arg9[%dma_start3A_2209, %dma_start3A_2210, %dma_start3A_2211] : memref<2x128x128xf32, #tpu.memory_space<vmem>> -> memref<1x128x128xf32, #tpu.memory_space<vmem>>
    %dma_start3A_2213 = tpu.memref_squeeze %dma_start3A_2212 : memref<1x128x128xf32, #tpu.memory_space<vmem>> -> memref<128x128xf32, #tpu.memory_space<vmem>>
    %dma_start3A_2214 = arith.constant 0 : i32
    %dma_start3A_2215 = tpu.memref_slice %arg7[%dma_start3A_2208, %dma_start3A_2214] : memref<50x128xi32, #tpu.memory_space<vmem>> -> memref<1x128xi32, #tpu.memory_space<vmem>>
    %dma_start3A_2216 = tpu.memref_squeeze %dma_start3A_2215 : memref<1x128xi32, #tpu.memory_space<vmem>> -> memref<128xi32, #tpu.memory_space<vmem>>
    %dma_start3A_2217 = arith.constant 0 : i32
    %dma_start3A_2218 = arith.constant 0 : i32
    %dma_start3A_2219 = tpu.memref_slice %arg3[%dma_start3A_2217, %dma_start3A_2218] : memref<507904x128xf32, #tpu.memory_space<hbm>> -> memref<507904x128xf32, #tpu.memory_space<hbm>>
    tpu.enqueue_indirect_dma source(%dma_start3A_2219 : memref<507904x128xf32, #tpu.memory_space<hbm>>) target(%dma_start3A_2213 : memref<128x128xf32, #tpu.memory_space<vmem>>) offsets(%dma_start3A_2216 : memref<128xi32, #tpu.memory_space<vmem>>) semaphore(%arg11 : memref<!tpu.dma_semaphore, #tpu.memory_space<semaphore_mem>>)
    %dma_wait3A_2220 = arith.constant 42 : i32
    %dma_wait3A_2221 = arith.constant 0 : i32
    %dma_wait3A_2222 = arith.constant 0 : i32
    %dma_wait3A_2223 = arith.constant 0 : i32
    %dma_wait3A_2224 = tpu.memref_slice %arg9[%dma_wait3A_2221, %dma_wait3A_2222, %dma_wait3A_2223] : memref<2x128x128xf32, #tpu.memory_space<vmem>> -> memref<1x128x128xf32, #tpu.memory_space<vmem>>
    %dma_wait3A_2225 = tpu.memref_squeeze %dma_wait3A_2224 : memref<1x128x128xf32, #tpu.memory_space<vmem>> -> memref<128x128xf32, #tpu.memory_space<vmem>>
    %dma_wait3A_2226 = arith.constant 0 : i32
    %dma_wait3A_2227 = tpu.memref_slice %arg7[%dma_wait3A_2220, %dma_wait3A_2226] : memref<50x128xi32, #tpu.memory_space<vmem>> -> memref<1x128xi32, #tpu.memory_space<vmem>>
    %dma_wait3A_2228 = tpu.memref_squeeze %dma_wait3A_2227 : memref<1x128xi32, #tpu.memory_space<vmem>> -> memref<128xi32, #tpu.memory_space<vmem>>
    %dma_wait3A_2229 = arith.constant 0 : i32
    %dma_wait3A_2230 = arith.constant 0 : i32
    %dma_wait3A_2231 = tpu.memref_slice %arg3[%dma_wait3A_2229, %dma_wait3A_2230] : memref<507904x128xf32, #tpu.memory_space<hbm>> -> memref<507904x128xf32, #tpu.memory_space<hbm>>
    tpu.wait_indirect_dma semaphore(%arg10 : memref<!tpu.dma_semaphore, #tpu.memory_space<semaphore_mem>>) src(%dma_wait3A_2231 : memref<507904x128xf32, #tpu.memory_space<hbm>>) dst(%dma_wait3A_2225 : memref<128x128xf32, #tpu.memory_space<vmem>>)
    %add3A_2232 = arith.constant 172032 : i32
    %add3A_2233 = arith.addi %add3A_2232, %mul3A_2 : i32
    %dma_start3A_2234 = arith.constant 0 : i32
    %dma_start3A_2235 = arith.constant 0 : i32
    %dma_start3A_2236 = arith.constant 0 : i32
    %dma_start3A_2237 = tpu.memref_slice %arg9[%dma_start3A_2234, %dma_start3A_2235, %dma_start3A_2236] : memref<2x128x128xf32, #tpu.memory_space<vmem>> -> memref<1x128x128xf32, #tpu.memory_space<vmem>>
    %dma_start3A_2238 = tpu.memref_squeeze %dma_start3A_2237 : memref<1x128x128xf32, #tpu.memory_space<vmem>> -> memref<128x128xf32, #tpu.memory_space<vmem>>
    %dma_start3A_2239 = arith.constant 0 : i32
    %dma_start3A_2240 = tpu.memref_slice %arg4[%add3A_2233, %dma_start3A_2239] : memref<204800x128xf32, #tpu.memory_space<hbm>> -> memref<128x128xf32, #tpu.memory_space<hbm>>
    %dma_start3A_2241 = arith.constant 0 : i32
    %dma_start3A_2242 = tpu.memref_slice %arg4[%add3A_2233, %dma_start3A_2241] : memref<204800x128xf32, #tpu.memory_space<hbm>> -> memref<128x128xf32, #tpu.memory_space<hbm>>
    %dma_start3A_2243 = arith.constant 0 : i32
    %dma_start3A_2244 = arith.constant 0 : i32
    %dma_start3A_2245 = tpu.memref_slice %arg9[%dma_start3A_2234, %dma_start3A_2243, %dma_start3A_2244] : memref<2x128x128xf32, #tpu.memory_space<vmem>> -> memref<1x128x128xf32, #tpu.memory_space<vmem>>
    %dma_start3A_2246 = tpu.memref_squeeze %dma_start3A_2245 : memref<1x128x128xf32, #tpu.memory_space<vmem>> -> memref<128x128xf32, #tpu.memory_space<vmem>>
    tpu.enqueue_dma source(%dma_start3A_2246 : memref<128x128xf32, #tpu.memory_space<vmem>>) target(%dma_start3A_2242 : memref<128x128xf32, #tpu.memory_space<hbm>>) target_semaphore(%arg12 : memref<!tpu.dma_semaphore, #tpu.memory_space<semaphore_mem>>)
    %dma_wait3A_2247 = arith.constant 0 : i32
    %dma_wait3A_2248 = arith.constant 0 : i32
    %dma_wait3A_2249 = arith.constant 0 : i32
    %dma_wait3A_2250 = tpu.memref_slice %arg9[%dma_wait3A_2247, %dma_wait3A_2248, %dma_wait3A_2249] : memref<2x128x128xf32, #tpu.memory_space<vmem>> -> memref<1x128x128xf32, #tpu.memory_space<vmem>>
    %dma_wait3A_2251 = tpu.memref_squeeze %dma_wait3A_2250 : memref<1x128x128xf32, #tpu.memory_space<vmem>> -> memref<128x128xf32, #tpu.memory_space<vmem>>
    %dma_wait3A_2252 = arith.constant 0 : i32
    %dma_wait3A_2253 = tpu.memref_slice %arg4[%add3A_2233, %dma_wait3A_2252] : memref<204800x128xf32, #tpu.memory_space<hbm>> -> memref<128x128xf32, #tpu.memory_space<hbm>>
    %dma_wait3A_2254 = arith.constant 0 : i32
    %dma_wait3A_2255 = tpu.memref_slice %arg4[%add3A_2233, %dma_wait3A_2254] : memref<204800x128xf32, #tpu.memory_space<hbm>> -> memref<128x128xf32, #tpu.memory_space<hbm>>
    %dma_wait3A_2256 = arith.constant 0 : i32
    %dma_wait3A_2257 = arith.constant 0 : i32
    %dma_wait3A_2258 = tpu.memref_slice %arg9[%dma_wait3A_2247, %dma_wait3A_2256, %dma_wait3A_2257] : memref<2x128x128xf32, #tpu.memory_space<vmem>> -> memref<1x128x128xf32, #tpu.memory_space<vmem>>
    %dma_wait3A_2259 = tpu.memref_squeeze %dma_wait3A_2258 : memref<1x128x128xf32, #tpu.memory_space<vmem>> -> memref<128x128xf32, #tpu.memory_space<vmem>>
    tpu.wait_dma2 semaphore(%arg12 : memref<!tpu.dma_semaphore, #tpu.memory_space<semaphore_mem>>) src(%dma_wait3A_2259 : memref<128x128xf32, #tpu.memory_space<vmem>>) dst(%dma_wait3A_2255 : memref<128x128xf32, #tpu.memory_space<hbm>>)
    %dma_start3A_2260 = arith.constant 44 : i32
    %dma_start3A_2261 = arith.constant 0 : i32
    %dma_start3A_2262 = arith.constant 0 : i32
    %dma_start3A_2263 = arith.constant 0 : i32
    %dma_start3A_2264 = tpu.memref_slice %arg9[%dma_start3A_2261, %dma_start3A_2262, %dma_start3A_2263] : memref<2x128x128xf32, #tpu.memory_space<vmem>> -> memref<1x128x128xf32, #tpu.memory_space<vmem>>
    %dma_start3A_2265 = tpu.memref_squeeze %dma_start3A_2264 : memref<1x128x128xf32, #tpu.memory_space<vmem>> -> memref<128x128xf32, #tpu.memory_space<vmem>>
    %dma_start3A_2266 = arith.constant 0 : i32
    %dma_start3A_2267 = tpu.memref_slice %arg7[%dma_start3A_2260, %dma_start3A_2266] : memref<50x128xi32, #tpu.memory_space<vmem>> -> memref<1x128xi32, #tpu.memory_space<vmem>>
    %dma_start3A_2268 = tpu.memref_squeeze %dma_start3A_2267 : memref<1x128xi32, #tpu.memory_space<vmem>> -> memref<128xi32, #tpu.memory_space<vmem>>
    %dma_start3A_2269 = arith.constant 0 : i32
    %dma_start3A_2270 = arith.constant 0 : i32
    %dma_start3A_2271 = tpu.memref_slice %arg3[%dma_start3A_2269, %dma_start3A_2270] : memref<507904x128xf32, #tpu.memory_space<hbm>> -> memref<507904x128xf32, #tpu.memory_space<hbm>>
    tpu.enqueue_indirect_dma source(%dma_start3A_2271 : memref<507904x128xf32, #tpu.memory_space<hbm>>) target(%dma_start3A_2265 : memref<128x128xf32, #tpu.memory_space<vmem>>) offsets(%dma_start3A_2268 : memref<128xi32, #tpu.memory_space<vmem>>) semaphore(%arg10 : memref<!tpu.dma_semaphore, #tpu.memory_space<semaphore_mem>>)
    %dma_wait3A_2272 = arith.constant 43 : i32
    %dma_wait3A_2273 = arith.constant 1 : i32
    %dma_wait3A_2274 = arith.constant 0 : i32
    %dma_wait3A_2275 = arith.constant 0 : i32
    %dma_wait3A_2276 = tpu.memref_slice %arg9[%dma_wait3A_2273, %dma_wait3A_2274, %dma_wait3A_2275] : memref<2x128x128xf32, #tpu.memory_space<vmem>> -> memref<1x128x128xf32, #tpu.memory_space<vmem>>
    %dma_wait3A_2277 = tpu.memref_squeeze %dma_wait3A_2276 : memref<1x128x128xf32, #tpu.memory_space<vmem>> -> memref<128x128xf32, #tpu.memory_space<vmem>>
    %dma_wait3A_2278 = arith.constant 0 : i32
    %dma_wait3A_2279 = tpu.memref_slice %arg7[%dma_wait3A_2272, %dma_wait3A_2278] : memref<50x128xi32, #tpu.memory_space<vmem>> -> memref<1x128xi32, #tpu.memory_space<vmem>>
    %dma_wait3A_2280 = tpu.memref_squeeze %dma_wait3A_2279 : memref<1x128xi32, #tpu.memory_space<vmem>> -> memref<128xi32, #tpu.memory_space<vmem>>
    %dma_wait3A_2281 = arith.constant 0 : i32
    %dma_wait3A_2282 = arith.constant 0 : i32
    %dma_wait3A_2283 = tpu.memref_slice %arg3[%dma_wait3A_2281, %dma_wait3A_2282] : memref<507904x128xf32, #tpu.memory_space<hbm>> -> memref<507904x128xf32, #tpu.memory_space<hbm>>
    tpu.wait_indirect_dma semaphore(%arg11 : memref<!tpu.dma_semaphore, #tpu.memory_space<semaphore_mem>>) src(%dma_wait3A_2283 : memref<507904x128xf32, #tpu.memory_space<hbm>>) dst(%dma_wait3A_2277 : memref<128x128xf32, #tpu.memory_space<vmem>>)
    %add3A_2284 = arith.constant 176128 : i32
    %add3A_2285 = arith.addi %add3A_2284, %mul3A_2 : i32
    %dma_start3A_2286 = arith.constant 1 : i32
    %dma_start3A_2287 = arith.constant 0 : i32
    %dma_start3A_2288 = arith.constant 0 : i32
    %dma_start3A_2289 = tpu.memref_slice %arg9[%dma_start3A_2286, %dma_start3A_2287, %dma_start3A_2288] : memref<2x128x128xf32, #tpu.memory_space<vmem>> -> memref<1x128x128xf32, #tpu.memory_space<vmem>>
    %dma_start3A_2290 = tpu.memref_squeeze %dma_start3A_2289 : memref<1x128x128xf32, #tpu.memory_space<vmem>> -> memref<128x128xf32, #tpu.memory_space<vmem>>
    %dma_start3A_2291 = arith.constant 0 : i32
    %dma_start3A_2292 = tpu.memref_slice %arg4[%add3A_2285, %dma_start3A_2291] : memref<204800x128xf32, #tpu.memory_space<hbm>> -> memref<128x128xf32, #tpu.memory_space<hbm>>
    %dma_start3A_2293 = arith.constant 0 : i32
    %dma_start3A_2294 = tpu.memref_slice %arg4[%add3A_2285, %dma_start3A_2293] : memref<204800x128xf32, #tpu.memory_space<hbm>> -> memref<128x128xf32, #tpu.memory_space<hbm>>
    %dma_start3A_2295 = arith.constant 0 : i32
    %dma_start3A_2296 = arith.constant 0 : i32
    %dma_start3A_2297 = tpu.memref_slice %arg9[%dma_start3A_2286, %dma_start3A_2295, %dma_start3A_2296] : memref<2x128x128xf32, #tpu.memory_space<vmem>> -> memref<1x128x128xf32, #tpu.memory_space<vmem>>
    %dma_start3A_2298 = tpu.memref_squeeze %dma_start3A_2297 : memref<1x128x128xf32, #tpu.memory_space<vmem>> -> memref<128x128xf32, #tpu.memory_space<vmem>>
    tpu.enqueue_dma source(%dma_start3A_2298 : memref<128x128xf32, #tpu.memory_space<vmem>>) target(%dma_start3A_2294 : memref<128x128xf32, #tpu.memory_space<hbm>>) target_semaphore(%arg13 : memref<!tpu.dma_semaphore, #tpu.memory_space<semaphore_mem>>)
    %dma_wait3A_2299 = arith.constant 1 : i32
    %dma_wait3A_2300 = arith.constant 0 : i32
    %dma_wait3A_2301 = arith.constant 0 : i32
    %dma_wait3A_2302 = tpu.memref_slice %arg9[%dma_wait3A_2299, %dma_wait3A_2300, %dma_wait3A_2301] : memref<2x128x128xf32, #tpu.memory_space<vmem>> -> memref<1x128x128xf32, #tpu.memory_space<vmem>>
    %dma_wait3A_2303 = tpu.memref_squeeze %dma_wait3A_2302 : memref<1x128x128xf32, #tpu.memory_space<vmem>> -> memref<128x128xf32, #tpu.memory_space<vmem>>
    %dma_wait3A_2304 = arith.constant 0 : i32
    %dma_wait3A_2305 = tpu.memref_slice %arg4[%add3A_2285, %dma_wait3A_2304] : memref<204800x128xf32, #tpu.memory_space<hbm>> -> memref<128x128xf32, #tpu.memory_space<hbm>>
    %dma_wait3A_2306 = arith.constant 0 : i32
    %dma_wait3A_2307 = tpu.memref_slice %arg4[%add3A_2285, %dma_wait3A_2306] : memref<204800x128xf32, #tpu.memory_space<hbm>> -> memref<128x128xf32, #tpu.memory_space<hbm>>
    %dma_wait3A_2308 = arith.constant 0 : i32
    %dma_wait3A_2309 = arith.constant 0 : i32
    %dma_wait3A_2310 = tpu.memref_slice %arg9[%dma_wait3A_2299, %dma_wait3A_2308, %dma_wait3A_2309] : memref<2x128x128xf32, #tpu.memory_space<vmem>> -> memref<1x128x128xf32, #tpu.memory_space<vmem>>
    %dma_wait3A_2311 = tpu.memref_squeeze %dma_wait3A_2310 : memref<1x128x128xf32, #tpu.memory_space<vmem>> -> memref<128x128xf32, #tpu.memory_space<vmem>>
    tpu.wait_dma2 semaphore(%arg13 : memref<!tpu.dma_semaphore, #tpu.memory_space<semaphore_mem>>) src(%dma_wait3A_2311 : memref<128x128xf32, #tpu.memory_space<vmem>>) dst(%dma_wait3A_2307 : memref<128x128xf32, #tpu.memory_space<hbm>>)
    %dma_start3A_2312 = arith.constant 45 : i32
    %dma_start3A_2313 = arith.constant 1 : i32
    %dma_start3A_2314 = arith.constant 0 : i32
    %dma_start3A_2315 = arith.constant 0 : i32
    %dma_start3A_2316 = tpu.memref_slice %arg9[%dma_start3A_2313, %dma_start3A_2314, %dma_start3A_2315] : memref<2x128x128xf32, #tpu.memory_space<vmem>> -> memref<1x128x128xf32, #tpu.memory_space<vmem>>
    %dma_start3A_2317 = tpu.memref_squeeze %dma_start3A_2316 : memref<1x128x128xf32, #tpu.memory_space<vmem>> -> memref<128x128xf32, #tpu.memory_space<vmem>>
    %dma_start3A_2318 = arith.constant 0 : i32
    %dma_start3A_2319 = tpu.memref_slice %arg7[%dma_start3A_2312, %dma_start3A_2318] : memref<50x128xi32, #tpu.memory_space<vmem>> -> memref<1x128xi32, #tpu.memory_space<vmem>>
    %dma_start3A_2320 = tpu.memref_squeeze %dma_start3A_2319 : memref<1x128xi32, #tpu.memory_space<vmem>> -> memref<128xi32, #tpu.memory_space<vmem>>
    %dma_start3A_2321 = arith.constant 0 : i32
    %dma_start3A_2322 = arith.constant 0 : i32
    %dma_start3A_2323 = tpu.memref_slice %arg3[%dma_start3A_2321, %dma_start3A_2322] : memref<507904x128xf32, #tpu.memory_space<hbm>> -> memref<507904x128xf32, #tpu.memory_space<hbm>>
    tpu.enqueue_indirect_dma source(%dma_start3A_2323 : memref<507904x128xf32, #tpu.memory_space<hbm>>) target(%dma_start3A_2317 : memref<128x128xf32, #tpu.memory_space<vmem>>) offsets(%dma_start3A_2320 : memref<128xi32, #tpu.memory_space<vmem>>) semaphore(%arg11 : memref<!tpu.dma_semaphore, #tpu.memory_space<semaphore_mem>>)
    %dma_wait3A_2324 = arith.constant 44 : i32
    %dma_wait3A_2325 = arith.constant 0 : i32
    %dma_wait3A_2326 = arith.constant 0 : i32
    %dma_wait3A_2327 = arith.constant 0 : i32
    %dma_wait3A_2328 = tpu.memref_slice %arg9[%dma_wait3A_2325, %dma_wait3A_2326, %dma_wait3A_2327] : memref<2x128x128xf32, #tpu.memory_space<vmem>> -> memref<1x128x128xf32, #tpu.memory_space<vmem>>
    %dma_wait3A_2329 = tpu.memref_squeeze %dma_wait3A_2328 : memref<1x128x128xf32, #tpu.memory_space<vmem>> -> memref<128x128xf32, #tpu.memory_space<vmem>>
    %dma_wait3A_2330 = arith.constant 0 : i32
    %dma_wait3A_2331 = tpu.memref_slice %arg7[%dma_wait3A_2324, %dma_wait3A_2330] : memref<50x128xi32, #tpu.memory_space<vmem>> -> memref<1x128xi32, #tpu.memory_space<vmem>>
    %dma_wait3A_2332 = tpu.memref_squeeze %dma_wait3A_2331 : memref<1x128xi32, #tpu.memory_space<vmem>> -> memref<128xi32, #tpu.memory_space<vmem>>
    %dma_wait3A_2333 = arith.constant 0 : i32
    %dma_wait3A_2334 = arith.constant 0 : i32
    %dma_wait3A_2335 = tpu.memref_slice %arg3[%dma_wait3A_2333, %dma_wait3A_2334] : memref<507904x128xf32, #tpu.memory_space<hbm>> -> memref<507904x128xf32, #tpu.memory_space<hbm>>
    tpu.wait_indirect_dma semaphore(%arg10 : memref<!tpu.dma_semaphore, #tpu.memory_space<semaphore_mem>>) src(%dma_wait3A_2335 : memref<507904x128xf32, #tpu.memory_space<hbm>>) dst(%dma_wait3A_2329 : memref<128x128xf32, #tpu.memory_space<vmem>>)
    %add3A_2336 = arith.constant 180224 : i32
    %add3A_2337 = arith.addi %add3A_2336, %mul3A_2 : i32
    %dma_start3A_2338 = arith.constant 0 : i32
    %dma_start3A_2339 = arith.constant 0 : i32
    %dma_start3A_2340 = arith.constant 0 : i32
    %dma_start3A_2341 = tpu.memref_slice %arg9[%dma_start3A_2338, %dma_start3A_2339, %dma_start3A_2340] : memref<2x128x128xf32, #tpu.memory_space<vmem>> -> memref<1x128x128xf32, #tpu.memory_space<vmem>>
    %dma_start3A_2342 = tpu.memref_squeeze %dma_start3A_2341 : memref<1x128x128xf32, #tpu.memory_space<vmem>> -> memref<128x128xf32, #tpu.memory_space<vmem>>
    %dma_start3A_2343 = arith.constant 0 : i32
    %dma_start3A_2344 = tpu.memref_slice %arg4[%add3A_2337, %dma_start3A_2343] : memref<204800x128xf32, #tpu.memory_space<hbm>> -> memref<128x128xf32, #tpu.memory_space<hbm>>
    %dma_start3A_2345 = arith.constant 0 : i32
    %dma_start3A_2346 = tpu.memref_slice %arg4[%add3A_2337, %dma_start3A_2345] : memref<204800x128xf32, #tpu.memory_space<hbm>> -> memref<128x128xf32, #tpu.memory_space<hbm>>
    %dma_start3A_2347 = arith.constant 0 : i32
    %dma_start3A_2348 = arith.constant 0 : i32
    %dma_start3A_2349 = tpu.memref_slice %arg9[%dma_start3A_2338, %dma_start3A_2347, %dma_start3A_2348] : memref<2x128x128xf32, #tpu.memory_space<vmem>> -> memref<1x128x128xf32, #tpu.memory_space<vmem>>
    %dma_start3A_2350 = tpu.memref_squeeze %dma_start3A_2349 : memref<1x128x128xf32, #tpu.memory_space<vmem>> -> memref<128x128xf32, #tpu.memory_space<vmem>>
    tpu.enqueue_dma source(%dma_start3A_2350 : memref<128x128xf32, #tpu.memory_space<vmem>>) target(%dma_start3A_2346 : memref<128x128xf32, #tpu.memory_space<hbm>>) target_semaphore(%arg12 : memref<!tpu.dma_semaphore, #tpu.memory_space<semaphore_mem>>)
    %dma_wait3A_2351 = arith.constant 0 : i32
    %dma_wait3A_2352 = arith.constant 0 : i32
    %dma_wait3A_2353 = arith.constant 0 : i32
    %dma_wait3A_2354 = tpu.memref_slice %arg9[%dma_wait3A_2351, %dma_wait3A_2352, %dma_wait3A_2353] : memref<2x128x128xf32, #tpu.memory_space<vmem>> -> memref<1x128x128xf32, #tpu.memory_space<vmem>>
    %dma_wait3A_2355 = tpu.memref_squeeze %dma_wait3A_2354 : memref<1x128x128xf32, #tpu.memory_space<vmem>> -> memref<128x128xf32, #tpu.memory_space<vmem>>
    %dma_wait3A_2356 = arith.constant 0 : i32
    %dma_wait3A_2357 = tpu.memref_slice %arg4[%add3A_2337, %dma_wait3A_2356] : memref<204800x128xf32, #tpu.memory_space<hbm>> -> memref<128x128xf32, #tpu.memory_space<hbm>>
    %dma_wait3A_2358 = arith.constant 0 : i32
    %dma_wait3A_2359 = tpu.memref_slice %arg4[%add3A_2337, %dma_wait3A_2358] : memref<204800x128xf32, #tpu.memory_space<hbm>> -> memref<128x128xf32, #tpu.memory_space<hbm>>
    %dma_wait3A_2360 = arith.constant 0 : i32
    %dma_wait3A_2361 = arith.constant 0 : i32
    %dma_wait3A_2362 = tpu.memref_slice %arg9[%dma_wait3A_2351, %dma_wait3A_2360, %dma_wait3A_2361] : memref<2x128x128xf32, #tpu.memory_space<vmem>> -> memref<1x128x128xf32, #tpu.memory_space<vmem>>
    %dma_wait3A_2363 = tpu.memref_squeeze %dma_wait3A_2362 : memref<1x128x128xf32, #tpu.memory_space<vmem>> -> memref<128x128xf32, #tpu.memory_space<vmem>>
    tpu.wait_dma2 semaphore(%arg12 : memref<!tpu.dma_semaphore, #tpu.memory_space<semaphore_mem>>) src(%dma_wait3A_2363 : memref<128x128xf32, #tpu.memory_space<vmem>>) dst(%dma_wait3A_2359 : memref<128x128xf32, #tpu.memory_space<hbm>>)
    %dma_start3A_2364 = arith.constant 46 : i32
    %dma_start3A_2365 = arith.constant 0 : i32
    %dma_start3A_2366 = arith.constant 0 : i32
    %dma_start3A_2367 = arith.constant 0 : i32
    %dma_start3A_2368 = tpu.memref_slice %arg9[%dma_start3A_2365, %dma_start3A_2366, %dma_start3A_2367] : memref<2x128x128xf32, #tpu.memory_space<vmem>> -> memref<1x128x128xf32, #tpu.memory_space<vmem>>
    %dma_start3A_2369 = tpu.memref_squeeze %dma_start3A_2368 : memref<1x128x128xf32, #tpu.memory_space<vmem>> -> memref<128x128xf32, #tpu.memory_space<vmem>>
    %dma_start3A_2370 = arith.constant 0 : i32
    %dma_start3A_2371 = tpu.memref_slice %arg7[%dma_start3A_2364, %dma_start3A_2370] : memref<50x128xi32, #tpu.memory_space<vmem>> -> memref<1x128xi32, #tpu.memory_space<vmem>>
    %dma_start3A_2372 = tpu.memref_squeeze %dma_start3A_2371 : memref<1x128xi32, #tpu.memory_space<vmem>> -> memref<128xi32, #tpu.memory_space<vmem>>
    %dma_start3A_2373 = arith.constant 0 : i32
    %dma_start3A_2374 = arith.constant 0 : i32
    %dma_start3A_2375 = tpu.memref_slice %arg3[%dma_start3A_2373, %dma_start3A_2374] : memref<507904x128xf32, #tpu.memory_space<hbm>> -> memref<507904x128xf32, #tpu.memory_space<hbm>>
    tpu.enqueue_indirect_dma source(%dma_start3A_2375 : memref<507904x128xf32, #tpu.memory_space<hbm>>) target(%dma_start3A_2369 : memref<128x128xf32, #tpu.memory_space<vmem>>) offsets(%dma_start3A_2372 : memref<128xi32, #tpu.memory_space<vmem>>) semaphore(%arg10 : memref<!tpu.dma_semaphore, #tpu.memory_space<semaphore_mem>>)
    %dma_wait3A_2376 = arith.constant 45 : i32
    %dma_wait3A_2377 = arith.constant 1 : i32
    %dma_wait3A_2378 = arith.constant 0 : i32
    %dma_wait3A_2379 = arith.constant 0 : i32
    %dma_wait3A_2380 = tpu.memref_slice %arg9[%dma_wait3A_2377, %dma_wait3A_2378, %dma_wait3A_2379] : memref<2x128x128xf32, #tpu.memory_space<vmem>> -> memref<1x128x128xf32, #tpu.memory_space<vmem>>
    %dma_wait3A_2381 = tpu.memref_squeeze %dma_wait3A_2380 : memref<1x128x128xf32, #tpu.memory_space<vmem>> -> memref<128x128xf32, #tpu.memory_space<vmem>>
    %dma_wait3A_2382 = arith.constant 0 : i32
    %dma_wait3A_2383 = tpu.memref_slice %arg7[%dma_wait3A_2376, %dma_wait3A_2382] : memref<50x128xi32, #tpu.memory_space<vmem>> -> memref<1x128xi32, #tpu.memory_space<vmem>>
    %dma_wait3A_2384 = tpu.memref_squeeze %dma_wait3A_2383 : memref<1x128xi32, #tpu.memory_space<vmem>> -> memref<128xi32, #tpu.memory_space<vmem>>
    %dma_wait3A_2385 = arith.constant 0 : i32
    %dma_wait3A_2386 = arith.constant 0 : i32
    %dma_wait3A_2387 = tpu.memref_slice %arg3[%dma_wait3A_2385, %dma_wait3A_2386] : memref<507904x128xf32, #tpu.memory_space<hbm>> -> memref<507904x128xf32, #tpu.memory_space<hbm>>
    tpu.wait_indirect_dma semaphore(%arg11 : memref<!tpu.dma_semaphore, #tpu.memory_space<semaphore_mem>>) src(%dma_wait3A_2387 : memref<507904x128xf32, #tpu.memory_space<hbm>>) dst(%dma_wait3A_2381 : memref<128x128xf32, #tpu.memory_space<vmem>>)
    %add3A_2388 = arith.constant 184320 : i32
    %add3A_2389 = arith.addi %add3A_2388, %mul3A_2 : i32
    %dma_start3A_2390 = arith.constant 1 : i32
    %dma_start3A_2391 = arith.constant 0 : i32
    %dma_start3A_2392 = arith.constant 0 : i32
    %dma_start3A_2393 = tpu.memref_slice %arg9[%dma_start3A_2390, %dma_start3A_2391, %dma_start3A_2392] : memref<2x128x128xf32, #tpu.memory_space<vmem>> -> memref<1x128x128xf32, #tpu.memory_space<vmem>>
    %dma_start3A_2394 = tpu.memref_squeeze %dma_start3A_2393 : memref<1x128x128xf32, #tpu.memory_space<vmem>> -> memref<128x128xf32, #tpu.memory_space<vmem>>
    %dma_start3A_2395 = arith.constant 0 : i32
    %dma_start3A_2396 = tpu.memref_slice %arg4[%add3A_2389, %dma_start3A_2395] : memref<204800x128xf32, #tpu.memory_space<hbm>> -> memref<128x128xf32, #tpu.memory_space<hbm>>
    %dma_start3A_2397 = arith.constant 0 : i32
    %dma_start3A_2398 = tpu.memref_slice %arg4[%add3A_2389, %dma_start3A_2397] : memref<204800x128xf32, #tpu.memory_space<hbm>> -> memref<128x128xf32, #tpu.memory_space<hbm>>
    %dma_start3A_2399 = arith.constant 0 : i32
    %dma_start3A_2400 = arith.constant 0 : i32
    %dma_start3A_2401 = tpu.memref_slice %arg9[%dma_start3A_2390, %dma_start3A_2399, %dma_start3A_2400] : memref<2x128x128xf32, #tpu.memory_space<vmem>> -> memref<1x128x128xf32, #tpu.memory_space<vmem>>
    %dma_start3A_2402 = tpu.memref_squeeze %dma_start3A_2401 : memref<1x128x128xf32, #tpu.memory_space<vmem>> -> memref<128x128xf32, #tpu.memory_space<vmem>>
    tpu.enqueue_dma source(%dma_start3A_2402 : memref<128x128xf32, #tpu.memory_space<vmem>>) target(%dma_start3A_2398 : memref<128x128xf32, #tpu.memory_space<hbm>>) target_semaphore(%arg13 : memref<!tpu.dma_semaphore, #tpu.memory_space<semaphore_mem>>)
    %dma_wait3A_2403 = arith.constant 1 : i32
    %dma_wait3A_2404 = arith.constant 0 : i32
    %dma_wait3A_2405 = arith.constant 0 : i32
    %dma_wait3A_2406 = tpu.memref_slice %arg9[%dma_wait3A_2403, %dma_wait3A_2404, %dma_wait3A_2405] : memref<2x128x128xf32, #tpu.memory_space<vmem>> -> memref<1x128x128xf32, #tpu.memory_space<vmem>>
    %dma_wait3A_2407 = tpu.memref_squeeze %dma_wait3A_2406 : memref<1x128x128xf32, #tpu.memory_space<vmem>> -> memref<128x128xf32, #tpu.memory_space<vmem>>
    %dma_wait3A_2408 = arith.constant 0 : i32
    %dma_wait3A_2409 = tpu.memref_slice %arg4[%add3A_2389, %dma_wait3A_2408] : memref<204800x128xf32, #tpu.memory_space<hbm>> -> memref<128x128xf32, #tpu.memory_space<hbm>>
    %dma_wait3A_2410 = arith.constant 0 : i32
    %dma_wait3A_2411 = tpu.memref_slice %arg4[%add3A_2389, %dma_wait3A_2410] : memref<204800x128xf32, #tpu.memory_space<hbm>> -> memref<128x128xf32, #tpu.memory_space<hbm>>
    %dma_wait3A_2412 = arith.constant 0 : i32
    %dma_wait3A_2413 = arith.constant 0 : i32
    %dma_wait3A_2414 = tpu.memref_slice %arg9[%dma_wait3A_2403, %dma_wait3A_2412, %dma_wait3A_2413] : memref<2x128x128xf32, #tpu.memory_space<vmem>> -> memref<1x128x128xf32, #tpu.memory_space<vmem>>
    %dma_wait3A_2415 = tpu.memref_squeeze %dma_wait3A_2414 : memref<1x128x128xf32, #tpu.memory_space<vmem>> -> memref<128x128xf32, #tpu.memory_space<vmem>>
    tpu.wait_dma2 semaphore(%arg13 : memref<!tpu.dma_semaphore, #tpu.memory_space<semaphore_mem>>) src(%dma_wait3A_2415 : memref<128x128xf32, #tpu.memory_space<vmem>>) dst(%dma_wait3A_2411 : memref<128x128xf32, #tpu.memory_space<hbm>>)
    %dma_start3A_2416 = arith.constant 47 : i32
    %dma_start3A_2417 = arith.constant 1 : i32
    %dma_start3A_2418 = arith.constant 0 : i32
    %dma_start3A_2419 = arith.constant 0 : i32
    %dma_start3A_2420 = tpu.memref_slice %arg9[%dma_start3A_2417, %dma_start3A_2418, %dma_start3A_2419] : memref<2x128x128xf32, #tpu.memory_space<vmem>> -> memref<1x128x128xf32, #tpu.memory_space<vmem>>
    %dma_start3A_2421 = tpu.memref_squeeze %dma_start3A_2420 : memref<1x128x128xf32, #tpu.memory_space<vmem>> -> memref<128x128xf32, #tpu.memory_space<vmem>>
    %dma_start3A_2422 = arith.constant 0 : i32
    %dma_start3A_2423 = tpu.memref_slice %arg7[%dma_start3A_2416, %dma_start3A_2422] : memref<50x128xi32, #tpu.memory_space<vmem>> -> memref<1x128xi32, #tpu.memory_space<vmem>>
    %dma_start3A_2424 = tpu.memref_squeeze %dma_start3A_2423 : memref<1x128xi32, #tpu.memory_space<vmem>> -> memref<128xi32, #tpu.memory_space<vmem>>
    %dma_start3A_2425 = arith.constant 0 : i32
    %dma_start3A_2426 = arith.constant 0 : i32
    %dma_start3A_2427 = tpu.memref_slice %arg3[%dma_start3A_2425, %dma_start3A_2426] : memref<507904x128xf32, #tpu.memory_space<hbm>> -> memref<507904x128xf32, #tpu.memory_space<hbm>>
    tpu.enqueue_indirect_dma source(%dma_start3A_2427 : memref<507904x128xf32, #tpu.memory_space<hbm>>) target(%dma_start3A_2421 : memref<128x128xf32, #tpu.memory_space<vmem>>) offsets(%dma_start3A_2424 : memref<128xi32, #tpu.memory_space<vmem>>) semaphore(%arg11 : memref<!tpu.dma_semaphore, #tpu.memory_space<semaphore_mem>>)
    %dma_wait3A_2428 = arith.constant 46 : i32
    %dma_wait3A_2429 = arith.constant 0 : i32
    %dma_wait3A_2430 = arith.constant 0 : i32
    %dma_wait3A_2431 = arith.constant 0 : i32
    %dma_wait3A_2432 = tpu.memref_slice %arg9[%dma_wait3A_2429, %dma_wait3A_2430, %dma_wait3A_2431] : memref<2x128x128xf32, #tpu.memory_space<vmem>> -> memref<1x128x128xf32, #tpu.memory_space<vmem>>
    %dma_wait3A_2433 = tpu.memref_squeeze %dma_wait3A_2432 : memref<1x128x128xf32, #tpu.memory_space<vmem>> -> memref<128x128xf32, #tpu.memory_space<vmem>>
    %dma_wait3A_2434 = arith.constant 0 : i32
    %dma_wait3A_2435 = tpu.memref_slice %arg7[%dma_wait3A_2428, %dma_wait3A_2434] : memref<50x128xi32, #tpu.memory_space<vmem>> -> memref<1x128xi32, #tpu.memory_space<vmem>>
    %dma_wait3A_2436 = tpu.memref_squeeze %dma_wait3A_2435 : memref<1x128xi32, #tpu.memory_space<vmem>> -> memref<128xi32, #tpu.memory_space<vmem>>
    %dma_wait3A_2437 = arith.constant 0 : i32
    %dma_wait3A_2438 = arith.constant 0 : i32
    %dma_wait3A_2439 = tpu.memref_slice %arg3[%dma_wait3A_2437, %dma_wait3A_2438] : memref<507904x128xf32, #tpu.memory_space<hbm>> -> memref<507904x128xf32, #tpu.memory_space<hbm>>
    tpu.wait_indirect_dma semaphore(%arg10 : memref<!tpu.dma_semaphore, #tpu.memory_space<semaphore_mem>>) src(%dma_wait3A_2439 : memref<507904x128xf32, #tpu.memory_space<hbm>>) dst(%dma_wait3A_2433 : memref<128x128xf32, #tpu.memory_space<vmem>>)
    %add3A_2440 = arith.constant 188416 : i32
    %add3A_2441 = arith.addi %add3A_2440, %mul3A_2 : i32
    %dma_start3A_2442 = arith.constant 0 : i32
    %dma_start3A_2443 = arith.constant 0 : i32
    %dma_start3A_2444 = arith.constant 0 : i32
    %dma_start3A_2445 = tpu.memref_slice %arg9[%dma_start3A_2442, %dma_start3A_2443, %dma_start3A_2444] : memref<2x128x128xf32, #tpu.memory_space<vmem>> -> memref<1x128x128xf32, #tpu.memory_space<vmem>>
    %dma_start3A_2446 = tpu.memref_squeeze %dma_start3A_2445 : memref<1x128x128xf32, #tpu.memory_space<vmem>> -> memref<128x128xf32, #tpu.memory_space<vmem>>
    %dma_start3A_2447 = arith.constant 0 : i32
    %dma_start3A_2448 = tpu.memref_slice %arg4[%add3A_2441, %dma_start3A_2447] : memref<204800x128xf32, #tpu.memory_space<hbm>> -> memref<128x128xf32, #tpu.memory_space<hbm>>
    %dma_start3A_2449 = arith.constant 0 : i32
    %dma_start3A_2450 = tpu.memref_slice %arg4[%add3A_2441, %dma_start3A_2449] : memref<204800x128xf32, #tpu.memory_space<hbm>> -> memref<128x128xf32, #tpu.memory_space<hbm>>
    %dma_start3A_2451 = arith.constant 0 : i32
    %dma_start3A_2452 = arith.constant 0 : i32
    %dma_start3A_2453 = tpu.memref_slice %arg9[%dma_start3A_2442, %dma_start3A_2451, %dma_start3A_2452] : memref<2x128x128xf32, #tpu.memory_space<vmem>> -> memref<1x128x128xf32, #tpu.memory_space<vmem>>
    %dma_start3A_2454 = tpu.memref_squeeze %dma_start3A_2453 : memref<1x128x128xf32, #tpu.memory_space<vmem>> -> memref<128x128xf32, #tpu.memory_space<vmem>>
    tpu.enqueue_dma source(%dma_start3A_2454 : memref<128x128xf32, #tpu.memory_space<vmem>>) target(%dma_start3A_2450 : memref<128x128xf32, #tpu.memory_space<hbm>>) target_semaphore(%arg12 : memref<!tpu.dma_semaphore, #tpu.memory_space<semaphore_mem>>)
    %dma_wait3A_2455 = arith.constant 0 : i32
    %dma_wait3A_2456 = arith.constant 0 : i32
    %dma_wait3A_2457 = arith.constant 0 : i32
    %dma_wait3A_2458 = tpu.memref_slice %arg9[%dma_wait3A_2455, %dma_wait3A_2456, %dma_wait3A_2457] : memref<2x128x128xf32, #tpu.memory_space<vmem>> -> memref<1x128x128xf32, #tpu.memory_space<vmem>>
    %dma_wait3A_2459 = tpu.memref_squeeze %dma_wait3A_2458 : memref<1x128x128xf32, #tpu.memory_space<vmem>> -> memref<128x128xf32, #tpu.memory_space<vmem>>
    %dma_wait3A_2460 = arith.constant 0 : i32
    %dma_wait3A_2461 = tpu.memref_slice %arg4[%add3A_2441, %dma_wait3A_2460] : memref<204800x128xf32, #tpu.memory_space<hbm>> -> memref<128x128xf32, #tpu.memory_space<hbm>>
    %dma_wait3A_2462 = arith.constant 0 : i32
    %dma_wait3A_2463 = tpu.memref_slice %arg4[%add3A_2441, %dma_wait3A_2462] : memref<204800x128xf32, #tpu.memory_space<hbm>> -> memref<128x128xf32, #tpu.memory_space<hbm>>
    %dma_wait3A_2464 = arith.constant 0 : i32
    %dma_wait3A_2465 = arith.constant 0 : i32
    %dma_wait3A_2466 = tpu.memref_slice %arg9[%dma_wait3A_2455, %dma_wait3A_2464, %dma_wait3A_2465] : memref<2x128x128xf32, #tpu.memory_space<vmem>> -> memref<1x128x128xf32, #tpu.memory_space<vmem>>
    %dma_wait3A_2467 = tpu.memref_squeeze %dma_wait3A_2466 : memref<1x128x128xf32, #tpu.memory_space<vmem>> -> memref<128x128xf32, #tpu.memory_space<vmem>>
    tpu.wait_dma2 semaphore(%arg12 : memref<!tpu.dma_semaphore, #tpu.memory_space<semaphore_mem>>) src(%dma_wait3A_2467 : memref<128x128xf32, #tpu.memory_space<vmem>>) dst(%dma_wait3A_2463 : memref<128x128xf32, #tpu.memory_space<hbm>>)
    %dma_start3A_2468 = arith.constant 48 : i32
    %dma_start3A_2469 = arith.constant 0 : i32
    %dma_start3A_2470 = arith.constant 0 : i32
    %dma_start3A_2471 = arith.constant 0 : i32
    %dma_start3A_2472 = tpu.memref_slice %arg9[%dma_start3A_2469, %dma_start3A_2470, %dma_start3A_2471] : memref<2x128x128xf32, #tpu.memory_space<vmem>> -> memref<1x128x128xf32, #tpu.memory_space<vmem>>
    %dma_start3A_2473 = tpu.memref_squeeze %dma_start3A_2472 : memref<1x128x128xf32, #tpu.memory_space<vmem>> -> memref<128x128xf32, #tpu.memory_space<vmem>>
    %dma_start3A_2474 = arith.constant 0 : i32
    %dma_start3A_2475 = tpu.memref_slice %arg7[%dma_start3A_2468, %dma_start3A_2474] : memref<50x128xi32, #tpu.memory_space<vmem>> -> memref<1x128xi32, #tpu.memory_space<vmem>>
    %dma_start3A_2476 = tpu.memref_squeeze %dma_start3A_2475 : memref<1x128xi32, #tpu.memory_space<vmem>> -> memref<128xi32, #tpu.memory_space<vmem>>
    %dma_start3A_2477 = arith.constant 0 : i32
    %dma_start3A_2478 = arith.constant 0 : i32
    %dma_start3A_2479 = tpu.memref_slice %arg3[%dma_start3A_2477, %dma_start3A_2478] : memref<507904x128xf32, #tpu.memory_space<hbm>> -> memref<507904x128xf32, #tpu.memory_space<hbm>>
    tpu.enqueue_indirect_dma source(%dma_start3A_2479 : memref<507904x128xf32, #tpu.memory_space<hbm>>) target(%dma_start3A_2473 : memref<128x128xf32, #tpu.memory_space<vmem>>) offsets(%dma_start3A_2476 : memref<128xi32, #tpu.memory_space<vmem>>) semaphore(%arg10 : memref<!tpu.dma_semaphore, #tpu.memory_space<semaphore_mem>>)
    %dma_wait3A_2480 = arith.constant 47 : i32
    %dma_wait3A_2481 = arith.constant 1 : i32
    %dma_wait3A_2482 = arith.constant 0 : i32
    %dma_wait3A_2483 = arith.constant 0 : i32
    %dma_wait3A_2484 = tpu.memref_slice %arg9[%dma_wait3A_2481, %dma_wait3A_2482, %dma_wait3A_2483] : memref<2x128x128xf32, #tpu.memory_space<vmem>> -> memref<1x128x128xf32, #tpu.memory_space<vmem>>
    %dma_wait3A_2485 = tpu.memref_squeeze %dma_wait3A_2484 : memref<1x128x128xf32, #tpu.memory_space<vmem>> -> memref<128x128xf32, #tpu.memory_space<vmem>>
    %dma_wait3A_2486 = arith.constant 0 : i32
    %dma_wait3A_2487 = tpu.memref_slice %arg7[%dma_wait3A_2480, %dma_wait3A_2486] : memref<50x128xi32, #tpu.memory_space<vmem>> -> memref<1x128xi32, #tpu.memory_space<vmem>>
    %dma_wait3A_2488 = tpu.memref_squeeze %dma_wait3A_2487 : memref<1x128xi32, #tpu.memory_space<vmem>> -> memref<128xi32, #tpu.memory_space<vmem>>
    %dma_wait3A_2489 = arith.constant 0 : i32
    %dma_wait3A_2490 = arith.constant 0 : i32
    %dma_wait3A_2491 = tpu.memref_slice %arg3[%dma_wait3A_2489, %dma_wait3A_2490] : memref<507904x128xf32, #tpu.memory_space<hbm>> -> memref<507904x128xf32, #tpu.memory_space<hbm>>
    tpu.wait_indirect_dma semaphore(%arg11 : memref<!tpu.dma_semaphore, #tpu.memory_space<semaphore_mem>>) src(%dma_wait3A_2491 : memref<507904x128xf32, #tpu.memory_space<hbm>>) dst(%dma_wait3A_2485 : memref<128x128xf32, #tpu.memory_space<vmem>>)
    %add3A_2492 = arith.constant 192512 : i32
    %add3A_2493 = arith.addi %add3A_2492, %mul3A_2 : i32
    %dma_start3A_2494 = arith.constant 1 : i32
    %dma_start3A_2495 = arith.constant 0 : i32
    %dma_start3A_2496 = arith.constant 0 : i32
    %dma_start3A_2497 = tpu.memref_slice %arg9[%dma_start3A_2494, %dma_start3A_2495, %dma_start3A_2496] : memref<2x128x128xf32, #tpu.memory_space<vmem>> -> memref<1x128x128xf32, #tpu.memory_space<vmem>>
    %dma_start3A_2498 = tpu.memref_squeeze %dma_start3A_2497 : memref<1x128x128xf32, #tpu.memory_space<vmem>> -> memref<128x128xf32, #tpu.memory_space<vmem>>
    %dma_start3A_2499 = arith.constant 0 : i32
    %dma_start3A_2500 = tpu.memref_slice %arg4[%add3A_2493, %dma_start3A_2499] : memref<204800x128xf32, #tpu.memory_space<hbm>> -> memref<128x128xf32, #tpu.memory_space<hbm>>
    %dma_start3A_2501 = arith.constant 0 : i32
    %dma_start3A_2502 = tpu.memref_slice %arg4[%add3A_2493, %dma_start3A_2501] : memref<204800x128xf32, #tpu.memory_space<hbm>> -> memref<128x128xf32, #tpu.memory_space<hbm>>
    %dma_start3A_2503 = arith.constant 0 : i32
    %dma_start3A_2504 = arith.constant 0 : i32
    %dma_start3A_2505 = tpu.memref_slice %arg9[%dma_start3A_2494, %dma_start3A_2503, %dma_start3A_2504] : memref<2x128x128xf32, #tpu.memory_space<vmem>> -> memref<1x128x128xf32, #tpu.memory_space<vmem>>
    %dma_start3A_2506 = tpu.memref_squeeze %dma_start3A_2505 : memref<1x128x128xf32, #tpu.memory_space<vmem>> -> memref<128x128xf32, #tpu.memory_space<vmem>>
    tpu.enqueue_dma source(%dma_start3A_2506 : memref<128x128xf32, #tpu.memory_space<vmem>>) target(%dma_start3A_2502 : memref<128x128xf32, #tpu.memory_space<hbm>>) target_semaphore(%arg13 : memref<!tpu.dma_semaphore, #tpu.memory_space<semaphore_mem>>)
    %dma_wait3A_2507 = arith.constant 1 : i32
    %dma_wait3A_2508 = arith.constant 0 : i32
    %dma_wait3A_2509 = arith.constant 0 : i32
    %dma_wait3A_2510 = tpu.memref_slice %arg9[%dma_wait3A_2507, %dma_wait3A_2508, %dma_wait3A_2509] : memref<2x128x128xf32, #tpu.memory_space<vmem>> -> memref<1x128x128xf32, #tpu.memory_space<vmem>>
    %dma_wait3A_2511 = tpu.memref_squeeze %dma_wait3A_2510 : memref<1x128x128xf32, #tpu.memory_space<vmem>> -> memref<128x128xf32, #tpu.memory_space<vmem>>
    %dma_wait3A_2512 = arith.constant 0 : i32
    %dma_wait3A_2513 = tpu.memref_slice %arg4[%add3A_2493, %dma_wait3A_2512] : memref<204800x128xf32, #tpu.memory_space<hbm>> -> memref<128x128xf32, #tpu.memory_space<hbm>>
    %dma_wait3A_2514 = arith.constant 0 : i32
    %dma_wait3A_2515 = tpu.memref_slice %arg4[%add3A_2493, %dma_wait3A_2514] : memref<204800x128xf32, #tpu.memory_space<hbm>> -> memref<128x128xf32, #tpu.memory_space<hbm>>
    %dma_wait3A_2516 = arith.constant 0 : i32
    %dma_wait3A_2517 = arith.constant 0 : i32
    %dma_wait3A_2518 = tpu.memref_slice %arg9[%dma_wait3A_2507, %dma_wait3A_2516, %dma_wait3A_2517] : memref<2x128x128xf32, #tpu.memory_space<vmem>> -> memref<1x128x128xf32, #tpu.memory_space<vmem>>
    %dma_wait3A_2519 = tpu.memref_squeeze %dma_wait3A_2518 : memref<1x128x128xf32, #tpu.memory_space<vmem>> -> memref<128x128xf32, #tpu.memory_space<vmem>>
    tpu.wait_dma2 semaphore(%arg13 : memref<!tpu.dma_semaphore, #tpu.memory_space<semaphore_mem>>) src(%dma_wait3A_2519 : memref<128x128xf32, #tpu.memory_space<vmem>>) dst(%dma_wait3A_2515 : memref<128x128xf32, #tpu.memory_space<hbm>>)
    %dma_start3A_2520 = arith.constant 49 : i32
    %dma_start3A_2521 = arith.constant 1 : i32
    %dma_start3A_2522 = arith.constant 0 : i32
    %dma_start3A_2523 = arith.constant 0 : i32
    %dma_start3A_2524 = tpu.memref_slice %arg9[%dma_start3A_2521, %dma_start3A_2522, %dma_start3A_2523] : memref<2x128x128xf32, #tpu.memory_space<vmem>> -> memref<1x128x128xf32, #tpu.memory_space<vmem>>
    %dma_start3A_2525 = tpu.memref_squeeze %dma_start3A_2524 : memref<1x128x128xf32, #tpu.memory_space<vmem>> -> memref<128x128xf32, #tpu.memory_space<vmem>>
    %dma_start3A_2526 = arith.constant 0 : i32
    %dma_start3A_2527 = tpu.memref_slice %arg7[%dma_start3A_2520, %dma_start3A_2526] : memref<50x128xi32, #tpu.memory_space<vmem>> -> memref<1x128xi32, #tpu.memory_space<vmem>>
    %dma_start3A_2528 = tpu.memref_squeeze %dma_start3A_2527 : memref<1x128xi32, #tpu.memory_space<vmem>> -> memref<128xi32, #tpu.memory_space<vmem>>
    %dma_start3A_2529 = arith.constant 0 : i32
    %dma_start3A_2530 = arith.constant 0 : i32
    %dma_start3A_2531 = tpu.memref_slice %arg3[%dma_start3A_2529, %dma_start3A_2530] : memref<507904x128xf32, #tpu.memory_space<hbm>> -> memref<507904x128xf32, #tpu.memory_space<hbm>>
    tpu.enqueue_indirect_dma source(%dma_start3A_2531 : memref<507904x128xf32, #tpu.memory_space<hbm>>) target(%dma_start3A_2525 : memref<128x128xf32, #tpu.memory_space<vmem>>) offsets(%dma_start3A_2528 : memref<128xi32, #tpu.memory_space<vmem>>) semaphore(%arg11 : memref<!tpu.dma_semaphore, #tpu.memory_space<semaphore_mem>>)
    %dma_wait3A_2532 = arith.constant 48 : i32
    %dma_wait3A_2533 = arith.constant 0 : i32
    %dma_wait3A_2534 = arith.constant 0 : i32
    %dma_wait3A_2535 = arith.constant 0 : i32
    %dma_wait3A_2536 = tpu.memref_slice %arg9[%dma_wait3A_2533, %dma_wait3A_2534, %dma_wait3A_2535] : memref<2x128x128xf32, #tpu.memory_space<vmem>> -> memref<1x128x128xf32, #tpu.memory_space<vmem>>
    %dma_wait3A_2537 = tpu.memref_squeeze %dma_wait3A_2536 : memref<1x128x128xf32, #tpu.memory_space<vmem>> -> memref<128x128xf32, #tpu.memory_space<vmem>>
    %dma_wait3A_2538 = arith.constant 0 : i32
    %dma_wait3A_2539 = tpu.memref_slice %arg7[%dma_wait3A_2532, %dma_wait3A_2538] : memref<50x128xi32, #tpu.memory_space<vmem>> -> memref<1x128xi32, #tpu.memory_space<vmem>>
    %dma_wait3A_2540 = tpu.memref_squeeze %dma_wait3A_2539 : memref<1x128xi32, #tpu.memory_space<vmem>> -> memref<128xi32, #tpu.memory_space<vmem>>
    %dma_wait3A_2541 = arith.constant 0 : i32
    %dma_wait3A_2542 = arith.constant 0 : i32
    %dma_wait3A_2543 = tpu.memref_slice %arg3[%dma_wait3A_2541, %dma_wait3A_2542] : memref<507904x128xf32, #tpu.memory_space<hbm>> -> memref<507904x128xf32, #tpu.memory_space<hbm>>
    tpu.wait_indirect_dma semaphore(%arg10 : memref<!tpu.dma_semaphore, #tpu.memory_space<semaphore_mem>>) src(%dma_wait3A_2543 : memref<507904x128xf32, #tpu.memory_space<hbm>>) dst(%dma_wait3A_2537 : memref<128x128xf32, #tpu.memory_space<vmem>>)
    %add3A_2544 = arith.constant 196608 : i32
    %add3A_2545 = arith.addi %add3A_2544, %mul3A_2 : i32
    %dma_start3A_2546 = arith.constant 0 : i32
    %dma_start3A_2547 = arith.constant 0 : i32
    %dma_start3A_2548 = arith.constant 0 : i32
    %dma_start3A_2549 = tpu.memref_slice %arg9[%dma_start3A_2546, %dma_start3A_2547, %dma_start3A_2548] : memref<2x128x128xf32, #tpu.memory_space<vmem>> -> memref<1x128x128xf32, #tpu.memory_space<vmem>>
    %dma_start3A_2550 = tpu.memref_squeeze %dma_start3A_2549 : memref<1x128x128xf32, #tpu.memory_space<vmem>> -> memref<128x128xf32, #tpu.memory_space<vmem>>
    %dma_start3A_2551 = arith.constant 0 : i32
    %dma_start3A_2552 = tpu.memref_slice %arg4[%add3A_2545, %dma_start3A_2551] : memref<204800x128xf32, #tpu.memory_space<hbm>> -> memref<128x128xf32, #tpu.memory_space<hbm>>
    %dma_start3A_2553 = arith.constant 0 : i32
    %dma_start3A_2554 = tpu.memref_slice %arg4[%add3A_2545, %dma_start3A_2553] : memref<204800x128xf32, #tpu.memory_space<hbm>> -> memref<128x128xf32, #tpu.memory_space<hbm>>
    %dma_start3A_2555 = arith.constant 0 : i32
    %dma_start3A_2556 = arith.constant 0 : i32
    %dma_start3A_2557 = tpu.memref_slice %arg9[%dma_start3A_2546, %dma_start3A_2555, %dma_start3A_2556] : memref<2x128x128xf32, #tpu.memory_space<vmem>> -> memref<1x128x128xf32, #tpu.memory_space<vmem>>
    %dma_start3A_2558 = tpu.memref_squeeze %dma_start3A_2557 : memref<1x128x128xf32, #tpu.memory_space<vmem>> -> memref<128x128xf32, #tpu.memory_space<vmem>>
    tpu.enqueue_dma source(%dma_start3A_2558 : memref<128x128xf32, #tpu.memory_space<vmem>>) target(%dma_start3A_2554 : memref<128x128xf32, #tpu.memory_space<hbm>>) target_semaphore(%arg12 : memref<!tpu.dma_semaphore, #tpu.memory_space<semaphore_mem>>)
    %dma_wait3A_2559 = arith.constant 49 : i32
    %dma_wait3A_2560 = arith.constant 1 : i32
    %dma_wait3A_2561 = arith.constant 0 : i32
    %dma_wait3A_2562 = arith.constant 0 : i32
    %dma_wait3A_2563 = tpu.memref_slice %arg9[%dma_wait3A_2560, %dma_wait3A_2561, %dma_wait3A_2562] : memref<2x128x128xf32, #tpu.memory_space<vmem>> -> memref<1x128x128xf32, #tpu.memory_space<vmem>>
    %dma_wait3A_2564 = tpu.memref_squeeze %dma_wait3A_2563 : memref<1x128x128xf32, #tpu.memory_space<vmem>> -> memref<128x128xf32, #tpu.memory_space<vmem>>
    %dma_wait3A_2565 = arith.constant 0 : i32
    %dma_wait3A_2566 = tpu.memref_slice %arg7[%dma_wait3A_2559, %dma_wait3A_2565] : memref<50x128xi32, #tpu.memory_space<vmem>> -> memref<1x128xi32, #tpu.memory_space<vmem>>
    %dma_wait3A_2567 = tpu.memref_squeeze %dma_wait3A_2566 : memref<1x128xi32, #tpu.memory_space<vmem>> -> memref<128xi32, #tpu.memory_space<vmem>>
    %dma_wait3A_2568 = arith.constant 0 : i32
    %dma_wait3A_2569 = arith.constant 0 : i32
    %dma_wait3A_2570 = tpu.memref_slice %arg3[%dma_wait3A_2568, %dma_wait3A_2569] : memref<507904x128xf32, #tpu.memory_space<hbm>> -> memref<507904x128xf32, #tpu.memory_space<hbm>>
    tpu.wait_indirect_dma semaphore(%arg11 : memref<!tpu.dma_semaphore, #tpu.memory_space<semaphore_mem>>) src(%dma_wait3A_2570 : memref<507904x128xf32, #tpu.memory_space<hbm>>) dst(%dma_wait3A_2564 : memref<128x128xf32, #tpu.memory_space<vmem>>)
    %add3A_2571 = arith.constant 200704 : i32
    %add3A_2572 = arith.addi %add3A_2571, %mul3A_2 : i32
    %dma_start3A_2573 = arith.constant 1 : i32
    %dma_start3A_2574 = arith.constant 0 : i32
    %dma_start3A_2575 = arith.constant 0 : i32
    %dma_start3A_2576 = tpu.memref_slice %arg9[%dma_start3A_2573, %dma_start3A_2574, %dma_start3A_2575] : memref<2x128x128xf32, #tpu.memory_space<vmem>> -> memref<1x128x128xf32, #tpu.memory_space<vmem>>
    %dma_start3A_2577 = tpu.memref_squeeze %dma_start3A_2576 : memref<1x128x128xf32, #tpu.memory_space<vmem>> -> memref<128x128xf32, #tpu.memory_space<vmem>>
    %dma_start3A_2578 = arith.constant 0 : i32
    %dma_start3A_2579 = tpu.memref_slice %arg4[%add3A_2572, %dma_start3A_2578] : memref<204800x128xf32, #tpu.memory_space<hbm>> -> memref<128x128xf32, #tpu.memory_space<hbm>>
    %dma_start3A_2580 = arith.constant 0 : i32
    %dma_start3A_2581 = tpu.memref_slice %arg4[%add3A_2572, %dma_start3A_2580] : memref<204800x128xf32, #tpu.memory_space<hbm>> -> memref<128x128xf32, #tpu.memory_space<hbm>>
    %dma_start3A_2582 = arith.constant 0 : i32
    %dma_start3A_2583 = arith.constant 0 : i32
    %dma_start3A_2584 = tpu.memref_slice %arg9[%dma_start3A_2573, %dma_start3A_2582, %dma_start3A_2583] : memref<2x128x128xf32, #tpu.memory_space<vmem>> -> memref<1x128x128xf32, #tpu.memory_space<vmem>>
    %dma_start3A_2585 = tpu.memref_squeeze %dma_start3A_2584 : memref<1x128x128xf32, #tpu.memory_space<vmem>> -> memref<128x128xf32, #tpu.memory_space<vmem>>
    tpu.enqueue_dma source(%dma_start3A_2585 : memref<128x128xf32, #tpu.memory_space<vmem>>) target(%dma_start3A_2581 : memref<128x128xf32, #tpu.memory_space<hbm>>) target_semaphore(%arg13 : memref<!tpu.dma_semaphore, #tpu.memory_space<semaphore_mem>>)
    %dma_wait3A_2586 = arith.constant 0 : i32
    %dma_wait3A_2587 = arith.constant 0 : i32
    %dma_wait3A_2588 = arith.constant 0 : i32
    %dma_wait3A_2589 = tpu.memref_slice %arg9[%dma_wait3A_2586, %dma_wait3A_2587, %dma_wait3A_2588] : memref<2x128x128xf32, #tpu.memory_space<vmem>> -> memref<1x128x128xf32, #tpu.memory_space<vmem>>
    %dma_wait3A_2590 = tpu.memref_squeeze %dma_wait3A_2589 : memref<1x128x128xf32, #tpu.memory_space<vmem>> -> memref<128x128xf32, #tpu.memory_space<vmem>>
    %dma_wait3A_2591 = arith.constant 0 : i32
    %dma_wait3A_2592 = tpu.memref_slice %arg4[%add3A_2545, %dma_wait3A_2591] : memref<204800x128xf32, #tpu.memory_space<hbm>> -> memref<128x128xf32, #tpu.memory_space<hbm>>
    %dma_wait3A_2593 = arith.constant 0 : i32
    %dma_wait3A_2594 = tpu.memref_slice %arg4[%add3A_2545, %dma_wait3A_2593] : memref<204800x128xf32, #tpu.memory_space<hbm>> -> memref<128x128xf32, #tpu.memory_space<hbm>>
    %dma_wait3A_2595 = arith.constant 0 : i32
    %dma_wait3A_2596 = arith.constant 0 : i32
    %dma_wait3A_2597 = tpu.memref_slice %arg9[%dma_wait3A_2586, %dma_wait3A_2595, %dma_wait3A_2596] : memref<2x128x128xf32, #tpu.memory_space<vmem>> -> memref<1x128x128xf32, #tpu.memory_space<vmem>>
    %dma_wait3A_2598 = tpu.memref_squeeze %dma_wait3A_2597 : memref<1x128x128xf32, #tpu.memory_space<vmem>> -> memref<128x128xf32, #tpu.memory_space<vmem>>
    tpu.wait_dma2 semaphore(%arg12 : memref<!tpu.dma_semaphore, #tpu.memory_space<semaphore_mem>>) src(%dma_wait3A_2598 : memref<128x128xf32, #tpu.memory_space<vmem>>) dst(%dma_wait3A_2594 : memref<128x128xf32, #tpu.memory_space<hbm>>)
    %dma_wait3A_2599 = arith.constant 1 : i32
    %dma_wait3A_2600 = arith.constant 0 : i32
    %dma_wait3A_2601 = arith.constant 0 : i32
    %dma_wait3A_2602 = tpu.memref_slice %arg9[%dma_wait3A_2599, %dma_wait3A_2600, %dma_wait3A_2601] : memref<2x128x128xf32, #tpu.memory_space<vmem>> -> memref<1x128x128xf32, #tpu.memory_space<vmem>>
    %dma_wait3A_2603 = tpu.memref_squeeze %dma_wait3A_2602 : memref<1x128x128xf32, #tpu.memory_space<vmem>> -> memref<128x128xf32, #tpu.memory_space<vmem>>
    %dma_wait3A_2604 = arith.constant 0 : i32
    %dma_wait3A_2605 = tpu.memref_slice %arg4[%add3A_2572, %dma_wait3A_2604] : memref<204800x128xf32, #tpu.memory_space<hbm>> -> memref<128x128xf32, #tpu.memory_space<hbm>>
    %dma_wait3A_2606 = arith.constant 0 : i32
    %dma_wait3A_2607 = tpu.memref_slice %arg4[%add3A_2572, %dma_wait3A_2606] : memref<204800x128xf32, #tpu.memory_space<hbm>> -> memref<128x128xf32, #tpu.memory_space<hbm>>
    %dma_wait3A_2608 = arith.constant 0 : i32
    %dma_wait3A_2609 = arith.constant 0 : i32
    %dma_wait3A_2610 = tpu.memref_slice %arg9[%dma_wait3A_2599, %dma_wait3A_2608, %dma_wait3A_2609] : memref<2x128x128xf32, #tpu.memory_space<vmem>> -> memref<1x128x128xf32, #tpu.memory_space<vmem>>
    %dma_wait3A_2611 = tpu.memref_squeeze %dma_wait3A_2610 : memref<1x128x128xf32, #tpu.memory_space<vmem>> -> memref<128x128xf32, #tpu.memory_space<vmem>>
    tpu.wait_dma2 semaphore(%arg13 : memref<!tpu.dma_semaphore, #tpu.memory_space<semaphore_mem>>) src(%dma_wait3A_2611 : memref<128x128xf32, #tpu.memory_space<vmem>>) dst(%dma_wait3A_2607 : memref<128x128xf32, #tpu.memory_space<hbm>>)
    %dma_wait3A_2612 = arith.constant 0 : i32
    %dma_wait3A_2613 = arith.constant 0 : i32
    %dma_wait3A_2614 = tpu.memref_slice %arg5[%dma_wait3A_2612, %dma_wait3A_2613, %mul3A_2] : memref<50x8x4096xi32, #tpu.memory_space<hbm>> -> memref<50x8x128xi32, #tpu.memory_space<hbm>>
    %dma_wait3A_2615 = arith.constant 0 : i32
    %dma_wait3A_2616 = arith.constant 0 : i32
    %dma_wait3A_2617 = tpu.memref_slice %arg5[%dma_wait3A_2615, %dma_wait3A_2616, %mul3A_2] : memref<50x8x4096xi32, #tpu.memory_space<hbm>> -> memref<50x8x128xi32, #tpu.memory_space<hbm>>
    tpu.wait_dma2 semaphore(%arg14 : memref<!tpu.dma_semaphore, #tpu.memory_space<semaphore_mem>>) src(%arg8 : memref<50x8x128xi32, #tpu.memory_space<vmem>>) dst(%dma_wait3A_2617 : memref<50x8x128xi32, #tpu.memory_space<hbm>>)
    return
  }
}

module attributes {stable_mosaic.version = 14 : i64} {
  func.func @_pack_body(%arg0: i32, %arg1: memref<64x16384xf32, #tpu.memory_space<vmem>>, %arg2: memref<8192x128xf32, #tpu.memory_space<vmem>>) attributes {dimension_semantics = [#tpu.dimension_semantics<arbitrary>], iteration_bounds = array<i64: 62>, scalar_prefetch = 0 : i64, scratch_operands = 0 : i64, tpu.core_type = #tpu.core_type<tc>, window_params = [{transform_indices = @transform_0, window_bounds = array<i64: 64, 16384>}, {transform_indices = @transform_1, window_bounds = array<i64: 8192, 128>}]} {
    %get3A = arith.constant 0 : index
    %get3A_0 = arith.constant 0 : index
    %get3A_1 = vector.load %arg1[%get3A, %get3A_0] : memref<64x16384xf32, #tpu.memory_space<vmem>>, vector<64x16384xf32>
    %transpose3A = tpu.transpose %get3A_1, [1, 0] : vector<64x16384xf32> -> vector<16384x64xf32>
    %slice3A = vector.extract_strided_slice %transpose3A {offsets = [0, 0], sizes = [8192, 64], strides = [1, 1]} : vector<16384x64xf32> to vector<8192x64xf32>
    %slice3A_2 = vector.extract_strided_slice %transpose3A {offsets = [8192, 0], sizes = [8192, 64], strides = [1, 1]} : vector<16384x64xf32> to vector<8192x64xf32>
    %concatenate3A = tpu.concatenate %slice3A, %slice3A_2 in 1 : vector<8192x64xf32>, vector<8192x64xf32> -> vector<8192x128xf32>
    %swap3A = arith.constant 0 : index
    %swap3A_3 = arith.constant 0 : index
    %swap3A_4 = vector.load %arg2[%swap3A, %swap3A_3] : memref<8192x128xf32, #tpu.memory_space<vmem>>, vector<8192x128xf32>
    tpu.vector_store %arg2[%swap3A, %swap3A_3], %concatenate3A {strides = array<i32>} : memref<8192x128xf32, #tpu.memory_space<vmem>>, vector<8192x128xf32>,
    return
  }
  func.func @transform_0(%arg0: i32) -> (i32, i32) {
    %c0_i32 = arith.constant 0 : i32
    %c0_i32_0 = arith.constant 0 : i32
    return %c0_i32, %arg0 : i32, i32
  }
  func.func @transform_1(%arg0: i32) -> (i32, i32) {
    %c0_i32 = arith.constant 0 : i32
    %c0_i32_0 = arith.constant 0 : i32
    return %arg0, %c0_i32 : i32, i32
  }
}

module attributes {stable_mosaic.version = 14 : i64} {
  func.func @_tc_body(%arg0: i32, %arg1: memref<4096x128xf32, #tpu.memory_space<vmem>>, %arg2: memref<1x8x4096xi32, #tpu.memory_space<vmem>>, %arg3: memref<1x64x128xf32, #tpu.memory_space<vmem>>, %arg4: memref<128x128xf32, #tpu.memory_space<vmem>>, %arg5: memref<1x64x4096xf32, #tpu.memory_space<vmem>>) attributes {dimension_semantics = [#tpu.dimension_semantics<arbitrary>], iteration_bounds = array<i64: 50>, scalar_prefetch = 0 : i64, scratch_operands = 0 : i64, tpu.core_type = #tpu.core_type<tc>, window_params = [{transform_indices = @transform_0, window_bounds = array<i64: 4096, 128>}, {transform_indices = @transform_1, window_bounds = array<i64: 1, 8, 4096>}, {transform_indices = @transform_2, window_bounds = array<i64: 1, 64, 128>}, {pipeline_mode = #tpu.pipeline_mode<synchronous>, transform_indices = @transform_3, window_bounds = array<i64: 128, 128>}, {transform_indices = @transform_4, window_bounds = array<i64: 1, 64, 4096>}]} {
    %get3A = arith.constant 0 : index
    %get3A_0 = arith.constant 0 : index
    %get3A_1 = vector.load %arg4[%get3A, %get3A_0] : memref<128x128xf32, #tpu.memory_space<vmem>>, vector<128x128xf32>
    %get3A_2 = arith.constant 0 : index
    %get3A_3 = arith.constant 0 : index
    %get3A_4 = vector.load %arg1[%get3A_2, %get3A_3] : memref<4096x128xf32, #tpu.memory_space<vmem>>, vector<4096x128xf32>
    %dot_general3A = arith.constant dense<0.000000e+00> : vector<128x4096xf32>
    %dot_general3A_5 = tpu.matmul %get3A_1, %get3A_4, %dot_general3A {dimension_numbers = #tpu.dot_dimension_numbers<[1], [1], [0], [0], [0, 0, 1, 0], [], []>, transpose_lhs_hint = false} : vector<128x128xf32>, vector<4096x128xf32>, vector<128x4096xf32> -> vector<128x4096xf32>
    %slice3A = vector.extract_strided_slice %dot_general3A_5 {offsets = [0, 0], sizes = [64, 4096], strides = [1, 1]} : vector<128x4096xf32> to vector<64x4096xf32>
    %slice3A_6 = vector.extract_strided_slice %dot_general3A_5 {offsets = [64, 0], sizes = [64, 4096], strides = [1, 1]} : vector<128x4096xf32> to vector<64x4096xf32>
    %get3A_7 = arith.constant 0 : index
    %get3A_8 = arith.constant 0 : index
    %get3A_9 = arith.constant 0 : index
    %get3A_10 = vector.load %arg2[%get3A_7, %get3A_8, %get3A_9] : memref<1x8x4096xi32, #tpu.memory_space<vmem>>, vector<1x1x4096xi32>
    %get3A_11 = vector.shape_cast %get3A_10 : vector<1x1x4096xi32> to vector<1x4096xi32>
    %eq3A = arith.constant 1 : i32
    %eq3A_12 = vector.broadcast %eq3A : i32 to vector<1x4096xi32>
    %eq3A_13 = arith.cmpi eq, %get3A_11, %eq3A_12 : vector<1x4096xi32>
    %broadcast_in_dim3A = vector.shape_cast %eq3A_13 : vector<1x4096xi1> to vector<1x4096xi1>
    %broadcast_in_dim3A_14 = vector.broadcast %broadcast_in_dim3A : vector<1x4096xi1> to vector<64x4096xi1>
    %select_n3A = arith.select %broadcast_in_dim3A_14, %slice3A_6, %slice3A : vector<64x4096xi1>, vector<64x4096xf32>
    %get3A_15 = arith.constant 0 : index
    %get3A_16 = arith.constant 0 : index
    %get3A_17 = arith.constant 0 : index
    %get3A_18 = vector.load %arg3[%get3A_15, %get3A_16, %get3A_17] : memref<1x64x128xf32, #tpu.memory_space<vmem>>, vector<1x64x128xf32>
    %get3A_19 = vector.shape_cast %get3A_18 : vector<1x64x128xf32> to vector<64x128xf32>
    %slice3A_20 = vector.extract_strided_slice %get3A_19 {offsets = [0, 0], sizes = [64, 1], strides = [1, 1]} : vector<64x128xf32> to vector<64x1xf32>
    %add3A = vector.broadcast %slice3A_20 : vector<64x1xf32> to vector<64x4096xf32>
    %add3A_21 = arith.addf %select_n3A, %add3A : vector<64x4096xf32>
    %swap3A = arith.constant 0 : index
    %swap3A_22 = arith.constant 0 : index
    %swap3A_23 = arith.constant 0 : index
    %swap3A_24 = vector.load %arg5[%swap3A, %swap3A_22, %swap3A_23] : memref<1x64x4096xf32, #tpu.memory_space<vmem>>, vector<1x64x4096xf32>
    %swap3A_25 = vector.shape_cast %swap3A_24 : vector<1x64x4096xf32> to vector<64x4096xf32>
    %swap3A_26 = vector.shape_cast %add3A_21 : vector<64x4096xf32> to vector<1x64x4096xf32>
    tpu.vector_store %arg5[%swap3A, %swap3A_22, %swap3A_23], %swap3A_26 {strides = array<i32>} : memref<1x64x4096xf32, #tpu.memory_space<vmem>>, vector<1x64x4096xf32>,
    return
  }
  func.func @transform_0(%arg0: i32) -> (i32, i32) {
    %c0_i32 = arith.constant 0 : i32
    %c0_i32_0 = arith.constant 0 : i32
    return %arg0, %c0_i32 : i32, i32
  }
  func.func @transform_1(%arg0: i32) -> (i32, i32, i32) {
    %c0_i32 = arith.constant 0 : i32
    %c0_i32_0 = arith.constant 0 : i32
    %c0_i32_1 = arith.constant 0 : i32
    return %arg0, %c0_i32, %c0_i32_0 : i32, i32, i32
  }
  func.func @transform_2(%arg0: i32) -> (i32, i32, i32) {
    %c0_i32 = arith.constant 0 : i32
    %c0_i32_0 = arith.constant 0 : i32
    %c0_i32_1 = arith.constant 0 : i32
    return %arg0, %c0_i32, %c0_i32_0 : i32, i32, i32
  }
  func.func @transform_3(%arg0: i32) -> (i32, i32) {
    %c0_i32 = arith.constant 0 : i32
    %c0_i32_0 = arith.constant 0 : i32
    %c0_i32_1 = arith.constant 0 : i32
    return %c0_i32, %c0_i32_0 : i32, i32
  }
  func.func @transform_4(%arg0: i32) -> (i32, i32, i32) {
    %c0_i32 = arith.constant 0 : i32
    %c0_i32_0 = arith.constant 0 : i32
    %c0_i32_1 = arith.constant 0 : i32
    return %arg0, %c0_i32, %c0_i32_0 : i32, i32, i32
  }
}

</mosaic_0001>

<sc_bundles>
// kernel: _run.5.cloned.1.call-start
scs
__scs_entry_jumppad:
0x0: {  	(pc) =	sbr.rel $0x88, $3  }
0x1: {  	(tag) =	ssettag $0x0;
	lr =	simm.s32 $0x1  }
0x2: {  	[smem:$0x3F9E] =	sst lr;
	_ =	strace $0xD0000000  }
0x3: {  	_ = 	snop  }
0x4: {  	_ = 	snop  }
0x5: {  	_ = 	snop  }
0x6: {  	_ = 	snop  }
0x7: {  	_ = 	snop  }
__scs_overlays_trampoline_lowered:
0x8: {  	[smem:$0x3FAD] =	sst s0  }
0x9: {  	[smem:$0x3FAE] =	sst s1  }
0xa: {  	[smem:$0x3FAF] =	sst s2  }
0xb: {  	[smem:$0x3FB0] =	sst s3  }
0xc: {  	[smem:$0x3FB1] =	sst s4  }
0xd: {  	[smem:$0x3FB2] =	sst s5  }
0xe: {  	[smem:$0x3FB3] =	sst s6  }
0xf: {  	[smem:$0x3FB4] =	sst s7  }
0x10: {  	[smem:$0x3FB5] =	sst s8  }
0x11: {  	[smem:$0x3FB6] =	sst s9;
	s0 =	simm.s32 @!p0 $0x0  }
0x12: {  	s1 =	sld [smem:$0x3F9C];
	s0 =	simm.s32 @p0 $0x1  }
0x13: {  	[smem:$0x3FB7] =	sst s0;
	s0 =	simm.s32 @!p1 $0x0  }
0x14: {  	s2 =	sld [smem:$0x3F9B];
	s0 =	simm.s32 @p1 $0x1  }
0x15: {  	[smem:$0x3FB8] =	sst s0;
	s0 =	simm.s32 @!p2 $0x0  }
0x16: {  	s3 =	sld [smem:$0x3FDB];
	s0 =	simm.s32 @p2 $0x1  }
0x17: {  	s4 =	simm.s32 $0x1BF5;
	[smem:$0x3FBA] =	sst s0  }
0x18: {  	s0 =	sld [smem:$0x3F9D];
	_ =	swait.ge [sflag:s4], $0x0  }
0x19: {  	s7 =	sld [smem:$0x3F9E]  }
0x1a: {  	s8 =	sadd.s32 $0xFFFFE003, lr  }
0x1b: {  	s9 =	sadd.s32 $0xFFFFFEF7, lr;
	s5 =	simm.s32 $0xFFFFFFFF;
	p2 =	slt.u32 s8, $0xFFFFF086  }
0x1c: {  	p1 =	slt.u32 s9, $0xF7A;
	s5 =	simm.s32 @!p2 $0x0  }
0x1d: {  	s5 =	simm.s32 @p1 $0x1;
	p0 =	seq.s32 s7, s2  }
0x1e: {  	s7 =	smul.u32 @!p0 $0xF7A, s2;
	p2 =	seq.s32 @!p0 s5, $0x0  }
0x1f: {  	s9 =	smul.u32 $0xF7A, s1;
	s8 =	simm.s32 @!p0 $0x1BF5;
	p2 =	por !p2, p0  }
0x20: {  	[sflag:s8] =	ssyncset.s32 @!p0 $0xFFFFF086;
	s6 =	sadd.s32 @!p0 s3, s7;
	s7 =	simm.s32 @!p0 $0x108  }
0x21: {  	s3 =	sadd.s32 s3, s9;
	s6 =	sadd.s32 @!p0 $0x88, s6;
	s7 =	simm.s32 @p2 $0x1082  }
0x22: {  	[simem:s7], [sflag:s8] =	dma.local @!p0 [hbm:s6], $0xF7A  }
0x23: {  	s9 =	sor.u32 $0xD0000000, s2;
	s6 =	simm.s32 $0x108;
	_ =	swait.ge @!p0 [sflag:s8], $0x0  }
0x24: {  	s3 =	sadd.s32 $0x88, s3;
	s6 =	simm.s32 @!p1 $0x1082;
	[sflag:s4] =	ssyncset.s32 $0xFFFFF086  }
0x25: {  	[simem:s6], [sflag:s4] =	dma.local [hbm:s3], $0xF7A  }
0x26: {  	[smem:$0x3F9E] =	sst s1;
	(tag) =	ssettag s2;
	_ =	strace s9  }
0x27: {  	s1 =	sld [smem:$0x3FAE]  }
0x28: {  	s2 =	sld [smem:$0x3FAF]  }
0x29: {  	s4 =	sld [smem:$0x3FB1]  }
0x2a: {  	p0 =	seq.s32 s5, $0x0;
	s5 =	sld [smem:$0x3FB2]  }
0x2b: {  	s6 =	sld [smem:$0x3FB3]  }
0x2c: {  	s7 =	sld [smem:$0x3FB4]  }
0x2d: {  	s3 =	simm.s32 $0x108;
	s8 =	sld [smem:$0x3FB5]  }
0x2e: {  	s3 =	simm.s32 @!p0 $0x1082;
	s9 =	sld [smem:$0x3FB6]  }
0x2f: {  	lr =	sadd.s32 s0, s3;
	s0 =	sld [smem:$0x3FAD]  }
0x30: {  	s3 =	sld [smem:$0x3FB0]  }
0x31: {  	[smem:$0x3FB9] =	sst s10  }
0x32: {  	s10 =	sld [smem:$0x3FB7];
	_ =	sdelay $0x3  }
0x33: {  	p0 =	seq.s32 s10, $0x1;
	s10 =	sld [smem:$0x3FB9];
	_ =	sdelay $0x3  }
0x34: {  	[smem:$0x3FB9] =	sst s10  }
0x35: {  	s10 =	sld [smem:$0x3FB8];
	_ =	sdelay $0x3  }
0x36: {  	p1 =	seq.s32 s10, $0x1;
	s10 =	sld [smem:$0x3FB9];
	_ =	sdelay $0x3  }
0x37: {  	[smem:$0x3FB9] =	sst s10  }
0x38: {  	s10 =	sld [smem:$0x3FBA]  }
0x39: {  	_ = 	snop;
	(pc) =	sbr.ind lr, $3  }
0x3a: {  	_ = 	snop  }
0x3b: {  	_ = 	snop  }
0x3c: {  	p2 =	seq.s32 s10, $0x1;
	s10 =	sld [smem:$0x3FB9]  }
0x3d: {  	_ =	shalt  }
0x3e: {  	_ =	shalt  }
0x3f: {  	_ =	shalt  }
0x40: {  	_ =	shalt  }
0x41: {  	_ =	shalt  }
0x42: {  	_ =	shalt  }
0x43: {  	_ =	shalt  }
0x44: {  	_ =	shalt  }
0x45: {  	_ =	shalt  }
0x46: {  	_ =	shalt  }
0x47: {  	_ =	shalt  }
0x48: {  	_ =	shalt  }
0x49: {  	_ =	shalt  }
0x4a: {  	_ =	shalt  }
0x4b: {  	_ =	shalt  }
0x4c: {  	_ =	shalt  }
0x4d: {  	_ =	shalt  }
0x4e: {  	_ =	shalt  }
0x4f: {  	_ =	shalt  }
0x50: {  	_ =	shalt  }
0x51: {  	_ =	shalt  }
0x52: {  	_ =	shalt  }
0x53: {  	_ =	shalt  }
0x54: {  	_ =	shalt  }
0x55: {  	_ =	shalt  }
0x56: {  	_ =	shalt  }
0x57: {  	_ =	shalt  }
0x58: {  	_ =	shalt  }
0x59: {  	_ =	shalt  }
0x5a: {  	_ =	shalt  }
0x5b: {  	_ =	shalt  }
0x5c: {  	_ =	shalt  }
0x5d: {  	_ =	shalt  }
0x5e: {  	_ =	shalt  }
0x5f: {  	_ =	shalt  }
0x60: {  	_ =	shalt  }
0x61: {  	_ =	shalt  }
0x62: {  	_ =	shalt  }
0x63: {  	_ =	shalt  }
0x64: {  	_ =	shalt  }
0x65: {  	_ =	shalt  }
0x66: {  	_ =	shalt  }
0x67: {  	_ =	shalt  }
0x68: {  	_ =	shalt  }
0x69: {  	_ =	shalt  }
0x6a: {  	_ =	shalt  }
0x6b: {  	_ =	shalt  }
0x6c: {  	_ =	shalt  }
0x6d: {  	_ =	shalt  }
0x6e: {  	_ =	shalt  }
0x6f: {  	_ =	shalt  }
0x70: {  	_ =	shalt  }
0x71: {  	_ =	shalt  }
0x72: {  	_ =	shalt  }
0x73: {  	_ =	shalt  }
0x74: {  	_ =	shalt  }
0x75: {  	_ =	shalt  }
0x76: {  	_ =	shalt  }
0x77: {  	_ =	shalt  }
0x78: {  	_ =	shalt  }
0x79: {  	_ =	shalt  }
0x7a: {  	_ =	shalt  }
0x7b: {  	_ =	shalt  }
0x7c: {  	_ =	shalt  }
0x7d: {  	_ =	shalt  }
0x7e: {  	_ =	shalt  }
0x7f: {  	_ =	shalt  }
0x80: {  	_ =	shalt  }
0x81: {  	_ =	shalt  }
0x82: {  	_ =	shalt  }
0x83: {  	_ =	shalt  }
0x84: {  	_ =	shalt  }
0x85: {  	_ =	shalt  }
0x86: {  	_ =	shalt  }
0x87: {  	_ =	shalt  }
.Lfunc_end0:
.L_simem_size_0:
called_computation_lowered:
.L_overlay_start_0:
0x88: {  	s2 =	sld [smem:$0x3FD9]  }
0x89: {  	s3 =	sld [smem:$0x3FFE];
	_ =	sdelay $0x1  }
0x8a: {  	s1 =	srdreg.scid  }
0x8b: {  	s0 =	sand.u32 $0x1, s1  }
0x8c: {  	s17 =	sshll.u32 s0, $0xA;
	s2 =	sadd.s32 s3, s2  }
0x8d: {  	s2 =	sadd.s32 s2, s17  }
0x8e: {  	[smem:$0x3FC5] =	sst s2  }
0x8f: {  	_ = 	snop  }
0x90: {  	s2 =	sld [smem:$0x3FC9]  }
0x91: {  	s18 =	sld [smem:$0x3FD0];
	(tm) =	ssettm $0x1  }
0x92: {  	s4 =	sld [smem:$0x3FFB];
	_ =	sdelay $0x3  }
0x93: {  	_ =	strace s4  }
0x94: {  	s4 =	sld [smem:$0x3FFC];
	_ =	sdelay $0x3  }
0x95: {  	_ =	strace s4  }
0x96: {  	s4 =	sld [smem:$0x3FFD];
	_ =	sdelay $0x3  }
0x97: {  	_ =	strace s4  }
0x98: {  	_ =	strace $0x8FFFFFFF  }
0x99: {  	s19 =	sld [smem:$0x3FDB];
	_ =	sdelay $0x1  }
0x9a: {  	s5 =	simm.s32 $_scs_section_size  }
0x9b: {  	s6 =	simm.s32 $_size__tile_overlayer_lowered;
	s7 =	simm.s32 $_tile_overlayer_lowered  }
0x9c: {  	s22 =	simm.s32 $0x1BFF;
	s21 =	sshll.u32 s7, $0x1;
	s4 =	sadd.s32 s5, s19  }
0x9d: {  	s8 =	simm.s32 $0x0;
	s20 =	sshll.u32 s6, $0x1;
	s6 =	sadd.s32 s21, s4  }
0x9e: {  	[timem:s8], [sflag:s22] =	dma.local [hbm:s6], s20  }
0x9f: {  	_ =	swait.ge [sflag:s22], s20  }
0xa0: {  	s5 =	ssub.s32 $0x0, s20;
	[sflag:s22] =	ssyncset.done $0x0  }
0xa1: {  	[sflag:s22] =	ssyncadd.s32 s5;
	_ =	sdelay $0x1  }
0xa2: {  	s23 =	simm.s32 $0x1B8B  }
0xa3: {  	_ =	swait.ge [sflag:s23], $0x1  }
0xa4: {  	[sflag:s23] =	ssyncset.done $0x0  }
0xa5: {  	s25 =	simm.s32 $0x1B8E;
	s24 =	sld [smem:$0x3FFE];
	[sflag:s23] =	ssyncadd.s32 $0xFFFFFFFF  }
0xa6: {  	s26 =	simm.s32 $execute0_lowered;
	[smem:$0x3FD2] =	sst s25  }
0xa7: {  	s6 =	sshll.u32 s26, $0x1;
	_ =	strace $0x80000046;
	[dreg:$0x1] =	wrdreg $0xFFFFFFFF  }
0xa8: {  	s28 =	simm.s32 $_size_execute0_lowered;
	s4 =	sadd.s32 s4, s6;
	[dreg:$0x0] =	wrdreg $0x0  }
0xa9: {  	s6 =	sshll.u32 s28, $0x1;
	[dreg:$0x2] =	wrdreg s4  }
0xaa: {  	[dreg:$0x3] =	wrdreg s6  }
0xab: {  	[dreg:$0x4] =	wrdreg $0xC0  }
0xac: {  	_ =	task [dreg:s8], $0x5FFFF  }
0xad: {  	[dreg:$0x1] =	wrdreg $0xFFFFFFFF  }
0xae: {  	[dreg:$0x0] =	wrdreg $0x60  }
0xaf: {  	[dreg:$0x2] =	wrdreg s2  }
0xb0: {  	[dreg:$0x3] =	wrdreg s24  }
0xb1: {  	[dreg:$0x4] =	wrdreg s18  }
0xb2: {  	[dreg:$0x5] =	wrdreg $0x9  }
0xb3: {  	_ =	task.clear_ibuf [dreg:s8], $0x6FFFF;
	_ =	strace $0x90000046  }
0xb4: {  	s29 =	simm.s32 $0x9;
	_ =	strace $0x80000048  }
0xb5: {  	_ =	swait.ge [sflag:s29], $0x1  }
0xb6: {  	[sflag:s29] =	ssyncadd.s32 $0xFFFFFFFF  }
0xb7: {  	_ =	strace $0x90000048  }
0xb8: {  	_ =	sfence  }
0xb9: {  	s30 =	sld [smem:$0x0];
	_ =	sdelay $0x2  }
0xba: {  	s31 =	sshll.u32 s1, $0xD;
	s1 =	sshrl.u32 s1, $0x2  }
0xbb: {  	s3 =	sand.u32 $0x4000, s31;
	s1 =	sadd.s32 s1, s30  }
0xbc: {  	s0 =	sor.u32 s3, s0;
	s1 =	sshll.u32 s1, $0x11  }
0xbd: {  	s0 =	sor.u32 s1, s0  }
0xbe: {  	s0 =	sadd.s32 $0x8F2B, s0  }
0xbf: {  	[sflag:s0] =	ssyncadd.remote.s32 $0x1  }
0xc0: {  	_ =	sfence.sel $0xFFFF  }
0xc1: {  	[dreg:$0x0] =	wrdreg $0xFFFFFFFF;
	(pc) =	sbr.abs _section_cstart, $3  }
0xc2: {  	[dreg:$0x1] =	wrdreg $0xFFFFFFFF  }
0xc3: {  	_ =	task.clear_ibuf [dreg:s8], $0x2FFFF;
	_ =	strace $0x9FFFFFFF  }
0xc4: {  	(tm) =	ssettm $0x7FFFFFFF  }
0xc5: {  	_ =	shalt  }
tec
execute0_lowered:
.L_overlay_start_1:
0x0: {  	(tag) =	ssettag $0x1  }
0x1: {  	s2 =	srdreg.scid  }
0x2: {  	s5 =	stileid.u32;
	s3 =	sand.u32 $0x1, s2  }
0x3: {  	s5 =	sshll.u32 s5, $0x8;
	s6 =	sshll.u32 s3, $0x7  }
0x4: {  	s1 =	rddreg [dreg:$0x0];
	s5 =	sor.u32 s6, s5  }
0x5: {  	s0 =	rddreg [dreg:$0x1];
	s6 =	sshll.u32 s5, $0x4  }
0x6: {  	s4 =	rddreg [dreg:$0x2];
	s2 =	simm.s32 $0x0;
	s6 =	sadd.s32 s6, s0  }
0x7: {  	[smem:$0x7FF] =	sst s2;
	s7 =	sadd.s32 $0x7C0C00, s6  }
0x8: {  	_ =	strace $0x80000047;
	s24 =	sadd.s32 $0x7D0C00, s6;
	[dreg:$0x4] =	wrdreg s7  }
0x9: {  	s25 =	sadd.s32 $0x7E0C00, s6;
	[dreg:$0x5] =	wrdreg s24  }
0xa: {  	s26 =	sadd.s32 $0x7F0C00, s6;
	[dreg:$0x6] =	wrdreg s25  }
0xb: {  	s8 =	sadd.s32 $0x800C00, s6;
	[dreg:$0x7] =	wrdreg s26  }
0xc: {  	s9 =	sadd.s32 $0x810C00, s6;
	[dreg:$0x8] =	wrdreg s8  }
0xd: {  	s10 =	sadd.s32 $0x820C00, s6;
	[dreg:$0x9] =	wrdreg s9  }
0xe: {  	s11 =	sadd.s32 $0x830C00, s6;
	[dreg:$0xa] =	wrdreg s10  }
0xf: {  	s12 =	sadd.s32 $0x840C00, s6;
	[dreg:$0xb] =	wrdreg s11  }
0x10: {  	s13 =	sadd.s32 $0x850C00, s6;
	[dreg:$0xc] =	wrdreg s12  }
0x11: {  	s14 =	sadd.s32 $0x860C00, s6;
	[dreg:$0xd] =	wrdreg s13  }
0x12: {  	s15 =	sadd.s32 $0x870C00, s6;
	[dreg:$0xe] =	wrdreg s14  }
0x13: {  	s16 =	sadd.s32 $0x880C00, s6;
	[dreg:$0xf] =	wrdreg s15  }
0x14: {  	s17 =	sadd.s32 $0x890C00, s6;
	[dreg:$0x10] =	wrdreg s16  }
0x15: {  	s18 =	sadd.s32 $0x8A0C00, s6;
	[dreg:$0x11] =	wrdreg s17  }
0x16: {  	s19 =	sadd.s32 $0x8B0C00, s6;
	[dreg:$0x12] =	wrdreg s18  }
0x17: {  	s20 =	sadd.s32 $0x8C0C00, s6;
	[dreg:$0x13] =	wrdreg s19  }
0x18: {  	s21 =	sadd.s32 $0x8D0C00, s6;
	[dreg:$0x14] =	wrdreg s20  }
0x19: {  	s22 =	sadd.s32 $0x8E0C00, s6;
	[dreg:$0x15] =	wrdreg s21  }
0x1a: {  	s23 =	sadd.s32 $0x8F0C00, s6;
	[dreg:$0x16] =	wrdreg s22  }
0x1b: {  	[dreg:$0x17] =	wrdreg s23;
	s24 =	sadd.s32 $0x900C00, s6  }
0x1c: {  	s25 =	sadd.s32 $0x910C00, s6;
	[dreg:$0x18] =	wrdreg s24  }
0x1d: {  	s26 =	sadd.s32 $0x920C00, s6;
	[dreg:$0x19] =	wrdreg s25  }
0x1e: {  	s8 =	sadd.s32 $0x930C00, s6;
	[dreg:$0x1a] =	wrdreg s26  }
0x1f: {  	s9 =	sadd.s32 $0x940C00, s6;
	[dreg:$0x1b] =	wrdreg s8  }
0x20: {  	s10 =	sadd.s32 $0x950C00, s6;
	[dreg:$0x1c] =	wrdreg s9  }
0x21: {  	s11 =	sadd.s32 $0x960C00, s6;
	[dreg:$0x1d] =	wrdreg s10  }
0x22: {  	s13 =	sadd.s32 $0x980C00, s6;
	[dreg:$0x1e] =	wrdreg s11  }
0x23: {  	s14 =	sadd.s32 $0x990C00, s6;
	[smem:$0x7F0] =	sst s13  }
0x24: {  	s15 =	sadd.s32 $0x9A0C00, s6;
	[smem:$0x7F1] =	sst s14  }
0x25: {  	s16 =	sadd.s32 $0x9B0C00, s6;
	[smem:$0x7F2] =	sst s15  }
0x26: {  	s17 =	sadd.s32 $0x9C0C00, s6;
	[smem:$0x7F3] =	sst s16  }
0x27: {  	s18 =	sadd.s32 $0x9D0C00, s6;
	[smem:$0x7F4] =	sst s17  }
0x28: {  	s19 =	sadd.s32 $0x9E0C00, s6;
	[smem:$0x7F5] =	sst s18  }
0x29: {  	s29 =	simm.s32 $0x400;
	s20 =	sadd.s32 $0x9F0C00, s6;
	[smem:$0x7F6] =	sst s19  }
0x2a: {  	s30 =	simm.s32 $0x8000;
	s21 =	sadd.s32 $0xA00C00, s6;
	[smem:$0x7F7] =	sst s20  }
0x2b: {  	s31 =	simm.s32 $0x6;
	s22 =	sadd.s32 $0xA10C00, s6;
	[smem:$0x7F8] =	sst s21  }
0x2c: {  	s3 =	ssub.s32 $0x2, s3;
	s23 =	sadd.s32 $0xA20C00, s6;
	[smem:$0x7F9] =	sst s22  }
0x2d: {  	s12 =	sadd.s32 $0x970C00, s6;
	s7 =	simm.s32 $0x4;
	[smem:$0x7FA] =	sst s23  }
0x2e: {  	[dreg:$0x1f] =	wrdreg s12;
	s24 =	sadd.s32 $0xA30C00, s6;
	s8 =	sadd.s32 $0xA40C00, s6  }
0x2f: {  	s25 =	sshrl.u32 s3, $0x1;
	s26 =	sadd.s32 $0xA50C00, s6;
	s15 =	sadd.s32 $0xA60C00, s6  }
0x30: {  	s16 =	sadd.s32 $0xA70C00, s6;
	s17 =	sadd.s32 s1, s5;
	s18 =	sadd.s32 $0xA80C00, s6  }
0x31: {  	s19 =	sadd.s32 $0xA90C00, s6;
	s20 =	sadd.s32 s4, s5;
	s21 =	sadd.s32 $0xAA0C00, s6  }
0x32: {  	s22 =	sadd.s32 $0xAB0C00, s6;
	s23 =	sadd.s32 $0xC00, s0;
	s1 =	simm.s32 $0x80  }
0x33: {  	s0 =	simm.s32 $0x10000;
	s4 =	simm.s32 $0x1;
	[smem:$0x7FB] =	sst s24  }
0x34: {  	s5 =	simm.s32 $0x3;
	s9 =	simm.s32 $0x0;
	[smem:$0x7FC] =	sst s8  }
0x35: {  	[smem:$0x7FD] =	sst s26;
	s3 =	ssub.s32 s3, s25;
	s24 =	sadd.s32 $0xAC0C00, s6  }
0x36: {  	s25 =	sadd.s32 $0xAD0C00, s6;
	s28 =	sadd.s32 $0x6000, s17;
	s6 =	simm.s32 $0x2  }
0x37: {  	s8 =	simm.s32 $0x5;
	s26 =	smax.u32 s3, $0x1;
	s3 =	simm.s32 $0x14000  }
.LBB2_1:
0x38: {  	[tilespmem:s2], [sflag:$0x6] =	stream.strided.gather [hbm4b:s17+s29], $0x1800, s30, s29, $0x38;
	[tilespmem:$0x18000] =	vst v63  }
0x39: {  	s10 =	simm.s32 $0x1800  }
0x3a: {  	[tilespmem:s10], [sflag:$0x6] =	stream.linear.gather [hbm4b:s28+s2], $0x100, $0x38;
	[tilespmem:$0x18000] =	vst v63  }
0x3b: {  	_ =	swait.ge [sflag:s31], $0x1900  }
0x3c: {  	[sflag:s31] =	ssyncset.done $0x0  }
0x3d: {  	s11 =	simm.s32 $0x0;
	[sflag:s31] =	ssyncadd.s32 $0xFFFFE700  }
0x3e: {  	v0 =	vld [tilespmem:s11+$0x0];
	_ =	sdelay $0x4  }
0x3f: {  	v1 =	vshrl.u32 v0, $0x1  }
0x40: {  	v2 =	vand.u32 $0x1FFF, v0;
	v1 =	vand.u32 $0x7FFFE000, v1  }
0x41: {  	v0 =	vshrl.u32 v0, $0xD;
	v1 =	vor.u32 v2, v1  }
0x42: {  	s10 =	simm.s32 $0x3A00;
	v0 =	vand.u32 $0x1, v0;
	[tilespmem:s11+$0x1C00] =	vst v1  }
0x43: {  	[tilespmem:s10+$0x180] =	vst v0  }
0x44: {  	[tilespmem:s10+$0x80] =	vst v0  }
0x45: {  	[tilespmem:s10+$0x100] =	vst v0  }
0x46: {  	[tilespmem:s10+$0x0] =	vst v0  }
0x47: {  	[tilespmem:s10+$0xFFFFFF80] =	vst v0  }
0x48: {  	[tilespmem:s10+$0xFFFFFF00] =	vst v0  }
0x49: {  	[tilespmem:s10+$0xFFFFFE00] =	vst v0  }
0x4a: {  	[tilespmem:s10+$0xFFFFFE80] =	vst v0  }
0x4b: {  	v0 =	vld [tilespmem:s11+$0x10];
	_ =	sdelay $0x4  }
0x4c: {  	v1 =	vshrl.u32 v0, $0x1  }
0x4d: {  	v2 =	vand.u32 $0x1FFF, v0;
	v1 =	vand.u32 $0x7FFFE000, v1  }
0x4e: {  	v0 =	vshrl.u32 v0, $0xD;
	v1 =	vor.u32 v2, v1  }
0x4f: {  	v0 =	vand.u32 $0x1, v0;
	[tilespmem:s11+$0x1C10] =	vst v1  }
0x50: {  	[tilespmem:s10+$0x190] =	vst v0  }
0x51: {  	[tilespmem:s10+$0x110] =	vst v0  }
0x52: {  	[tilespmem:s10+$0xFFFFFE90] =	vst v0  }
0x53: {  	[tilespmem:s10+$0x10] =	vst v0  }
0x54: {  	[tilespmem:s10+$0x90] =	vst v0  }
0x55: {  	[tilespmem:s10+$0xFFFFFF10] =	vst v0  }
0x56: {  	[tilespmem:s10+$0xFFFFFF90] =	vst v0  }
0x57: {  	[tilespmem:s10+$0xFFFFFE10] =	vst v0  }
0x58: {  	v0 =	vld [tilespmem:s11+$0x20];
	_ =	sdelay $0x4  }
0x59: {  	v1 =	vshrl.u32 v0, $0x1  }
0x5a: {  	v2 =	vand.u32 $0x1FFF, v0;
	v1 =	vand.u32 $0x7FFFE000, v1  }
0x5b: {  	v0 =	vshrl.u32 v0, $0xD;
	v1 =	vor.u32 v2, v1  }
0x5c: {  	v0 =	vand.u32 $0x1, v0;
	[tilespmem:s11+$0x1C20] =	vst v1  }
0x5d: {  	[tilespmem:s10+$0x1A0] =	vst v0  }
0x5e: {  	[tilespmem:s10+$0x120] =	vst v0  }
0x5f: {  	[tilespmem:s10+$0xA0] =	vst v0  }
0x60: {  	[tilespmem:s10+$0xFFFFFF20] =	vst v0  }
0x61: {  	[tilespmem:s10+$0xFFFFFFA0] =	vst v0  }
0x62: {  	[tilespmem:s10+$0x20] =	vst v0  }
0x63: {  	[tilespmem:s10+$0xFFFFFEA0] =	vst v0  }
0x64: {  	[tilespmem:s10+$0xFFFFFE20] =	vst v0  }
0x65: {  	v0 =	vld [tilespmem:s11+$0x30];
	_ =	sdelay $0x4  }
0x66: {  	v1 =	vshrl.u32 v0, $0x1  }
0x67: {  	v2 =	vand.u32 $0x1FFF, v0;
	v1 =	vand.u32 $0x7FFFE000, v1  }
0x68: {  	v0 =	vshrl.u32 v0, $0xD;
	v1 =	vor.u32 v2, v1  }
0x69: {  	v0 =	vand.u32 $0x1, v0;
	[tilespmem:s11+$0x1C30] =	vst v1  }
0x6a: {  	[tilespmem:s10+$0x1B0] =	vst v0  }
0x6b: {  	[tilespmem:s10+$0xB0] =	vst v0  }
0x6c: {  	[tilespmem:s10+$0x130] =	vst v0  }
0x6d: {  	[tilespmem:s10+$0xFFFFFEB0] =	vst v0  }
0x6e: {  	[tilespmem:s10+$0xFFFFFF30] =	vst v0  }
0x6f: {  	[tilespmem:s10+$0x30] =	vst v0  }
0x70: {  	[tilespmem:s10+$0xFFFFFFB0] =	vst v0  }
0x71: {  	[tilespmem:s10+$0xFFFFFE30] =	vst v0  }
0x72: {  	v0 =	vld [tilespmem:s11+$0x40];
	_ =	sdelay $0x4  }
0x73: {  	v1 =	vshrl.u32 v0, $0x1  }
0x74: {  	v2 =	vand.u32 $0x1FFF, v0;
	v1 =	vand.u32 $0x7FFFE000, v1  }
0x75: {  	v0 =	vshrl.u32 v0, $0xD;
	v1 =	vor.u32 v2, v1  }
0x76: {  	v0 =	vand.u32 $0x1, v0;
	[tilespmem:s11+$0x1C40] =	vst v1  }
0x77: {  	[tilespmem:s10+$0x1C0] =	vst v0  }
0x78: {  	s12 =	simm.s32 $0x200;
	s13 =	simm.s32 $0x3A00;
	[tilespmem:s10+$0xFFFFFEC0] =	vst v0  }
.LBB2_2:
0x79: {  	p0 =	sne.s32 s12, $0x6200  }
0x7a: {  	[tilespmem:s10+$0xC0] =	vst v0;
	s13 =	sadd.s32 $0x400, s13;
	s14 =	smov.u32 s12;
	s12 =	sadd.s32 $0x200, s12  }
0x7b: {  	[tilespmem:s10+$0x140] =	vst v0  }
0x7c: {  	[tilespmem:s10+$0xFFFFFF40] =	vst v0  }
0x7d: {  	[tilespmem:s10+$0x40] =	vst v0  }
0x7e: {  	[tilespmem:s10+$0xFFFFFFC0] =	vst v0  }
0x7f: {  	[tilespmem:s10+$0xFFFFFE40] =	vst v0  }
0x80: {  	v0 =	vld [tilespmem:s11+$0x50];
	_ =	sdelay $0x4  }
0x81: {  	v1 =	vshrl.u32 v0, $0x1;
	v2 =	vshrl.u32 v0, $0xD  }
0x82: {  	v0 =	vand.u32 $0x1FFF, v0;
	v1 =	vand.u32 $0x7FFFE000, v1  }
0x83: {  	v0 =	vor.u32 v0, v1  }
0x84: {  	[tilespmem:s11+$0x1C50] =	vst v0;
	v0 =	vand.u32 $0x1, v2  }
0x85: {  	[tilespmem:s10+$0x1D0] =	vst v0  }
0x86: {  	[tilespmem:s10+$0xD0] =	vst v0  }
0x87: {  	[tilespmem:s10+$0x150] =	vst v0  }
0x88: {  	[tilespmem:s10+$0xFFFFFF50] =	vst v0  }
0x89: {  	[tilespmem:s10+$0x50] =	vst v0  }
0x8a: {  	[tilespmem:s10+$0xFFFFFFD0] =	vst v0  }
0x8b: {  	[tilespmem:s10+$0xFFFFFE50] =	vst v0  }
0x8c: {  	[tilespmem:s10+$0xFFFFFED0] =	vst v0  }
0x8d: {  	v0 =	vld [tilespmem:s11+$0x60];
	_ =	sdelay $0x4  }
0x8e: {  	v1 =	vshrl.u32 v0, $0x1;
	v2 =	vshrl.u32 v0, $0xD  }
0x8f: {  	v0 =	vand.u32 $0x1FFF, v0;
	v1 =	vand.u32 $0x7FFFE000, v1  }
0x90: {  	v0 =	vor.u32 v0, v1  }
0x91: {  	[tilespmem:s11+$0x1C60] =	vst v0;
	v0 =	vand.u32 $0x1, v2  }
0x92: {  	[tilespmem:s10+$0x1E0] =	vst v0  }
0x93: {  	[tilespmem:s10+$0x60] =	vst v0  }
0x94: {  	[tilespmem:s10+$0xE0] =	vst v0  }
0x95: {  	[tilespmem:s10+$0x160] =	vst v0  }
0x96: {  	[tilespmem:s10+$0xFFFFFEE0] =	vst v0  }
0x97: {  	[tilespmem:s10+$0xFFFFFF60] =	vst v0  }
0x98: {  	[tilespmem:s10+$0xFFFFFFE0] =	vst v0  }
0x99: {  	[tilespmem:s10+$0xFFFFFE60] =	vst v0  }
0x9a: {  	v0 =	vld [tilespmem:s11+$0x70];
	_ =	sdelay $0x4  }
0x9b: {  	v1 =	vshrl.u32 v0, $0x1;
	v2 =	vshrl.u32 v0, $0xD  }
0x9c: {  	v0 =	vand.u32 $0x1FFF, v0;
	v1 =	vand.u32 $0x7FFFE000, v1  }
0x9d: {  	v0 =	vor.u32 v0, v1  }
0x9e: {  	[tilespmem:s11+$0x1C70] =	vst v0;
	v0 =	vand.u32 $0x1, v2  }
0x9f: {  	[tilespmem:s10+$0xFFFFFE70] =	vst v0  }
0xa0: {  	[tilespmem:s10+$0x70] =	vst v0  }
0xa1: {  	[tilespmem:s10+$0xFFFFFF70] =	vst v0  }
0xa2: {  	[tilespmem:s10+$0x1F0] =	vst v0  }
0xa3: {  	[tilespmem:s10+$0xF0] =	vst v0  }
0xa4: {  	[tilespmem:s10+$0xFFFFFEF0] =	vst v0  }
0xa5: {  	[tilespmem:s10+$0x170] =	vst v0  }
0xa6: {  	s11 =	sshra.s32 s14, $0x2;
	[tilespmem:s10+$0xFFFFFFF0] =	vst v0;
	s10 =	smov.u32 s13  }
0xa7: {  	v0 =	vld [tilespmem:s11+$0x0];
	_ =	sdelay $0x4  }
0xa8: {  	v1 =	vshrl.u32 v0, $0x1;
	v2 =	vshrl.u32 v0, $0xD  }
0xa9: {  	v0 =	vand.u32 $0x1FFF, v0;
	v1 =	vand.u32 $0x7FFFE000, v1  }
0xaa: {  	v0 =	vor.u32 v0, v1  }
0xab: {  	[tilespmem:s11+$0x1C00] =	vst v0;
	v0 =	vand.u32 $0x1, v2  }
0xac: {  	[tilespmem:s13+$0x180] =	vst v0  }
0xad: {  	[tilespmem:s13+$0x80] =	vst v0  }
0xae: {  	[tilespmem:s13+$0x100] =	vst v0  }
0xaf: {  	[tilespmem:s13+$0x0] =	vst v0  }
0xb0: {  	[tilespmem:s13+$0xFFFFFF80] =	vst v0  }
0xb1: {  	[tilespmem:s13+$0xFFFFFF00] =	vst v0  }
0xb2: {  	[tilespmem:s13+$0xFFFFFE00] =	vst v0  }
0xb3: {  	[tilespmem:s13+$0xFFFFFE80] =	vst v0  }
0xb4: {  	v0 =	vld [tilespmem:s11+$0x10];
	_ =	sdelay $0x4  }
0xb5: {  	v1 =	vshrl.u32 v0, $0x1;
	v2 =	vshrl.u32 v0, $0xD  }
0xb6: {  	v0 =	vand.u32 $0x1FFF, v0;
	v1 =	vand.u32 $0x7FFFE000, v1  }
0xb7: {  	v0 =	vor.u32 v0, v1  }
0xb8: {  	[tilespmem:s11+$0x1C10] =	vst v0;
	v0 =	vand.u32 $0x1, v2  }
0xb9: {  	[tilespmem:s13+$0x190] =	vst v0  }
0xba: {  	[tilespmem:s13+$0x110] =	vst v0  }
0xbb: {  	[tilespmem:s13+$0xFFFFFE90] =	vst v0  }
0xbc: {  	[tilespmem:s13+$0x10] =	vst v0  }
0xbd: {  	[tilespmem:s13+$0x90] =	vst v0  }
0xbe: {  	[tilespmem:s13+$0xFFFFFF10] =	vst v0  }
0xbf: {  	[tilespmem:s13+$0xFFFFFF90] =	vst v0  }
0xc0: {  	[tilespmem:s13+$0xFFFFFE10] =	vst v0  }
0xc1: {  	v0 =	vld [tilespmem:s11+$0x20];
	_ =	sdelay $0x4  }
0xc2: {  	v1 =	vshrl.u32 v0, $0x1;
	v2 =	vshrl.u32 v0, $0xD  }
0xc3: {  	v0 =	vand.u32 $0x1FFF, v0;
	v1 =	vand.u32 $0x7FFFE000, v1  }
0xc4: {  	v0 =	vor.u32 v0, v1  }
0xc5: {  	[tilespmem:s11+$0x1C20] =	vst v0;
	v0 =	vand.u32 $0x1, v2  }
0xc6: {  	[tilespmem:s13+$0x1A0] =	vst v0  }
0xc7: {  	[tilespmem:s13+$0x120] =	vst v0  }
0xc8: {  	[tilespmem:s13+$0xA0] =	vst v0  }
0xc9: {  	[tilespmem:s13+$0xFFFFFF20] =	vst v0  }
0xca: {  	[tilespmem:s13+$0xFFFFFFA0] =	vst v0  }
0xcb: {  	[tilespmem:s13+$0x20] =	vst v0  }
0xcc: {  	[tilespmem:s13+$0xFFFFFEA0] =	vst v0  }
0xcd: {  	[tilespmem:s13+$0xFFFFFE20] =	vst v0  }
0xce: {  	v0 =	vld [tilespmem:s11+$0x30];
	_ =	sdelay $0x4  }
0xcf: {  	v1 =	vshrl.u32 v0, $0x1;
	v2 =	vshrl.u32 v0, $0xD  }
0xd0: {  	v0 =	vand.u32 $0x1FFF, v0;
	v1 =	vand.u32 $0x7FFFE000, v1  }
0xd1: {  	v0 =	vor.u32 v0, v1  }
0xd2: {  	[tilespmem:s11+$0x1C30] =	vst v0;
	v0 =	vand.u32 $0x1, v2  }
0xd3: {  	[tilespmem:s13+$0x1B0] =	vst v0  }
0xd4: {  	[tilespmem:s13+$0xB0] =	vst v0  }
0xd5: {  	[tilespmem:s13+$0x130] =	vst v0  }
0xd6: {  	[tilespmem:s13+$0xFFFFFEB0] =	vst v0  }
0xd7: {  	[tilespmem:s13+$0xFFFFFF30] =	vst v0  }
0xd8: {  	[tilespmem:s13+$0x30] =	vst v0  }
0xd9: {  	[tilespmem:s13+$0xFFFFFFB0] =	vst v0  }
0xda: {  	[tilespmem:s13+$0xFFFFFE30] =	vst v0  }
0xdb: {  	v0 =	vld [tilespmem:s11+$0x40];
	_ =	sdelay $0x4  }
0xdc: {  	v1 =	vshrl.u32 v0, $0x1;
	v2 =	vshrl.u32 v0, $0xD  }
.Ltmp0:
0xdd: {  	v0 =	vand.u32 $0x1FFF, v0;
	v1 =	vand.u32 $0x7FFFE000, v1;
	(pc) =	sbr.rel @p0 .LBB2_2-.Ltmp0, $4  }
0xde: {  	v0 =	vor.u32 v0, v1  }
0xdf: {  	[tilespmem:s11+$0x1C40] =	vst v0;
	v0 =	vand.u32 $0x1, v2  }
0xe0: {  	[tilespmem:s13+$0x1C0] =	vst v0  }
0xe1: {  	[tilespmem:s13+$0xFFFFFEC0] =	vst v0  }
0xe2: {  	[tilespmem:s10+$0xC0] =	vst v0  }
0xe3: {  	[tilespmem:s10+$0x140] =	vst v0  }
0xe4: {  	[tilespmem:s10+$0xFFFFFF40] =	vst v0  }
0xe5: {  	[tilespmem:s10+$0x40] =	vst v0  }
0xe6: {  	[tilespmem:s10+$0xFFFFFFC0] =	vst v0  }
0xe7: {  	[tilespmem:s10+$0xFFFFFE40] =	vst v0  }
0xe8: {  	v0 =	vld [tilespmem:s11+$0x50];
	_ =	sdelay $0x4  }
0xe9: {  	v1 =	vshrl.u32 v0, $0x1  }
0xea: {  	v2 =	vand.u32 $0x1FFF, v0;
	v1 =	vand.u32 $0x7FFFE000, v1  }
0xeb: {  	v0 =	vshrl.u32 v0, $0xD;
	v1 =	vor.u32 v2, v1  }
0xec: {  	v0 =	vand.u32 $0x1, v0;
	[tilespmem:s11+$0x1C50] =	vst v1  }
0xed: {  	[tilespmem:s10+$0x1D0] =	vst v0  }
0xee: {  	[tilespmem:s10+$0xD0] =	vst v0  }
0xef: {  	[tilespmem:s10+$0x150] =	vst v0  }
0xf0: {  	[tilespmem:s10+$0xFFFFFF50] =	vst v0  }
0xf1: {  	[tilespmem:s10+$0x50] =	vst v0  }
0xf2: {  	[tilespmem:s10+$0xFFFFFFD0] =	vst v0  }
0xf3: {  	[tilespmem:s10+$0xFFFFFE50] =	vst v0  }
0xf4: {  	[tilespmem:s10+$0xFFFFFED0] =	vst v0  }
0xf5: {  	v0 =	vld [tilespmem:s11+$0x60];
	_ =	sdelay $0x4  }
0xf6: {  	v60 =	vshrl.u32 v0, $0x1  }
0xf7: {  	v61 =	vand.u32 $0x1FFF, v0;
	v1 =	vand.u32 $0x7FFFE000, v60  }
0xf8: {  	v0 =	vshrl.u32 v0, $0xD;
	v1 =	vor.u32 v61, v1  }
0xf9: {  	v0 =	vand.u32 $0x1, v0;
	[tilespmem:s11+$0x1C60] =	vst v1  }
0xfa: {  	[tilespmem:s10+$0x1E0] =	vst v0  }
0xfb: {  	[tilespmem:s10+$0x60] =	vst v0  }
0xfc: {  	[tilespmem:s10+$0xE0] =	vst v0  }
0xfd: {  	[tilespmem:s10+$0x160] =	vst v0  }
0xfe: {  	[tilespmem:s10+$0xFFFFFEE0] =	vst v0  }
0xff: {  	[tilespmem:s10+$0xFFFFFF60] =	vst v0  }
0x100: {  	[tilespmem:s10+$0xFFFFFFE0] =	vst v0  }
0x101: {  	[tilespmem:s10+$0xFFFFFE60] =	vst v0  }
0x102: {  	v0 =	vld [tilespmem:s11+$0x70];
	_ =	sdelay $0x4  }
0x103: {  	v62 =	vshrl.u32 v0, $0x1  }
0x104: {  	v63 =	vand.u32 $0x1FFF, v0;
	v1 =	vand.u32 $0x7FFFE000, v62  }
0x105: {  	v0 =	vshrl.u32 v0, $0xD;
	v1 =	vor.u32 v63, v1  }
0x106: {  	v0 =	vand.u32 $0x1, v0;
	[tilespmem:s11+$0x1C70] =	vst v1  }
0x107: {  	[tilespmem:s10+$0xFFFFFE70] =	vst v0  }
0x108: {  	[tilespmem:s10+$0x70] =	vst v0  }
0x109: {  	[tilespmem:s10+$0xFFFFFF70] =	vst v0  }
0x10a: {  	[tilespmem:s10+$0x1F0] =	vst v0  }
0x10b: {  	[tilespmem:s10+$0xF0] =	vst v0  }
0x10c: {  	[tilespmem:s10+$0xFFFFFEF0] =	vst v0  }
0x10d: {  	[tilespmem:s10+$0x170] =	vst v0  }
0x10e: {  	s14 =	simm.s32 $0x3800;
	[tilespmem:s10+$0xFFFFFFF0] =	vst v0  }
0x10f: {  	[hbm4b:s20+s29] =	stream.strided.scatter [tilespmem:s14], [sflag:$0x5], $0xC800, s30, s29, $0x38;
	[tilespmem:$0x18000] =	vst v63  }
0x110: {  	s11 =	simm.s32 $0x1C00  }
0x111: {  	[tilespmem:s0], [sflag:$0x1] =	stream.indirect.gather [hbm4b:s23+s1], $0x80, s11, s1, $0xb8;
	[tilespmem:$0x18000] =	vst v63  }
0x112: {  	s12 =	simm.s32 $0x1C80  }
0x113: {  	[tilespmem:s3], [sflag:$0x2] =	stream.indirect.gather [hbm4b:s23+s1], $0x80, s12, s1, $0xb8;
	[tilespmem:$0x18000] =	vst v63  }
0x114: {  	_ =	swait.ge [sflag:s4], $0x4000  }
0x115: {  	[sflag:s4] =	ssyncset.done $0x0  }
0x116: {  	s13 =	rddreg [dreg:$0x4];
	[sflag:s4] =	ssyncadd.s32 $0xFFFFC000  }
0x117: {  	[hbm4b:s13+s2] =	stream.linear.scatter [tilespmem:s0], [sflag:$0x3], $0x4000, $0x38;
	[tilespmem:$0x18000] =	vst v63  }
0x118: {  	_ =	swait.ge [sflag:s5], $0x4000  }
0x119: {  	[sflag:s5] =	ssyncset.done $0x0  }
0x11a: {  	s14 =	simm.s32 $0x1D00;
	[sflag:s5] =	ssyncadd.s32 $0xFFFFC000  }
0x11b: {  	[tilespmem:s0], [sflag:$0x1] =	stream.indirect.gather [hbm4b:s23+s1], $0x80, s14, s1, $0xb8;
	[tilespmem:$0x18000] =	vst v63  }
0x11c: {  	_ =	swait.ge [sflag:s6], $0x4000  }
0x11d: {  	[sflag:s6] =	ssyncset.done $0x0  }
0x11e: {  	s11 =	rddreg [dreg:$0x5];
	[sflag:s6] =	ssyncadd.s32 $0xFFFFC000  }
0x11f: {  	[hbm4b:s11+s2] =	stream.linear.scatter [tilespmem:s3], [sflag:$0x4], $0x4000, $0x38;
	[tilespmem:$0x18000] =	vst v63  }
0x120: {  	_ =	swait.ge [sflag:s7], $0x4000  }
0x121: {  	[sflag:s7] =	ssyncset.done $0x0  }
0x122: {  	s12 =	simm.s32 $0x1D80;
	[sflag:s7] =	ssyncadd.s32 $0xFFFFC000  }
0x123: {  	[tilespmem:s3], [sflag:$0x2] =	stream.indirect.gather [hbm4b:s23+s1], $0x80, s12, s1, $0xb8;
	[tilespmem:$0x18000] =	vst v63  }
0x124: {  	_ =	swait.ge [sflag:s4], $0x4000  }
0x125: {  	[sflag:s4] =	ssyncset.done $0x0  }
0x126: {  	s13 =	rddreg [dreg:$0x6];
	[sflag:s4] =	ssyncadd.s32 $0xFFFFC000  }
0x127: {  	[hbm4b:s13+s2] =	stream.linear.scatter [tilespmem:s0], [sflag:$0x3], $0x4000, $0x38;
	[tilespmem:$0x18000] =	vst v63  }
0x128: {  	_ =	swait.ge [sflag:s5], $0x4000  }
0x129: {  	[sflag:s5] =	ssyncset.done $0x0  }
0x12a: {  	s14 =	simm.s32 $0x1E00;
	[sflag:s5] =	ssyncadd.s32 $0xFFFFC000  }
0x12b: {  	[tilespmem:s0], [sflag:$0x1] =	stream.indirect.gather [hbm4b:s23+s1], $0x80, s14, s1, $0xb8;
	[tilespmem:$0x18000] =	vst v63  }
0x12c: {  	_ =	swait.ge [sflag:s6], $0x4000  }
0x12d: {  	[sflag:s6] =	ssyncset.done $0x0  }
0x12e: {  	s11 =	rddreg [dreg:$0x7];
	[sflag:s6] =	ssyncadd.s32 $0xFFFFC000  }
0x12f: {  	[hbm4b:s11+s2] =	stream.linear.scatter [tilespmem:s3], [sflag:$0x4], $0x4000, $0x38;
	[tilespmem:$0x18000] =	vst v63  }
0x130: {  	_ =	swait.ge [sflag:s7], $0x4000  }
0x131: {  	[sflag:s7] =	ssyncset.done $0x0  }
0x132: {  	s12 =	simm.s32 $0x1E80;
	[sflag:s7] =	ssyncadd.s32 $0xFFFFC000  }
0x133: {  	[tilespmem:s3], [sflag:$0x2] =	stream.indirect.gather [hbm4b:s23+s1], $0x80, s12, s1, $0xb8;
	[tilespmem:$0x18000] =	vst v63  }
0x134: {  	_ =	swait.ge [sflag:s4], $0x4000  }
0x135: {  	[sflag:s4] =	ssyncset.done $0x0  }
0x136: {  	s13 =	rddreg [dreg:$0x8];
	[sflag:s4] =	ssyncadd.s32 $0xFFFFC000  }
0x137: {  	[hbm4b:s13+s2] =	stream.linear.scatter [tilespmem:s0], [sflag:$0x3], $0x4000, $0x38;
	[tilespmem:$0x18000] =	vst v63  }
0x138: {  	_ =	swait.ge [sflag:s5], $0x4000  }
0x139: {  	[sflag:s5] =	ssyncset.done $0x0  }
0x13a: {  	s14 =	simm.s32 $0x1F00;
	[sflag:s5] =	ssyncadd.s32 $0xFFFFC000  }
0x13b: {  	[tilespmem:s0], [sflag:$0x1] =	stream.indirect.gather [hbm4b:s23+s1], $0x80, s14, s1, $0xb8;
	[tilespmem:$0x18000] =	vst v63  }
0x13c: {  	_ =	swait.ge [sflag:s6], $0x4000  }
0x13d: {  	[sflag:s6] =	ssyncset.done $0x0  }
0x13e: {  	s11 =	rddreg [dreg:$0x9];
	[sflag:s6] =	ssyncadd.s32 $0xFFFFC000  }
0x13f: {  	[hbm4b:s11+s2] =	stream.linear.scatter [tilespmem:s3], [sflag:$0x4], $0x4000, $0x38;
	[tilespmem:$0x18000] =	vst v63  }
0x140: {  	_ =	swait.ge [sflag:s7], $0x4000  }
0x141: {  	[sflag:s7] =	ssyncset.done $0x0  }
0x142: {  	s12 =	simm.s32 $0x1F80;
	[sflag:s7] =	ssyncadd.s32 $0xFFFFC000  }
0x143: {  	[tilespmem:s3], [sflag:$0x2] =	stream.indirect.gather [hbm4b:s23+s1], $0x80, s12, s1, $0xb8;
	[tilespmem:$0x18000] =	vst v63  }
0x144: {  	_ =	swait.ge [sflag:s4], $0x4000  }
0x145: {  	[sflag:s4] =	ssyncset.done $0x0  }
0x146: {  	s13 =	rddreg [dreg:$0xa];
	[sflag:s4] =	ssyncadd.s32 $0xFFFFC000  }
0x147: {  	[hbm4b:s13+s2] =	stream.linear.scatter [tilespmem:s0], [sflag:$0x3], $0x4000, $0x38;
	[tilespmem:$0x18000] =	vst v63  }
0x148: {  	_ =	swait.ge [sflag:s5], $0x4000  }
0x149: {  	[sflag:s5] =	ssyncset.done $0x0  }
0x14a: {  	s14 =	simm.s32 $0x2000;
	[sflag:s5] =	ssyncadd.s32 $0xFFFFC000  }
0x14b: {  	[tilespmem:s0], [sflag:$0x1] =	stream.indirect.gather [hbm4b:s23+s1], $0x80, s14, s1, $0xb8;
	[tilespmem:$0x18000] =	vst v63  }
0x14c: {  	_ =	swait.ge [sflag:s6], $0x4000  }
0x14d: {  	[sflag:s6] =	ssyncset.done $0x0  }
0x14e: {  	s11 =	rddreg [dreg:$0xb];
	[sflag:s6] =	ssyncadd.s32 $0xFFFFC000  }
0x14f: {  	[hbm4b:s11+s2] =	stream.linear.scatter [tilespmem:s3], [sflag:$0x4], $0x4000, $0x38;
	[tilespmem:$0x18000] =	vst v63  }
0x150: {  	_ =	swait.ge [sflag:s7], $0x4000  }
0x151: {  	[sflag:s7] =	ssyncset.done $0x0  }
0x152: {  	s12 =	simm.s32 $0x2080;
	[sflag:s7] =	ssyncadd.s32 $0xFFFFC000  }
0x153: {  	[tilespmem:s3], [sflag:$0x2] =	stream.indirect.gather [hbm4b:s23+s1], $0x80, s12, s1, $0xb8;
	[tilespmem:$0x18000] =	vst v63  }
0x154: {  	_ =	swait.ge [sflag:s4], $0x4000  }
0x155: {  	[sflag:s4] =	ssyncset.done $0x0  }
0x156: {  	s13 =	rddreg [dreg:$0xc];
	[sflag:s4] =	ssyncadd.s32 $0xFFFFC000  }
0x157: {  	[hbm4b:s13+s2] =	stream.linear.scatter [tilespmem:s0], [sflag:$0x3], $0x4000, $0x38;
	[tilespmem:$0x18000] =	vst v63  }
0x158: {  	_ =	swait.ge [sflag:s5], $0x4000  }
0x159: {  	[sflag:s5] =	ssyncset.done $0x0  }
0x15a: {  	s14 =	simm.s32 $0x2100;
	[sflag:s5] =	ssyncadd.s32 $0xFFFFC000  }
0x15b: {  	[tilespmem:s0], [sflag:$0x1] =	stream.indirect.gather [hbm4b:s23+s1], $0x80, s14, s1, $0xb8;
	[tilespmem:$0x18000] =	vst v63  }
0x15c: {  	_ =	swait.ge [sflag:s6], $0x4000  }
0x15d: {  	[sflag:s6] =	ssyncset.done $0x0  }
0x15e: {  	s11 =	rddreg [dreg:$0xd];
	[sflag:s6] =	ssyncadd.s32 $0xFFFFC000  }
0x15f: {  	[hbm4b:s11+s2] =	stream.linear.scatter [tilespmem:s3], [sflag:$0x4], $0x4000, $0x38;
	[tilespmem:$0x18000] =	vst v63  }
0x160: {  	_ =	swait.ge [sflag:s7], $0x4000  }
0x161: {  	[sflag:s7] =	ssyncset.done $0x0  }
0x162: {  	s12 =	simm.s32 $0x2180;
	[sflag:s7] =	ssyncadd.s32 $0xFFFFC000  }
0x163: {  	[tilespmem:s3], [sflag:$0x2] =	stream.indirect.gather [hbm4b:s23+s1], $0x80, s12, s1, $0xb8;
	[tilespmem:$0x18000] =	vst v63  }
0x164: {  	_ =	swait.ge [sflag:s4], $0x4000  }
0x165: {  	[sflag:s4] =	ssyncset.done $0x0  }
0x166: {  	s13 =	rddreg [dreg:$0xe];
	[sflag:s4] =	ssyncadd.s32 $0xFFFFC000  }
0x167: {  	[hbm4b:s13+s2] =	stream.linear.scatter [tilespmem:s0], [sflag:$0x3], $0x4000, $0x38;
	[tilespmem:$0x18000] =	vst v63  }
0x168: {  	_ =	swait.ge [sflag:s5], $0x4000  }
0x169: {  	[sflag:s5] =	ssyncset.done $0x0  }
0x16a: {  	s14 =	simm.s32 $0x2200;
	[sflag:s5] =	ssyncadd.s32 $0xFFFFC000  }
0x16b: {  	[tilespmem:s0], [sflag:$0x1] =	stream.indirect.gather [hbm4b:s23+s1], $0x80, s14, s1, $0xb8;
	[tilespmem:$0x18000] =	vst v63  }
0x16c: {  	_ =	swait.ge [sflag:s6], $0x4000  }
0x16d: {  	[sflag:s6] =	ssyncset.done $0x0  }
0x16e: {  	s11 =	rddreg [dreg:$0xf];
	[sflag:s6] =	ssyncadd.s32 $0xFFFFC000  }
0x16f: {  	[hbm4b:s11+s2] =	stream.linear.scatter [tilespmem:s3], [sflag:$0x4], $0x4000, $0x38;
	[tilespmem:$0x18000] =	vst v63  }
0x170: {  	_ =	swait.ge [sflag:s7], $0x4000  }
0x171: {  	[sflag:s7] =	ssyncset.done $0x0  }
0x172: {  	s12 =	simm.s32 $0x2280;
	[sflag:s7] =	ssyncadd.s32 $0xFFFFC000  }
0x173: {  	[tilespmem:s3], [sflag:$0x2] =	stream.indirect.gather [hbm4b:s23+s1], $0x80, s12, s1, $0xb8;
	[tilespmem:$0x18000] =	vst v63  }
0x174: {  	_ =	swait.ge [sflag:s4], $0x4000  }
0x175: {  	[sflag:s4] =	ssyncset.done $0x0  }
0x176: {  	s13 =	rddreg [dreg:$0x10];
	[sflag:s4] =	ssyncadd.s32 $0xFFFFC000  }
0x177: {  	[hbm4b:s13+s2] =	stream.linear.scatter [tilespmem:s0], [sflag:$0x3], $0x4000, $0x38;
	[tilespmem:$0x18000] =	vst v63  }
0x178: {  	_ =	swait.ge [sflag:s5], $0x4000  }
0x179: {  	[sflag:s5] =	ssyncset.done $0x0  }
0x17a: {  	s14 =	simm.s32 $0x2300;
	[sflag:s5] =	ssyncadd.s32 $0xFFFFC000  }
0x17b: {  	[tilespmem:s0], [sflag:$0x1] =	stream.indirect.gather [hbm4b:s23+s1], $0x80, s14, s1, $0xb8;
	[tilespmem:$0x18000] =	vst v63  }
0x17c: {  	_ =	swait.ge [sflag:s6], $0x4000  }
0x17d: {  	[sflag:s6] =	ssyncset.done $0x0  }
0x17e: {  	s11 =	rddreg [dreg:$0x11];
	[sflag:s6] =	ssyncadd.s32 $0xFFFFC000  }
0x17f: {  	[hbm4b:s11+s2] =	stream.linear.scatter [tilespmem:s3], [sflag:$0x4], $0x4000, $0x38;
	[tilespmem:$0x18000] =	vst v63  }
0x180: {  	_ =	swait.ge [sflag:s7], $0x4000  }
0x181: {  	[sflag:s7] =	ssyncset.done $0x0  }
0x182: {  	s12 =	simm.s32 $0x2380;
	[sflag:s7] =	ssyncadd.s32 $0xFFFFC000  }
0x183: {  	[tilespmem:s3], [sflag:$0x2] =	stream.indirect.gather [hbm4b:s23+s1], $0x80, s12, s1, $0xb8;
	[tilespmem:$0x18000] =	vst v63  }
0x184: {  	_ =	swait.ge [sflag:s4], $0x4000  }
0x185: {  	[sflag:s4] =	ssyncset.done $0x0  }
0x186: {  	s13 =	rddreg [dreg:$0x12];
	[sflag:s4] =	ssyncadd.s32 $0xFFFFC000  }
0x187: {  	[hbm4b:s13+s2] =	stream.linear.scatter [tilespmem:s0], [sflag:$0x3], $0x4000, $0x38;
	[tilespmem:$0x18000] =	vst v63  }
0x188: {  	_ =	swait.ge [sflag:s5], $0x4000  }
0x189: {  	[sflag:s5] =	ssyncset.done $0x0  }
0x18a: {  	s14 =	simm.s32 $0x2400;
	[sflag:s5] =	ssyncadd.s32 $0xFFFFC000  }
0x18b: {  	[tilespmem:s0], [sflag:$0x1] =	stream.indirect.gather [hbm4b:s23+s1], $0x80, s14, s1, $0xb8;
	[tilespmem:$0x18000] =	vst v63  }
0x18c: {  	_ =	swait.ge [sflag:s6], $0x4000  }
0x18d: {  	[sflag:s6] =	ssyncset.done $0x0  }
0x18e: {  	s11 =	rddreg [dreg:$0x13];
	[sflag:s6] =	ssyncadd.s32 $0xFFFFC000  }
0x18f: {  	[hbm4b:s11+s2] =	stream.linear.scatter [tilespmem:s3], [sflag:$0x4], $0x4000, $0x38;
	[tilespmem:$0x18000] =	vst v63  }
0x190: {  	_ =	swait.ge [sflag:s7], $0x4000  }
0x191: {  	[sflag:s7] =	ssyncset.done $0x0  }
0x192: {  	s12 =	simm.s32 $0x2480;
	[sflag:s7] =	ssyncadd.s32 $0xFFFFC000  }
0x193: {  	[tilespmem:s3], [sflag:$0x2] =	stream.indirect.gather [hbm4b:s23+s1], $0x80, s12, s1, $0xb8;
	[tilespmem:$0x18000] =	vst v63  }
0x194: {  	_ =	swait.ge [sflag:s4], $0x4000  }
0x195: {  	[sflag:s4] =	ssyncset.done $0x0  }
0x196: {  	s13 =	rddreg [dreg:$0x14];
	[sflag:s4] =	ssyncadd.s32 $0xFFFFC000  }
0x197: {  	[hbm4b:s13+s2] =	stream.linear.scatter [tilespmem:s0], [sflag:$0x3], $0x4000, $0x38;
	[tilespmem:$0x18000] =	vst v63  }
0x198: {  	_ =	swait.ge [sflag:s5], $0x4000  }
0x199: {  	[sflag:s5] =	ssyncset.done $0x0  }
0x19a: {  	s14 =	simm.s32 $0x2500;
	[sflag:s5] =	ssyncadd.s32 $0xFFFFC000  }
0x19b: {  	[tilespmem:s0], [sflag:$0x1] =	stream.indirect.gather [hbm4b:s23+s1], $0x80, s14, s1, $0xb8;
	[tilespmem:$0x18000] =	vst v63  }
0x19c: {  	_ =	swait.ge [sflag:s6], $0x4000  }
0x19d: {  	[sflag:s6] =	ssyncset.done $0x0  }
0x19e: {  	s11 =	rddreg [dreg:$0x15];
	[sflag:s6] =	ssyncadd.s32 $0xFFFFC000  }
0x19f: {  	[hbm4b:s11+s2] =	stream.linear.scatter [tilespmem:s3], [sflag:$0x4], $0x4000, $0x38;
	[tilespmem:$0x18000] =	vst v63  }
0x1a0: {  	_ =	swait.ge [sflag:s7], $0x4000  }
0x1a1: {  	[sflag:s7] =	ssyncset.done $0x0  }
0x1a2: {  	s12 =	simm.s32 $0x2580;
	[sflag:s7] =	ssyncadd.s32 $0xFFFFC000  }
0x1a3: {  	[tilespmem:s3], [sflag:$0x2] =	stream.indirect.gather [hbm4b:s23+s1], $0x80, s12, s1, $0xb8;
	[tilespmem:$0x18000] =	vst v63  }
0x1a4: {  	_ =	swait.ge [sflag:s4], $0x4000  }
0x1a5: {  	[sflag:s4] =	ssyncset.done $0x0  }
0x1a6: {  	s13 =	rddreg [dreg:$0x16];
	[sflag:s4] =	ssyncadd.s32 $0xFFFFC000  }
0x1a7: {  	[hbm4b:s13+s2] =	stream.linear.scatter [tilespmem:s0], [sflag:$0x3], $0x4000, $0x38;
	[tilespmem:$0x18000] =	vst v63  }
0x1a8: {  	_ =	swait.ge [sflag:s5], $0x4000  }
0x1a9: {  	[sflag:s5] =	ssyncset.done $0x0  }
0x1aa: {  	s14 =	simm.s32 $0x2600;
	[sflag:s5] =	ssyncadd.s32 $0xFFFFC000  }
0x1ab: {  	[tilespmem:s0], [sflag:$0x1] =	stream.indirect.gather [hbm4b:s23+s1], $0x80, s14, s1, $0xb8;
	[tilespmem:$0x18000] =	vst v63  }
0x1ac: {  	_ =	swait.ge [sflag:s6], $0x4000  }
0x1ad: {  	[sflag:s6] =	ssyncset.done $0x0  }
0x1ae: {  	s11 =	rddreg [dreg:$0x17];
	[sflag:s6] =	ssyncadd.s32 $0xFFFFC000  }
0x1af: {  	[hbm4b:s11+s2] =	stream.linear.scatter [tilespmem:s3], [sflag:$0x4], $0x4000, $0x38;
	[tilespmem:$0x18000] =	vst v63  }
0x1b0: {  	_ =	swait.ge [sflag:s7], $0x4000  }
0x1b1: {  	[sflag:s7] =	ssyncset.done $0x0  }
0x1b2: {  	s12 =	simm.s32 $0x2680;
	[sflag:s7] =	ssyncadd.s32 $0xFFFFC000  }
0x1b3: {  	[tilespmem:s3], [sflag:$0x2] =	stream.indirect.gather [hbm4b:s23+s1], $0x80, s12, s1, $0xb8;
	[tilespmem:$0x18000] =	vst v63  }
0x1b4: {  	_ =	swait.ge [sflag:s4], $0x4000  }
0x1b5: {  	[sflag:s4] =	ssyncset.done $0x0  }
0x1b6: {  	s13 =	rddreg [dreg:$0x18];
	[sflag:s4] =	ssyncadd.s32 $0xFFFFC000  }
0x1b7: {  	[hbm4b:s13+s2] =	stream.linear.scatter [tilespmem:s0], [sflag:$0x3], $0x4000, $0x38;
	[tilespmem:$0x18000] =	vst v63  }
0x1b8: {  	_ =	swait.ge [sflag:s5], $0x4000  }
0x1b9: {  	[sflag:s5] =	ssyncset.done $0x0  }
0x1ba: {  	s14 =	simm.s32 $0x2700;
	[sflag:s5] =	ssyncadd.s32 $0xFFFFC000  }
0x1bb: {  	[tilespmem:s0], [sflag:$0x1] =	stream.indirect.gather [hbm4b:s23+s1], $0x80, s14, s1, $0xb8;
	[tilespmem:$0x18000] =	vst v63  }
0x1bc: {  	_ =	swait.ge [sflag:s6], $0x4000  }
0x1bd: {  	[sflag:s6] =	ssyncset.done $0x0  }
0x1be: {  	s11 =	rddreg [dreg:$0x19];
	[sflag:s6] =	ssyncadd.s32 $0xFFFFC000  }
0x1bf: {  	[hbm4b:s11+s2] =	stream.linear.scatter [tilespmem:s3], [sflag:$0x4], $0x4000, $0x38;
	[tilespmem:$0x18000] =	vst v63  }
0x1c0: {  	_ =	swait.ge [sflag:s7], $0x4000  }
0x1c1: {  	[sflag:s7] =	ssyncset.done $0x0  }
0x1c2: {  	s12 =	simm.s32 $0x2780;
	[sflag:s7] =	ssyncadd.s32 $0xFFFFC000  }
0x1c3: {  	[tilespmem:s3], [sflag:$0x2] =	stream.indirect.gather [hbm4b:s23+s1], $0x80, s12, s1, $0xb8;
	[tilespmem:$0x18000] =	vst v63  }
0x1c4: {  	_ =	swait.ge [sflag:s4], $0x4000  }
0x1c5: {  	[sflag:s4] =	ssyncset.done $0x0  }
0x1c6: {  	s13 =	rddreg [dreg:$0x1a];
	[sflag:s4] =	ssyncadd.s32 $0xFFFFC000  }
0x1c7: {  	[hbm4b:s13+s2] =	stream.linear.scatter [tilespmem:s0], [sflag:$0x3], $0x4000, $0x38;
	[tilespmem:$0x18000] =	vst v63  }
0x1c8: {  	_ =	swait.ge [sflag:s5], $0x4000  }
0x1c9: {  	[sflag:s5] =	ssyncset.done $0x0  }
0x1ca: {  	s14 =	simm.s32 $0x2800;
	[sflag:s5] =	ssyncadd.s32 $0xFFFFC000  }
0x1cb: {  	[tilespmem:s0], [sflag:$0x1] =	stream.indirect.gather [hbm4b:s23+s1], $0x80, s14, s1, $0xb8;
	[tilespmem:$0x18000] =	vst v63  }
0x1cc: {  	_ =	swait.ge [sflag:s6], $0x4000  }
0x1cd: {  	[sflag:s6] =	ssyncset.done $0x0  }
0x1ce: {  	s11 =	rddreg [dreg:$0x1b];
	[sflag:s6] =	ssyncadd.s32 $0xFFFFC000  }
0x1cf: {  	[hbm4b:s11+s2] =	stream.linear.scatter [tilespmem:s3], [sflag:$0x4], $0x4000, $0x38;
	[tilespmem:$0x18000] =	vst v63  }
0x1d0: {  	_ =	swait.ge [sflag:s7], $0x4000  }
0x1d1: {  	[sflag:s7] =	ssyncset.done $0x0  }
0x1d2: {  	s12 =	simm.s32 $0x2880;
	[sflag:s7] =	ssyncadd.s32 $0xFFFFC000  }
0x1d3: {  	[tilespmem:s3], [sflag:$0x2] =	stream.indirect.gather [hbm4b:s23+s1], $0x80, s12, s1, $0xb8;
	[tilespmem:$0x18000] =	vst v63  }
0x1d4: {  	_ =	swait.ge [sflag:s4], $0x4000  }
0x1d5: {  	[sflag:s4] =	ssyncset.done $0x0  }
0x1d6: {  	s13 =	rddreg [dreg:$0x1c];
	[sflag:s4] =	ssyncadd.s32 $0xFFFFC000  }
0x1d7: {  	[hbm4b:s13+s2] =	stream.linear.scatter [tilespmem:s0], [sflag:$0x3], $0x4000, $0x38;
	[tilespmem:$0x18000] =	vst v63  }
0x1d8: {  	_ =	swait.ge [sflag:s5], $0x4000  }
0x1d9: {  	[sflag:s5] =	ssyncset.done $0x0  }
0x1da: {  	s14 =	simm.s32 $0x2900;
	[sflag:s5] =	ssyncadd.s32 $0xFFFFC000  }
0x1db: {  	[tilespmem:s0], [sflag:$0x1] =	stream.indirect.gather [hbm4b:s23+s1], $0x80, s14, s1, $0xb8;
	[tilespmem:$0x18000] =	vst v63  }
0x1dc: {  	_ =	swait.ge [sflag:s6], $0x4000  }
0x1dd: {  	[sflag:s6] =	ssyncset.done $0x0  }
0x1de: {  	s11 =	rddreg [dreg:$0x1d];
	[sflag:s6] =	ssyncadd.s32 $0xFFFFC000  }
0x1df: {  	[hbm4b:s11+s2] =	stream.linear.scatter [tilespmem:s3], [sflag:$0x4], $0x4000, $0x38;
	[tilespmem:$0x18000] =	vst v63  }
0x1e0: {  	_ =	swait.ge [sflag:s7], $0x4000  }
0x1e1: {  	[sflag:s7] =	ssyncset.done $0x0  }
0x1e2: {  	s12 =	simm.s32 $0x2980;
	[sflag:s7] =	ssyncadd.s32 $0xFFFFC000  }
0x1e3: {  	[tilespmem:s3], [sflag:$0x2] =	stream.indirect.gather [hbm4b:s23+s1], $0x80, s12, s1, $0xb8;
	[tilespmem:$0x18000] =	vst v63  }
0x1e4: {  	_ =	swait.ge [sflag:s4], $0x4000  }
0x1e5: {  	[sflag:s4] =	ssyncset.done $0x0  }
0x1e6: {  	s13 =	rddreg [dreg:$0x1e];
	[sflag:s4] =	ssyncadd.s32 $0xFFFFC000  }
0x1e7: {  	[hbm4b:s13+s2] =	stream.linear.scatter [tilespmem:s0], [sflag:$0x3], $0x4000, $0x38;
	[tilespmem:$0x18000] =	vst v63  }
0x1e8: {  	_ =	swait.ge [sflag:s5], $0x4000  }
0x1e9: {  	[sflag:s5] =	ssyncset.done $0x0  }
0x1ea: {  	s14 =	simm.s32 $0x2A00;
	[sflag:s5] =	ssyncadd.s32 $0xFFFFC000  }
0x1eb: {  	[tilespmem:s0], [sflag:$0x1] =	stream.indirect.gather [hbm4b:s23+s1], $0x80, s14, s1, $0xb8;
	[tilespmem:$0x18000] =	vst v63  }
0x1ec: {  	_ =	swait.ge [sflag:s6], $0x4000  }
0x1ed: {  	[sflag:s6] =	ssyncset.done $0x0  }
0x1ee: {  	s11 =	rddreg [dreg:$0x1f];
	[sflag:s6] =	ssyncadd.s32 $0xFFFFC000  }
0x1ef: {  	[hbm4b:s11+s2] =	stream.linear.scatter [tilespmem:s3], [sflag:$0x4], $0x4000, $0x38;
	[tilespmem:$0x18000] =	vst v63  }
0x1f0: {  	_ =	swait.ge [sflag:s7], $0x4000  }
0x1f1: {  	[sflag:s7] =	ssyncset.done $0x0  }
0x1f2: {  	s12 =	simm.s32 $0x2A80;
	[sflag:s7] =	ssyncadd.s32 $0xFFFFC000  }
0x1f3: {  	[tilespmem:s3], [sflag:$0x2] =	stream.indirect.gather [hbm4b:s23+s1], $0x80, s12, s1, $0xb8;
	[tilespmem:$0x18000] =	vst v63  }
0x1f4: {  	_ =	swait.ge [sflag:s4], $0x4000  }
0x1f5: {  	s13 =	sld [smem:$0x7F0]  }
0x1f6: {  	[sflag:s4] =	ssyncset.done $0x0  }
0x1f7: {  	[sflag:s4] =	ssyncadd.s32 $0xFFFFC000  }
0x1f8: {  	[hbm4b:s13+s2] =	stream.linear.scatter [tilespmem:s0], [sflag:$0x3], $0x4000, $0x38;
	[tilespmem:$0x18000] =	vst v63  }
0x1f9: {  	_ =	swait.ge [sflag:s5], $0x4000  }
0x1fa: {  	[sflag:s5] =	ssyncset.done $0x0  }
0x1fb: {  	s14 =	simm.s32 $0x2B00;
	[sflag:s5] =	ssyncadd.s32 $0xFFFFC000  }
0x1fc: {  	[tilespmem:s0], [sflag:$0x1] =	stream.indirect.gather [hbm4b:s23+s1], $0x80, s14, s1, $0xb8;
	[tilespmem:$0x18000] =	vst v63  }
0x1fd: {  	_ =	swait.ge [sflag:s6], $0x4000  }
0x1fe: {  	s11 =	sld [smem:$0x7F1]  }
0x1ff: {  	[sflag:s6] =	ssyncset.done $0x0  }
0x200: {  	[sflag:s6] =	ssyncadd.s32 $0xFFFFC000  }
0x201: {  	[hbm4b:s11+s2] =	stream.linear.scatter [tilespmem:s3], [sflag:$0x4], $0x4000, $0x38;
	[tilespmem:$0x18000] =	vst v63  }
0x202: {  	_ =	swait.ge [sflag:s7], $0x4000  }
0x203: {  	[sflag:s7] =	ssyncset.done $0x0  }
0x204: {  	s12 =	simm.s32 $0x2B80;
	[sflag:s7] =	ssyncadd.s32 $0xFFFFC000  }
0x205: {  	[tilespmem:s3], [sflag:$0x2] =	stream.indirect.gather [hbm4b:s23+s1], $0x80, s12, s1, $0xb8;
	[tilespmem:$0x18000] =	vst v63  }
0x206: {  	_ =	swait.ge [sflag:s4], $0x4000  }
0x207: {  	s13 =	sld [smem:$0x7F2]  }
0x208: {  	[sflag:s4] =	ssyncset.done $0x0  }
0x209: {  	[sflag:s4] =	ssyncadd.s32 $0xFFFFC000  }
0x20a: {  	[hbm4b:s13+s2] =	stream.linear.scatter [tilespmem:s0], [sflag:$0x3], $0x4000, $0x38;
	[tilespmem:$0x18000] =	vst v63  }
0x20b: {  	_ =	swait.ge [sflag:s5], $0x4000  }
0x20c: {  	[sflag:s5] =	ssyncset.done $0x0  }
0x20d: {  	s14 =	simm.s32 $0x2C00;
	[sflag:s5] =	ssyncadd.s32 $0xFFFFC000  }
0x20e: {  	[tilespmem:s0], [sflag:$0x1] =	stream.indirect.gather [hbm4b:s23+s1], $0x80, s14, s1, $0xb8;
	[tilespmem:$0x18000] =	vst v63  }
0x20f: {  	_ =	swait.ge [sflag:s6], $0x4000  }
0x210: {  	s11 =	sld [smem:$0x7F3]  }
0x211: {  	[sflag:s6] =	ssyncset.done $0x0  }
0x212: {  	[sflag:s6] =	ssyncadd.s32 $0xFFFFC000  }
0x213: {  	[hbm4b:s11+s2] =	stream.linear.scatter [tilespmem:s3], [sflag:$0x4], $0x4000, $0x38;
	[tilespmem:$0x18000] =	vst v63  }
0x214: {  	_ =	swait.ge [sflag:s7], $0x4000  }
0x215: {  	[sflag:s7] =	ssyncset.done $0x0  }
0x216: {  	s12 =	simm.s32 $0x2C80;
	[sflag:s7] =	ssyncadd.s32 $0xFFFFC000  }
0x217: {  	[tilespmem:s3], [sflag:$0x2] =	stream.indirect.gather [hbm4b:s23+s1], $0x80, s12, s1, $0xb8;
	[tilespmem:$0x18000] =	vst v63  }
0x218: {  	_ =	swait.ge [sflag:s4], $0x4000  }
0x219: {  	s13 =	sld [smem:$0x7F4]  }
0x21a: {  	[sflag:s4] =	ssyncset.done $0x0  }
0x21b: {  	[sflag:s4] =	ssyncadd.s32 $0xFFFFC000  }
0x21c: {  	[hbm4b:s13+s2] =	stream.linear.scatter [tilespmem:s0], [sflag:$0x3], $0x4000, $0x38;
	[tilespmem:$0x18000] =	vst v63  }
0x21d: {  	_ =	swait.ge [sflag:s5], $0x4000  }
0x21e: {  	[sflag:s5] =	ssyncset.done $0x0  }
0x21f: {  	s14 =	simm.s32 $0x2D00;
	[sflag:s5] =	ssyncadd.s32 $0xFFFFC000  }
0x220: {  	[tilespmem:s0], [sflag:$0x1] =	stream.indirect.gather [hbm4b:s23+s1], $0x80, s14, s1, $0xb8;
	[tilespmem:$0x18000] =	vst v63  }
0x221: {  	_ =	swait.ge [sflag:s6], $0x4000  }
0x222: {  	s11 =	sld [smem:$0x7F5]  }
0x223: {  	[sflag:s6] =	ssyncset.done $0x0  }
0x224: {  	[sflag:s6] =	ssyncadd.s32 $0xFFFFC000  }
0x225: {  	[hbm4b:s11+s2] =	stream.linear.scatter [tilespmem:s3], [sflag:$0x4], $0x4000, $0x38;
	[tilespmem:$0x18000] =	vst v63  }
0x226: {  	_ =	swait.ge [sflag:s7], $0x4000  }
0x227: {  	[sflag:s7] =	ssyncset.done $0x0  }
0x228: {  	s12 =	simm.s32 $0x2D80;
	[sflag:s7] =	ssyncadd.s32 $0xFFFFC000  }
0x229: {  	[tilespmem:s3], [sflag:$0x2] =	stream.indirect.gather [hbm4b:s23+s1], $0x80, s12, s1, $0xb8;
	[tilespmem:$0x18000] =	vst v63  }
0x22a: {  	_ =	swait.ge [sflag:s4], $0x4000  }
0x22b: {  	s13 =	sld [smem:$0x7F6]  }
0x22c: {  	[sflag:s4] =	ssyncset.done $0x0  }
0x22d: {  	[sflag:s4] =	ssyncadd.s32 $0xFFFFC000  }
0x22e: {  	[hbm4b:s13+s2] =	stream.linear.scatter [tilespmem:s0], [sflag:$0x3], $0x4000, $0x38;
	[tilespmem:$0x18000] =	vst v63  }
0x22f: {  	_ =	swait.ge [sflag:s5], $0x4000  }
0x230: {  	[sflag:s5] =	ssyncset.done $0x0  }
0x231: {  	s14 =	simm.s32 $0x2E00;
	[sflag:s5] =	ssyncadd.s32 $0xFFFFC000  }
0x232: {  	[tilespmem:s0], [sflag:$0x1] =	stream.indirect.gather [hbm4b:s23+s1], $0x80, s14, s1, $0xb8;
	[tilespmem:$0x18000] =	vst v63  }
0x233: {  	_ =	swait.ge [sflag:s6], $0x4000  }
0x234: {  	s11 =	sld [smem:$0x7F7]  }
0x235: {  	[sflag:s6] =	ssyncset.done $0x0  }
0x236: {  	[sflag:s6] =	ssyncadd.s32 $0xFFFFC000  }
0x237: {  	[hbm4b:s11+s2] =	stream.linear.scatter [tilespmem:s3], [sflag:$0x4], $0x4000, $0x38;
	[tilespmem:$0x18000] =	vst v63  }
0x238: {  	_ =	swait.ge [sflag:s7], $0x4000  }
0x239: {  	[sflag:s7] =	ssyncset.done $0x0  }
0x23a: {  	s12 =	simm.s32 $0x2E80;
	[sflag:s7] =	ssyncadd.s32 $0xFFFFC000  }
0x23b: {  	[tilespmem:s3], [sflag:$0x2] =	stream.indirect.gather [hbm4b:s23+s1], $0x80, s12, s1, $0xb8;
	[tilespmem:$0x18000] =	vst v63  }
0x23c: {  	_ =	swait.ge [sflag:s4], $0x4000  }
0x23d: {  	s13 =	sld [smem:$0x7F8]  }
0x23e: {  	[sflag:s4] =	ssyncset.done $0x0  }
0x23f: {  	[sflag:s4] =	ssyncadd.s32 $0xFFFFC000  }
0x240: {  	[hbm4b:s13+s2] =	stream.linear.scatter [tilespmem:s0], [sflag:$0x3], $0x4000, $0x38;
	[tilespmem:$0x18000] =	vst v63  }
0x241: {  	_ =	swait.ge [sflag:s5], $0x4000  }
0x242: {  	[sflag:s5] =	ssyncset.done $0x0  }
0x243: {  	s14 =	simm.s32 $0x2F00;
	[sflag:s5] =	ssyncadd.s32 $0xFFFFC000  }
0x244: {  	[tilespmem:s0], [sflag:$0x1] =	stream.indirect.gather [hbm4b:s23+s1], $0x80, s14, s1, $0xb8;
	[tilespmem:$0x18000] =	vst v63  }
0x245: {  	_ =	swait.ge [sflag:s6], $0x4000  }
0x246: {  	s11 =	sld [smem:$0x7F9]  }
0x247: {  	[sflag:s6] =	ssyncset.done $0x0  }
0x248: {  	[sflag:s6] =	ssyncadd.s32 $0xFFFFC000  }
0x249: {  	[hbm4b:s11+s2] =	stream.linear.scatter [tilespmem:s3], [sflag:$0x4], $0x4000, $0x38;
	[tilespmem:$0x18000] =	vst v63  }
0x24a: {  	_ =	swait.ge [sflag:s7], $0x4000  }
0x24b: {  	[sflag:s7] =	ssyncset.done $0x0  }
0x24c: {  	s12 =	simm.s32 $0x2F80;
	[sflag:s7] =	ssyncadd.s32 $0xFFFFC000  }
0x24d: {  	[tilespmem:s3], [sflag:$0x2] =	stream.indirect.gather [hbm4b:s23+s1], $0x80, s12, s1, $0xb8;
	[tilespmem:$0x18000] =	vst v63  }
0x24e: {  	_ =	swait.ge [sflag:s4], $0x4000  }
0x24f: {  	s13 =	sld [smem:$0x7FA]  }
0x250: {  	[sflag:s4] =	ssyncset.done $0x0  }
0x251: {  	[sflag:s4] =	ssyncadd.s32 $0xFFFFC000  }
0x252: {  	[hbm4b:s13+s2] =	stream.linear.scatter [tilespmem:s0], [sflag:$0x3], $0x4000, $0x38;
	[tilespmem:$0x18000] =	vst v63  }
0x253: {  	_ =	swait.ge [sflag:s5], $0x4000  }
0x254: {  	[sflag:s5] =	ssyncset.done $0x0  }
0x255: {  	s14 =	simm.s32 $0x3000;
	[sflag:s5] =	ssyncadd.s32 $0xFFFFC000  }
0x256: {  	[tilespmem:s0], [sflag:$0x1] =	stream.indirect.gather [hbm4b:s23+s1], $0x80, s14, s1, $0xb8;
	[tilespmem:$0x18000] =	vst v63  }
0x257: {  	_ =	swait.ge [sflag:s6], $0x4000  }
0x258: {  	s11 =	sld [smem:$0x7FB]  }
0x259: {  	[sflag:s6] =	ssyncset.done $0x0  }
0x25a: {  	[sflag:s6] =	ssyncadd.s32 $0xFFFFC000  }
0x25b: {  	[hbm4b:s11+s2] =	stream.linear.scatter [tilespmem:s3], [sflag:$0x4], $0x4000, $0x38;
	[tilespmem:$0x18000] =	vst v63  }
0x25c: {  	_ =	swait.ge [sflag:s7], $0x4000  }
0x25d: {  	[sflag:s7] =	ssyncset.done $0x0  }
0x25e: {  	s12 =	simm.s32 $0x3080;
	[sflag:s7] =	ssyncadd.s32 $0xFFFFC000  }
0x25f: {  	[tilespmem:s3], [sflag:$0x2] =	stream.indirect.gather [hbm4b:s23+s1], $0x80, s12, s1, $0xb8;
	[tilespmem:$0x18000] =	vst v63  }
0x260: {  	_ =	swait.ge [sflag:s4], $0x4000  }
0x261: {  	s13 =	sld [smem:$0x7FC]  }
0x262: {  	[sflag:s4] =	ssyncset.done $0x0  }
0x263: {  	[sflag:s4] =	ssyncadd.s32 $0xFFFFC000  }
0x264: {  	[hbm4b:s13+s2] =	stream.linear.scatter [tilespmem:s0], [sflag:$0x3], $0x4000, $0x38;
	[tilespmem:$0x18000] =	vst v63  }
0x265: {  	_ =	swait.ge [sflag:s5], $0x4000  }
0x266: {  	[sflag:s5] =	ssyncset.done $0x0  }
0x267: {  	s14 =	simm.s32 $0x3100;
	[sflag:s5] =	ssyncadd.s32 $0xFFFFC000  }
0x268: {  	[tilespmem:s0], [sflag:$0x1] =	stream.indirect.gather [hbm4b:s23+s1], $0x80, s14, s1, $0xb8;
	[tilespmem:$0x18000] =	vst v63  }
0x269: {  	_ =	swait.ge [sflag:s6], $0x4000  }
0x26a: {  	s11 =	sld [smem:$0x7FD]  }
0x26b: {  	[sflag:s6] =	ssyncset.done $0x0  }
0x26c: {  	[sflag:s6] =	ssyncadd.s32 $0xFFFFC000  }
0x26d: {  	[hbm4b:s11+s2] =	stream.linear.scatter [tilespmem:s3], [sflag:$0x4], $0x4000, $0x38;
	[tilespmem:$0x18000] =	vst v63  }
0x26e: {  	_ =	swait.ge [sflag:s7], $0x4000  }
0x26f: {  	[sflag:s7] =	ssyncset.done $0x0  }
0x270: {  	s12 =	simm.s32 $0x3180;
	[sflag:s7] =	ssyncadd.s32 $0xFFFFC000  }
0x271: {  	[tilespmem:s3], [sflag:$0x2] =	stream.indirect.gather [hbm4b:s23+s1], $0x80, s12, s1, $0xb8;
	[tilespmem:$0x18000] =	vst v63  }
0x272: {  	_ =	swait.ge [sflag:s4], $0x4000  }
0x273: {  	[sflag:s4] =	ssyncset.done $0x0  }
0x274: {  	[sflag:s4] =	ssyncadd.s32 $0xFFFFC000  }
0x275: {  	[hbm4b:s15+s2] =	stream.linear.scatter [tilespmem:s0], [sflag:$0x3], $0x4000, $0x38;
	[tilespmem:$0x18000] =	vst v63  }
0x276: {  	_ =	swait.ge [sflag:s5], $0x4000  }
0x277: {  	[sflag:s5] =	ssyncset.done $0x0  }
0x278: {  	s13 =	simm.s32 $0x3200;
	[sflag:s5] =	ssyncadd.s32 $0xFFFFC000  }
0x279: {  	[tilespmem:s0], [sflag:$0x1] =	stream.indirect.gather [hbm4b:s23+s1], $0x80, s13, s1, $0xb8;
	[tilespmem:$0x18000] =	vst v63  }
0x27a: {  	_ =	swait.ge [sflag:s6], $0x4000  }
0x27b: {  	[sflag:s6] =	ssyncset.done $0x0  }
0x27c: {  	[sflag:s6] =	ssyncadd.s32 $0xFFFFC000  }
0x27d: {  	[hbm4b:s16+s2] =	stream.linear.scatter [tilespmem:s3], [sflag:$0x4], $0x4000, $0x38;
	[tilespmem:$0x18000] =	vst v63  }
0x27e: {  	_ =	swait.ge [sflag:s7], $0x4000  }
0x27f: {  	[sflag:s7] =	ssyncset.done $0x0  }
0x280: {  	s14 =	simm.s32 $0x3280;
	[sflag:s7] =	ssyncadd.s32 $0xFFFFC000  }
0x281: {  	[tilespmem:s3], [sflag:$0x2] =	stream.indirect.gather [hbm4b:s23+s1], $0x80, s14, s1, $0xb8;
	[tilespmem:$0x18000] =	vst v63  }
0x282: {  	_ =	swait.ge [sflag:s4], $0x4000  }
0x283: {  	[sflag:s4] =	ssyncset.done $0x0  }
0x284: {  	[sflag:s4] =	ssyncadd.s32 $0xFFFFC000  }
0x285: {  	[hbm4b:s18+s2] =	stream.linear.scatter [tilespmem:s0], [sflag:$0x3], $0x4000, $0x38;
	[tilespmem:$0x18000] =	vst v63  }
0x286: {  	_ =	swait.ge [sflag:s5], $0x4000  }
0x287: {  	[sflag:s5] =	ssyncset.done $0x0  }
0x288: {  	s11 =	simm.s32 $0x3300;
	[sflag:s5] =	ssyncadd.s32 $0xFFFFC000  }
0x289: {  	[tilespmem:s0], [sflag:$0x1] =	stream.indirect.gather [hbm4b:s23+s1], $0x80, s11, s1, $0xb8;
	[tilespmem:$0x18000] =	vst v63  }
0x28a: {  	_ =	swait.ge [sflag:s6], $0x4000  }
0x28b: {  	[sflag:s6] =	ssyncset.done $0x0  }
0x28c: {  	[sflag:s6] =	ssyncadd.s32 $0xFFFFC000  }
0x28d: {  	[hbm4b:s19+s2] =	stream.linear.scatter [tilespmem:s3], [sflag:$0x4], $0x4000, $0x38;
	[tilespmem:$0x18000] =	vst v63  }
0x28e: {  	_ =	swait.ge [sflag:s7], $0x4000  }
0x28f: {  	[sflag:s7] =	ssyncset.done $0x0  }
0x290: {  	s12 =	simm.s32 $0x3380;
	[sflag:s7] =	ssyncadd.s32 $0xFFFFC000  }
0x291: {  	[tilespmem:s3], [sflag:$0x2] =	stream.indirect.gather [hbm4b:s23+s1], $0x80, s12, s1, $0xb8;
	[tilespmem:$0x18000] =	vst v63  }
0x292: {  	_ =	swait.ge [sflag:s4], $0x4000  }
0x293: {  	[sflag:s4] =	ssyncset.done $0x0  }
0x294: {  	[sflag:s4] =	ssyncadd.s32 $0xFFFFC000  }
0x295: {  	[hbm4b:s21+s2] =	stream.linear.scatter [tilespmem:s0], [sflag:$0x3], $0x4000, $0x38;
	[tilespmem:$0x18000] =	vst v63  }
0x296: {  	_ =	swait.ge [sflag:s5], $0x4000  }
0x297: {  	[sflag:s5] =	ssyncset.done $0x0  }
0x298: {  	s13 =	simm.s32 $0x3400;
	[sflag:s5] =	ssyncadd.s32 $0xFFFFC000  }
0x299: {  	[tilespmem:s0], [sflag:$0x1] =	stream.indirect.gather [hbm4b:s23+s1], $0x80, s13, s1, $0xb8;
	[tilespmem:$0x18000] =	vst v63  }
0x29a: {  	_ =	swait.ge [sflag:s6], $0x4000  }
0x29b: {  	[sflag:s6] =	ssyncset.done $0x0  }
0x29c: {  	[sflag:s6] =	ssyncadd.s32 $0xFFFFC000  }
0x29d: {  	[hbm4b:s22+s2] =	stream.linear.scatter [tilespmem:s3], [sflag:$0x4], $0x4000, $0x38;
	[tilespmem:$0x18000] =	vst v63  }
0x29e: {  	_ =	swait.ge [sflag:s7], $0x4000  }
0x29f: {  	[sflag:s7] =	ssyncset.done $0x0  }
0x2a0: {  	s14 =	simm.s32 $0x3480;
	[sflag:s7] =	ssyncadd.s32 $0xFFFFC000  }
0x2a1: {  	[tilespmem:s3], [sflag:$0x2] =	stream.indirect.gather [hbm4b:s23+s1], $0x80, s14, s1, $0xb8;
	[tilespmem:$0x18000] =	vst v63  }
0x2a2: {  	_ =	swait.ge [sflag:s4], $0x4000  }
0x2a3: {  	[sflag:s4] =	ssyncset.done $0x0  }
0x2a4: {  	[sflag:s4] =	ssyncadd.s32 $0xFFFFC000  }
0x2a5: {  	[hbm4b:s24+s2] =	stream.linear.scatter [tilespmem:s0], [sflag:$0x3], $0x4000, $0x38;
	[tilespmem:$0x18000] =	vst v63  }
0x2a6: {  	_ =	swait.ge [sflag:s6], $0x4000  }
0x2a7: {  	[sflag:s6] =	ssyncset.done $0x0  }
0x2a8: {  	[sflag:s6] =	ssyncadd.s32 $0xFFFFC000  }
0x2a9: {  	[hbm4b:s25+s2] =	stream.linear.scatter [tilespmem:s3], [sflag:$0x4], $0x4000, $0x38;
	[tilespmem:$0x18000] =	vst v63  }
0x2aa: {  	_ =	swait.ge [sflag:s5], $0x4000  }
0x2ab: {  	[sflag:s5] =	ssyncset.done $0x0  }
0x2ac: {  	s9 =	sadd.s32 $0x1, s9;
	[sflag:s5] =	ssyncadd.s32 $0xFFFFC000  }
0x2ad: {  	p0 =	sne.s32 s9, s26;
	_ =	swait.ge [sflag:s7], $0x4000  }
.Ltmp1:
0x2ae: {  	[sflag:s7] =	ssyncset.done $0x0;
	(pc) =	sbr.rel @p0 .LBB2_1-.Ltmp1, $4  }
0x2af: {  	[sflag:s7] =	ssyncadd.s32 $0xFFFFC000  }
0x2b0: {  	_ =	swait.ge [sflag:s8], $0xC800  }
0x2b1: {  	[sflag:s8] =	ssyncset.done $0x0  }
0x2b2: {  	[sflag:s8] =	ssyncadd.s32 $0xFFFF3800  }
0x2b3: {  	_ =	sfence.sel $0x180000  }
0x2b4: {  	[bflag:$0x0] =	sbarrier.arrive $0xFFFF  }
0x2b5: {  	_ =	strace $0x90000047  }
0x2b6: {  	s0 =	stileid.u32;
	[bflag:$0x2] =	sbarrier.arrive $0xFFFF  }
0x2b7: {  	p0 =	sne.s32 s0, $0x0;
	s0 =	rddreg [dreg:$0x3]  }
0x2b8: {  	s0 =	sadd.s32 @!p0 $0x100000, s0  }
0x2b9: {  	[sflag:s0] =	ssyncadd.tile.s32 @!p0 $0x1;
	_ =	shalt  }
.Lfunc_end2:
_tile_overlayer_lowered:
.L_overlay_start_2:
0x2ba: {  	(tag) =	ssettag $0x2  }
0x2bb: {  	s0 =	rddreg [dreg:$0x0];
	s2 =	stileid.u32  }
0x2bc: {  	s1 =	rddreg [dreg:$0x1];
	p0 =	sne.s32 s2, $0x0  }
0x2bd: {  	s3 =	rddreg [dreg:$0x2];
	[bflag:$0x3] =	sbarrier.arrive $0xFFFF;
	s2 =	simm.s32 @!p0 $0x1C06  }
0x2be: {  	[timem:s3], [sflag:s2] =	dma.local @!p0 [hbm:s0], s1  }
0x2bf: {  	s0 =	simm.s32 @!p0 $0x6  }
0x2c0: {  	_ =	swait.ge @!p0 [sflag:s0], s1  }
0x2c1: {  	s1 =	ssub.s32 @!p0 $0x0, s1;
	[sflag:s0] =	ssyncset.done @!p0 $0x0  }
0x2c2: {  	[sflag:s0] =	ssyncadd.s32 @!p0 s1  }
0x2c3: {  	[bflag:$0x3] =	sbarrier.arrive $0xFFFF  }
0x2c4: {  	_ =	shalt  }

</sc_bundles>
